<compile_context>
chip_gen: v7x
topology: tpu7x:2x2x1
jax: 0.10.2.dev20260603
libtpu: 0.0.44.dev20260713+nightly
codegen_flags: <defaults>
</compile_context>

<pallas_src>
import jax
import jax.numpy as jnp
from jax import lax
from jax.experimental import pallas as pl
from jax.experimental.pallas import tpu as pltpu
from jax.experimental.pallas import tpu_sc as plsc

N_TRIPLETS = 320000
D = 128
DP = D // 2
NC = 2
NS = 16
NW = NC * NS
PW = N_TRIPLETS // NW
C = 80
K = PW // C
LANES = 16


def _sc_body(emb_hbm, wrel_hbm, tripT_hbm, out_hbm,
             sidx_v, ridx_v, oidx_v,
             sbuf0, rbuf0, obuf0, sbuf1, rbuf1, obuf1, scores_v,
             sem0, sem1):
    wid = lax.axis_index("s") * NC + lax.axis_index("c")
    base = wid * PW

    pltpu.sync_copy(tripT_hbm.at[0, pl.ds(base, PW)], sidx_v)
    pltpu.sync_copy(tripT_hbm.at[1, pl.ds(base, PW)], ridx_v)
    pltpu.sync_copy(tripT_hbm.at[2, pl.ds(base, PW)], oidx_v)

    bufs = ((sbuf0, rbuf0, obuf0, sem0), (sbuf1, rbuf1, obuf1, sem1))

    def issue(c, slot):
        sb, rb, ob, sem = bufs[slot]
        off = c * C
        pltpu.async_copy(emb_hbm.at[sidx_v.at[pl.ds(off, C)]], sb, sem)
        pltpu.async_copy(wrel_hbm.at[ridx_v.at[pl.ds(off, C)]], rb, sem)
        pltpu.async_copy(emb_hbm.at[oidx_v.at[pl.ds(off, C)]], ob, sem)

    def wait(c, slot):
        sb, rb, ob, sem = bufs[slot]
        off = c * C
        pltpu.make_async_copy(emb_hbm.at[sidx_v.at[pl.ds(off, C)]], sb, sem).wait()
        pltpu.make_async_copy(wrel_hbm.at[ridx_v.at[pl.ds(off, C)]], rb, sem).wait()
        pltpu.make_async_copy(emb_hbm.at[oidx_v.at[pl.ds(off, C)]], ob, sem).wait()

    iota16 = lax.iota(jnp.int32, LANES)

    def compute(c, slot):
        sb, rb, ob, _ = bufs[slot]
        off = c * C
        for t in range(C // LANES):
            rows = t * LANES + iota16

            def dbody(dd, acc):
                cols = (iota16 + dd) & (DP - 1)
                sv = plsc.bitcast(plsc.load_gather(sb, [rows, cols]),
                                  jnp.bfloat16)
                rv = plsc.bitcast(plsc.load_gather(rb, [rows, cols]),
                                  jnp.bfloat16)
                ov = plsc.bitcast(plsc.load_gather(ob, [rows, cols]),
                                  jnp.bfloat16)
                pa, pb = plsc.unpack(sv * rv * ov,
                                     format=plsc.PackFormat.INTERLEAVED)
                return acc + pa + pb

            acc = lax.fori_loop(0, DP, dbody, jnp.zeros((LANES,), jnp.float32),
                                unroll=8)
            scores_v[pl.ds(off + t * LANES, LANES)] = acc

    issue(0, 0)

    def pair_body(p, carry):
        c0 = 2 * p
        issue(c0 + 1, 1)
        wait(c0, 0)
        compute(c0, 0)
        issue(c0 + 2, 0)
        wait(c0 + 1, 1)
        compute(c0 + 1, 1)
        return carry

    lax.fori_loop(0, (K - 1) // 2, pair_body, 0)
    wait(K - 1, 0)
    compute(K - 1, 0)

    pltpu.sync_copy(scores_v, out_hbm.at[pl.ds(base, PW)])


def _pack_table(table):
    u = lax.bitcast_convert_type(table, jnp.uint32)
    r = (u + 0x7FFF + ((u >> 16) & 1)) >> 16
    return r[:, :DP].astype(jnp.int32) | (r[:, DP:].astype(jnp.int32) << 16)


@jax.jit
def kernel(embedding, triplets, w_relation):
    trip_t = triplets.astype(jnp.int32).T
    emb_p = _pack_table(embedding)
    wrel_p = _pack_table(w_relation)

    mesh = plsc.VectorSubcoreMesh(core_axis_name="c", subcore_axis_name="s")
    row_buf = pltpu.VMEM((C, DP), jnp.int32)
    k = pl.kernel(
        _sc_body,
        out_type=jax.ShapeDtypeStruct((N_TRIPLETS,), jnp.float32),
        mesh=mesh,
        compiler_params=pltpu.CompilerParams(needs_layout_passes=False,
                                             use_tc_tiling_on_sc=False),
        scratch_types=[
            pltpu.VMEM((PW,), jnp.int32),
            pltpu.VMEM((PW,), jnp.int32),
            pltpu.VMEM((PW,), jnp.int32),
            row_buf, row_buf, row_buf,
            row_buf, row_buf, row_buf,
            pltpu.VMEM((PW,), jnp.float32),
            pltpu.SemaphoreType.DMA,
            pltpu.SemaphoreType.DMA,
        ],
    )
    return k(emb_p, wrel_p, trip_t)

# --- scband reference (transcript-rebuilt; emitter-appended) ---
"""Pipeline reference for scband-link-predictor-27779848471435 (READ-ONLY COPY).

The authoritative reference and input builder live on the scoring server;
editing this copy changes nothing except your own understanding.
"""

import jax, jax.numpy as jnp
import numpy as np

OUT_DIM = 128
NUM_RELS = 10000
N_NODES = 10000
N_TRIPLETS = 320000

def setup_inputs(seed: int = 0) -> dict:
    key = jax.random.key(seed)
    k1, k2, k3 = jax.random.split(key, 3)
    embedding = jax.random.normal(k1, (N_NODES, OUT_DIM), dtype=jnp.float32)
    triplets = jax.random.randint(k2, (N_TRIPLETS, 3), 0, NUM_RELS, dtype=jnp.int64)
    # xavier_uniform with gain = calculate_gain('relu') = sqrt(2)
    gain = float(np.sqrt(2.0))
    fan_in, fan_out = OUT_DIM, NUM_RELS
    bound = gain * float(np.sqrt(6.0 / (fan_in + fan_out)))
    w_relation = jax.random.uniform(k3, (NUM_RELS, OUT_DIM), dtype=jnp.float32, minval=-bound, maxval=bound)
    return {"embedding": embedding, "triplets": triplets, "w_relation": w_relation}

def reference(embedding, triplets, w_relation):
    # calc_score: DistMult-style scoring
    s = jnp.take(embedding, triplets[:, 0], axis=0)
    r = jnp.take(w_relation, triplets[:, 1], axis=0)
    o = jnp.take(embedding, triplets[:, 2], axis=0)
    score = jnp.sum(s * r * o, axis=1)
    return score

if __name__ == "__main__":
    import jax
    _d = setup_inputs()
    print(jax.jit(kernel)(*tuple(_d.values())))

</pallas_src>

<mosaic_0001>
#map = affine_map<(d0, d1) -> (0, 0)>
#map1 = affine_map<(d0, d1) -> (0)>
module attributes {stable_mosaic.version = 14 : i64} {
  func.func @_sc_body(%arg0: i32, %arg1: i32, %arg2: memref<10000x64xi32, #tpu.memory_space<hbm>>, %arg3: memref<10000x64xi32, #tpu.memory_space<hbm>>, %arg4: memref<3x320000xi32, #tpu.memory_space<hbm>>, %arg5: memref<320000xf32, #tpu.memory_space<hbm>>, %arg6: memref<10000xi32, #tpu.memory_space<vmem>>, %arg7: memref<10000xi32, #tpu.memory_space<vmem>>, %arg8: memref<10000xi32, #tpu.memory_space<vmem>>, %arg9: memref<80x64xi32, #tpu.memory_space<vmem>>, %arg10: memref<80x64xi32, #tpu.memory_space<vmem>>, %arg11: memref<80x64xi32, #tpu.memory_space<vmem>>, %arg12: memref<80x64xi32, #tpu.memory_space<vmem>>, %arg13: memref<80x64xi32, #tpu.memory_space<vmem>>, %arg14: memref<80x64xi32, #tpu.memory_space<vmem>>, %arg15: memref<10000xf32, #tpu.memory_space<vmem>>, %arg16: memref<!tpu.dma_semaphore, #tpu.memory_space<semaphore_mem>>, %arg17: memref<!tpu.dma_semaphore, #tpu.memory_space<semaphore_mem>>) attributes {dimension_semantics = [#tpu.dimension_semantics<core_parallel>, #tpu.dimension_semantics<subcore_parallel>], iteration_bounds = array<i64: 2, 16>, scalar_prefetch = 0 : i64, scratch_operands = 12 : i64, tpu.core_type = #tpu.core_type<sc_vector_subcore>, window_params = [{transform_indices = #map}, {transform_indices = #map}, {transform_indices = #map}, {transform_indices = #map1}]} {
    %mul3A = arith.constant 2 : i32
    %mul3A_0 = arith.muli %arg1, %mul3A : i32
    %add3A = arith.addi %mul3A_0, %arg0 : i32
    %mul3A_1 = arith.constant 10000 : i32
    %mul3A_2 = arith.muli %add3A, %mul3A_1 : i32
    %run_scoped3A = arith.constant 0 : i32
    "tpu.region"() ({
      %run_scoped3A_101 = tpu.sem_alloc : memref<!tpu.dma_semaphore, #tpu.memory_space<semaphore_mem>>
      %dma_start3A_102 = tpu.memref_slice %arg4[%run_scoped3A, %mul3A_2] : memref<3x320000xi32, #tpu.memory_space<hbm>> -> memref<1x10000xi32, #tpu.memory_space<hbm>>
      %dma_start3A_103 = tpu.memref_squeeze %dma_start3A_102 : memref<1x10000xi32, #tpu.memory_space<hbm>> -> memref<10000xi32, #tpu.memory_space<hbm>>
      %dma_start3A_104 = tpu.memref_slice %arg4[%run_scoped3A, %mul3A_2] : memref<3x320000xi32, #tpu.memory_space<hbm>> -> memref<1x10000xi32, #tpu.memory_space<hbm>>
      %dma_start3A_105 = tpu.memref_squeeze %dma_start3A_104 : memref<1x10000xi32, #tpu.memory_space<hbm>> -> memref<10000xi32, #tpu.memory_space<hbm>>
      tpu.enqueue_dma source(%dma_start3A_105 : memref<10000xi32, #tpu.memory_space<hbm>>) target(%arg6 : memref<10000xi32, #tpu.memory_space<vmem>>) target_semaphore(%run_scoped3A_101 : memref<!tpu.dma_semaphore, #tpu.memory_space<semaphore_mem>>)
      %dma_wait3A_106 = tpu.memref_slice %arg4[%run_scoped3A, %mul3A_2] : memref<3x320000xi32, #tpu.memory_space<hbm>> -> memref<1x10000xi32, #tpu.memory_space<hbm>>
      %dma_wait3A_107 = tpu.memref_squeeze %dma_wait3A_106 : memref<1x10000xi32, #tpu.memory_space<hbm>> -> memref<10000xi32, #tpu.memory_space<hbm>>
      %dma_wait3A_108 = tpu.memref_slice %arg4[%run_scoped3A, %mul3A_2] : memref<3x320000xi32, #tpu.memory_space<hbm>> -> memref<1x10000xi32, #tpu.memory_space<hbm>>
      %dma_wait3A_109 = tpu.memref_squeeze %dma_wait3A_108 : memref<1x10000xi32, #tpu.memory_space<hbm>> -> memref<10000xi32, #tpu.memory_space<hbm>>
      tpu.wait_dma2 semaphore(%run_scoped3A_101 : memref<!tpu.dma_semaphore, #tpu.memory_space<semaphore_mem>>) src(%dma_wait3A_109 : memref<10000xi32, #tpu.memory_space<hbm>>) dst(%arg6 : memref<10000xi32, #tpu.memory_space<vmem>>)
      tpu.yield
    }) : () -> ()
    %run_scoped3A_3 = arith.constant 1 : i32
    "tpu.region"() ({
      %run_scoped3A_101 = tpu.sem_alloc : memref<!tpu.dma_semaphore, #tpu.memory_space<semaphore_mem>>
      %dma_start3A_102 = tpu.memref_slice %arg4[%run_scoped3A_3, %mul3A_2] : memref<3x320000xi32, #tpu.memory_space<hbm>> -> memref<1x10000xi32, #tpu.memory_space<hbm>>
      %dma_start3A_103 = tpu.memref_squeeze %dma_start3A_102 : memref<1x10000xi32, #tpu.memory_space<hbm>> -> memref<10000xi32, #tpu.memory_space<hbm>>
      %dma_start3A_104 = tpu.memref_slice %arg4[%run_scoped3A_3, %mul3A_2] : memref<3x320000xi32, #tpu.memory_space<hbm>> -> memref<1x10000xi32, #tpu.memory_space<hbm>>
      %dma_start3A_105 = tpu.memref_squeeze %dma_start3A_104 : memref<1x10000xi32, #tpu.memory_space<hbm>> -> memref<10000xi32, #tpu.memory_space<hbm>>
      tpu.enqueue_dma source(%dma_start3A_105 : memref<10000xi32, #tpu.memory_space<hbm>>) target(%arg7 : memref<10000xi32, #tpu.memory_space<vmem>>) target_semaphore(%run_scoped3A_101 : memref<!tpu.dma_semaphore, #tpu.memory_space<semaphore_mem>>)
      %dma_wait3A_106 = tpu.memref_slice %arg4[%run_scoped3A_3, %mul3A_2] : memref<3x320000xi32, #tpu.memory_space<hbm>> -> memref<1x10000xi32, #tpu.memory_space<hbm>>
      %dma_wait3A_107 = tpu.memref_squeeze %dma_wait3A_106 : memref<1x10000xi32, #tpu.memory_space<hbm>> -> memref<10000xi32, #tpu.memory_space<hbm>>
      %dma_wait3A_108 = tpu.memref_slice %arg4[%run_scoped3A_3, %mul3A_2] : memref<3x320000xi32, #tpu.memory_space<hbm>> -> memref<1x10000xi32, #tpu.memory_space<hbm>>
      %dma_wait3A_109 = tpu.memref_squeeze %dma_wait3A_108 : memref<1x10000xi32, #tpu.memory_space<hbm>> -> memref<10000xi32, #tpu.memory_space<hbm>>
      tpu.wait_dma2 semaphore(%run_scoped3A_101 : memref<!tpu.dma_semaphore, #tpu.memory_space<semaphore_mem>>) src(%dma_wait3A_109 : memref<10000xi32, #tpu.memory_space<hbm>>) dst(%arg7 : memref<10000xi32, #tpu.memory_space<vmem>>)
      tpu.yield
    }) : () -> ()
    %run_scoped3A_4 = arith.constant 2 : i32
    "tpu.region"() ({
      %run_scoped3A_101 = tpu.sem_alloc : memref<!tpu.dma_semaphore, #tpu.memory_space<semaphore_mem>>
      %dma_start3A_102 = tpu.memref_slice %arg4[%run_scoped3A_4, %mul3A_2] : memref<3x320000xi32, #tpu.memory_space<hbm>> -> memref<1x10000xi32, #tpu.memory_space<hbm>>
      %dma_start3A_103 = tpu.memref_squeeze %dma_start3A_102 : memref<1x10000xi32, #tpu.memory_space<hbm>> -> memref<10000xi32, #tpu.memory_space<hbm>>
      %dma_start3A_104 = tpu.memref_slice %arg4[%run_scoped3A_4, %mul3A_2] : memref<3x320000xi32, #tpu.memory_space<hbm>> -> memref<1x10000xi32, #tpu.memory_space<hbm>>
      %dma_start3A_105 = tpu.memref_squeeze %dma_start3A_104 : memref<1x10000xi32, #tpu.memory_space<hbm>> -> memref<10000xi32, #tpu.memory_space<hbm>>
      tpu.enqueue_dma source(%dma_start3A_105 : memref<10000xi32, #tpu.memory_space<hbm>>) target(%arg8 : memref<10000xi32, #tpu.memory_space<vmem>>) target_semaphore(%run_scoped3A_101 : memref<!tpu.dma_semaphore, #tpu.memory_space<semaphore_mem>>)
      %dma_wait3A_106 = tpu.memref_slice %arg4[%run_scoped3A_4, %mul3A_2] : memref<3x320000xi32, #tpu.memory_space<hbm>> -> memref<1x10000xi32, #tpu.memory_space<hbm>>
      %dma_wait3A_107 = tpu.memref_squeeze %dma_wait3A_106 : memref<1x10000xi32, #tpu.memory_space<hbm>> -> memref<10000xi32, #tpu.memory_space<hbm>>
      %dma_wait3A_108 = tpu.memref_slice %arg4[%run_scoped3A_4, %mul3A_2] : memref<3x320000xi32, #tpu.memory_space<hbm>> -> memref<1x10000xi32, #tpu.memory_space<hbm>>
      %dma_wait3A_109 = tpu.memref_squeeze %dma_wait3A_108 : memref<1x10000xi32, #tpu.memory_space<hbm>> -> memref<10000xi32, #tpu.memory_space<hbm>>
      tpu.wait_dma2 semaphore(%run_scoped3A_101 : memref<!tpu.dma_semaphore, #tpu.memory_space<semaphore_mem>>) src(%dma_wait3A_109 : memref<10000xi32, #tpu.memory_space<hbm>>) dst(%arg8 : memref<10000xi32, #tpu.memory_space<vmem>>)
      tpu.yield
    }) : () -> ()
    %iota3A = tpu.iota {dimensions = array<i32: 0>} : vector<16xi32>
    %dma_start3A = arith.constant 0 : i32
    %dma_start3A_5 = tpu.memref_slice %arg6[%dma_start3A] : memref<10000xi32, #tpu.memory_space<vmem>> -> memref<80xi32, #tpu.memory_space<vmem>>
    %dma_start3A_6 = arith.constant 0 : i32
    %dma_start3A_7 = arith.constant 0 : i32
    %dma_start3A_8 = tpu.memref_slice %arg2[%dma_start3A_6, %dma_start3A_7] : memref<10000x64xi32, #tpu.memory_space<hbm>> -> memref<10000x64xi32, #tpu.memory_space<hbm>>
    tpu.enqueue_indirect_dma source(%dma_start3A_8 : memref<10000x64xi32, #tpu.memory_space<hbm>>) target(%arg9 : memref<80x64xi32, #tpu.memory_space<vmem>>) offsets(%dma_start3A_5 : memref<80xi32, #tpu.memory_space<vmem>>) semaphore(%arg16 : memref<!tpu.dma_semaphore, #tpu.memory_space<semaphore_mem>>)
    %dma_start3A_9 = arith.constant 0 : i32
    %dma_start3A_10 = tpu.memref_slice %arg7[%dma_start3A_9] : memref<10000xi32, #tpu.memory_space<vmem>> -> memref<80xi32, #tpu.memory_space<vmem>>
    %dma_start3A_11 = arith.constant 0 : i32
    %dma_start3A_12 = arith.constant 0 : i32
    %dma_start3A_13 = tpu.memref_slice %arg3[%dma_start3A_11, %dma_start3A_12] : memref<10000x64xi32, #tpu.memory_space<hbm>> -> memref<10000x64xi32, #tpu.memory_space<hbm>>
    tpu.enqueue_indirect_dma source(%dma_start3A_13 : memref<10000x64xi32, #tpu.memory_space<hbm>>) target(%arg10 : memref<80x64xi32, #tpu.memory_space<vmem>>) offsets(%dma_start3A_10 : memref<80xi32, #tpu.memory_space<vmem>>) semaphore(%arg16 : memref<!tpu.dma_semaphore, #tpu.memory_space<semaphore_mem>>)
    %dma_start3A_14 = arith.constant 0 : i32
    %dma_start3A_15 = tpu.memref_slice %arg8[%dma_start3A_14] : memref<10000xi32, #tpu.memory_space<vmem>> -> memref<80xi32, #tpu.memory_space<vmem>>
    %dma_start3A_16 = arith.constant 0 : i32
    %dma_start3A_17 = arith.constant 0 : i32
    %dma_start3A_18 = tpu.memref_slice %arg2[%dma_start3A_16, %dma_start3A_17] : memref<10000x64xi32, #tpu.memory_space<hbm>> -> memref<10000x64xi32, #tpu.memory_space<hbm>>
    tpu.enqueue_indirect_dma source(%dma_start3A_18 : memref<10000x64xi32, #tpu.memory_space<hbm>>) target(%arg11 : memref<80x64xi32, #tpu.memory_space<vmem>>) offsets(%dma_start3A_15 : memref<80xi32, #tpu.memory_space<vmem>>) semaphore(%arg16 : memref<!tpu.dma_semaphore, #tpu.memory_space<semaphore_mem>>)
    %scan3A = arith.constant 0 : i32
    %scan3A_19 = arith.constant 0 : i32
    %scan3A_20 = arith.constant 62 : i32
    %scan3A_21 = arith.addi %scan3A_19, %scan3A_20 : i32
    %scan3A_22 = arith.constant 1 : i32
    scf.for %scan3A_101 = %scan3A_19 to %scan3A_21 step %scan3A_22  : i32 {
      %mul3A_102 = arith.constant 2 : i32
      %mul3A_103 = arith.muli %mul3A_102, %scan3A_101 : i32
      %add3A_104 = arith.constant 1 : i32
      %add3A_105 = arith.addi %mul3A_103, %add3A_104 : i32
      %mul3A_106 = arith.constant 80 : i32
      %mul3A_107 = arith.muli %add3A_105, %mul3A_106 : i32
      %dma_start3A_108 = tpu.memref_slice %arg6[%mul3A_107] : memref<10000xi32, #tpu.memory_space<vmem>> -> memref<80xi32, #tpu.memory_space<vmem>>
      %dma_start3A_109 = arith.constant 0 : i32
      %dma_start3A_110 = arith.constant 0 : i32
      %dma_start3A_111 = tpu.memref_slice %arg2[%dma_start3A_109, %dma_start3A_110] : memref<10000x64xi32, #tpu.memory_space<hbm>> -> memref<10000x64xi32, #tpu.memory_space<hbm>>
      tpu.enqueue_indirect_dma source(%dma_start3A_111 : memref<10000x64xi32, #tpu.memory_space<hbm>>) target(%arg12 : memref<80x64xi32, #tpu.memory_space<vmem>>) offsets(%dma_start3A_108 : memref<80xi32, #tpu.memory_space<vmem>>) semaphore(%arg17 : memref<!tpu.dma_semaphore, #tpu.memory_space<semaphore_mem>>)
      %dma_start3A_112 = tpu.memref_slice %arg7[%mul3A_107] : memref<10000xi32, #tpu.memory_space<vmem>> -> memref<80xi32, #tpu.memory_space<vmem>>
      %dma_start3A_113 = arith.constant 0 : i32
      %dma_start3A_114 = arith.constant 0 : i32
      %dma_start3A_115 = tpu.memref_slice %arg3[%dma_start3A_113, %dma_start3A_114] : memref<10000x64xi32, #tpu.memory_space<hbm>> -> memref<10000x64xi32, #tpu.memory_space<hbm>>
      tpu.enqueue_indirect_dma source(%dma_start3A_115 : memref<10000x64xi32, #tpu.memory_space<hbm>>) target(%arg13 : memref<80x64xi32, #tpu.memory_space<vmem>>) offsets(%dma_start3A_112 : memref<80xi32, #tpu.memory_space<vmem>>) semaphore(%arg17 : memref<!tpu.dma_semaphore, #tpu.memory_space<semaphore_mem>>)
      %dma_start3A_116 = tpu.memref_slice %arg8[%mul3A_107] : memref<10000xi32, #tpu.memory_space<vmem>> -> memref<80xi32, #tpu.memory_space<vmem>>
      %dma_start3A_117 = arith.constant 0 : i32
      %dma_start3A_118 = arith.constant 0 : i32
      %dma_start3A_119 = tpu.memref_slice %arg2[%dma_start3A_117, %dma_start3A_118] : memref<10000x64xi32, #tpu.memory_space<hbm>> -> memref<10000x64xi32, #tpu.memory_space<hbm>>
      tpu.enqueue_indirect_dma source(%dma_start3A_119 : memref<10000x64xi32, #tpu.memory_space<hbm>>) target(%arg14 : memref<80x64xi32, #tpu.memory_space<vmem>>) offsets(%dma_start3A_116 : memref<80xi32, #tpu.memory_space<vmem>>) semaphore(%arg17 : memref<!tpu.dma_semaphore, #tpu.memory_space<semaphore_mem>>)
      %mul3A_120 = arith.constant 80 : i32
      %mul3A_121 = arith.muli %mul3A_103, %mul3A_120 : i32
      %dma_wait3A_122 = tpu.memref_slice %arg6[%mul3A_121] : memref<10000xi32, #tpu.memory_space<vmem>> -> memref<80xi32, #tpu.memory_space<vmem>>
      %dma_wait3A_123 = arith.constant 0 : i32
      %dma_wait3A_124 = arith.constant 0 : i32
      %dma_wait3A_125 = tpu.memref_slice %arg2[%dma_wait3A_123, %dma_wait3A_124] : memref<10000x64xi32, #tpu.memory_space<hbm>> -> memref<10000x64xi32, #tpu.memory_space<hbm>>
      tpu.wait_indirect_dma semaphore(%arg16 : memref<!tpu.dma_semaphore, #tpu.memory_space<semaphore_mem>>) src(%dma_wait3A_125 : memref<10000x64xi32, #tpu.memory_space<hbm>>) dst(%arg9 : memref<80x64xi32, #tpu.memory_space<vmem>>)
      %dma_wait3A_126 = tpu.memref_slice %arg7[%mul3A_121] : memref<10000xi32, #tpu.memory_space<vmem>> -> memref<80xi32, #tpu.memory_space<vmem>>
      %dma_wait3A_127 = arith.constant 0 : i32
      %dma_wait3A_128 = arith.constant 0 : i32
      %dma_wait3A_129 = tpu.memref_slice %arg3[%dma_wait3A_127, %dma_wait3A_128] : memref<10000x64xi32, #tpu.memory_space<hbm>> -> memref<10000x64xi32, #tpu.memory_space<hbm>>
      tpu.wait_indirect_dma semaphore(%arg16 : memref<!tpu.dma_semaphore, #tpu.memory_space<semaphore_mem>>) src(%dma_wait3A_129 : memref<10000x64xi32, #tpu.memory_space<hbm>>) dst(%arg10 : memref<80x64xi32, #tpu.memory_space<vmem>>)
      %dma_wait3A_130 = tpu.memref_slice %arg8[%mul3A_121] : memref<10000xi32, #tpu.memory_space<vmem>> -> memref<80xi32, #tpu.memory_space<vmem>>
      %dma_wait3A_131 = arith.constant 0 : i32
      %dma_wait3A_132 = arith.constant 0 : i32
      %dma_wait3A_133 = tpu.memref_slice %arg2[%dma_wait3A_131, %dma_wait3A_132] : memref<10000x64xi32, #tpu.memory_space<hbm>> -> memref<10000x64xi32, #tpu.memory_space<hbm>>
      tpu.wait_indirect_dma semaphore(%arg16 : memref<!tpu.dma_semaphore, #tpu.memory_space<semaphore_mem>>) src(%dma_wait3A_133 : memref<10000x64xi32, #tpu.memory_space<hbm>>) dst(%arg11 : memref<80x64xi32, #tpu.memory_space<vmem>>)
      %mul3A_134 = arith.constant 80 : i32
      %mul3A_135 = arith.muli %mul3A_103, %mul3A_134 : i32
      %add3A_136 = arith.constant 0 : i32
      %add3A_137 = vector.broadcast %add3A_136 : i32 to vector<16xi32>
      %add3A_138 = arith.addi %add3A_137, %iota3A : vector<16xi32>
      %broadcast_in_dim3A_139 = arith.constant 0.000000e+00 : f32
      %broadcast_in_dim3A_140 = vector.broadcast %broadcast_in_dim3A_139 : f32 to vector<16xf32>
      %scan3A_141 = arith.constant 0 : i32
      %scan3A_142 = arith.constant 64 : i32
      %scan3A_143 = arith.addi %scan3A_141, %scan3A_142 : i32
      %scan3A_144 = arith.constant 8 : i32
      %scan3A_145 = scf.for %scan3A_322 = %scan3A_141 to %scan3A_143 step %scan3A_144 iter_args(%scan3A_323 = %broadcast_in_dim3A_140) -> (vector<16xf32>)  : i32 {
        %add3A_324 = vector.broadcast %scan3A_322 : i32 to vector<16xi32>
        %add3A_325 = arith.addi %iota3A, %add3A_324 : vector<16xi32>
        %and3A = arith.constant 63 : i32
        %and3A_326 = vector.broadcast %and3A : i32 to vector<16xi32>
        %and3A_327 = arith.andi %add3A_325, %and3A_326 : vector<16xi32>
        %gather3A = tpu.vector_load_idx %arg9[%add3A_138, %and3A_327] : memref<80x64xi32, #tpu.memory_space<vmem>>[vector<16xi32>, vector<16xi32>], vector<16xi32>,
        %bitcast3A = vector.bitcast %gather3A : vector<16xi32> to vector<32xbf16>
        %gather3A_328 = tpu.vector_load_idx %arg10[%add3A_138, %and3A_327] : memref<80x64xi32, #tpu.memory_space<vmem>>[vector<16xi32>, vector<16xi32>], vector<16xi32>,
        %bitcast3A_329 = vector.bitcast %gather3A_328 : vector<16xi32> to vector<32xbf16>
        %gather3A_330 = tpu.vector_load_idx %arg11[%add3A_138, %and3A_327] : memref<80x64xi32, #tpu.memory_space<vmem>>[vector<16xi32>, vector<16xi32>], vector<16xi32>,
        %bitcast3A_331 = vector.bitcast %gather3A_330 : vector<16xi32> to vector<32xbf16>
        %mul3A_332 = arith.mulf %bitcast3A, %bitcast3A_329 : vector<32xbf16>
        %mul3A_333 = arith.mulf %mul3A_332, %bitcast3A_331 : vector<32xbf16>
        %unpack3A = tpu.unpack_subelements %mul3A_333, 0 {pack_format = #tpu.pack_format<interleaved>} : vector<32xbf16> -> vector<16xf32>
        %unpack3A_334 = tpu.unpack_subelements %mul3A_333, 1 {pack_format = #tpu.pack_format<interleaved>} : vector<32xbf16> -> vector<16xf32>
        %add3A_335 = arith.addf %scan3A_323, %unpack3A : vector<16xf32>
        %add3A_336 = arith.addf %add3A_335, %unpack3A_334 : vector<16xf32>
        %scan3A_337 = arith.constant 1 : i32
        %scan3A_338 = arith.addi %scan3A_322, %scan3A_337 : i32
        %add3A_339 = vector.broadcast %scan3A_338 : i32 to vector<16xi32>
        %add3A_340 = arith.addi %iota3A, %add3A_339 : vector<16xi32>
        %and3A_341 = arith.constant 63 : i32
        %and3A_342 = vector.broadcast %and3A_341 : i32 to vector<16xi32>
        %and3A_343 = arith.andi %add3A_340, %and3A_342 : vector<16xi32>
        %gather3A_344 = tpu.vector_load_idx %arg9[%add3A_138, %and3A_343] : memref<80x64xi32, #tpu.memory_space<vmem>>[vector<16xi32>, vector<16xi32>], vector<16xi32>,
        %bitcast3A_345 = vector.bitcast %gather3A_344 : vector<16xi32> to vector<32xbf16>
        %gather3A_346 = tpu.vector_load_idx %arg10[%add3A_138, %and3A_343] : memref<80x64xi32, #tpu.memory_space<vmem>>[vector<16xi32>, vector<16xi32>], vector<16xi32>,
        %bitcast3A_347 = vector.bitcast %gather3A_346 : vector<16xi32> to vector<32xbf16>
        %gather3A_348 = tpu.vector_load_idx %arg11[%add3A_138, %and3A_343] : memref<80x64xi32, #tpu.memory_space<vmem>>[vector<16xi32>, vector<16xi32>], vector<16xi32>,
        %bitcast3A_349 = vector.bitcast %gather3A_348 : vector<16xi32> to vector<32xbf16>
        %mul3A_350 = arith.mulf %bitcast3A_345, %bitcast3A_347 : vector<32xbf16>
        %mul3A_351 = arith.mulf %mul3A_350, %bitcast3A_349 : vector<32xbf16>
        %unpack3A_352 = tpu.unpack_subelements %mul3A_351, 0 {pack_format = #tpu.pack_format<interleaved>} : vector<32xbf16> -> vector<16xf32>
        %unpack3A_353 = tpu.unpack_subelements %mul3A_351, 1 {pack_format = #tpu.pack_format<interleaved>} : vector<32xbf16> -> vector<16xf32>
        %add3A_354 = arith.addf %add3A_336, %unpack3A_352 : vector<16xf32>
        %add3A_355 = arith.addf %add3A_354, %unpack3A_353 : vector<16xf32>
        %scan3A_356 = arith.constant 2 : i32
        %scan3A_357 = arith.addi %scan3A_322, %scan3A_356 : i32
        %add3A_358 = vector.broadcast %scan3A_357 : i32 to vector<16xi32>
        %add3A_359 = arith.addi %iota3A, %add3A_358 : vector<16xi32>
        %and3A_360 = arith.constant 63 : i32
        %and3A_361 = vector.broadcast %and3A_360 : i32 to vector<16xi32>
        %and3A_362 = arith.andi %add3A_359, %and3A_361 : vector<16xi32>
        %gather3A_363 = tpu.vector_load_idx %arg9[%add3A_138, %and3A_362] : memref<80x64xi32, #tpu.memory_space<vmem>>[vector<16xi32>, vector<16xi32>], vector<16xi32>,
        %bitcast3A_364 = vector.bitcast %gather3A_363 : vector<16xi32> to vector<32xbf16>
        %gather3A_365 = tpu.vector_load_idx %arg10[%add3A_138, %and3A_362] : memref<80x64xi32, #tpu.memory_space<vmem>>[vector<16xi32>, vector<16xi32>], vector<16xi32>,
        %bitcast3A_366 = vector.bitcast %gather3A_365 : vector<16xi32> to vector<32xbf16>
        %gather3A_367 = tpu.vector_load_idx %arg11[%add3A_138, %and3A_362] : memref<80x64xi32, #tpu.memory_space<vmem>>[vector<16xi32>, vector<16xi32>], vector<16xi32>,
        %bitcast3A_368 = vector.bitcast %gather3A_367 : vector<16xi32> to vector<32xbf16>
        %mul3A_369 = arith.mulf %bitcast3A_364, %bitcast3A_366 : vector<32xbf16>
        %mul3A_370 = arith.mulf %mul3A_369, %bitcast3A_368 : vector<32xbf16>
        %unpack3A_371 = tpu.unpack_subelements %mul3A_370, 0 {pack_format = #tpu.pack_format<interleaved>} : vector<32xbf16> -> vector<16xf32>
        %unpack3A_372 = tpu.unpack_subelements %mul3A_370, 1 {pack_format = #tpu.pack_format<interleaved>} : vector<32xbf16> -> vector<16xf32>
        %add3A_373 = arith.addf %add3A_355, %unpack3A_371 : vector<16xf32>
        %add3A_374 = arith.addf %add3A_373, %unpack3A_372 : vector<16xf32>
        %scan3A_375 = arith.constant 3 : i32
        %scan3A_376 = arith.addi %scan3A_322, %scan3A_375 : i32
        %add3A_377 = vector.broadcast %scan3A_376 : i32 to vector<16xi32>
        %add3A_378 = arith.addi %iota3A, %add3A_377 : vector<16xi32>
        %and3A_379 = arith.constant 63 : i32
        %and3A_380 = vector.broadcast %and3A_379 : i32 to vector<16xi32>
        %and3A_381 = arith.andi %add3A_378, %and3A_380 : vector<16xi32>
        %gather3A_382 = tpu.vector_load_idx %arg9[%add3A_138, %and3A_381] : memref<80x64xi32, #tpu.memory_space<vmem>>[vector<16xi32>, vector<16xi32>], vector<16xi32>,
        %bitcast3A_383 = vector.bitcast %gather3A_382 : vector<16xi32> to vector<32xbf16>
        %gather3A_384 = tpu.vector_load_idx %arg10[%add3A_138, %and3A_381] : memref<80x64xi32, #tpu.memory_space<vmem>>[vector<16xi32>, vector<16xi32>], vector<16xi32>,
        %bitcast3A_385 = vector.bitcast %gather3A_384 : vector<16xi32> to vector<32xbf16>
        %gather3A_386 = tpu.vector_load_idx %arg11[%add3A_138, %and3A_381] : memref<80x64xi32, #tpu.memory_space<vmem>>[vector<16xi32>, vector<16xi32>], vector<16xi32>,
        %bitcast3A_387 = vector.bitcast %gather3A_386 : vector<16xi32> to vector<32xbf16>
        %mul3A_388 = arith.mulf %bitcast3A_383, %bitcast3A_385 : vector<32xbf16>
        %mul3A_389 = arith.mulf %mul3A_388, %bitcast3A_387 : vector<32xbf16>
        %unpack3A_390 = tpu.unpack_subelements %mul3A_389, 0 {pack_format = #tpu.pack_format<interleaved>} : vector<32xbf16> -> vector<16xf32>
        %unpack3A_391 = tpu.unpack_subelements %mul3A_389, 1 {pack_format = #tpu.pack_format<interleaved>} : vector<32xbf16> -> vector<16xf32>
        %add3A_392 = arith.addf %add3A_374, %unpack3A_390 : vector<16xf32>
        %add3A_393 = arith.addf %add3A_392, %unpack3A_391 : vector<16xf32>
        %scan3A_394 = arith.constant 4 : i32
        %scan3A_395 = arith.addi %scan3A_322, %scan3A_394 : i32
        %add3A_396 = vector.broadcast %scan3A_395 : i32 to vector<16xi32>
        %add3A_397 = arith.addi %iota3A, %add3A_396 : vector<16xi32>
        %and3A_398 = arith.constant 63 : i32
        %and3A_399 = vector.broadcast %and3A_398 : i32 to vector<16xi32>
        %and3A_400 = arith.andi %add3A_397, %and3A_399 : vector<16xi32>
        %gather3A_401 = tpu.vector_load_idx %arg9[%add3A_138, %and3A_400] : memref<80x64xi32, #tpu.memory_space<vmem>>[vector<16xi32>, vector<16xi32>], vector<16xi32>,
        %bitcast3A_402 = vector.bitcast %gather3A_401 : vector<16xi32> to vector<32xbf16>
        %gather3A_403 = tpu.vector_load_idx %arg10[%add3A_138, %and3A_400] : memref<80x64xi32, #tpu.memory_space<vmem>>[vector<16xi32>, vector<16xi32>], vector<16xi32>,
        %bitcast3A_404 = vector.bitcast %gather3A_403 : vector<16xi32> to vector<32xbf16>
        %gather3A_405 = tpu.vector_load_idx %arg11[%add3A_138, %and3A_400] : memref<80x64xi32, #tpu.memory_space<vmem>>[vector<16xi32>, vector<16xi32>], vector<16xi32>,
        %bitcast3A_406 = vector.bitcast %gather3A_405 : vector<16xi32> to vector<32xbf16>
        %mul3A_407 = arith.mulf %bitcast3A_402, %bitcast3A_404 : vector<32xbf16>
        %mul3A_408 = arith.mulf %mul3A_407, %bitcast3A_406 : vector<32xbf16>
        %unpack3A_409 = tpu.unpack_subelements %mul3A_408, 0 {pack_format = #tpu.pack_format<interleaved>} : vector<32xbf16> -> vector<16xf32>
        %unpack3A_410 = tpu.unpack_subelements %mul3A_408, 1 {pack_format = #tpu.pack_format<interleaved>} : vector<32xbf16> -> vector<16xf32>
        %add3A_411 = arith.addf %add3A_393, %unpack3A_409 : vector<16xf32>
        %add3A_412 = arith.addf %add3A_411, %unpack3A_410 : vector<16xf32>
        %scan3A_413 = arith.constant 5 : i32
        %scan3A_414 = arith.addi %scan3A_322, %scan3A_413 : i32
        %add3A_415 = vector.broadcast %scan3A_414 : i32 to vector<16xi32>
        %add3A_416 = arith.addi %iota3A, %add3A_415 : vector<16xi32>
        %and3A_417 = arith.constant 63 : i32
        %and3A_418 = vector.broadcast %and3A_417 : i32 to vector<16xi32>
        %and3A_419 = arith.andi %add3A_416, %and3A_418 : vector<16xi32>
        %gather3A_420 = tpu.vector_load_idx %arg9[%add3A_138, %and3A_419] : memref<80x64xi32, #tpu.memory_space<vmem>>[vector<16xi32>, vector<16xi32>], vector<16xi32>,
        %bitcast3A_421 = vector.bitcast %gather3A_420 : vector<16xi32> to vector<32xbf16>
        %gather3A_422 = tpu.vector_load_idx %arg10[%add3A_138, %and3A_419] : memref<80x64xi32, #tpu.memory_space<vmem>>[vector<16xi32>, vector<16xi32>], vector<16xi32>,
        %bitcast3A_423 = vector.bitcast %gather3A_422 : vector<16xi32> to vector<32xbf16>
        %gather3A_424 = tpu.vector_load_idx %arg11[%add3A_138, %and3A_419] : memref<80x64xi32, #tpu.memory_space<vmem>>[vector<16xi32>, vector<16xi32>], vector<16xi32>,
        %bitcast3A_425 = vector.bitcast %gather3A_424 : vector<16xi32> to vector<32xbf16>
        %mul3A_426 = arith.mulf %bitcast3A_421, %bitcast3A_423 : vector<32xbf16>
        %mul3A_427 = arith.mulf %mul3A_426, %bitcast3A_425 : vector<32xbf16>
        %unpack3A_428 = tpu.unpack_subelements %mul3A_427, 0 {pack_format = #tpu.pack_format<interleaved>} : vector<32xbf16> -> vector<16xf32>
        %unpack3A_429 = tpu.unpack_subelements %mul3A_427, 1 {pack_format = #tpu.pack_format<interleaved>} : vector<32xbf16> -> vector<16xf32>
        %add3A_430 = arith.addf %add3A_412, %unpack3A_428 : vector<16xf32>
        %add3A_431 = arith.addf %add3A_430, %unpack3A_429 : vector<16xf32>
        %scan3A_432 = arith.constant 6 : i32
        %scan3A_433 = arith.addi %scan3A_322, %scan3A_432 : i32
        %add3A_434 = vector.broadcast %scan3A_433 : i32 to vector<16xi32>
        %add3A_435 = arith.addi %iota3A, %add3A_434 : vector<16xi32>
        %and3A_436 = arith.constant 63 : i32
        %and3A_437 = vector.broadcast %and3A_436 : i32 to vector<16xi32>
        %and3A_438 = arith.andi %add3A_435, %and3A_437 : vector<16xi32>
        %gather3A_439 = tpu.vector_load_idx %arg9[%add3A_138, %and3A_438] : memref<80x64xi32, #tpu.memory_space<vmem>>[vector<16xi32>, vector<16xi32>], vector<16xi32>,
        %bitcast3A_440 = vector.bitcast %gather3A_439 : vector<16xi32> to vector<32xbf16>
        %gather3A_441 = tpu.vector_load_idx %arg10[%add3A_138, %and3A_438] : memref<80x64xi32, #tpu.memory_space<vmem>>[vector<16xi32>, vector<16xi32>], vector<16xi32>,
        %bitcast3A_442 = vector.bitcast %gather3A_441 : vector<16xi32> to vector<32xbf16>
        %gather3A_443 = tpu.vector_load_idx %arg11[%add3A_138, %and3A_438] : memref<80x64xi32, #tpu.memory_space<vmem>>[vector<16xi32>, vector<16xi32>], vector<16xi32>,
        %bitcast3A_444 = vector.bitcast %gather3A_443 : vector<16xi32> to vector<32xbf16>
        %mul3A_445 = arith.mulf %bitcast3A_440, %bitcast3A_442 : vector<32xbf16>
        %mul3A_446 = arith.mulf %mul3A_445, %bitcast3A_444 : vector<32xbf16>
        %unpack3A_447 = tpu.unpack_subelements %mul3A_446, 0 {pack_format = #tpu.pack_format<interleaved>} : vector<32xbf16> -> vector<16xf32>
        %unpack3A_448 = tpu.unpack_subelements %mul3A_446, 1 {pack_format = #tpu.pack_format<interleaved>} : vector<32xbf16> -> vector<16xf32>
        %add3A_449 = arith.addf %add3A_431, %unpack3A_447 : vector<16xf32>
        %add3A_450 = arith.addf %add3A_449, %unpack3A_448 : vector<16xf32>
        %scan3A_451 = arith.constant 7 : i32
        %scan3A_452 = arith.addi %scan3A_322, %scan3A_451 : i32
        %add3A_453 = vector.broadcast %scan3A_452 : i32 to vector<16xi32>
        %add3A_454 = arith.addi %iota3A, %add3A_453 : vector<16xi32>
        %and3A_455 = arith.constant 63 : i32
        %and3A_456 = vector.broadcast %and3A_455 : i32 to vector<16xi32>
        %and3A_457 = arith.andi %add3A_454, %and3A_456 : vector<16xi32>
        %gather3A_458 = tpu.vector_load_idx %arg9[%add3A_138, %and3A_457] : memref<80x64xi32, #tpu.memory_space<vmem>>[vector<16xi32>, vector<16xi32>], vector<16xi32>,
        %bitcast3A_459 = vector.bitcast %gather3A_458 : vector<16xi32> to vector<32xbf16>
        %gather3A_460 = tpu.vector_load_idx %arg10[%add3A_138, %and3A_457] : memref<80x64xi32, #tpu.memory_space<vmem>>[vector<16xi32>, vector<16xi32>], vector<16xi32>,
        %bitcast3A_461 = vector.bitcast %gather3A_460 : vector<16xi32> to vector<32xbf16>
        %gather3A_462 = tpu.vector_load_idx %arg11[%add3A_138, %and3A_457] : memref<80x64xi32, #tpu.memory_space<vmem>>[vector<16xi32>, vector<16xi32>], vector<16xi32>,
        %bitcast3A_463 = vector.bitcast %gather3A_462 : vector<16xi32> to vector<32xbf16>
        %mul3A_464 = arith.mulf %bitcast3A_459, %bitcast3A_461 : vector<32xbf16>
        %mul3A_465 = arith.mulf %mul3A_464, %bitcast3A_463 : vector<32xbf16>
        %unpack3A_466 = tpu.unpack_subelements %mul3A_465, 0 {pack_format = #tpu.pack_format<interleaved>} : vector<32xbf16> -> vector<16xf32>
        %unpack3A_467 = tpu.unpack_subelements %mul3A_465, 1 {pack_format = #tpu.pack_format<interleaved>} : vector<32xbf16> -> vector<16xf32>
        %add3A_468 = arith.addf %add3A_450, %unpack3A_466 : vector<16xf32>
        %add3A_469 = arith.addf %add3A_468, %unpack3A_467 : vector<16xf32>
        scf.yield %add3A_469 : vector<16xf32>
      }
      %scan3A_146 = arith.constant 64 : i32
      %add3A_147 = arith.constant 0 : i32
      %add3A_148 = arith.addi %mul3A_135, %add3A_147 : i32
      %swap3A_149 = arith.index_cast %add3A_148 : i32 to index
      %swap3A_150 = tpu.vector_load %arg15[%swap3A_149] {strides = array<i32>} : memref<10000xf32, #tpu.memory_space<vmem>>, vector<16xf32>,
      tpu.vector_store %arg15[%swap3A_149], %scan3A_145 {strides = array<i32>} : memref<10000xf32, #tpu.memory_space<vmem>>, vector<16xf32>,
      %add3A_151 = arith.constant 16 : i32
      %add3A_152 = vector.broadcast %add3A_151 : i32 to vector<16xi32>
      %add3A_153 = arith.addi %add3A_152, %iota3A : vector<16xi32>
      %broadcast_in_dim3A_154 = arith.constant 0.000000e+00 : f32
      %broadcast_in_dim3A_155 = vector.broadcast %broadcast_in_dim3A_154 : f32 to vector<16xf32>
      %scan3A_156 = arith.constant 0 : i32
      %scan3A_157 = arith.constant 64 : i32
      %scan3A_158 = arith.addi %scan3A_156, %scan3A_157 : i32
      %scan3A_159 = arith.constant 8 : i32
      %scan3A_160 = scf.for %scan3A_322 = %scan3A_156 to %scan3A_158 step %scan3A_159 iter_args(%scan3A_323 = %broadcast_in_dim3A_155) -> (vector<16xf32>)  : i32 {
        %add3A_324 = vector.broadcast %scan3A_322 : i32 to vector<16xi32>
        %add3A_325 = arith.addi %iota3A, %add3A_324 : vector<16xi32>
        %and3A = arith.constant 63 : i32
        %and3A_326 = vector.broadcast %and3A : i32 to vector<16xi32>
        %and3A_327 = arith.andi %add3A_325, %and3A_326 : vector<16xi32>
        %gather3A = tpu.vector_load_idx %arg9[%add3A_153, %and3A_327] : memref<80x64xi32, #tpu.memory_space<vmem>>[vector<16xi32>, vector<16xi32>], vector<16xi32>,
        %bitcast3A = vector.bitcast %gather3A : vector<16xi32> to vector<32xbf16>
        %gather3A_328 = tpu.vector_load_idx %arg10[%add3A_153, %and3A_327] : memref<80x64xi32, #tpu.memory_space<vmem>>[vector<16xi32>, vector<16xi32>], vector<16xi32>,
        %bitcast3A_329 = vector.bitcast %gather3A_328 : vector<16xi32> to vector<32xbf16>
        %gather3A_330 = tpu.vector_load_idx %arg11[%add3A_153, %and3A_327] : memref<80x64xi32, #tpu.memory_space<vmem>>[vector<16xi32>, vector<16xi32>], vector<16xi32>,
        %bitcast3A_331 = vector.bitcast %gather3A_330 : vector<16xi32> to vector<32xbf16>
        %mul3A_332 = arith.mulf %bitcast3A, %bitcast3A_329 : vector<32xbf16>
        %mul3A_333 = arith.mulf %mul3A_332, %bitcast3A_331 : vector<32xbf16>
        %unpack3A = tpu.unpack_subelements %mul3A_333, 0 {pack_format = #tpu.pack_format<interleaved>} : vector<32xbf16> -> vector<16xf32>
        %unpack3A_334 = tpu.unpack_subelements %mul3A_333, 1 {pack_format = #tpu.pack_format<interleaved>} : vector<32xbf16> -> vector<16xf32>
        %add3A_335 = arith.addf %scan3A_323, %unpack3A : vector<16xf32>
        %add3A_336 = arith.addf %add3A_335, %unpack3A_334 : vector<16xf32>
        %scan3A_337 = arith.constant 1 : i32
        %scan3A_338 = arith.addi %scan3A_322, %scan3A_337 : i32
        %add3A_339 = vector.broadcast %scan3A_338 : i32 to vector<16xi32>
        %add3A_340 = arith.addi %iota3A, %add3A_339 : vector<16xi32>
        %and3A_341 = arith.constant 63 : i32
        %and3A_342 = vector.broadcast %and3A_341 : i32 to vector<16xi32>
        %and3A_343 = arith.andi %add3A_340, %and3A_342 : vector<16xi32>
        %gather3A_344 = tpu.vector_load_idx %arg9[%add3A_153, %and3A_343] : memref<80x64xi32, #tpu.memory_space<vmem>>[vector<16xi32>, vector<16xi32>], vector<16xi32>,
        %bitcast3A_345 = vector.bitcast %gather3A_344 : vector<16xi32> to vector<32xbf16>
        %gather3A_346 = tpu.vector_load_idx %arg10[%add3A_153, %and3A_343] : memref<80x64xi32, #tpu.memory_space<vmem>>[vector<16xi32>, vector<16xi32>], vector<16xi32>,
        %bitcast3A_347 = vector.bitcast %gather3A_346 : vector<16xi32> to vector<32xbf16>
        %gather3A_348 = tpu.vector_load_idx %arg11[%add3A_153, %and3A_343] : memref<80x64xi32, #tpu.memory_space<vmem>>[vector<16xi32>, vector<16xi32>], vector<16xi32>,
        %bitcast3A_349 = vector.bitcast %gather3A_348 : vector<16xi32> to vector<32xbf16>
        %mul3A_350 = arith.mulf %bitcast3A_345, %bitcast3A_347 : vector<32xbf16>
        %mul3A_351 = arith.mulf %mul3A_350, %bitcast3A_349 : vector<32xbf16>
        %unpack3A_352 = tpu.unpack_subelements %mul3A_351, 0 {pack_format = #tpu.pack_format<interleaved>} : vector<32xbf16> -> vector<16xf32>
        %unpack3A_353 = tpu.unpack_subelements %mul3A_351, 1 {pack_format = #tpu.pack_format<interleaved>} : vector<32xbf16> -> vector<16xf32>
        %add3A_354 = arith.addf %add3A_336, %unpack3A_352 : vector<16xf32>
        %add3A_355 = arith.addf %add3A_354, %unpack3A_353 : vector<16xf32>
        %scan3A_356 = arith.constant 2 : i32
        %scan3A_357 = arith.addi %scan3A_322, %scan3A_356 : i32
        %add3A_358 = vector.broadcast %scan3A_357 : i32 to vector<16xi32>
        %add3A_359 = arith.addi %iota3A, %add3A_358 : vector<16xi32>
        %and3A_360 = arith.constant 63 : i32
        %and3A_361 = vector.broadcast %and3A_360 : i32 to vector<16xi32>
        %and3A_362 = arith.andi %add3A_359, %and3A_361 : vector<16xi32>
        %gather3A_363 = tpu.vector_load_idx %arg9[%add3A_153, %and3A_362] : memref<80x64xi32, #tpu.memory_space<vmem>>[vector<16xi32>, vector<16xi32>], vector<16xi32>,
        %bitcast3A_364 = vector.bitcast %gather3A_363 : vector<16xi32> to vector<32xbf16>
        %gather3A_365 = tpu.vector_load_idx %arg10[%add3A_153, %and3A_362] : memref<80x64xi32, #tpu.memory_space<vmem>>[vector<16xi32>, vector<16xi32>], vector<16xi32>,
        %bitcast3A_366 = vector.bitcast %gather3A_365 : vector<16xi32> to vector<32xbf16>
        %gather3A_367 = tpu.vector_load_idx %arg11[%add3A_153, %and3A_362] : memref<80x64xi32, #tpu.memory_space<vmem>>[vector<16xi32>, vector<16xi32>], vector<16xi32>,
        %bitcast3A_368 = vector.bitcast %gather3A_367 : vector<16xi32> to vector<32xbf16>
        %mul3A_369 = arith.mulf %bitcast3A_364, %bitcast3A_366 : vector<32xbf16>
        %mul3A_370 = arith.mulf %mul3A_369, %bitcast3A_368 : vector<32xbf16>
        %unpack3A_371 = tpu.unpack_subelements %mul3A_370, 0 {pack_format = #tpu.pack_format<interleaved>} : vector<32xbf16> -> vector<16xf32>
        %unpack3A_372 = tpu.unpack_subelements %mul3A_370, 1 {pack_format = #tpu.pack_format<interleaved>} : vector<32xbf16> -> vector<16xf32>
        %add3A_373 = arith.addf %add3A_355, %unpack3A_371 : vector<16xf32>
        %add3A_374 = arith.addf %add3A_373, %unpack3A_372 : vector<16xf32>
        %scan3A_375 = arith.constant 3 : i32
        %scan3A_376 = arith.addi %scan3A_322, %scan3A_375 : i32
        %add3A_377 = vector.broadcast %scan3A_376 : i32 to vector<16xi32>
        %add3A_378 = arith.addi %iota3A, %add3A_377 : vector<16xi32>
        %and3A_379 = arith.constant 63 : i32
        %and3A_380 = vector.broadcast %and3A_379 : i32 to vector<16xi32>
        %and3A_381 = arith.andi %add3A_378, %and3A_380 : vector<16xi32>
        %gather3A_382 = tpu.vector_load_idx %arg9[%add3A_153, %and3A_381] : memref<80x64xi32, #tpu.memory_space<vmem>>[vector<16xi32>, vector<16xi32>], vector<16xi32>,
        %bitcast3A_383 = vector.bitcast %gather3A_382 : vector<16xi32> to vector<32xbf16>
        %gather3A_384 = tpu.vector_load_idx %arg10[%add3A_153, %and3A_381] : memref<80x64xi32, #tpu.memory_space<vmem>>[vector<16xi32>, vector<16xi32>], vector<16xi32>,
        %bitcast3A_385 = vector.bitcast %gather3A_384 : vector<16xi32> to vector<32xbf16>
        %gather3A_386 = tpu.vector_load_idx %arg11[%add3A_153, %and3A_381] : memref<80x64xi32, #tpu.memory_space<vmem>>[vector<16xi32>, vector<16xi32>], vector<16xi32>,
        %bitcast3A_387 = vector.bitcast %gather3A_386 : vector<16xi32> to vector<32xbf16>
        %mul3A_388 = arith.mulf %bitcast3A_383, %bitcast3A_385 : vector<32xbf16>
        %mul3A_389 = arith.mulf %mul3A_388, %bitcast3A_387 : vector<32xbf16>
        %unpack3A_390 = tpu.unpack_subelements %mul3A_389, 0 {pack_format = #tpu.pack_format<interleaved>} : vector<32xbf16> -> vector<16xf32>
        %unpack3A_391 = tpu.unpack_subelements %mul3A_389, 1 {pack_format = #tpu.pack_format<interleaved>} : vector<32xbf16> -> vector<16xf32>
        %add3A_392 = arith.addf %add3A_374, %unpack3A_390 : vector<16xf32>
        %add3A_393 = arith.addf %add3A_392, %unpack3A_391 : vector<16xf32>
        %scan3A_394 = arith.constant 4 : i32
        %scan3A_395 = arith.addi %scan3A_322, %scan3A_394 : i32
        %add3A_396 = vector.broadcast %scan3A_395 : i32 to vector<16xi32>
        %add3A_397 = arith.addi %iota3A, %add3A_396 : vector<16xi32>
        %and3A_398 = arith.constant 63 : i32
        %and3A_399 = vector.broadcast %and3A_398 : i32 to vector<16xi32>
        %and3A_400 = arith.andi %add3A_397, %and3A_399 : vector<16xi32>
        %gather3A_401 = tpu.vector_load_idx %arg9[%add3A_153, %and3A_400] : memref<80x64xi32, #tpu.memory_space<vmem>>[vector<16xi32>, vector<16xi32>], vector<16xi32>,
        %bitcast3A_402 = vector.bitcast %gather3A_401 : vector<16xi32> to vector<32xbf16>
        %gather3A_403 = tpu.vector_load_idx %arg10[%add3A_153, %and3A_400] : memref<80x64xi32, #tpu.memory_space<vmem>>[vector<16xi32>, vector<16xi32>], vector<16xi32>,
        %bitcast3A_404 = vector.bitcast %gather3A_403 : vector<16xi32> to vector<32xbf16>
        %gather3A_405 = tpu.vector_load_idx %arg11[%add3A_153, %and3A_400] : memref<80x64xi32, #tpu.memory_space<vmem>>[vector<16xi32>, vector<16xi32>], vector<16xi32>,
        %bitcast3A_406 = vector.bitcast %gather3A_405 : vector<16xi32> to vector<32xbf16>
        %mul3A_407 = arith.mulf %bitcast3A_402, %bitcast3A_404 : vector<32xbf16>
        %mul3A_408 = arith.mulf %mul3A_407, %bitcast3A_406 : vector<32xbf16>
        %unpack3A_409 = tpu.unpack_subelements %mul3A_408, 0 {pack_format = #tpu.pack_format<interleaved>} : vector<32xbf16> -> vector<16xf32>
        %unpack3A_410 = tpu.unpack_subelements %mul3A_408, 1 {pack_format = #tpu.pack_format<interleaved>} : vector<32xbf16> -> vector<16xf32>
        %add3A_411 = arith.addf %add3A_393, %unpack3A_409 : vector<16xf32>
        %add3A_412 = arith.addf %add3A_411, %unpack3A_410 : vector<16xf32>
        %scan3A_413 = arith.constant 5 : i32
        %scan3A_414 = arith.addi %scan3A_322, %scan3A_413 : i32
        %add3A_415 = vector.broadcast %scan3A_414 : i32 to vector<16xi32>
        %add3A_416 = arith.addi %iota3A, %add3A_415 : vector<16xi32>
        %and3A_417 = arith.constant 63 : i32
        %and3A_418 = vector.broadcast %and3A_417 : i32 to vector<16xi32>
        %and3A_419 = arith.andi %add3A_416, %and3A_418 : vector<16xi32>
        %gather3A_420 = tpu.vector_load_idx %arg9[%add3A_153, %and3A_419] : memref<80x64xi32, #tpu.memory_space<vmem>>[vector<16xi32>, vector<16xi32>], vector<16xi32>,
        %bitcast3A_421 = vector.bitcast %gather3A_420 : vector<16xi32> to vector<32xbf16>
        %gather3A_422 = tpu.vector_load_idx %arg10[%add3A_153, %and3A_419] : memref<80x64xi32, #tpu.memory_space<vmem>>[vector<16xi32>, vector<16xi32>], vector<16xi32>,
        %bitcast3A_423 = vector.bitcast %gather3A_422 : vector<16xi32> to vector<32xbf16>
        %gather3A_424 = tpu.vector_load_idx %arg11[%add3A_153, %and3A_419] : memref<80x64xi32, #tpu.memory_space<vmem>>[vector<16xi32>, vector<16xi32>], vector<16xi32>,
        %bitcast3A_425 = vector.bitcast %gather3A_424 : vector<16xi32> to vector<32xbf16>
        %mul3A_426 = arith.mulf %bitcast3A_421, %bitcast3A_423 : vector<32xbf16>
        %mul3A_427 = arith.mulf %mul3A_426, %bitcast3A_425 : vector<32xbf16>
        %unpack3A_428 = tpu.unpack_subelements %mul3A_427, 0 {pack_format = #tpu.pack_format<interleaved>} : vector<32xbf16> -> vector<16xf32>
        %unpack3A_429 = tpu.unpack_subelements %mul3A_427, 1 {pack_format = #tpu.pack_format<interleaved>} : vector<32xbf16> -> vector<16xf32>
        %add3A_430 = arith.addf %add3A_412, %unpack3A_428 : vector<16xf32>
        %add3A_431 = arith.addf %add3A_430, %unpack3A_429 : vector<16xf32>
        %scan3A_432 = arith.constant 6 : i32
        %scan3A_433 = arith.addi %scan3A_322, %scan3A_432 : i32
        %add3A_434 = vector.broadcast %scan3A_433 : i32 to vector<16xi32>
        %add3A_435 = arith.addi %iota3A, %add3A_434 : vector<16xi32>
        %and3A_436 = arith.constant 63 : i32
        %and3A_437 = vector.broadcast %and3A_436 : i32 to vector<16xi32>
        %and3A_438 = arith.andi %add3A_435, %and3A_437 : vector<16xi32>
        %gather3A_439 = tpu.vector_load_idx %arg9[%add3A_153, %and3A_438] : memref<80x64xi32, #tpu.memory_space<vmem>>[vector<16xi32>, vector<16xi32>], vector<16xi32>,
        %bitcast3A_440 = vector.bitcast %gather3A_439 : vector<16xi32> to vector<32xbf16>
        %gather3A_441 = tpu.vector_load_idx %arg10[%add3A_153, %and3A_438] : memref<80x64xi32, #tpu.memory_space<vmem>>[vector<16xi32>, vector<16xi32>], vector<16xi32>,
        %bitcast3A_442 = vector.bitcast %gather3A_441 : vector<16xi32> to vector<32xbf16>
        %gather3A_443 = tpu.vector_load_idx %arg11[%add3A_153, %and3A_438] : memref<80x64xi32, #tpu.memory_space<vmem>>[vector<16xi32>, vector<16xi32>], vector<16xi32>,
        %bitcast3A_444 = vector.bitcast %gather3A_443 : vector<16xi32> to vector<32xbf16>
        %mul3A_445 = arith.mulf %bitcast3A_440, %bitcast3A_442 : vector<32xbf16>
        %mul3A_446 = arith.mulf %mul3A_445, %bitcast3A_444 : vector<32xbf16>
        %unpack3A_447 = tpu.unpack_subelements %mul3A_446, 0 {pack_format = #tpu.pack_format<interleaved>} : vector<32xbf16> -> vector<16xf32>
        %unpack3A_448 = tpu.unpack_subelements %mul3A_446, 1 {pack_format = #tpu.pack_format<interleaved>} : vector<32xbf16> -> vector<16xf32>
        %add3A_449 = arith.addf %add3A_431, %unpack3A_447 : vector<16xf32>
        %add3A_450 = arith.addf %add3A_449, %unpack3A_448 : vector<16xf32>
        %scan3A_451 = arith.constant 7 : i32
        %scan3A_452 = arith.addi %scan3A_322, %scan3A_451 : i32
        %add3A_453 = vector.broadcast %scan3A_452 : i32 to vector<16xi32>
        %add3A_454 = arith.addi %iota3A, %add3A_453 : vector<16xi32>
        %and3A_455 = arith.constant 63 : i32
        %and3A_456 = vector.broadcast %and3A_455 : i32 to vector<16xi32>
        %and3A_457 = arith.andi %add3A_454, %and3A_456 : vector<16xi32>
        %gather3A_458 = tpu.vector_load_idx %arg9[%add3A_153, %and3A_457] : memref<80x64xi32, #tpu.memory_space<vmem>>[vector<16xi32>, vector<16xi32>], vector<16xi32>,
        %bitcast3A_459 = vector.bitcast %gather3A_458 : vector<16xi32> to vector<32xbf16>
        %gather3A_460 = tpu.vector_load_idx %arg10[%add3A_153, %and3A_457] : memref<80x64xi32, #tpu.memory_space<vmem>>[vector<16xi32>, vector<16xi32>], vector<16xi32>,
        %bitcast3A_461 = vector.bitcast %gather3A_460 : vector<16xi32> to vector<32xbf16>
        %gather3A_462 = tpu.vector_load_idx %arg11[%add3A_153, %and3A_457] : memref<80x64xi32, #tpu.memory_space<vmem>>[vector<16xi32>, vector<16xi32>], vector<16xi32>,
        %bitcast3A_463 = vector.bitcast %gather3A_462 : vector<16xi32> to vector<32xbf16>
        %mul3A_464 = arith.mulf %bitcast3A_459, %bitcast3A_461 : vector<32xbf16>
        %mul3A_465 = arith.mulf %mul3A_464, %bitcast3A_463 : vector<32xbf16>
        %unpack3A_466 = tpu.unpack_subelements %mul3A_465, 0 {pack_format = #tpu.pack_format<interleaved>} : vector<32xbf16> -> vector<16xf32>
        %unpack3A_467 = tpu.unpack_subelements %mul3A_465, 1 {pack_format = #tpu.pack_format<interleaved>} : vector<32xbf16> -> vector<16xf32>
        %add3A_468 = arith.addf %add3A_450, %unpack3A_466 : vector<16xf32>
        %add3A_469 = arith.addf %add3A_468, %unpack3A_467 : vector<16xf32>
        scf.yield %add3A_469 : vector<16xf32>
      }
      %scan3A_161 = arith.constant 64 : i32
      %add3A_162 = arith.constant 16 : i32
      %add3A_163 = arith.addi %mul3A_135, %add3A_162 : i32
      %swap3A_164 = arith.index_cast %add3A_163 : i32 to index
      %swap3A_165 = tpu.vector_load %arg15[%swap3A_164] {strides = array<i32>} : memref<10000xf32, #tpu.memory_space<vmem>>, vector<16xf32>,
      tpu.vector_store %arg15[%swap3A_164], %scan3A_160 {strides = array<i32>} : memref<10000xf32, #tpu.memory_space<vmem>>, vector<16xf32>,
      %add3A_166 = arith.constant 32 : i32
      %add3A_167 = vector.broadcast %add3A_166 : i32 to vector<16xi32>
      %add3A_168 = arith.addi %add3A_167, %iota3A : vector<16xi32>
      %broadcast_in_dim3A_169 = arith.constant 0.000000e+00 : f32
      %broadcast_in_dim3A_170 = vector.broadcast %broadcast_in_dim3A_169 : f32 to vector<16xf32>
      %scan3A_171 = arith.constant 0 : i32
      %scan3A_172 = arith.constant 64 : i32
      %scan3A_173 = arith.addi %scan3A_171, %scan3A_172 : i32
      %scan3A_174 = arith.constant 8 : i32
      %scan3A_175 = scf.for %scan3A_322 = %scan3A_171 to %scan3A_173 step %scan3A_174 iter_args(%scan3A_323 = %broadcast_in_dim3A_170) -> (vector<16xf32>)  : i32 {
        %add3A_324 = vector.broadcast %scan3A_322 : i32 to vector<16xi32>
        %add3A_325 = arith.addi %iota3A, %add3A_324 : vector<16xi32>
        %and3A = arith.constant 63 : i32
        %and3A_326 = vector.broadcast %and3A : i32 to vector<16xi32>
        %and3A_327 = arith.andi %add3A_325, %and3A_326 : vector<16xi32>
        %gather3A = tpu.vector_load_idx %arg9[%add3A_168, %and3A_327] : memref<80x64xi32, #tpu.memory_space<vmem>>[vector<16xi32>, vector<16xi32>], vector<16xi32>,
        %bitcast3A = vector.bitcast %gather3A : vector<16xi32> to vector<32xbf16>
        %gather3A_328 = tpu.vector_load_idx %arg10[%add3A_168, %and3A_327] : memref<80x64xi32, #tpu.memory_space<vmem>>[vector<16xi32>, vector<16xi32>], vector<16xi32>,
        %bitcast3A_329 = vector.bitcast %gather3A_328 : vector<16xi32> to vector<32xbf16>
        %gather3A_330 = tpu.vector_load_idx %arg11[%add3A_168, %and3A_327] : memref<80x64xi32, #tpu.memory_space<vmem>>[vector<16xi32>, vector<16xi32>], vector<16xi32>,
        %bitcast3A_331 = vector.bitcast %gather3A_330 : vector<16xi32> to vector<32xbf16>
        %mul3A_332 = arith.mulf %bitcast3A, %bitcast3A_329 : vector<32xbf16>
        %mul3A_333 = arith.mulf %mul3A_332, %bitcast3A_331 : vector<32xbf16>
        %unpack3A = tpu.unpack_subelements %mul3A_333, 0 {pack_format = #tpu.pack_format<interleaved>} : vector<32xbf16> -> vector<16xf32>
        %unpack3A_334 = tpu.unpack_subelements %mul3A_333, 1 {pack_format = #tpu.pack_format<interleaved>} : vector<32xbf16> -> vector<16xf32>
        %add3A_335 = arith.addf %scan3A_323, %unpack3A : vector<16xf32>
        %add3A_336 = arith.addf %add3A_335, %unpack3A_334 : vector<16xf32>
        %scan3A_337 = arith.constant 1 : i32
        %scan3A_338 = arith.addi %scan3A_322, %scan3A_337 : i32
        %add3A_339 = vector.broadcast %scan3A_338 : i32 to vector<16xi32>
        %add3A_340 = arith.addi %iota3A, %add3A_339 : vector<16xi32>
        %and3A_341 = arith.constant 63 : i32
        %and3A_342 = vector.broadcast %and3A_341 : i32 to vector<16xi32>
        %and3A_343 = arith.andi %add3A_340, %and3A_342 : vector<16xi32>
        %gather3A_344 = tpu.vector_load_idx %arg9[%add3A_168, %and3A_343] : memref<80x64xi32, #tpu.memory_space<vmem>>[vector<16xi32>, vector<16xi32>], vector<16xi32>,
        %bitcast3A_345 = vector.bitcast %gather3A_344 : vector<16xi32> to vector<32xbf16>
        %gather3A_346 = tpu.vector_load_idx %arg10[%add3A_168, %and3A_343] : memref<80x64xi32, #tpu.memory_space<vmem>>[vector<16xi32>, vector<16xi32>], vector<16xi32>,
        %bitcast3A_347 = vector.bitcast %gather3A_346 : vector<16xi32> to vector<32xbf16>
        %gather3A_348 = tpu.vector_load_idx %arg11[%add3A_168, %and3A_343] : memref<80x64xi32, #tpu.memory_space<vmem>>[vector<16xi32>, vector<16xi32>], vector<16xi32>,
        %bitcast3A_349 = vector.bitcast %gather3A_348 : vector<16xi32> to vector<32xbf16>
        %mul3A_350 = arith.mulf %bitcast3A_345, %bitcast3A_347 : vector<32xbf16>
        %mul3A_351 = arith.mulf %mul3A_350, %bitcast3A_349 : vector<32xbf16>
        %unpack3A_352 = tpu.unpack_subelements %mul3A_351, 0 {pack_format = #tpu.pack_format<interleaved>} : vector<32xbf16> -> vector<16xf32>
        %unpack3A_353 = tpu.unpack_subelements %mul3A_351, 1 {pack_format = #tpu.pack_format<interleaved>} : vector<32xbf16> -> vector<16xf32>
        %add3A_354 = arith.addf %add3A_336, %unpack3A_352 : vector<16xf32>
        %add3A_355 = arith.addf %add3A_354, %unpack3A_353 : vector<16xf32>
        %scan3A_356 = arith.constant 2 : i32
        %scan3A_357 = arith.addi %scan3A_322, %scan3A_356 : i32
        %add3A_358 = vector.broadcast %scan3A_357 : i32 to vector<16xi32>
        %add3A_359 = arith.addi %iota3A, %add3A_358 : vector<16xi32>
        %and3A_360 = arith.constant 63 : i32
        %and3A_361 = vector.broadcast %and3A_360 : i32 to vector<16xi32>
        %and3A_362 = arith.andi %add3A_359, %and3A_361 : vector<16xi32>
        %gather3A_363 = tpu.vector_load_idx %arg9[%add3A_168, %and3A_362] : memref<80x64xi32, #tpu.memory_space<vmem>>[vector<16xi32>, vector<16xi32>], vector<16xi32>,
        %bitcast3A_364 = vector.bitcast %gather3A_363 : vector<16xi32> to vector<32xbf16>
        %gather3A_365 = tpu.vector_load_idx %arg10[%add3A_168, %and3A_362] : memref<80x64xi32, #tpu.memory_space<vmem>>[vector<16xi32>, vector<16xi32>], vector<16xi32>,
        %bitcast3A_366 = vector.bitcast %gather3A_365 : vector<16xi32> to vector<32xbf16>
        %gather3A_367 = tpu.vector_load_idx %arg11[%add3A_168, %and3A_362] : memref<80x64xi32, #tpu.memory_space<vmem>>[vector<16xi32>, vector<16xi32>], vector<16xi32>,
        %bitcast3A_368 = vector.bitcast %gather3A_367 : vector<16xi32> to vector<32xbf16>
        %mul3A_369 = arith.mulf %bitcast3A_364, %bitcast3A_366 : vector<32xbf16>
        %mul3A_370 = arith.mulf %mul3A_369, %bitcast3A_368 : vector<32xbf16>
        %unpack3A_371 = tpu.unpack_subelements %mul3A_370, 0 {pack_format = #tpu.pack_format<interleaved>} : vector<32xbf16> -> vector<16xf32>
        %unpack3A_372 = tpu.unpack_subelements %mul3A_370, 1 {pack_format = #tpu.pack_format<interleaved>} : vector<32xbf16> -> vector<16xf32>
        %add3A_373 = arith.addf %add3A_355, %unpack3A_371 : vector<16xf32>
        %add3A_374 = arith.addf %add3A_373, %unpack3A_372 : vector<16xf32>
        %scan3A_375 = arith.constant 3 : i32
        %scan3A_376 = arith.addi %scan3A_322, %scan3A_375 : i32
        %add3A_377 = vector.broadcast %scan3A_376 : i32 to vector<16xi32>
        %add3A_378 = arith.addi %iota3A, %add3A_377 : vector<16xi32>
        %and3A_379 = arith.constant 63 : i32
        %and3A_380 = vector.broadcast %and3A_379 : i32 to vector<16xi32>
        %and3A_381 = arith.andi %add3A_378, %and3A_380 : vector<16xi32>
        %gather3A_382 = tpu.vector_load_idx %arg9[%add3A_168, %and3A_381] : memref<80x64xi32, #tpu.memory_space<vmem>>[vector<16xi32>, vector<16xi32>], vector<16xi32>,
        %bitcast3A_383 = vector.bitcast %gather3A_382 : vector<16xi32> to vector<32xbf16>
        %gather3A_384 = tpu.vector_load_idx %arg10[%add3A_168, %and3A_381] : memref<80x64xi32, #tpu.memory_space<vmem>>[vector<16xi32>, vector<16xi32>], vector<16xi32>,
        %bitcast3A_385 = vector.bitcast %gather3A_384 : vector<16xi32> to vector<32xbf16>
        %gather3A_386 = tpu.vector_load_idx %arg11[%add3A_168, %and3A_381] : memref<80x64xi32, #tpu.memory_space<vmem>>[vector<16xi32>, vector<16xi32>], vector<16xi32>,
        %bitcast3A_387 = vector.bitcast %gather3A_386 : vector<16xi32> to vector<32xbf16>
        %mul3A_388 = arith.mulf %bitcast3A_383, %bitcast3A_385 : vector<32xbf16>
        %mul3A_389 = arith.mulf %mul3A_388, %bitcast3A_387 : vector<32xbf16>
        %unpack3A_390 = tpu.unpack_subelements %mul3A_389, 0 {pack_format = #tpu.pack_format<interleaved>} : vector<32xbf16> -> vector<16xf32>
        %unpack3A_391 = tpu.unpack_subelements %mul3A_389, 1 {pack_format = #tpu.pack_format<interleaved>} : vector<32xbf16> -> vector<16xf32>
        %add3A_392 = arith.addf %add3A_374, %unpack3A_390 : vector<16xf32>
        %add3A_393 = arith.addf %add3A_392, %unpack3A_391 : vector<16xf32>
        %scan3A_394 = arith.constant 4 : i32
        %scan3A_395 = arith.addi %scan3A_322, %scan3A_394 : i32
        %add3A_396 = vector.broadcast %scan3A_395 : i32 to vector<16xi32>
        %add3A_397 = arith.addi %iota3A, %add3A_396 : vector<16xi32>
        %and3A_398 = arith.constant 63 : i32
        %and3A_399 = vector.broadcast %and3A_398 : i32 to vector<16xi32>
        %and3A_400 = arith.andi %add3A_397, %and3A_399 : vector<16xi32>
        %gather3A_401 = tpu.vector_load_idx %arg9[%add3A_168, %and3A_400] : memref<80x64xi32, #tpu.memory_space<vmem>>[vector<16xi32>, vector<16xi32>], vector<16xi32>,
        %bitcast3A_402 = vector.bitcast %gather3A_401 : vector<16xi32> to vector<32xbf16>
        %gather3A_403 = tpu.vector_load_idx %arg10[%add3A_168, %and3A_400] : memref<80x64xi32, #tpu.memory_space<vmem>>[vector<16xi32>, vector<16xi32>], vector<16xi32>,
        %bitcast3A_404 = vector.bitcast %gather3A_403 : vector<16xi32> to vector<32xbf16>
        %gather3A_405 = tpu.vector_load_idx %arg11[%add3A_168, %and3A_400] : memref<80x64xi32, #tpu.memory_space<vmem>>[vector<16xi32>, vector<16xi32>], vector<16xi32>,
        %bitcast3A_406 = vector.bitcast %gather3A_405 : vector<16xi32> to vector<32xbf16>
        %mul3A_407 = arith.mulf %bitcast3A_402, %bitcast3A_404 : vector<32xbf16>
        %mul3A_408 = arith.mulf %mul3A_407, %bitcast3A_406 : vector<32xbf16>
        %unpack3A_409 = tpu.unpack_subelements %mul3A_408, 0 {pack_format = #tpu.pack_format<interleaved>} : vector<32xbf16> -> vector<16xf32>
        %unpack3A_410 = tpu.unpack_subelements %mul3A_408, 1 {pack_format = #tpu.pack_format<interleaved>} : vector<32xbf16> -> vector<16xf32>
        %add3A_411 = arith.addf %add3A_393, %unpack3A_409 : vector<16xf32>
        %add3A_412 = arith.addf %add3A_411, %unpack3A_410 : vector<16xf32>
        %scan3A_413 = arith.constant 5 : i32
        %scan3A_414 = arith.addi %scan3A_322, %scan3A_413 : i32
        %add3A_415 = vector.broadcast %scan3A_414 : i32 to vector<16xi32>
        %add3A_416 = arith.addi %iota3A, %add3A_415 : vector<16xi32>
        %and3A_417 = arith.constant 63 : i32
        %and3A_418 = vector.broadcast %and3A_417 : i32 to vector<16xi32>
        %and3A_419 = arith.andi %add3A_416, %and3A_418 : vector<16xi32>
        %gather3A_420 = tpu.vector_load_idx %arg9[%add3A_168, %and3A_419] : memref<80x64xi32, #tpu.memory_space<vmem>>[vector<16xi32>, vector<16xi32>], vector<16xi32>,
        %bitcast3A_421 = vector.bitcast %gather3A_420 : vector<16xi32> to vector<32xbf16>
        %gather3A_422 = tpu.vector_load_idx %arg10[%add3A_168, %and3A_419] : memref<80x64xi32, #tpu.memory_space<vmem>>[vector<16xi32>, vector<16xi32>], vector<16xi32>,
        %bitcast3A_423 = vector.bitcast %gather3A_422 : vector<16xi32> to vector<32xbf16>
        %gather3A_424 = tpu.vector_load_idx %arg11[%add3A_168, %and3A_419] : memref<80x64xi32, #tpu.memory_space<vmem>>[vector<16xi32>, vector<16xi32>], vector<16xi32>,
        %bitcast3A_425 = vector.bitcast %gather3A_424 : vector<16xi32> to vector<32xbf16>
        %mul3A_426 = arith.mulf %bitcast3A_421, %bitcast3A_423 : vector<32xbf16>
        %mul3A_427 = arith.mulf %mul3A_426, %bitcast3A_425 : vector<32xbf16>
        %unpack3A_428 = tpu.unpack_subelements %mul3A_427, 0 {pack_format = #tpu.pack_format<interleaved>} : vector<32xbf16> -> vector<16xf32>
        %unpack3A_429 = tpu.unpack_subelements %mul3A_427, 1 {pack_format = #tpu.pack_format<interleaved>} : vector<32xbf16> -> vector<16xf32>
        %add3A_430 = arith.addf %add3A_412, %unpack3A_428 : vector<16xf32>
        %add3A_431 = arith.addf %add3A_430, %unpack3A_429 : vector<16xf32>
        %scan3A_432 = arith.constant 6 : i32
        %scan3A_433 = arith.addi %scan3A_322, %scan3A_432 : i32
        %add3A_434 = vector.broadcast %scan3A_433 : i32 to vector<16xi32>
        %add3A_435 = arith.addi %iota3A, %add3A_434 : vector<16xi32>
        %and3A_436 = arith.constant 63 : i32
        %and3A_437 = vector.broadcast %and3A_436 : i32 to vector<16xi32>
        %and3A_438 = arith.andi %add3A_435, %and3A_437 : vector<16xi32>
        %gather3A_439 = tpu.vector_load_idx %arg9[%add3A_168, %and3A_438] : memref<80x64xi32, #tpu.memory_space<vmem>>[vector<16xi32>, vector<16xi32>], vector<16xi32>,
        %bitcast3A_440 = vector.bitcast %gather3A_439 : vector<16xi32> to vector<32xbf16>
        %gather3A_441 = tpu.vector_load_idx %arg10[%add3A_168, %and3A_438] : memref<80x64xi32, #tpu.memory_space<vmem>>[vector<16xi32>, vector<16xi32>], vector<16xi32>,
        %bitcast3A_442 = vector.bitcast %gather3A_441 : vector<16xi32> to vector<32xbf16>
        %gather3A_443 = tpu.vector_load_idx %arg11[%add3A_168, %and3A_438] : memref<80x64xi32, #tpu.memory_space<vmem>>[vector<16xi32>, vector<16xi32>], vector<16xi32>,
        %bitcast3A_444 = vector.bitcast %gather3A_443 : vector<16xi32> to vector<32xbf16>
        %mul3A_445 = arith.mulf %bitcast3A_440, %bitcast3A_442 : vector<32xbf16>
        %mul3A_446 = arith.mulf %mul3A_445, %bitcast3A_444 : vector<32xbf16>
        %unpack3A_447 = tpu.unpack_subelements %mul3A_446, 0 {pack_format = #tpu.pack_format<interleaved>} : vector<32xbf16> -> vector<16xf32>
        %unpack3A_448 = tpu.unpack_subelements %mul3A_446, 1 {pack_format = #tpu.pack_format<interleaved>} : vector<32xbf16> -> vector<16xf32>
        %add3A_449 = arith.addf %add3A_431, %unpack3A_447 : vector<16xf32>
        %add3A_450 = arith.addf %add3A_449, %unpack3A_448 : vector<16xf32>
        %scan3A_451 = arith.constant 7 : i32
        %scan3A_452 = arith.addi %scan3A_322, %scan3A_451 : i32
        %add3A_453 = vector.broadcast %scan3A_452 : i32 to vector<16xi32>
        %add3A_454 = arith.addi %iota3A, %add3A_453 : vector<16xi32>
        %and3A_455 = arith.constant 63 : i32
        %and3A_456 = vector.broadcast %and3A_455 : i32 to vector<16xi32>
        %and3A_457 = arith.andi %add3A_454, %and3A_456 : vector<16xi32>
        %gather3A_458 = tpu.vector_load_idx %arg9[%add3A_168, %and3A_457] : memref<80x64xi32, #tpu.memory_space<vmem>>[vector<16xi32>, vector<16xi32>], vector<16xi32>,
        %bitcast3A_459 = vector.bitcast %gather3A_458 : vector<16xi32> to vector<32xbf16>
        %gather3A_460 = tpu.vector_load_idx %arg10[%add3A_168, %and3A_457] : memref<80x64xi32, #tpu.memory_space<vmem>>[vector<16xi32>, vector<16xi32>], vector<16xi32>,
        %bitcast3A_461 = vector.bitcast %gather3A_460 : vector<16xi32> to vector<32xbf16>
        %gather3A_462 = tpu.vector_load_idx %arg11[%add3A_168, %and3A_457] : memref<80x64xi32, #tpu.memory_space<vmem>>[vector<16xi32>, vector<16xi32>], vector<16xi32>,
        %bitcast3A_463 = vector.bitcast %gather3A_462 : vector<16xi32> to vector<32xbf16>
        %mul3A_464 = arith.mulf %bitcast3A_459, %bitcast3A_461 : vector<32xbf16>
        %mul3A_465 = arith.mulf %mul3A_464, %bitcast3A_463 : vector<32xbf16>
        %unpack3A_466 = tpu.unpack_subelements %mul3A_465, 0 {pack_format = #tpu.pack_format<interleaved>} : vector<32xbf16> -> vector<16xf32>
        %unpack3A_467 = tpu.unpack_subelements %mul3A_465, 1 {pack_format = #tpu.pack_format<interleaved>} : vector<32xbf16> -> vector<16xf32>
        %add3A_468 = arith.addf %add3A_450, %unpack3A_466 : vector<16xf32>
        %add3A_469 = arith.addf %add3A_468, %unpack3A_467 : vector<16xf32>
        scf.yield %add3A_469 : vector<16xf32>
      }
      %scan3A_176 = arith.constant 64 : i32
      %add3A_177 = arith.constant 32 : i32
      %add3A_178 = arith.addi %mul3A_135, %add3A_177 : i32
      %swap3A_179 = arith.index_cast %add3A_178 : i32 to index
      %swap3A_180 = tpu.vector_load %arg15[%swap3A_179] {strides = array<i32>} : memref<10000xf32, #tpu.memory_space<vmem>>, vector<16xf32>,
      tpu.vector_store %arg15[%swap3A_179], %scan3A_175 {strides = array<i32>} : memref<10000xf32, #tpu.memory_space<vmem>>, vector<16xf32>,
      %add3A_181 = arith.constant 48 : i32
      %add3A_182 = vector.broadcast %add3A_181 : i32 to vector<16xi32>
      %add3A_183 = arith.addi %add3A_182, %iota3A : vector<16xi32>
      %broadcast_in_dim3A_184 = arith.constant 0.000000e+00 : f32
      %broadcast_in_dim3A_185 = vector.broadcast %broadcast_in_dim3A_184 : f32 to vector<16xf32>
      %scan3A_186 = arith.constant 0 : i32
      %scan3A_187 = arith.constant 64 : i32
      %scan3A_188 = arith.addi %scan3A_186, %scan3A_187 : i32
      %scan3A_189 = arith.constant 8 : i32
      %scan3A_190 = scf.for %scan3A_322 = %scan3A_186 to %scan3A_188 step %scan3A_189 iter_args(%scan3A_323 = %broadcast_in_dim3A_185) -> (vector<16xf32>)  : i32 {
        %add3A_324 = vector.broadcast %scan3A_322 : i32 to vector<16xi32>
        %add3A_325 = arith.addi %iota3A, %add3A_324 : vector<16xi32>
        %and3A = arith.constant 63 : i32
        %and3A_326 = vector.broadcast %and3A : i32 to vector<16xi32>
        %and3A_327 = arith.andi %add3A_325, %and3A_326 : vector<16xi32>
        %gather3A = tpu.vector_load_idx %arg9[%add3A_183, %and3A_327] : memref<80x64xi32, #tpu.memory_space<vmem>>[vector<16xi32>, vector<16xi32>], vector<16xi32>,
        %bitcast3A = vector.bitcast %gather3A : vector<16xi32> to vector<32xbf16>
        %gather3A_328 = tpu.vector_load_idx %arg10[%add3A_183, %and3A_327] : memref<80x64xi32, #tpu.memory_space<vmem>>[vector<16xi32>, vector<16xi32>], vector<16xi32>,
        %bitcast3A_329 = vector.bitcast %gather3A_328 : vector<16xi32> to vector<32xbf16>
        %gather3A_330 = tpu.vector_load_idx %arg11[%add3A_183, %and3A_327] : memref<80x64xi32, #tpu.memory_space<vmem>>[vector<16xi32>, vector<16xi32>], vector<16xi32>,
        %bitcast3A_331 = vector.bitcast %gather3A_330 : vector<16xi32> to vector<32xbf16>
        %mul3A_332 = arith.mulf %bitcast3A, %bitcast3A_329 : vector<32xbf16>
        %mul3A_333 = arith.mulf %mul3A_332, %bitcast3A_331 : vector<32xbf16>
        %unpack3A = tpu.unpack_subelements %mul3A_333, 0 {pack_format = #tpu.pack_format<interleaved>} : vector<32xbf16> -> vector<16xf32>
        %unpack3A_334 = tpu.unpack_subelements %mul3A_333, 1 {pack_format = #tpu.pack_format<interleaved>} : vector<32xbf16> -> vector<16xf32>
        %add3A_335 = arith.addf %scan3A_323, %unpack3A : vector<16xf32>
        %add3A_336 = arith.addf %add3A_335, %unpack3A_334 : vector<16xf32>
        %scan3A_337 = arith.constant 1 : i32
        %scan3A_338 = arith.addi %scan3A_322, %scan3A_337 : i32
        %add3A_339 = vector.broadcast %scan3A_338 : i32 to vector<16xi32>
        %add3A_340 = arith.addi %iota3A, %add3A_339 : vector<16xi32>
        %and3A_341 = arith.constant 63 : i32
        %and3A_342 = vector.broadcast %and3A_341 : i32 to vector<16xi32>
        %and3A_343 = arith.andi %add3A_340, %and3A_342 : vector<16xi32>
        %gather3A_344 = tpu.vector_load_idx %arg9[%add3A_183, %and3A_343] : memref<80x64xi32, #tpu.memory_space<vmem>>[vector<16xi32>, vector<16xi32>], vector<16xi32>,
        %bitcast3A_345 = vector.bitcast %gather3A_344 : vector<16xi32> to vector<32xbf16>
        %gather3A_346 = tpu.vector_load_idx %arg10[%add3A_183, %and3A_343] : memref<80x64xi32, #tpu.memory_space<vmem>>[vector<16xi32>, vector<16xi32>], vector<16xi32>,
        %bitcast3A_347 = vector.bitcast %gather3A_346 : vector<16xi32> to vector<32xbf16>
        %gather3A_348 = tpu.vector_load_idx %arg11[%add3A_183, %and3A_343] : memref<80x64xi32, #tpu.memory_space<vmem>>[vector<16xi32>, vector<16xi32>], vector<16xi32>,
        %bitcast3A_349 = vector.bitcast %gather3A_348 : vector<16xi32> to vector<32xbf16>
        %mul3A_350 = arith.mulf %bitcast3A_345, %bitcast3A_347 : vector<32xbf16>
        %mul3A_351 = arith.mulf %mul3A_350, %bitcast3A_349 : vector<32xbf16>
        %unpack3A_352 = tpu.unpack_subelements %mul3A_351, 0 {pack_format = #tpu.pack_format<interleaved>} : vector<32xbf16> -> vector<16xf32>
        %unpack3A_353 = tpu.unpack_subelements %mul3A_351, 1 {pack_format = #tpu.pack_format<interleaved>} : vector<32xbf16> -> vector<16xf32>
        %add3A_354 = arith.addf %add3A_336, %unpack3A_352 : vector<16xf32>
        %add3A_355 = arith.addf %add3A_354, %unpack3A_353 : vector<16xf32>
        %scan3A_356 = arith.constant 2 : i32
        %scan3A_357 = arith.addi %scan3A_322, %scan3A_356 : i32
        %add3A_358 = vector.broadcast %scan3A_357 : i32 to vector<16xi32>
        %add3A_359 = arith.addi %iota3A, %add3A_358 : vector<16xi32>
        %and3A_360 = arith.constant 63 : i32
        %and3A_361 = vector.broadcast %and3A_360 : i32 to vector<16xi32>
        %and3A_362 = arith.andi %add3A_359, %and3A_361 : vector<16xi32>
        %gather3A_363 = tpu.vector_load_idx %arg9[%add3A_183, %and3A_362] : memref<80x64xi32, #tpu.memory_space<vmem>>[vector<16xi32>, vector<16xi32>], vector<16xi32>,
        %bitcast3A_364 = vector.bitcast %gather3A_363 : vector<16xi32> to vector<32xbf16>
        %gather3A_365 = tpu.vector_load_idx %arg10[%add3A_183, %and3A_362] : memref<80x64xi32, #tpu.memory_space<vmem>>[vector<16xi32>, vector<16xi32>], vector<16xi32>,
        %bitcast3A_366 = vector.bitcast %gather3A_365 : vector<16xi32> to vector<32xbf16>
        %gather3A_367 = tpu.vector_load_idx %arg11[%add3A_183, %and3A_362] : memref<80x64xi32, #tpu.memory_space<vmem>>[vector<16xi32>, vector<16xi32>], vector<16xi32>,
        %bitcast3A_368 = vector.bitcast %gather3A_367 : vector<16xi32> to vector<32xbf16>
        %mul3A_369 = arith.mulf %bitcast3A_364, %bitcast3A_366 : vector<32xbf16>
        %mul3A_370 = arith.mulf %mul3A_369, %bitcast3A_368 : vector<32xbf16>
        %unpack3A_371 = tpu.unpack_subelements %mul3A_370, 0 {pack_format = #tpu.pack_format<interleaved>} : vector<32xbf16> -> vector<16xf32>
        %unpack3A_372 = tpu.unpack_subelements %mul3A_370, 1 {pack_format = #tpu.pack_format<interleaved>} : vector<32xbf16> -> vector<16xf32>
        %add3A_373 = arith.addf %add3A_355, %unpack3A_371 : vector<16xf32>
        %add3A_374 = arith.addf %add3A_373, %unpack3A_372 : vector<16xf32>
        %scan3A_375 = arith.constant 3 : i32
        %scan3A_376 = arith.addi %scan3A_322, %scan3A_375 : i32
        %add3A_377 = vector.broadcast %scan3A_376 : i32 to vector<16xi32>
        %add3A_378 = arith.addi %iota3A, %add3A_377 : vector<16xi32>
        %and3A_379 = arith.constant 63 : i32
        %and3A_380 = vector.broadcast %and3A_379 : i32 to vector<16xi32>
        %and3A_381 = arith.andi %add3A_378, %and3A_380 : vector<16xi32>
        %gather3A_382 = tpu.vector_load_idx %arg9[%add3A_183, %and3A_381] : memref<80x64xi32, #tpu.memory_space<vmem>>[vector<16xi32>, vector<16xi32>], vector<16xi32>,
        %bitcast3A_383 = vector.bitcast %gather3A_382 : vector<16xi32> to vector<32xbf16>
        %gather3A_384 = tpu.vector_load_idx %arg10[%add3A_183, %and3A_381] : memref<80x64xi32, #tpu.memory_space<vmem>>[vector<16xi32>, vector<16xi32>], vector<16xi32>,
        %bitcast3A_385 = vector.bitcast %gather3A_384 : vector<16xi32> to vector<32xbf16>
        %gather3A_386 = tpu.vector_load_idx %arg11[%add3A_183, %and3A_381] : memref<80x64xi32, #tpu.memory_space<vmem>>[vector<16xi32>, vector<16xi32>], vector<16xi32>,
        %bitcast3A_387 = vector.bitcast %gather3A_386 : vector<16xi32> to vector<32xbf16>
        %mul3A_388 = arith.mulf %bitcast3A_383, %bitcast3A_385 : vector<32xbf16>
        %mul3A_389 = arith.mulf %mul3A_388, %bitcast3A_387 : vector<32xbf16>
        %unpack3A_390 = tpu.unpack_subelements %mul3A_389, 0 {pack_format = #tpu.pack_format<interleaved>} : vector<32xbf16> -> vector<16xf32>
        %unpack3A_391 = tpu.unpack_subelements %mul3A_389, 1 {pack_format = #tpu.pack_format<interleaved>} : vector<32xbf16> -> vector<16xf32>
        %add3A_392 = arith.addf %add3A_374, %unpack3A_390 : vector<16xf32>
        %add3A_393 = arith.addf %add3A_392, %unpack3A_391 : vector<16xf32>
        %scan3A_394 = arith.constant 4 : i32
        %scan3A_395 = arith.addi %scan3A_322, %scan3A_394 : i32
        %add3A_396 = vector.broadcast %scan3A_395 : i32 to vector<16xi32>
        %add3A_397 = arith.addi %iota3A, %add3A_396 : vector<16xi32>
        %and3A_398 = arith.constant 63 : i32
        %and3A_399 = vector.broadcast %and3A_398 : i32 to vector<16xi32>
        %and3A_400 = arith.andi %add3A_397, %and3A_399 : vector<16xi32>
        %gather3A_401 = tpu.vector_load_idx %arg9[%add3A_183, %and3A_400] : memref<80x64xi32, #tpu.memory_space<vmem>>[vector<16xi32>, vector<16xi32>], vector<16xi32>,
        %bitcast3A_402 = vector.bitcast %gather3A_401 : vector<16xi32> to vector<32xbf16>
        %gather3A_403 = tpu.vector_load_idx %arg10[%add3A_183, %and3A_400] : memref<80x64xi32, #tpu.memory_space<vmem>>[vector<16xi32>, vector<16xi32>], vector<16xi32>,
        %bitcast3A_404 = vector.bitcast %gather3A_403 : vector<16xi32> to vector<32xbf16>
        %gather3A_405 = tpu.vector_load_idx %arg11[%add3A_183, %and3A_400] : memref<80x64xi32, #tpu.memory_space<vmem>>[vector<16xi32>, vector<16xi32>], vector<16xi32>,
        %bitcast3A_406 = vector.bitcast %gather3A_405 : vector<16xi32> to vector<32xbf16>
        %mul3A_407 = arith.mulf %bitcast3A_402, %bitcast3A_404 : vector<32xbf16>
        %mul3A_408 = arith.mulf %mul3A_407, %bitcast3A_406 : vector<32xbf16>
        %unpack3A_409 = tpu.unpack_subelements %mul3A_408, 0 {pack_format = #tpu.pack_format<interleaved>} : vector<32xbf16> -> vector<16xf32>
        %unpack3A_410 = tpu.unpack_subelements %mul3A_408, 1 {pack_format = #tpu.pack_format<interleaved>} : vector<32xbf16> -> vector<16xf32>
        %add3A_411 = arith.addf %add3A_393, %unpack3A_409 : vector<16xf32>
        %add3A_412 = arith.addf %add3A_411, %unpack3A_410 : vector<16xf32>
        %scan3A_413 = arith.constant 5 : i32
        %scan3A_414 = arith.addi %scan3A_322, %scan3A_413 : i32
        %add3A_415 = vector.broadcast %scan3A_414 : i32 to vector<16xi32>
        %add3A_416 = arith.addi %iota3A, %add3A_415 : vector<16xi32>
        %and3A_417 = arith.constant 63 : i32
        %and3A_418 = vector.broadcast %and3A_417 : i32 to vector<16xi32>
        %and3A_419 = arith.andi %add3A_416, %and3A_418 : vector<16xi32>
        %gather3A_420 = tpu.vector_load_idx %arg9[%add3A_183, %and3A_419] : memref<80x64xi32, #tpu.memory_space<vmem>>[vector<16xi32>, vector<16xi32>], vector<16xi32>,
        %bitcast3A_421 = vector.bitcast %gather3A_420 : vector<16xi32> to vector<32xbf16>
        %gather3A_422 = tpu.vector_load_idx %arg10[%add3A_183, %and3A_419] : memref<80x64xi32, #tpu.memory_space<vmem>>[vector<16xi32>, vector<16xi32>], vector<16xi32>,
        %bitcast3A_423 = vector.bitcast %gather3A_422 : vector<16xi32> to vector<32xbf16>
        %gather3A_424 = tpu.vector_load_idx %arg11[%add3A_183, %and3A_419] : memref<80x64xi32, #tpu.memory_space<vmem>>[vector<16xi32>, vector<16xi32>], vector<16xi32>,
        %bitcast3A_425 = vector.bitcast %gather3A_424 : vector<16xi32> to vector<32xbf16>
        %mul3A_426 = arith.mulf %bitcast3A_421, %bitcast3A_423 : vector<32xbf16>
        %mul3A_427 = arith.mulf %mul3A_426, %bitcast3A_425 : vector<32xbf16>
        %unpack3A_428 = tpu.unpack_subelements %mul3A_427, 0 {pack_format = #tpu.pack_format<interleaved>} : vector<32xbf16> -> vector<16xf32>
        %unpack3A_429 = tpu.unpack_subelements %mul3A_427, 1 {pack_format = #tpu.pack_format<interleaved>} : vector<32xbf16> -> vector<16xf32>
        %add3A_430 = arith.addf %add3A_412, %unpack3A_428 : vector<16xf32>
        %add3A_431 = arith.addf %add3A_430, %unpack3A_429 : vector<16xf32>
        %scan3A_432 = arith.constant 6 : i32
        %scan3A_433 = arith.addi %scan3A_322, %scan3A_432 : i32
        %add3A_434 = vector.broadcast %scan3A_433 : i32 to vector<16xi32>
        %add3A_435 = arith.addi %iota3A, %add3A_434 : vector<16xi32>
        %and3A_436 = arith.constant 63 : i32
        %and3A_437 = vector.broadcast %and3A_436 : i32 to vector<16xi32>
        %and3A_438 = arith.andi %add3A_435, %and3A_437 : vector<16xi32>
        %gather3A_439 = tpu.vector_load_idx %arg9[%add3A_183, %and3A_438] : memref<80x64xi32, #tpu.memory_space<vmem>>[vector<16xi32>, vector<16xi32>], vector<16xi32>,
        %bitcast3A_440 = vector.bitcast %gather3A_439 : vector<16xi32> to vector<32xbf16>
        %gather3A_441 = tpu.vector_load_idx %arg10[%add3A_183, %and3A_438] : memref<80x64xi32, #tpu.memory_space<vmem>>[vector<16xi32>, vector<16xi32>], vector<16xi32>,
        %bitcast3A_442 = vector.bitcast %gather3A_441 : vector<16xi32> to vector<32xbf16>
        %gather3A_443 = tpu.vector_load_idx %arg11[%add3A_183, %and3A_438] : memref<80x64xi32, #tpu.memory_space<vmem>>[vector<16xi32>, vector<16xi32>], vector<16xi32>,
        %bitcast3A_444 = vector.bitcast %gather3A_443 : vector<16xi32> to vector<32xbf16>
        %mul3A_445 = arith.mulf %bitcast3A_440, %bitcast3A_442 : vector<32xbf16>
        %mul3A_446 = arith.mulf %mul3A_445, %bitcast3A_444 : vector<32xbf16>
        %unpack3A_447 = tpu.unpack_subelements %mul3A_446, 0 {pack_format = #tpu.pack_format<interleaved>} : vector<32xbf16> -> vector<16xf32>
        %unpack3A_448 = tpu.unpack_subelements %mul3A_446, 1 {pack_format = #tpu.pack_format<interleaved>} : vector<32xbf16> -> vector<16xf32>
        %add3A_449 = arith.addf %add3A_431, %unpack3A_447 : vector<16xf32>
        %add3A_450 = arith.addf %add3A_449, %unpack3A_448 : vector<16xf32>
        %scan3A_451 = arith.constant 7 : i32
        %scan3A_452 = arith.addi %scan3A_322, %scan3A_451 : i32
        %add3A_453 = vector.broadcast %scan3A_452 : i32 to vector<16xi32>
        %add3A_454 = arith.addi %iota3A, %add3A_453 : vector<16xi32>
        %and3A_455 = arith.constant 63 : i32
        %and3A_456 = vector.broadcast %and3A_455 : i32 to vector<16xi32>
        %and3A_457 = arith.andi %add3A_454, %and3A_456 : vector<16xi32>
        %gather3A_458 = tpu.vector_load_idx %arg9[%add3A_183, %and3A_457] : memref<80x64xi32, #tpu.memory_space<vmem>>[vector<16xi32>, vector<16xi32>], vector<16xi32>,
        %bitcast3A_459 = vector.bitcast %gather3A_458 : vector<16xi32> to vector<32xbf16>
        %gather3A_460 = tpu.vector_load_idx %arg10[%add3A_183, %and3A_457] : memref<80x64xi32, #tpu.memory_space<vmem>>[vector<16xi32>, vector<16xi32>], vector<16xi32>,
        %bitcast3A_461 = vector.bitcast %gather3A_460 : vector<16xi32> to vector<32xbf16>
        %gather3A_462 = tpu.vector_load_idx %arg11[%add3A_183, %and3A_457] : memref<80x64xi32, #tpu.memory_space<vmem>>[vector<16xi32>, vector<16xi32>], vector<16xi32>,
        %bitcast3A_463 = vector.bitcast %gather3A_462 : vector<16xi32> to vector<32xbf16>
        %mul3A_464 = arith.mulf %bitcast3A_459, %bitcast3A_461 : vector<32xbf16>
        %mul3A_465 = arith.mulf %mul3A_464, %bitcast3A_463 : vector<32xbf16>
        %unpack3A_466 = tpu.unpack_subelements %mul3A_465, 0 {pack_format = #tpu.pack_format<interleaved>} : vector<32xbf16> -> vector<16xf32>
        %unpack3A_467 = tpu.unpack_subelements %mul3A_465, 1 {pack_format = #tpu.pack_format<interleaved>} : vector<32xbf16> -> vector<16xf32>
        %add3A_468 = arith.addf %add3A_450, %unpack3A_466 : vector<16xf32>
        %add3A_469 = arith.addf %add3A_468, %unpack3A_467 : vector<16xf32>
        scf.yield %add3A_469 : vector<16xf32>
      }
      %scan3A_191 = arith.constant 64 : i32
      %add3A_192 = arith.constant 48 : i32
      %add3A_193 = arith.addi %mul3A_135, %add3A_192 : i32
      %swap3A_194 = arith.index_cast %add3A_193 : i32 to index
      %swap3A_195 = tpu.vector_load %arg15[%swap3A_194] {strides = array<i32>} : memref<10000xf32, #tpu.memory_space<vmem>>, vector<16xf32>,
      tpu.vector_store %arg15[%swap3A_194], %scan3A_190 {strides = array<i32>} : memref<10000xf32, #tpu.memory_space<vmem>>, vector<16xf32>,
      %add3A_196 = arith.constant 64 : i32
      %add3A_197 = vector.broadcast %add3A_196 : i32 to vector<16xi32>
      %add3A_198 = arith.addi %add3A_197, %iota3A : vector<16xi32>
      %broadcast_in_dim3A_199 = arith.constant 0.000000e+00 : f32
      %broadcast_in_dim3A_200 = vector.broadcast %broadcast_in_dim3A_199 : f32 to vector<16xf32>
      %scan3A_201 = arith.constant 0 : i32
      %scan3A_202 = arith.constant 64 : i32
      %scan3A_203 = arith.addi %scan3A_201, %scan3A_202 : i32
      %scan3A_204 = arith.constant 8 : i32
      %scan3A_205 = scf.for %scan3A_322 = %scan3A_201 to %scan3A_203 step %scan3A_204 iter_args(%scan3A_323 = %broadcast_in_dim3A_200) -> (vector<16xf32>)  : i32 {
        %add3A_324 = vector.broadcast %scan3A_322 : i32 to vector<16xi32>
        %add3A_325 = arith.addi %iota3A, %add3A_324 : vector<16xi32>
        %and3A = arith.constant 63 : i32
        %and3A_326 = vector.broadcast %and3A : i32 to vector<16xi32>
        %and3A_327 = arith.andi %add3A_325, %and3A_326 : vector<16xi32>
        %gather3A = tpu.vector_load_idx %arg9[%add3A_198, %and3A_327] : memref<80x64xi32, #tpu.memory_space<vmem>>[vector<16xi32>, vector<16xi32>], vector<16xi32>,
        %bitcast3A = vector.bitcast %gather3A : vector<16xi32> to vector<32xbf16>
        %gather3A_328 = tpu.vector_load_idx %arg10[%add3A_198, %and3A_327] : memref<80x64xi32, #tpu.memory_space<vmem>>[vector<16xi32>, vector<16xi32>], vector<16xi32>,
        %bitcast3A_329 = vector.bitcast %gather3A_328 : vector<16xi32> to vector<32xbf16>
        %gather3A_330 = tpu.vector_load_idx %arg11[%add3A_198, %and3A_327] : memref<80x64xi32, #tpu.memory_space<vmem>>[vector<16xi32>, vector<16xi32>], vector<16xi32>,
        %bitcast3A_331 = vector.bitcast %gather3A_330 : vector<16xi32> to vector<32xbf16>
        %mul3A_332 = arith.mulf %bitcast3A, %bitcast3A_329 : vector<32xbf16>
        %mul3A_333 = arith.mulf %mul3A_332, %bitcast3A_331 : vector<32xbf16>
        %unpack3A = tpu.unpack_subelements %mul3A_333, 0 {pack_format = #tpu.pack_format<interleaved>} : vector<32xbf16> -> vector<16xf32>
        %unpack3A_334 = tpu.unpack_subelements %mul3A_333, 1 {pack_format = #tpu.pack_format<interleaved>} : vector<32xbf16> -> vector<16xf32>
        %add3A_335 = arith.addf %scan3A_323, %unpack3A : vector<16xf32>
        %add3A_336 = arith.addf %add3A_335, %unpack3A_334 : vector<16xf32>
        %scan3A_337 = arith.constant 1 : i32
        %scan3A_338 = arith.addi %scan3A_322, %scan3A_337 : i32
        %add3A_339 = vector.broadcast %scan3A_338 : i32 to vector<16xi32>
        %add3A_340 = arith.addi %iota3A, %add3A_339 : vector<16xi32>
        %and3A_341 = arith.constant 63 : i32
        %and3A_342 = vector.broadcast %and3A_341 : i32 to vector<16xi32>
        %and3A_343 = arith.andi %add3A_340, %and3A_342 : vector<16xi32>
        %gather3A_344 = tpu.vector_load_idx %arg9[%add3A_198, %and3A_343] : memref<80x64xi32, #tpu.memory_space<vmem>>[vector<16xi32>, vector<16xi32>], vector<16xi32>,
        %bitcast3A_345 = vector.bitcast %gather3A_344 : vector<16xi32> to vector<32xbf16>
        %gather3A_346 = tpu.vector_load_idx %arg10[%add3A_198, %and3A_343] : memref<80x64xi32, #tpu.memory_space<vmem>>[vector<16xi32>, vector<16xi32>], vector<16xi32>,
        %bitcast3A_347 = vector.bitcast %gather3A_346 : vector<16xi32> to vector<32xbf16>
        %gather3A_348 = tpu.vector_load_idx %arg11[%add3A_198, %and3A_343] : memref<80x64xi32, #tpu.memory_space<vmem>>[vector<16xi32>, vector<16xi32>], vector<16xi32>,
        %bitcast3A_349 = vector.bitcast %gather3A_348 : vector<16xi32> to vector<32xbf16>
        %mul3A_350 = arith.mulf %bitcast3A_345, %bitcast3A_347 : vector<32xbf16>
        %mul3A_351 = arith.mulf %mul3A_350, %bitcast3A_349 : vector<32xbf16>
        %unpack3A_352 = tpu.unpack_subelements %mul3A_351, 0 {pack_format = #tpu.pack_format<interleaved>} : vector<32xbf16> -> vector<16xf32>
        %unpack3A_353 = tpu.unpack_subelements %mul3A_351, 1 {pack_format = #tpu.pack_format<interleaved>} : vector<32xbf16> -> vector<16xf32>
        %add3A_354 = arith.addf %add3A_336, %unpack3A_352 : vector<16xf32>
        %add3A_355 = arith.addf %add3A_354, %unpack3A_353 : vector<16xf32>
        %scan3A_356 = arith.constant 2 : i32
        %scan3A_357 = arith.addi %scan3A_322, %scan3A_356 : i32
        %add3A_358 = vector.broadcast %scan3A_357 : i32 to vector<16xi32>
        %add3A_359 = arith.addi %iota3A, %add3A_358 : vector<16xi32>
        %and3A_360 = arith.constant 63 : i32
        %and3A_361 = vector.broadcast %and3A_360 : i32 to vector<16xi32>
        %and3A_362 = arith.andi %add3A_359, %and3A_361 : vector<16xi32>
        %gather3A_363 = tpu.vector_load_idx %arg9[%add3A_198, %and3A_362] : memref<80x64xi32, #tpu.memory_space<vmem>>[vector<16xi32>, vector<16xi32>], vector<16xi32>,
        %bitcast3A_364 = vector.bitcast %gather3A_363 : vector<16xi32> to vector<32xbf16>
        %gather3A_365 = tpu.vector_load_idx %arg10[%add3A_198, %and3A_362] : memref<80x64xi32, #tpu.memory_space<vmem>>[vector<16xi32>, vector<16xi32>], vector<16xi32>,
        %bitcast3A_366 = vector.bitcast %gather3A_365 : vector<16xi32> to vector<32xbf16>
        %gather3A_367 = tpu.vector_load_idx %arg11[%add3A_198, %and3A_362] : memref<80x64xi32, #tpu.memory_space<vmem>>[vector<16xi32>, vector<16xi32>], vector<16xi32>,
        %bitcast3A_368 = vector.bitcast %gather3A_367 : vector<16xi32> to vector<32xbf16>
        %mul3A_369 = arith.mulf %bitcast3A_364, %bitcast3A_366 : vector<32xbf16>
        %mul3A_370 = arith.mulf %mul3A_369, %bitcast3A_368 : vector<32xbf16>
        %unpack3A_371 = tpu.unpack_subelements %mul3A_370, 0 {pack_format = #tpu.pack_format<interleaved>} : vector<32xbf16> -> vector<16xf32>
        %unpack3A_372 = tpu.unpack_subelements %mul3A_370, 1 {pack_format = #tpu.pack_format<interleaved>} : vector<32xbf16> -> vector<16xf32>
        %add3A_373 = arith.addf %add3A_355, %unpack3A_371 : vector<16xf32>
        %add3A_374 = arith.addf %add3A_373, %unpack3A_372 : vector<16xf32>
        %scan3A_375 = arith.constant 3 : i32
        %scan3A_376 = arith.addi %scan3A_322, %scan3A_375 : i32
        %add3A_377 = vector.broadcast %scan3A_376 : i32 to vector<16xi32>
        %add3A_378 = arith.addi %iota3A, %add3A_377 : vector<16xi32>
        %and3A_379 = arith.constant 63 : i32
        %and3A_380 = vector.broadcast %and3A_379 : i32 to vector<16xi32>
        %and3A_381 = arith.andi %add3A_378, %and3A_380 : vector<16xi32>
        %gather3A_382 = tpu.vector_load_idx %arg9[%add3A_198, %and3A_381] : memref<80x64xi32, #tpu.memory_space<vmem>>[vector<16xi32>, vector<16xi32>], vector<16xi32>,
        %bitcast3A_383 = vector.bitcast %gather3A_382 : vector<16xi32> to vector<32xbf16>
        %gather3A_384 = tpu.vector_load_idx %arg10[%add3A_198, %and3A_381] : memref<80x64xi32, #tpu.memory_space<vmem>>[vector<16xi32>, vector<16xi32>], vector<16xi32>,
        %bitcast3A_385 = vector.bitcast %gather3A_384 : vector<16xi32> to vector<32xbf16>
        %gather3A_386 = tpu.vector_load_idx %arg11[%add3A_198, %and3A_381] : memref<80x64xi32, #tpu.memory_space<vmem>>[vector<16xi32>, vector<16xi32>], vector<16xi32>,
        %bitcast3A_387 = vector.bitcast %gather3A_386 : vector<16xi32> to vector<32xbf16>
        %mul3A_388 = arith.mulf %bitcast3A_383, %bitcast3A_385 : vector<32xbf16>
        %mul3A_389 = arith.mulf %mul3A_388, %bitcast3A_387 : vector<32xbf16>
        %unpack3A_390 = tpu.unpack_subelements %mul3A_389, 0 {pack_format = #tpu.pack_format<interleaved>} : vector<32xbf16> -> vector<16xf32>
        %unpack3A_391 = tpu.unpack_subelements %mul3A_389, 1 {pack_format = #tpu.pack_format<interleaved>} : vector<32xbf16> -> vector<16xf32>
        %add3A_392 = arith.addf %add3A_374, %unpack3A_390 : vector<16xf32>
        %add3A_393 = arith.addf %add3A_392, %unpack3A_391 : vector<16xf32>
        %scan3A_394 = arith.constant 4 : i32
        %scan3A_395 = arith.addi %scan3A_322, %scan3A_394 : i32
        %add3A_396 = vector.broadcast %scan3A_395 : i32 to vector<16xi32>
        %add3A_397 = arith.addi %iota3A, %add3A_396 : vector<16xi32>
        %and3A_398 = arith.constant 63 : i32
        %and3A_399 = vector.broadcast %and3A_398 : i32 to vector<16xi32>
        %and3A_400 = arith.andi %add3A_397, %and3A_399 : vector<16xi32>
        %gather3A_401 = tpu.vector_load_idx %arg9[%add3A_198, %and3A_400] : memref<80x64xi32, #tpu.memory_space<vmem>>[vector<16xi32>, vector<16xi32>], vector<16xi32>,
        %bitcast3A_402 = vector.bitcast %gather3A_401 : vector<16xi32> to vector<32xbf16>
        %gather3A_403 = tpu.vector_load_idx %arg10[%add3A_198, %and3A_400] : memref<80x64xi32, #tpu.memory_space<vmem>>[vector<16xi32>, vector<16xi32>], vector<16xi32>,
        %bitcast3A_404 = vector.bitcast %gather3A_403 : vector<16xi32> to vector<32xbf16>
        %gather3A_405 = tpu.vector_load_idx %arg11[%add3A_198, %and3A_400] : memref<80x64xi32, #tpu.memory_space<vmem>>[vector<16xi32>, vector<16xi32>], vector<16xi32>,
        %bitcast3A_406 = vector.bitcast %gather3A_405 : vector<16xi32> to vector<32xbf16>
        %mul3A_407 = arith.mulf %bitcast3A_402, %bitcast3A_404 : vector<32xbf16>
        %mul3A_408 = arith.mulf %mul3A_407, %bitcast3A_406 : vector<32xbf16>
        %unpack3A_409 = tpu.unpack_subelements %mul3A_408, 0 {pack_format = #tpu.pack_format<interleaved>} : vector<32xbf16> -> vector<16xf32>
        %unpack3A_410 = tpu.unpack_subelements %mul3A_408, 1 {pack_format = #tpu.pack_format<interleaved>} : vector<32xbf16> -> vector<16xf32>
        %add3A_411 = arith.addf %add3A_393, %unpack3A_409 : vector<16xf32>
        %add3A_412 = arith.addf %add3A_411, %unpack3A_410 : vector<16xf32>
        %scan3A_413 = arith.constant 5 : i32
        %scan3A_414 = arith.addi %scan3A_322, %scan3A_413 : i32
        %add3A_415 = vector.broadcast %scan3A_414 : i32 to vector<16xi32>
        %add3A_416 = arith.addi %iota3A, %add3A_415 : vector<16xi32>
        %and3A_417 = arith.constant 63 : i32
        %and3A_418 = vector.broadcast %and3A_417 : i32 to vector<16xi32>
        %and3A_419 = arith.andi %add3A_416, %and3A_418 : vector<16xi32>
        %gather3A_420 = tpu.vector_load_idx %arg9[%add3A_198, %and3A_419] : memref<80x64xi32, #tpu.memory_space<vmem>>[vector<16xi32>, vector<16xi32>], vector<16xi32>,
        %bitcast3A_421 = vector.bitcast %gather3A_420 : vector<16xi32> to vector<32xbf16>
        %gather3A_422 = tpu.vector_load_idx %arg10[%add3A_198, %and3A_419] : memref<80x64xi32, #tpu.memory_space<vmem>>[vector<16xi32>, vector<16xi32>], vector<16xi32>,
        %bitcast3A_423 = vector.bitcast %gather3A_422 : vector<16xi32> to vector<32xbf16>
        %gather3A_424 = tpu.vector_load_idx %arg11[%add3A_198, %and3A_419] : memref<80x64xi32, #tpu.memory_space<vmem>>[vector<16xi32>, vector<16xi32>], vector<16xi32>,
        %bitcast3A_425 = vector.bitcast %gather3A_424 : vector<16xi32> to vector<32xbf16>
        %mul3A_426 = arith.mulf %bitcast3A_421, %bitcast3A_423 : vector<32xbf16>
        %mul3A_427 = arith.mulf %mul3A_426, %bitcast3A_425 : vector<32xbf16>
        %unpack3A_428 = tpu.unpack_subelements %mul3A_427, 0 {pack_format = #tpu.pack_format<interleaved>} : vector<32xbf16> -> vector<16xf32>
        %unpack3A_429 = tpu.unpack_subelements %mul3A_427, 1 {pack_format = #tpu.pack_format<interleaved>} : vector<32xbf16> -> vector<16xf32>
        %add3A_430 = arith.addf %add3A_412, %unpack3A_428 : vector<16xf32>
        %add3A_431 = arith.addf %add3A_430, %unpack3A_429 : vector<16xf32>
        %scan3A_432 = arith.constant 6 : i32
        %scan3A_433 = arith.addi %scan3A_322, %scan3A_432 : i32
        %add3A_434 = vector.broadcast %scan3A_433 : i32 to vector<16xi32>
        %add3A_435 = arith.addi %iota3A, %add3A_434 : vector<16xi32>
        %and3A_436 = arith.constant 63 : i32
        %and3A_437 = vector.broadcast %and3A_436 : i32 to vector<16xi32>
        %and3A_438 = arith.andi %add3A_435, %and3A_437 : vector<16xi32>
        %gather3A_439 = tpu.vector_load_idx %arg9[%add3A_198, %and3A_438] : memref<80x64xi32, #tpu.memory_space<vmem>>[vector<16xi32>, vector<16xi32>], vector<16xi32>,
        %bitcast3A_440 = vector.bitcast %gather3A_439 : vector<16xi32> to vector<32xbf16>
        %gather3A_441 = tpu.vector_load_idx %arg10[%add3A_198, %and3A_438] : memref<80x64xi32, #tpu.memory_space<vmem>>[vector<16xi32>, vector<16xi32>], vector<16xi32>,
        %bitcast3A_442 = vector.bitcast %gather3A_441 : vector<16xi32> to vector<32xbf16>
        %gather3A_443 = tpu.vector_load_idx %arg11[%add3A_198, %and3A_438] : memref<80x64xi32, #tpu.memory_space<vmem>>[vector<16xi32>, vector<16xi32>], vector<16xi32>,
        %bitcast3A_444 = vector.bitcast %gather3A_443 : vector<16xi32> to vector<32xbf16>
        %mul3A_445 = arith.mulf %bitcast3A_440, %bitcast3A_442 : vector<32xbf16>
        %mul3A_446 = arith.mulf %mul3A_445, %bitcast3A_444 : vector<32xbf16>
        %unpack3A_447 = tpu.unpack_subelements %mul3A_446, 0 {pack_format = #tpu.pack_format<interleaved>} : vector<32xbf16> -> vector<16xf32>
        %unpack3A_448 = tpu.unpack_subelements %mul3A_446, 1 {pack_format = #tpu.pack_format<interleaved>} : vector<32xbf16> -> vector<16xf32>
        %add3A_449 = arith.addf %add3A_431, %unpack3A_447 : vector<16xf32>
        %add3A_450 = arith.addf %add3A_449, %unpack3A_448 : vector<16xf32>
        %scan3A_451 = arith.constant 7 : i32
        %scan3A_452 = arith.addi %scan3A_322, %scan3A_451 : i32
        %add3A_453 = vector.broadcast %scan3A_452 : i32 to vector<16xi32>
        %add3A_454 = arith.addi %iota3A, %add3A_453 : vector<16xi32>
        %and3A_455 = arith.constant 63 : i32
        %and3A_456 = vector.broadcast %and3A_455 : i32 to vector<16xi32>
        %and3A_457 = arith.andi %add3A_454, %and3A_456 : vector<16xi32>
        %gather3A_458 = tpu.vector_load_idx %arg9[%add3A_198, %and3A_457] : memref<80x64xi32, #tpu.memory_space<vmem>>[vector<16xi32>, vector<16xi32>], vector<16xi32>,
        %bitcast3A_459 = vector.bitcast %gather3A_458 : vector<16xi32> to vector<32xbf16>
        %gather3A_460 = tpu.vector_load_idx %arg10[%add3A_198, %and3A_457] : memref<80x64xi32, #tpu.memory_space<vmem>>[vector<16xi32>, vector<16xi32>], vector<16xi32>,
        %bitcast3A_461 = vector.bitcast %gather3A_460 : vector<16xi32> to vector<32xbf16>
        %gather3A_462 = tpu.vector_load_idx %arg11[%add3A_198, %and3A_457] : memref<80x64xi32, #tpu.memory_space<vmem>>[vector<16xi32>, vector<16xi32>], vector<16xi32>,
        %bitcast3A_463 = vector.bitcast %gather3A_462 : vector<16xi32> to vector<32xbf16>
        %mul3A_464 = arith.mulf %bitcast3A_459, %bitcast3A_461 : vector<32xbf16>
        %mul3A_465 = arith.mulf %mul3A_464, %bitcast3A_463 : vector<32xbf16>
        %unpack3A_466 = tpu.unpack_subelements %mul3A_465, 0 {pack_format = #tpu.pack_format<interleaved>} : vector<32xbf16> -> vector<16xf32>
        %unpack3A_467 = tpu.unpack_subelements %mul3A_465, 1 {pack_format = #tpu.pack_format<interleaved>} : vector<32xbf16> -> vector<16xf32>
        %add3A_468 = arith.addf %add3A_450, %unpack3A_466 : vector<16xf32>
        %add3A_469 = arith.addf %add3A_468, %unpack3A_467 : vector<16xf32>
        scf.yield %add3A_469 : vector<16xf32>
      }
      %scan3A_206 = arith.constant 64 : i32
      %add3A_207 = arith.constant 64 : i32
      %add3A_208 = arith.addi %mul3A_135, %add3A_207 : i32
      %swap3A_209 = arith.index_cast %add3A_208 : i32 to index
      %swap3A_210 = tpu.vector_load %arg15[%swap3A_209] {strides = array<i32>} : memref<10000xf32, #tpu.memory_space<vmem>>, vector<16xf32>,
      tpu.vector_store %arg15[%swap3A_209], %scan3A_205 {strides = array<i32>} : memref<10000xf32, #tpu.memory_space<vmem>>, vector<16xf32>,
      %add3A_211 = arith.constant 2 : i32
      %add3A_212 = arith.addi %mul3A_103, %add3A_211 : i32
      %mul3A_213 = arith.constant 80 : i32
      %mul3A_214 = arith.muli %add3A_212, %mul3A_213 : i32
      %dma_start3A_215 = tpu.memref_slice %arg6[%mul3A_214] : memref<10000xi32, #tpu.memory_space<vmem>> -> memref<80xi32, #tpu.memory_space<vmem>>
      %dma_start3A_216 = arith.constant 0 : i32
      %dma_start3A_217 = arith.constant 0 : i32
      %dma_start3A_218 = tpu.memref_slice %arg2[%dma_start3A_216, %dma_start3A_217] : memref<10000x64xi32, #tpu.memory_space<hbm>> -> memref<10000x64xi32, #tpu.memory_space<hbm>>
      tpu.enqueue_indirect_dma source(%dma_start3A_218 : memref<10000x64xi32, #tpu.memory_space<hbm>>) target(%arg9 : memref<80x64xi32, #tpu.memory_space<vmem>>) offsets(%dma_start3A_215 : memref<80xi32, #tpu.memory_space<vmem>>) semaphore(%arg16 : memref<!tpu.dma_semaphore, #tpu.memory_space<semaphore_mem>>)
      %dma_start3A_219 = tpu.memref_slice %arg7[%mul3A_214] : memref<10000xi32, #tpu.memory_space<vmem>> -> memref<80xi32, #tpu.memory_space<vmem>>
      %dma_start3A_220 = arith.constant 0 : i32
      %dma_start3A_221 = arith.constant 0 : i32
      %dma_start3A_222 = tpu.memref_slice %arg3[%dma_start3A_220, %dma_start3A_221] : memref<10000x64xi32, #tpu.memory_space<hbm>> -> memref<10000x64xi32, #tpu.memory_space<hbm>>
      tpu.enqueue_indirect_dma source(%dma_start3A_222 : memref<10000x64xi32, #tpu.memory_space<hbm>>) target(%arg10 : memref<80x64xi32, #tpu.memory_space<vmem>>) offsets(%dma_start3A_219 : memref<80xi32, #tpu.memory_space<vmem>>) semaphore(%arg16 : memref<!tpu.dma_semaphore, #tpu.memory_space<semaphore_mem>>)
      %dma_start3A_223 = tpu.memref_slice %arg8[%mul3A_214] : memref<10000xi32, #tpu.memory_space<vmem>> -> memref<80xi32, #tpu.memory_space<vmem>>
      %dma_start3A_224 = arith.constant 0 : i32
      %dma_start3A_225 = arith.constant 0 : i32
      %dma_start3A_226 = tpu.memref_slice %arg2[%dma_start3A_224, %dma_start3A_225] : memref<10000x64xi32, #tpu.memory_space<hbm>> -> memref<10000x64xi32, #tpu.memory_space<hbm>>
      tpu.enqueue_indirect_dma source(%dma_start3A_226 : memref<10000x64xi32, #tpu.memory_space<hbm>>) target(%arg11 : memref<80x64xi32, #tpu.memory_space<vmem>>) offsets(%dma_start3A_223 : memref<80xi32, #tpu.memory_space<vmem>>) semaphore(%arg16 : memref<!tpu.dma_semaphore, #tpu.memory_space<semaphore_mem>>)
      %add3A_227 = arith.constant 1 : i32
      %add3A_228 = arith.addi %mul3A_103, %add3A_227 : i32
      %mul3A_229 = arith.constant 80 : i32
      %mul3A_230 = arith.muli %add3A_228, %mul3A_229 : i32
      %dma_wait3A_231 = tpu.memref_slice %arg6[%mul3A_230] : memref<10000xi32, #tpu.memory_space<vmem>> -> memref<80xi32, #tpu.memory_space<vmem>>
      %dma_wait3A_232 = arith.constant 0 : i32
      %dma_wait3A_233 = arith.constant 0 : i32
      %dma_wait3A_234 = tpu.memref_slice %arg2[%dma_wait3A_232, %dma_wait3A_233] : memref<10000x64xi32, #tpu.memory_space<hbm>> -> memref<10000x64xi32, #tpu.memory_space<hbm>>
      tpu.wait_indirect_dma semaphore(%arg17 : memref<!tpu.dma_semaphore, #tpu.memory_space<semaphore_mem>>) src(%dma_wait3A_234 : memref<10000x64xi32, #tpu.memory_space<hbm>>) dst(%arg12 : memref<80x64xi32, #tpu.memory_space<vmem>>)
      %dma_wait3A_235 = tpu.memref_slice %arg7[%mul3A_230] : memref<10000xi32, #tpu.memory_space<vmem>> -> memref<80xi32, #tpu.memory_space<vmem>>
      %dma_wait3A_236 = arith.constant 0 : i32
      %dma_wait3A_237 = arith.constant 0 : i32
      %dma_wait3A_238 = tpu.memref_slice %arg3[%dma_wait3A_236, %dma_wait3A_237] : memref<10000x64xi32, #tpu.memory_space<hbm>> -> memref<10000x64xi32, #tpu.memory_space<hbm>>
      tpu.wait_indirect_dma semaphore(%arg17 : memref<!tpu.dma_semaphore, #tpu.memory_space<semaphore_mem>>) src(%dma_wait3A_238 : memref<10000x64xi32, #tpu.memory_space<hbm>>) dst(%arg13 : memref<80x64xi32, #tpu.memory_space<vmem>>)
      %dma_wait3A_239 = tpu.memref_slice %arg8[%mul3A_230] : memref<10000xi32, #tpu.memory_space<vmem>> -> memref<80xi32, #tpu.memory_space<vmem>>
      %dma_wait3A_240 = arith.constant 0 : i32
      %dma_wait3A_241 = arith.constant 0 : i32
      %dma_wait3A_242 = tpu.memref_slice %arg2[%dma_wait3A_240, %dma_wait3A_241] : memref<10000x64xi32, #tpu.memory_space<hbm>> -> memref<10000x64xi32, #tpu.memory_space<hbm>>
      tpu.wait_indirect_dma semaphore(%arg17 : memref<!tpu.dma_semaphore, #tpu.memory_space<semaphore_mem>>) src(%dma_wait3A_242 : memref<10000x64xi32, #tpu.memory_space<hbm>>) dst(%arg14 : memref<80x64xi32, #tpu.memory_space<vmem>>)
      %add3A_243 = arith.constant 1 : i32
      %add3A_244 = arith.addi %mul3A_103, %add3A_243 : i32
      %mul3A_245 = arith.constant 80 : i32
      %mul3A_246 = arith.muli %add3A_244, %mul3A_245 : i32
      %add3A_247 = arith.constant 0 : i32
      %add3A_248 = vector.broadcast %add3A_247 : i32 to vector<16xi32>
      %add3A_249 = arith.addi %add3A_248, %iota3A : vector<16xi32>
      %broadcast_in_dim3A_250 = arith.constant 0.000000e+00 : f32
      %broadcast_in_dim3A_251 = vector.broadcast %broadcast_in_dim3A_250 : f32 to vector<16xf32>
      %scan3A_252 = arith.constant 0 : i32
      %scan3A_253 = arith.constant 64 : i32
      %scan3A_254 = arith.addi %scan3A_252, %scan3A_253 : i32
      %scan3A_255 = arith.constant 8 : i32
      %scan3A_256 = scf.for %scan3A_322 = %scan3A_252 to %scan3A_254 step %scan3A_255 iter_args(%scan3A_323 = %broadcast_in_dim3A_251) -> (vector<16xf32>)  : i32 {
        %add3A_324 = vector.broadcast %scan3A_322 : i32 to vector<16xi32>
        %add3A_325 = arith.addi %iota3A, %add3A_324 : vector<16xi32>
        %and3A = arith.constant 63 : i32
        %and3A_326 = vector.broadcast %and3A : i32 to vector<16xi32>
        %and3A_327 = arith.andi %add3A_325, %and3A_326 : vector<16xi32>
        %gather3A = tpu.vector_load_idx %arg12[%add3A_249, %and3A_327] : memref<80x64xi32, #tpu.memory_space<vmem>>[vector<16xi32>, vector<16xi32>], vector<16xi32>,
        %bitcast3A = vector.bitcast %gather3A : vector<16xi32> to vector<32xbf16>
        %gather3A_328 = tpu.vector_load_idx %arg13[%add3A_249, %and3A_327] : memref<80x64xi32, #tpu.memory_space<vmem>>[vector<16xi32>, vector<16xi32>], vector<16xi32>,
        %bitcast3A_329 = vector.bitcast %gather3A_328 : vector<16xi32> to vector<32xbf16>
        %gather3A_330 = tpu.vector_load_idx %arg14[%add3A_249, %and3A_327] : memref<80x64xi32, #tpu.memory_space<vmem>>[vector<16xi32>, vector<16xi32>], vector<16xi32>,
        %bitcast3A_331 = vector.bitcast %gather3A_330 : vector<16xi32> to vector<32xbf16>
        %mul3A_332 = arith.mulf %bitcast3A, %bitcast3A_329 : vector<32xbf16>
        %mul3A_333 = arith.mulf %mul3A_332, %bitcast3A_331 : vector<32xbf16>
        %unpack3A = tpu.unpack_subelements %mul3A_333, 0 {pack_format = #tpu.pack_format<interleaved>} : vector<32xbf16> -> vector<16xf32>
        %unpack3A_334 = tpu.unpack_subelements %mul3A_333, 1 {pack_format = #tpu.pack_format<interleaved>} : vector<32xbf16> -> vector<16xf32>
        %add3A_335 = arith.addf %scan3A_323, %unpack3A : vector<16xf32>
        %add3A_336 = arith.addf %add3A_335, %unpack3A_334 : vector<16xf32>
        %scan3A_337 = arith.constant 1 : i32
        %scan3A_338 = arith.addi %scan3A_322, %scan3A_337 : i32
        %add3A_339 = vector.broadcast %scan3A_338 : i32 to vector<16xi32>
        %add3A_340 = arith.addi %iota3A, %add3A_339 : vector<16xi32>
        %and3A_341 = arith.constant 63 : i32
        %and3A_342 = vector.broadcast %and3A_341 : i32 to vector<16xi32>
        %and3A_343 = arith.andi %add3A_340, %and3A_342 : vector<16xi32>
        %gather3A_344 = tpu.vector_load_idx %arg12[%add3A_249, %and3A_343] : memref<80x64xi32, #tpu.memory_space<vmem>>[vector<16xi32>, vector<16xi32>], vector<16xi32>,
        %bitcast3A_345 = vector.bitcast %gather3A_344 : vector<16xi32> to vector<32xbf16>
        %gather3A_346 = tpu.vector_load_idx %arg13[%add3A_249, %and3A_343] : memref<80x64xi32, #tpu.memory_space<vmem>>[vector<16xi32>, vector<16xi32>], vector<16xi32>,
        %bitcast3A_347 = vector.bitcast %gather3A_346 : vector<16xi32> to vector<32xbf16>
        %gather3A_348 = tpu.vector_load_idx %arg14[%add3A_249, %and3A_343] : memref<80x64xi32, #tpu.memory_space<vmem>>[vector<16xi32>, vector<16xi32>], vector<16xi32>,
        %bitcast3A_349 = vector.bitcast %gather3A_348 : vector<16xi32> to vector<32xbf16>
        %mul3A_350 = arith.mulf %bitcast3A_345, %bitcast3A_347 : vector<32xbf16>
        %mul3A_351 = arith.mulf %mul3A_350, %bitcast3A_349 : vector<32xbf16>
        %unpack3A_352 = tpu.unpack_subelements %mul3A_351, 0 {pack_format = #tpu.pack_format<interleaved>} : vector<32xbf16> -> vector<16xf32>
        %unpack3A_353 = tpu.unpack_subelements %mul3A_351, 1 {pack_format = #tpu.pack_format<interleaved>} : vector<32xbf16> -> vector<16xf32>
        %add3A_354 = arith.addf %add3A_336, %unpack3A_352 : vector<16xf32>
        %add3A_355 = arith.addf %add3A_354, %unpack3A_353 : vector<16xf32>
        %scan3A_356 = arith.constant 2 : i32
        %scan3A_357 = arith.addi %scan3A_322, %scan3A_356 : i32
        %add3A_358 = vector.broadcast %scan3A_357 : i32 to vector<16xi32>
        %add3A_359 = arith.addi %iota3A, %add3A_358 : vector<16xi32>
        %and3A_360 = arith.constant 63 : i32
        %and3A_361 = vector.broadcast %and3A_360 : i32 to vector<16xi32>
        %and3A_362 = arith.andi %add3A_359, %and3A_361 : vector<16xi32>
        %gather3A_363 = tpu.vector_load_idx %arg12[%add3A_249, %and3A_362] : memref<80x64xi32, #tpu.memory_space<vmem>>[vector<16xi32>, vector<16xi32>], vector<16xi32>,
        %bitcast3A_364 = vector.bitcast %gather3A_363 : vector<16xi32> to vector<32xbf16>
        %gather3A_365 = tpu.vector_load_idx %arg13[%add3A_249, %and3A_362] : memref<80x64xi32, #tpu.memory_space<vmem>>[vector<16xi32>, vector<16xi32>], vector<16xi32>,
        %bitcast3A_366 = vector.bitcast %gather3A_365 : vector<16xi32> to vector<32xbf16>
        %gather3A_367 = tpu.vector_load_idx %arg14[%add3A_249, %and3A_362] : memref<80x64xi32, #tpu.memory_space<vmem>>[vector<16xi32>, vector<16xi32>], vector<16xi32>,
        %bitcast3A_368 = vector.bitcast %gather3A_367 : vector<16xi32> to vector<32xbf16>
        %mul3A_369 = arith.mulf %bitcast3A_364, %bitcast3A_366 : vector<32xbf16>
        %mul3A_370 = arith.mulf %mul3A_369, %bitcast3A_368 : vector<32xbf16>
        %unpack3A_371 = tpu.unpack_subelements %mul3A_370, 0 {pack_format = #tpu.pack_format<interleaved>} : vector<32xbf16> -> vector<16xf32>
        %unpack3A_372 = tpu.unpack_subelements %mul3A_370, 1 {pack_format = #tpu.pack_format<interleaved>} : vector<32xbf16> -> vector<16xf32>
        %add3A_373 = arith.addf %add3A_355, %unpack3A_371 : vector<16xf32>
        %add3A_374 = arith.addf %add3A_373, %unpack3A_372 : vector<16xf32>
        %scan3A_375 = arith.constant 3 : i32
        %scan3A_376 = arith.addi %scan3A_322, %scan3A_375 : i32
        %add3A_377 = vector.broadcast %scan3A_376 : i32 to vector<16xi32>
        %add3A_378 = arith.addi %iota3A, %add3A_377 : vector<16xi32>
        %and3A_379 = arith.constant 63 : i32
        %and3A_380 = vector.broadcast %and3A_379 : i32 to vector<16xi32>
        %and3A_381 = arith.andi %add3A_378, %and3A_380 : vector<16xi32>
        %gather3A_382 = tpu.vector_load_idx %arg12[%add3A_249, %and3A_381] : memref<80x64xi32, #tpu.memory_space<vmem>>[vector<16xi32>, vector<16xi32>], vector<16xi32>,
        %bitcast3A_383 = vector.bitcast %gather3A_382 : vector<16xi32> to vector<32xbf16>
        %gather3A_384 = tpu.vector_load_idx %arg13[%add3A_249, %and3A_381] : memref<80x64xi32, #tpu.memory_space<vmem>>[vector<16xi32>, vector<16xi32>], vector<16xi32>,
        %bitcast3A_385 = vector.bitcast %gather3A_384 : vector<16xi32> to vector<32xbf16>
        %gather3A_386 = tpu.vector_load_idx %arg14[%add3A_249, %and3A_381] : memref<80x64xi32, #tpu.memory_space<vmem>>[vector<16xi32>, vector<16xi32>], vector<16xi32>,
        %bitcast3A_387 = vector.bitcast %gather3A_386 : vector<16xi32> to vector<32xbf16>
        %mul3A_388 = arith.mulf %bitcast3A_383, %bitcast3A_385 : vector<32xbf16>
        %mul3A_389 = arith.mulf %mul3A_388, %bitcast3A_387 : vector<32xbf16>
        %unpack3A_390 = tpu.unpack_subelements %mul3A_389, 0 {pack_format = #tpu.pack_format<interleaved>} : vector<32xbf16> -> vector<16xf32>
        %unpack3A_391 = tpu.unpack_subelements %mul3A_389, 1 {pack_format = #tpu.pack_format<interleaved>} : vector<32xbf16> -> vector<16xf32>
        %add3A_392 = arith.addf %add3A_374, %unpack3A_390 : vector<16xf32>
        %add3A_393 = arith.addf %add3A_392, %unpack3A_391 : vector<16xf32>
        %scan3A_394 = arith.constant 4 : i32
        %scan3A_395 = arith.addi %scan3A_322, %scan3A_394 : i32
        %add3A_396 = vector.broadcast %scan3A_395 : i32 to vector<16xi32>
        %add3A_397 = arith.addi %iota3A, %add3A_396 : vector<16xi32>
        %and3A_398 = arith.constant 63 : i32
        %and3A_399 = vector.broadcast %and3A_398 : i32 to vector<16xi32>
        %and3A_400 = arith.andi %add3A_397, %and3A_399 : vector<16xi32>
        %gather3A_401 = tpu.vector_load_idx %arg12[%add3A_249, %and3A_400] : memref<80x64xi32, #tpu.memory_space<vmem>>[vector<16xi32>, vector<16xi32>], vector<16xi32>,
        %bitcast3A_402 = vector.bitcast %gather3A_401 : vector<16xi32> to vector<32xbf16>
        %gather3A_403 = tpu.vector_load_idx %arg13[%add3A_249, %and3A_400] : memref<80x64xi32, #tpu.memory_space<vmem>>[vector<16xi32>, vector<16xi32>], vector<16xi32>,
        %bitcast3A_404 = vector.bitcast %gather3A_403 : vector<16xi32> to vector<32xbf16>
        %gather3A_405 = tpu.vector_load_idx %arg14[%add3A_249, %and3A_400] : memref<80x64xi32, #tpu.memory_space<vmem>>[vector<16xi32>, vector<16xi32>], vector<16xi32>,
        %bitcast3A_406 = vector.bitcast %gather3A_405 : vector<16xi32> to vector<32xbf16>
        %mul3A_407 = arith.mulf %bitcast3A_402, %bitcast3A_404 : vector<32xbf16>
        %mul3A_408 = arith.mulf %mul3A_407, %bitcast3A_406 : vector<32xbf16>
        %unpack3A_409 = tpu.unpack_subelements %mul3A_408, 0 {pack_format = #tpu.pack_format<interleaved>} : vector<32xbf16> -> vector<16xf32>
        %unpack3A_410 = tpu.unpack_subelements %mul3A_408, 1 {pack_format = #tpu.pack_format<interleaved>} : vector<32xbf16> -> vector<16xf32>
        %add3A_411 = arith.addf %add3A_393, %unpack3A_409 : vector<16xf32>
        %add3A_412 = arith.addf %add3A_411, %unpack3A_410 : vector<16xf32>
        %scan3A_413 = arith.constant 5 : i32
        %scan3A_414 = arith.addi %scan3A_322, %scan3A_413 : i32
        %add3A_415 = vector.broadcast %scan3A_414 : i32 to vector<16xi32>
        %add3A_416 = arith.addi %iota3A, %add3A_415 : vector<16xi32>
        %and3A_417 = arith.constant 63 : i32
        %and3A_418 = vector.broadcast %and3A_417 : i32 to vector<16xi32>
        %and3A_419 = arith.andi %add3A_416, %and3A_418 : vector<16xi32>
        %gather3A_420 = tpu.vector_load_idx %arg12[%add3A_249, %and3A_419] : memref<80x64xi32, #tpu.memory_space<vmem>>[vector<16xi32>, vector<16xi32>], vector<16xi32>,
        %bitcast3A_421 = vector.bitcast %gather3A_420 : vector<16xi32> to vector<32xbf16>
        %gather3A_422 = tpu.vector_load_idx %arg13[%add3A_249, %and3A_419] : memref<80x64xi32, #tpu.memory_space<vmem>>[vector<16xi32>, vector<16xi32>], vector<16xi32>,
        %bitcast3A_423 = vector.bitcast %gather3A_422 : vector<16xi32> to vector<32xbf16>
        %gather3A_424 = tpu.vector_load_idx %arg14[%add3A_249, %and3A_419] : memref<80x64xi32, #tpu.memory_space<vmem>>[vector<16xi32>, vector<16xi32>], vector<16xi32>,
        %bitcast3A_425 = vector.bitcast %gather3A_424 : vector<16xi32> to vector<32xbf16>
        %mul3A_426 = arith.mulf %bitcast3A_421, %bitcast3A_423 : vector<32xbf16>
        %mul3A_427 = arith.mulf %mul3A_426, %bitcast3A_425 : vector<32xbf16>
        %unpack3A_428 = tpu.unpack_subelements %mul3A_427, 0 {pack_format = #tpu.pack_format<interleaved>} : vector<32xbf16> -> vector<16xf32>
        %unpack3A_429 = tpu.unpack_subelements %mul3A_427, 1 {pack_format = #tpu.pack_format<interleaved>} : vector<32xbf16> -> vector<16xf32>
        %add3A_430 = arith.addf %add3A_412, %unpack3A_428 : vector<16xf32>
        %add3A_431 = arith.addf %add3A_430, %unpack3A_429 : vector<16xf32>
        %scan3A_432 = arith.constant 6 : i32
        %scan3A_433 = arith.addi %scan3A_322, %scan3A_432 : i32
        %add3A_434 = vector.broadcast %scan3A_433 : i32 to vector<16xi32>
        %add3A_435 = arith.addi %iota3A, %add3A_434 : vector<16xi32>
        %and3A_436 = arith.constant 63 : i32
        %and3A_437 = vector.broadcast %and3A_436 : i32 to vector<16xi32>
        %and3A_438 = arith.andi %add3A_435, %and3A_437 : vector<16xi32>
        %gather3A_439 = tpu.vector_load_idx %arg12[%add3A_249, %and3A_438] : memref<80x64xi32, #tpu.memory_space<vmem>>[vector<16xi32>, vector<16xi32>], vector<16xi32>,
        %bitcast3A_440 = vector.bitcast %gather3A_439 : vector<16xi32> to vector<32xbf16>
        %gather3A_441 = tpu.vector_load_idx %arg13[%add3A_249, %and3A_438] : memref<80x64xi32, #tpu.memory_space<vmem>>[vector<16xi32>, vector<16xi32>], vector<16xi32>,
        %bitcast3A_442 = vector.bitcast %gather3A_441 : vector<16xi32> to vector<32xbf16>
        %gather3A_443 = tpu.vector_load_idx %arg14[%add3A_249, %and3A_438] : memref<80x64xi32, #tpu.memory_space<vmem>>[vector<16xi32>, vector<16xi32>], vector<16xi32>,
        %bitcast3A_444 = vector.bitcast %gather3A_443 : vector<16xi32> to vector<32xbf16>
        %mul3A_445 = arith.mulf %bitcast3A_440, %bitcast3A_442 : vector<32xbf16>
        %mul3A_446 = arith.mulf %mul3A_445, %bitcast3A_444 : vector<32xbf16>
        %unpack3A_447 = tpu.unpack_subelements %mul3A_446, 0 {pack_format = #tpu.pack_format<interleaved>} : vector<32xbf16> -> vector<16xf32>
        %unpack3A_448 = tpu.unpack_subelements %mul3A_446, 1 {pack_format = #tpu.pack_format<interleaved>} : vector<32xbf16> -> vector<16xf32>
        %add3A_449 = arith.addf %add3A_431, %unpack3A_447 : vector<16xf32>
        %add3A_450 = arith.addf %add3A_449, %unpack3A_448 : vector<16xf32>
        %scan3A_451 = arith.constant 7 : i32
        %scan3A_452 = arith.addi %scan3A_322, %scan3A_451 : i32
        %add3A_453 = vector.broadcast %scan3A_452 : i32 to vector<16xi32>
        %add3A_454 = arith.addi %iota3A, %add3A_453 : vector<16xi32>
        %and3A_455 = arith.constant 63 : i32
        %and3A_456 = vector.broadcast %and3A_455 : i32 to vector<16xi32>
        %and3A_457 = arith.andi %add3A_454, %and3A_456 : vector<16xi32>
        %gather3A_458 = tpu.vector_load_idx %arg12[%add3A_249, %and3A_457] : memref<80x64xi32, #tpu.memory_space<vmem>>[vector<16xi32>, vector<16xi32>], vector<16xi32>,
        %bitcast3A_459 = vector.bitcast %gather3A_458 : vector<16xi32> to vector<32xbf16>
        %gather3A_460 = tpu.vector_load_idx %arg13[%add3A_249, %and3A_457] : memref<80x64xi32, #tpu.memory_space<vmem>>[vector<16xi32>, vector<16xi32>], vector<16xi32>,
        %bitcast3A_461 = vector.bitcast %gather3A_460 : vector<16xi32> to vector<32xbf16>
        %gather3A_462 = tpu.vector_load_idx %arg14[%add3A_249, %and3A_457] : memref<80x64xi32, #tpu.memory_space<vmem>>[vector<16xi32>, vector<16xi32>], vector<16xi32>,
        %bitcast3A_463 = vector.bitcast %gather3A_462 : vector<16xi32> to vector<32xbf16>
        %mul3A_464 = arith.mulf %bitcast3A_459, %bitcast3A_461 : vector<32xbf16>
        %mul3A_465 = arith.mulf %mul3A_464, %bitcast3A_463 : vector<32xbf16>
        %unpack3A_466 = tpu.unpack_subelements %mul3A_465, 0 {pack_format = #tpu.pack_format<interleaved>} : vector<32xbf16> -> vector<16xf32>
        %unpack3A_467 = tpu.unpack_subelements %mul3A_465, 1 {pack_format = #tpu.pack_format<interleaved>} : vector<32xbf16> -> vector<16xf32>
        %add3A_468 = arith.addf %add3A_450, %unpack3A_466 : vector<16xf32>
        %add3A_469 = arith.addf %add3A_468, %unpack3A_467 : vector<16xf32>
        scf.yield %add3A_469 : vector<16xf32>
      }
      %scan3A_257 = arith.constant 64 : i32
      %add3A_258 = arith.constant 0 : i32
      %add3A_259 = arith.addi %mul3A_246, %add3A_258 : i32
      %swap3A_260 = arith.index_cast %add3A_259 : i32 to index
      %swap3A_261 = tpu.vector_load %arg15[%swap3A_260] {strides = array<i32>} : memref<10000xf32, #tpu.memory_space<vmem>>, vector<16xf32>,
      tpu.vector_store %arg15[%swap3A_260], %scan3A_256 {strides = array<i32>} : memref<10000xf32, #tpu.memory_space<vmem>>, vector<16xf32>,
      %add3A_262 = arith.constant 16 : i32
      %add3A_263 = vector.broadcast %add3A_262 : i32 to vector<16xi32>
      %add3A_264 = arith.addi %add3A_263, %iota3A : vector<16xi32>
      %broadcast_in_dim3A_265 = arith.constant 0.000000e+00 : f32
      %broadcast_in_dim3A_266 = vector.broadcast %broadcast_in_dim3A_265 : f32 to vector<16xf32>
      %scan3A_267 = arith.constant 0 : i32
      %scan3A_268 = arith.constant 64 : i32
      %scan3A_269 = arith.addi %scan3A_267, %scan3A_268 : i32
      %scan3A_270 = arith.constant 8 : i32
      %scan3A_271 = scf.for %scan3A_322 = %scan3A_267 to %scan3A_269 step %scan3A_270 iter_args(%scan3A_323 = %broadcast_in_dim3A_266) -> (vector<16xf32>)  : i32 {
        %add3A_324 = vector.broadcast %scan3A_322 : i32 to vector<16xi32>
        %add3A_325 = arith.addi %iota3A, %add3A_324 : vector<16xi32>
        %and3A = arith.constant 63 : i32
        %and3A_326 = vector.broadcast %and3A : i32 to vector<16xi32>
        %and3A_327 = arith.andi %add3A_325, %and3A_326 : vector<16xi32>
        %gather3A = tpu.vector_load_idx %arg12[%add3A_264, %and3A_327] : memref<80x64xi32, #tpu.memory_space<vmem>>[vector<16xi32>, vector<16xi32>], vector<16xi32>,
        %bitcast3A = vector.bitcast %gather3A : vector<16xi32> to vector<32xbf16>
        %gather3A_328 = tpu.vector_load_idx %arg13[%add3A_264, %and3A_327] : memref<80x64xi32, #tpu.memory_space<vmem>>[vector<16xi32>, vector<16xi32>], vector<16xi32>,
        %bitcast3A_329 = vector.bitcast %gather3A_328 : vector<16xi32> to vector<32xbf16>
        %gather3A_330 = tpu.vector_load_idx %arg14[%add3A_264, %and3A_327] : memref<80x64xi32, #tpu.memory_space<vmem>>[vector<16xi32>, vector<16xi32>], vector<16xi32>,
        %bitcast3A_331 = vector.bitcast %gather3A_330 : vector<16xi32> to vector<32xbf16>
        %mul3A_332 = arith.mulf %bitcast3A, %bitcast3A_329 : vector<32xbf16>
        %mul3A_333 = arith.mulf %mul3A_332, %bitcast3A_331 : vector<32xbf16>
        %unpack3A = tpu.unpack_subelements %mul3A_333, 0 {pack_format = #tpu.pack_format<interleaved>} : vector<32xbf16> -> vector<16xf32>
        %unpack3A_334 = tpu.unpack_subelements %mul3A_333, 1 {pack_format = #tpu.pack_format<interleaved>} : vector<32xbf16> -> vector<16xf32>
        %add3A_335 = arith.addf %scan3A_323, %unpack3A : vector<16xf32>
        %add3A_336 = arith.addf %add3A_335, %unpack3A_334 : vector<16xf32>
        %scan3A_337 = arith.constant 1 : i32
        %scan3A_338 = arith.addi %scan3A_322, %scan3A_337 : i32
        %add3A_339 = vector.broadcast %scan3A_338 : i32 to vector<16xi32>
        %add3A_340 = arith.addi %iota3A, %add3A_339 : vector<16xi32>
        %and3A_341 = arith.constant 63 : i32
        %and3A_342 = vector.broadcast %and3A_341 : i32 to vector<16xi32>
        %and3A_343 = arith.andi %add3A_340, %and3A_342 : vector<16xi32>
        %gather3A_344 = tpu.vector_load_idx %arg12[%add3A_264, %and3A_343] : memref<80x64xi32, #tpu.memory_space<vmem>>[vector<16xi32>, vector<16xi32>], vector<16xi32>,
        %bitcast3A_345 = vector.bitcast %gather3A_344 : vector<16xi32> to vector<32xbf16>
        %gather3A_346 = tpu.vector_load_idx %arg13[%add3A_264, %and3A_343] : memref<80x64xi32, #tpu.memory_space<vmem>>[vector<16xi32>, vector<16xi32>], vector<16xi32>,
        %bitcast3A_347 = vector.bitcast %gather3A_346 : vector<16xi32> to vector<32xbf16>
        %gather3A_348 = tpu.vector_load_idx %arg14[%add3A_264, %and3A_343] : memref<80x64xi32, #tpu.memory_space<vmem>>[vector<16xi32>, vector<16xi32>], vector<16xi32>,
        %bitcast3A_349 = vector.bitcast %gather3A_348 : vector<16xi32> to vector<32xbf16>
        %mul3A_350 = arith.mulf %bitcast3A_345, %bitcast3A_347 : vector<32xbf16>
        %mul3A_351 = arith.mulf %mul3A_350, %bitcast3A_349 : vector<32xbf16>
        %unpack3A_352 = tpu.unpack_subelements %mul3A_351, 0 {pack_format = #tpu.pack_format<interleaved>} : vector<32xbf16> -> vector<16xf32>
        %unpack3A_353 = tpu.unpack_subelements %mul3A_351, 1 {pack_format = #tpu.pack_format<interleaved>} : vector<32xbf16> -> vector<16xf32>
        %add3A_354 = arith.addf %add3A_336, %unpack3A_352 : vector<16xf32>
        %add3A_355 = arith.addf %add3A_354, %unpack3A_353 : vector<16xf32>
        %scan3A_356 = arith.constant 2 : i32
        %scan3A_357 = arith.addi %scan3A_322, %scan3A_356 : i32
        %add3A_358 = vector.broadcast %scan3A_357 : i32 to vector<16xi32>
        %add3A_359 = arith.addi %iota3A, %add3A_358 : vector<16xi32>
        %and3A_360 = arith.constant 63 : i32
        %and3A_361 = vector.broadcast %and3A_360 : i32 to vector<16xi32>
        %and3A_362 = arith.andi %add3A_359, %and3A_361 : vector<16xi32>
        %gather3A_363 = tpu.vector_load_idx %arg12[%add3A_264, %and3A_362] : memref<80x64xi32, #tpu.memory_space<vmem>>[vector<16xi32>, vector<16xi32>], vector<16xi32>,
        %bitcast3A_364 = vector.bitcast %gather3A_363 : vector<16xi32> to vector<32xbf16>
        %gather3A_365 = tpu.vector_load_idx %arg13[%add3A_264, %and3A_362] : memref<80x64xi32, #tpu.memory_space<vmem>>[vector<16xi32>, vector<16xi32>], vector<16xi32>,
        %bitcast3A_366 = vector.bitcast %gather3A_365 : vector<16xi32> to vector<32xbf16>
        %gather3A_367 = tpu.vector_load_idx %arg14[%add3A_264, %and3A_362] : memref<80x64xi32, #tpu.memory_space<vmem>>[vector<16xi32>, vector<16xi32>], vector<16xi32>,
        %bitcast3A_368 = vector.bitcast %gather3A_367 : vector<16xi32> to vector<32xbf16>
        %mul3A_369 = arith.mulf %bitcast3A_364, %bitcast3A_366 : vector<32xbf16>
        %mul3A_370 = arith.mulf %mul3A_369, %bitcast3A_368 : vector<32xbf16>
        %unpack3A_371 = tpu.unpack_subelements %mul3A_370, 0 {pack_format = #tpu.pack_format<interleaved>} : vector<32xbf16> -> vector<16xf32>
        %unpack3A_372 = tpu.unpack_subelements %mul3A_370, 1 {pack_format = #tpu.pack_format<interleaved>} : vector<32xbf16> -> vector<16xf32>
        %add3A_373 = arith.addf %add3A_355, %unpack3A_371 : vector<16xf32>
        %add3A_374 = arith.addf %add3A_373, %unpack3A_372 : vector<16xf32>
        %scan3A_375 = arith.constant 3 : i32
        %scan3A_376 = arith.addi %scan3A_322, %scan3A_375 : i32
        %add3A_377 = vector.broadcast %scan3A_376 : i32 to vector<16xi32>
        %add3A_378 = arith.addi %iota3A, %add3A_377 : vector<16xi32>
        %and3A_379 = arith.constant 63 : i32
        %and3A_380 = vector.broadcast %and3A_379 : i32 to vector<16xi32>
        %and3A_381 = arith.andi %add3A_378, %and3A_380 : vector<16xi32>
        %gather3A_382 = tpu.vector_load_idx %arg12[%add3A_264, %and3A_381] : memref<80x64xi32, #tpu.memory_space<vmem>>[vector<16xi32>, vector<16xi32>], vector<16xi32>,
        %bitcast3A_383 = vector.bitcast %gather3A_382 : vector<16xi32> to vector<32xbf16>
        %gather3A_384 = tpu.vector_load_idx %arg13[%add3A_264, %and3A_381] : memref<80x64xi32, #tpu.memory_space<vmem>>[vector<16xi32>, vector<16xi32>], vector<16xi32>,
        %bitcast3A_385 = vector.bitcast %gather3A_384 : vector<16xi32> to vector<32xbf16>
        %gather3A_386 = tpu.vector_load_idx %arg14[%add3A_264, %and3A_381] : memref<80x64xi32, #tpu.memory_space<vmem>>[vector<16xi32>, vector<16xi32>], vector<16xi32>,
        %bitcast3A_387 = vector.bitcast %gather3A_386 : vector<16xi32> to vector<32xbf16>
        %mul3A_388 = arith.mulf %bitcast3A_383, %bitcast3A_385 : vector<32xbf16>
        %mul3A_389 = arith.mulf %mul3A_388, %bitcast3A_387 : vector<32xbf16>
        %unpack3A_390 = tpu.unpack_subelements %mul3A_389, 0 {pack_format = #tpu.pack_format<interleaved>} : vector<32xbf16> -> vector<16xf32>
        %unpack3A_391 = tpu.unpack_subelements %mul3A_389, 1 {pack_format = #tpu.pack_format<interleaved>} : vector<32xbf16> -> vector<16xf32>
        %add3A_392 = arith.addf %add3A_374, %unpack3A_390 : vector<16xf32>
        %add3A_393 = arith.addf %add3A_392, %unpack3A_391 : vector<16xf32>
        %scan3A_394 = arith.constant 4 : i32
        %scan3A_395 = arith.addi %scan3A_322, %scan3A_394 : i32
        %add3A_396 = vector.broadcast %scan3A_395 : i32 to vector<16xi32>
        %add3A_397 = arith.addi %iota3A, %add3A_396 : vector<16xi32>
        %and3A_398 = arith.constant 63 : i32
        %and3A_399 = vector.broadcast %and3A_398 : i32 to vector<16xi32>
        %and3A_400 = arith.andi %add3A_397, %and3A_399 : vector<16xi32>
        %gather3A_401 = tpu.vector_load_idx %arg12[%add3A_264, %and3A_400] : memref<80x64xi32, #tpu.memory_space<vmem>>[vector<16xi32>, vector<16xi32>], vector<16xi32>,
        %bitcast3A_402 = vector.bitcast %gather3A_401 : vector<16xi32> to vector<32xbf16>
        %gather3A_403 = tpu.vector_load_idx %arg13[%add3A_264, %and3A_400] : memref<80x64xi32, #tpu.memory_space<vmem>>[vector<16xi32>, vector<16xi32>], vector<16xi32>,
        %bitcast3A_404 = vector.bitcast %gather3A_403 : vector<16xi32> to vector<32xbf16>
        %gather3A_405 = tpu.vector_load_idx %arg14[%add3A_264, %and3A_400] : memref<80x64xi32, #tpu.memory_space<vmem>>[vector<16xi32>, vector<16xi32>], vector<16xi32>,
        %bitcast3A_406 = vector.bitcast %gather3A_405 : vector<16xi32> to vector<32xbf16>
        %mul3A_407 = arith.mulf %bitcast3A_402, %bitcast3A_404 : vector<32xbf16>
        %mul3A_408 = arith.mulf %mul3A_407, %bitcast3A_406 : vector<32xbf16>
        %unpack3A_409 = tpu.unpack_subelements %mul3A_408, 0 {pack_format = #tpu.pack_format<interleaved>} : vector<32xbf16> -> vector<16xf32>
        %unpack3A_410 = tpu.unpack_subelements %mul3A_408, 1 {pack_format = #tpu.pack_format<interleaved>} : vector<32xbf16> -> vector<16xf32>
        %add3A_411 = arith.addf %add3A_393, %unpack3A_409 : vector<16xf32>
        %add3A_412 = arith.addf %add3A_411, %unpack3A_410 : vector<16xf32>
        %scan3A_413 = arith.constant 5 : i32
        %scan3A_414 = arith.addi %scan3A_322, %scan3A_413 : i32
        %add3A_415 = vector.broadcast %scan3A_414 : i32 to vector<16xi32>
        %add3A_416 = arith.addi %iota3A, %add3A_415 : vector<16xi32>
        %and3A_417 = arith.constant 63 : i32
        %and3A_418 = vector.broadcast %and3A_417 : i32 to vector<16xi32>
        %and3A_419 = arith.andi %add3A_416, %and3A_418 : vector<16xi32>
        %gather3A_420 = tpu.vector_load_idx %arg12[%add3A_264, %and3A_419] : memref<80x64xi32, #tpu.memory_space<vmem>>[vector<16xi32>, vector<16xi32>], vector<16xi32>,
        %bitcast3A_421 = vector.bitcast %gather3A_420 : vector<16xi32> to vector<32xbf16>
        %gather3A_422 = tpu.vector_load_idx %arg13[%add3A_264, %and3A_419] : memref<80x64xi32, #tpu.memory_space<vmem>>[vector<16xi32>, vector<16xi32>], vector<16xi32>,
        %bitcast3A_423 = vector.bitcast %gather3A_422 : vector<16xi32> to vector<32xbf16>
        %gather3A_424 = tpu.vector_load_idx %arg14[%add3A_264, %and3A_419] : memref<80x64xi32, #tpu.memory_space<vmem>>[vector<16xi32>, vector<16xi32>], vector<16xi32>,
        %bitcast3A_425 = vector.bitcast %gather3A_424 : vector<16xi32> to vector<32xbf16>
        %mul3A_426 = arith.mulf %bitcast3A_421, %bitcast3A_423 : vector<32xbf16>
        %mul3A_427 = arith.mulf %mul3A_426, %bitcast3A_425 : vector<32xbf16>
        %unpack3A_428 = tpu.unpack_subelements %mul3A_427, 0 {pack_format = #tpu.pack_format<interleaved>} : vector<32xbf16> -> vector<16xf32>
        %unpack3A_429 = tpu.unpack_subelements %mul3A_427, 1 {pack_format = #tpu.pack_format<interleaved>} : vector<32xbf16> -> vector<16xf32>
        %add3A_430 = arith.addf %add3A_412, %unpack3A_428 : vector<16xf32>
        %add3A_431 = arith.addf %add3A_430, %unpack3A_429 : vector<16xf32>
        %scan3A_432 = arith.constant 6 : i32
        %scan3A_433 = arith.addi %scan3A_322, %scan3A_432 : i32
        %add3A_434 = vector.broadcast %scan3A_433 : i32 to vector<16xi32>
        %add3A_435 = arith.addi %iota3A, %add3A_434 : vector<16xi32>
        %and3A_436 = arith.constant 63 : i32
        %and3A_437 = vector.broadcast %and3A_436 : i32 to vector<16xi32>
        %and3A_438 = arith.andi %add3A_435, %and3A_437 : vector<16xi32>
        %gather3A_439 = tpu.vector_load_idx %arg12[%add3A_264, %and3A_438] : memref<80x64xi32, #tpu.memory_space<vmem>>[vector<16xi32>, vector<16xi32>], vector<16xi32>,
        %bitcast3A_440 = vector.bitcast %gather3A_439 : vector<16xi32> to vector<32xbf16>
        %gather3A_441 = tpu.vector_load_idx %arg13[%add3A_264, %and3A_438] : memref<80x64xi32, #tpu.memory_space<vmem>>[vector<16xi32>, vector<16xi32>], vector<16xi32>,
        %bitcast3A_442 = vector.bitcast %gather3A_441 : vector<16xi32> to vector<32xbf16>
        %gather3A_443 = tpu.vector_load_idx %arg14[%add3A_264, %and3A_438] : memref<80x64xi32, #tpu.memory_space<vmem>>[vector<16xi32>, vector<16xi32>], vector<16xi32>,
        %bitcast3A_444 = vector.bitcast %gather3A_443 : vector<16xi32> to vector<32xbf16>
        %mul3A_445 = arith.mulf %bitcast3A_440, %bitcast3A_442 : vector<32xbf16>
        %mul3A_446 = arith.mulf %mul3A_445, %bitcast3A_444 : vector<32xbf16>
        %unpack3A_447 = tpu.unpack_subelements %mul3A_446, 0 {pack_format = #tpu.pack_format<interleaved>} : vector<32xbf16> -> vector<16xf32>
        %unpack3A_448 = tpu.unpack_subelements %mul3A_446, 1 {pack_format = #tpu.pack_format<interleaved>} : vector<32xbf16> -> vector<16xf32>
        %add3A_449 = arith.addf %add3A_431, %unpack3A_447 : vector<16xf32>
        %add3A_450 = arith.addf %add3A_449, %unpack3A_448 : vector<16xf32>
        %scan3A_451 = arith.constant 7 : i32
        %scan3A_452 = arith.addi %scan3A_322, %scan3A_451 : i32
        %add3A_453 = vector.broadcast %scan3A_452 : i32 to vector<16xi32>
        %add3A_454 = arith.addi %iota3A, %add3A_453 : vector<16xi32>
        %and3A_455 = arith.constant 63 : i32
        %and3A_456 = vector.broadcast %and3A_455 : i32 to vector<16xi32>
        %and3A_457 = arith.andi %add3A_454, %and3A_456 : vector<16xi32>
        %gather3A_458 = tpu.vector_load_idx %arg12[%add3A_264, %and3A_457] : memref<80x64xi32, #tpu.memory_space<vmem>>[vector<16xi32>, vector<16xi32>], vector<16xi32>,
        %bitcast3A_459 = vector.bitcast %gather3A_458 : vector<16xi32> to vector<32xbf16>
        %gather3A_460 = tpu.vector_load_idx %arg13[%add3A_264, %and3A_457] : memref<80x64xi32, #tpu.memory_space<vmem>>[vector<16xi32>, vector<16xi32>], vector<16xi32>,
        %bitcast3A_461 = vector.bitcast %gather3A_460 : vector<16xi32> to vector<32xbf16>
        %gather3A_462 = tpu.vector_load_idx %arg14[%add3A_264, %and3A_457] : memref<80x64xi32, #tpu.memory_space<vmem>>[vector<16xi32>, vector<16xi32>], vector<16xi32>,
        %bitcast3A_463 = vector.bitcast %gather3A_462 : vector<16xi32> to vector<32xbf16>
        %mul3A_464 = arith.mulf %bitcast3A_459, %bitcast3A_461 : vector<32xbf16>
        %mul3A_465 = arith.mulf %mul3A_464, %bitcast3A_463 : vector<32xbf16>
        %unpack3A_466 = tpu.unpack_subelements %mul3A_465, 0 {pack_format = #tpu.pack_format<interleaved>} : vector<32xbf16> -> vector<16xf32>
        %unpack3A_467 = tpu.unpack_subelements %mul3A_465, 1 {pack_format = #tpu.pack_format<interleaved>} : vector<32xbf16> -> vector<16xf32>
        %add3A_468 = arith.addf %add3A_450, %unpack3A_466 : vector<16xf32>
        %add3A_469 = arith.addf %add3A_468, %unpack3A_467 : vector<16xf32>
        scf.yield %add3A_469 : vector<16xf32>
      }
      %scan3A_272 = arith.constant 64 : i32
      %add3A_273 = arith.constant 16 : i32
      %add3A_274 = arith.addi %mul3A_246, %add3A_273 : i32
      %swap3A_275 = arith.index_cast %add3A_274 : i32 to index
      %swap3A_276 = tpu.vector_load %arg15[%swap3A_275] {strides = array<i32>} : memref<10000xf32, #tpu.memory_space<vmem>>, vector<16xf32>,
      tpu.vector_store %arg15[%swap3A_275], %scan3A_271 {strides = array<i32>} : memref<10000xf32, #tpu.memory_space<vmem>>, vector<16xf32>,
      %add3A_277 = arith.constant 32 : i32
      %add3A_278 = vector.broadcast %add3A_277 : i32 to vector<16xi32>
      %add3A_279 = arith.addi %add3A_278, %iota3A : vector<16xi32>
      %broadcast_in_dim3A_280 = arith.constant 0.000000e+00 : f32
      %broadcast_in_dim3A_281 = vector.broadcast %broadcast_in_dim3A_280 : f32 to vector<16xf32>
      %scan3A_282 = arith.constant 0 : i32
      %scan3A_283 = arith.constant 64 : i32
      %scan3A_284 = arith.addi %scan3A_282, %scan3A_283 : i32
      %scan3A_285 = arith.constant 8 : i32
      %scan3A_286 = scf.for %scan3A_322 = %scan3A_282 to %scan3A_284 step %scan3A_285 iter_args(%scan3A_323 = %broadcast_in_dim3A_281) -> (vector<16xf32>)  : i32 {
        %add3A_324 = vector.broadcast %scan3A_322 : i32 to vector<16xi32>
        %add3A_325 = arith.addi %iota3A, %add3A_324 : vector<16xi32>
        %and3A = arith.constant 63 : i32
        %and3A_326 = vector.broadcast %and3A : i32 to vector<16xi32>
        %and3A_327 = arith.andi %add3A_325, %and3A_326 : vector<16xi32>
        %gather3A = tpu.vector_load_idx %arg12[%add3A_279, %and3A_327] : memref<80x64xi32, #tpu.memory_space<vmem>>[vector<16xi32>, vector<16xi32>], vector<16xi32>,
        %bitcast3A = vector.bitcast %gather3A : vector<16xi32> to vector<32xbf16>
        %gather3A_328 = tpu.vector_load_idx %arg13[%add3A_279, %and3A_327] : memref<80x64xi32, #tpu.memory_space<vmem>>[vector<16xi32>, vector<16xi32>], vector<16xi32>,
        %bitcast3A_329 = vector.bitcast %gather3A_328 : vector<16xi32> to vector<32xbf16>
        %gather3A_330 = tpu.vector_load_idx %arg14[%add3A_279, %and3A_327] : memref<80x64xi32, #tpu.memory_space<vmem>>[vector<16xi32>, vector<16xi32>], vector<16xi32>,
        %bitcast3A_331 = vector.bitcast %gather3A_330 : vector<16xi32> to vector<32xbf16>
        %mul3A_332 = arith.mulf %bitcast3A, %bitcast3A_329 : vector<32xbf16>
        %mul3A_333 = arith.mulf %mul3A_332, %bitcast3A_331 : vector<32xbf16>
        %unpack3A = tpu.unpack_subelements %mul3A_333, 0 {pack_format = #tpu.pack_format<interleaved>} : vector<32xbf16> -> vector<16xf32>
        %unpack3A_334 = tpu.unpack_subelements %mul3A_333, 1 {pack_format = #tpu.pack_format<interleaved>} : vector<32xbf16> -> vector<16xf32>
        %add3A_335 = arith.addf %scan3A_323, %unpack3A : vector<16xf32>
        %add3A_336 = arith.addf %add3A_335, %unpack3A_334 : vector<16xf32>
        %scan3A_337 = arith.constant 1 : i32
        %scan3A_338 = arith.addi %scan3A_322, %scan3A_337 : i32
        %add3A_339 = vector.broadcast %scan3A_338 : i32 to vector<16xi32>
        %add3A_340 = arith.addi %iota3A, %add3A_339 : vector<16xi32>
        %and3A_341 = arith.constant 63 : i32
        %and3A_342 = vector.broadcast %and3A_341 : i32 to vector<16xi32>
        %and3A_343 = arith.andi %add3A_340, %and3A_342 : vector<16xi32>
        %gather3A_344 = tpu.vector_load_idx %arg12[%add3A_279, %and3A_343] : memref<80x64xi32, #tpu.memory_space<vmem>>[vector<16xi32>, vector<16xi32>], vector<16xi32>,
        %bitcast3A_345 = vector.bitcast %gather3A_344 : vector<16xi32> to vector<32xbf16>
        %gather3A_346 = tpu.vector_load_idx %arg13[%add3A_279, %and3A_343] : memref<80x64xi32, #tpu.memory_space<vmem>>[vector<16xi32>, vector<16xi32>], vector<16xi32>,
        %bitcast3A_347 = vector.bitcast %gather3A_346 : vector<16xi32> to vector<32xbf16>
        %gather3A_348 = tpu.vector_load_idx %arg14[%add3A_279, %and3A_343] : memref<80x64xi32, #tpu.memory_space<vmem>>[vector<16xi32>, vector<16xi32>], vector<16xi32>,
        %bitcast3A_349 = vector.bitcast %gather3A_348 : vector<16xi32> to vector<32xbf16>
        %mul3A_350 = arith.mulf %bitcast3A_345, %bitcast3A_347 : vector<32xbf16>
        %mul3A_351 = arith.mulf %mul3A_350, %bitcast3A_349 : vector<32xbf16>
        %unpack3A_352 = tpu.unpack_subelements %mul3A_351, 0 {pack_format = #tpu.pack_format<interleaved>} : vector<32xbf16> -> vector<16xf32>
        %unpack3A_353 = tpu.unpack_subelements %mul3A_351, 1 {pack_format = #tpu.pack_format<interleaved>} : vector<32xbf16> -> vector<16xf32>
        %add3A_354 = arith.addf %add3A_336, %unpack3A_352 : vector<16xf32>
        %add3A_355 = arith.addf %add3A_354, %unpack3A_353 : vector<16xf32>
        %scan3A_356 = arith.constant 2 : i32
        %scan3A_357 = arith.addi %scan3A_322, %scan3A_356 : i32
        %add3A_358 = vector.broadcast %scan3A_357 : i32 to vector<16xi32>
        %add3A_359 = arith.addi %iota3A, %add3A_358 : vector<16xi32>
        %and3A_360 = arith.constant 63 : i32
        %and3A_361 = vector.broadcast %and3A_360 : i32 to vector<16xi32>
        %and3A_362 = arith.andi %add3A_359, %and3A_361 : vector<16xi32>
        %gather3A_363 = tpu.vector_load_idx %arg12[%add3A_279, %and3A_362] : memref<80x64xi32, #tpu.memory_space<vmem>>[vector<16xi32>, vector<16xi32>], vector<16xi32>,
        %bitcast3A_364 = vector.bitcast %gather3A_363 : vector<16xi32> to vector<32xbf16>
        %gather3A_365 = tpu.vector_load_idx %arg13[%add3A_279, %and3A_362] : memref<80x64xi32, #tpu.memory_space<vmem>>[vector<16xi32>, vector<16xi32>], vector<16xi32>,
        %bitcast3A_366 = vector.bitcast %gather3A_365 : vector<16xi32> to vector<32xbf16>
        %gather3A_367 = tpu.vector_load_idx %arg14[%add3A_279, %and3A_362] : memref<80x64xi32, #tpu.memory_space<vmem>>[vector<16xi32>, vector<16xi32>], vector<16xi32>,
        %bitcast3A_368 = vector.bitcast %gather3A_367 : vector<16xi32> to vector<32xbf16>
        %mul3A_369 = arith.mulf %bitcast3A_364, %bitcast3A_366 : vector<32xbf16>
        %mul3A_370 = arith.mulf %mul3A_369, %bitcast3A_368 : vector<32xbf16>
        %unpack3A_371 = tpu.unpack_subelements %mul3A_370, 0 {pack_format = #tpu.pack_format<interleaved>} : vector<32xbf16> -> vector<16xf32>
        %unpack3A_372 = tpu.unpack_subelements %mul3A_370, 1 {pack_format = #tpu.pack_format<interleaved>} : vector<32xbf16> -> vector<16xf32>
        %add3A_373 = arith.addf %add3A_355, %unpack3A_371 : vector<16xf32>
        %add3A_374 = arith.addf %add3A_373, %unpack3A_372 : vector<16xf32>
        %scan3A_375 = arith.constant 3 : i32
        %scan3A_376 = arith.addi %scan3A_322, %scan3A_375 : i32
        %add3A_377 = vector.broadcast %scan3A_376 : i32 to vector<16xi32>
        %add3A_378 = arith.addi %iota3A, %add3A_377 : vector<16xi32>
        %and3A_379 = arith.constant 63 : i32
        %and3A_380 = vector.broadcast %and3A_379 : i32 to vector<16xi32>
        %and3A_381 = arith.andi %add3A_378, %and3A_380 : vector<16xi32>
        %gather3A_382 = tpu.vector_load_idx %arg12[%add3A_279, %and3A_381] : memref<80x64xi32, #tpu.memory_space<vmem>>[vector<16xi32>, vector<16xi32>], vector<16xi32>,
        %bitcast3A_383 = vector.bitcast %gather3A_382 : vector<16xi32> to vector<32xbf16>
        %gather3A_384 = tpu.vector_load_idx %arg13[%add3A_279, %and3A_381] : memref<80x64xi32, #tpu.memory_space<vmem>>[vector<16xi32>, vector<16xi32>], vector<16xi32>,
        %bitcast3A_385 = vector.bitcast %gather3A_384 : vector<16xi32> to vector<32xbf16>
        %gather3A_386 = tpu.vector_load_idx %arg14[%add3A_279, %and3A_381] : memref<80x64xi32, #tpu.memory_space<vmem>>[vector<16xi32>, vector<16xi32>], vector<16xi32>,
        %bitcast3A_387 = vector.bitcast %gather3A_386 : vector<16xi32> to vector<32xbf16>
        %mul3A_388 = arith.mulf %bitcast3A_383, %bitcast3A_385 : vector<32xbf16>
        %mul3A_389 = arith.mulf %mul3A_388, %bitcast3A_387 : vector<32xbf16>
        %unpack3A_390 = tpu.unpack_subelements %mul3A_389, 0 {pack_format = #tpu.pack_format<interleaved>} : vector<32xbf16> -> vector<16xf32>
        %unpack3A_391 = tpu.unpack_subelements %mul3A_389, 1 {pack_format = #tpu.pack_format<interleaved>} : vector<32xbf16> -> vector<16xf32>
        %add3A_392 = arith.addf %add3A_374, %unpack3A_390 : vector<16xf32>
        %add3A_393 = arith.addf %add3A_392, %unpack3A_391 : vector<16xf32>
        %scan3A_394 = arith.constant 4 : i32
        %scan3A_395 = arith.addi %scan3A_322, %scan3A_394 : i32
        %add3A_396 = vector.broadcast %scan3A_395 : i32 to vector<16xi32>
        %add3A_397 = arith.addi %iota3A, %add3A_396 : vector<16xi32>
        %and3A_398 = arith.constant 63 : i32
        %and3A_399 = vector.broadcast %and3A_398 : i32 to vector<16xi32>
        %and3A_400 = arith.andi %add3A_397, %and3A_399 : vector<16xi32>
        %gather3A_401 = tpu.vector_load_idx %arg12[%add3A_279, %and3A_400] : memref<80x64xi32, #tpu.memory_space<vmem>>[vector<16xi32>, vector<16xi32>], vector<16xi32>,
        %bitcast3A_402 = vector.bitcast %gather3A_401 : vector<16xi32> to vector<32xbf16>
        %gather3A_403 = tpu.vector_load_idx %arg13[%add3A_279, %and3A_400] : memref<80x64xi32, #tpu.memory_space<vmem>>[vector<16xi32>, vector<16xi32>], vector<16xi32>,
        %bitcast3A_404 = vector.bitcast %gather3A_403 : vector<16xi32> to vector<32xbf16>
        %gather3A_405 = tpu.vector_load_idx %arg14[%add3A_279, %and3A_400] : memref<80x64xi32, #tpu.memory_space<vmem>>[vector<16xi32>, vector<16xi32>], vector<16xi32>,
        %bitcast3A_406 = vector.bitcast %gather3A_405 : vector<16xi32> to vector<32xbf16>
        %mul3A_407 = arith.mulf %bitcast3A_402, %bitcast3A_404 : vector<32xbf16>
        %mul3A_408 = arith.mulf %mul3A_407, %bitcast3A_406 : vector<32xbf16>
        %unpack3A_409 = tpu.unpack_subelements %mul3A_408, 0 {pack_format = #tpu.pack_format<interleaved>} : vector<32xbf16> -> vector<16xf32>
        %unpack3A_410 = tpu.unpack_subelements %mul3A_408, 1 {pack_format = #tpu.pack_format<interleaved>} : vector<32xbf16> -> vector<16xf32>
        %add3A_411 = arith.addf %add3A_393, %unpack3A_409 : vector<16xf32>
        %add3A_412 = arith.addf %add3A_411, %unpack3A_410 : vector<16xf32>
        %scan3A_413 = arith.constant 5 : i32
        %scan3A_414 = arith.addi %scan3A_322, %scan3A_413 : i32
        %add3A_415 = vector.broadcast %scan3A_414 : i32 to vector<16xi32>
        %add3A_416 = arith.addi %iota3A, %add3A_415 : vector<16xi32>
        %and3A_417 = arith.constant 63 : i32
        %and3A_418 = vector.broadcast %and3A_417 : i32 to vector<16xi32>
        %and3A_419 = arith.andi %add3A_416, %and3A_418 : vector<16xi32>
        %gather3A_420 = tpu.vector_load_idx %arg12[%add3A_279, %and3A_419] : memref<80x64xi32, #tpu.memory_space<vmem>>[vector<16xi32>, vector<16xi32>], vector<16xi32>,
        %bitcast3A_421 = vector.bitcast %gather3A_420 : vector<16xi32> to vector<32xbf16>
        %gather3A_422 = tpu.vector_load_idx %arg13[%add3A_279, %and3A_419] : memref<80x64xi32, #tpu.memory_space<vmem>>[vector<16xi32>, vector<16xi32>], vector<16xi32>,
        %bitcast3A_423 = vector.bitcast %gather3A_422 : vector<16xi32> to vector<32xbf16>
        %gather3A_424 = tpu.vector_load_idx %arg14[%add3A_279, %and3A_419] : memref<80x64xi32, #tpu.memory_space<vmem>>[vector<16xi32>, vector<16xi32>], vector<16xi32>,
        %bitcast3A_425 = vector.bitcast %gather3A_424 : vector<16xi32> to vector<32xbf16>
        %mul3A_426 = arith.mulf %bitcast3A_421, %bitcast3A_423 : vector<32xbf16>
        %mul3A_427 = arith.mulf %mul3A_426, %bitcast3A_425 : vector<32xbf16>
        %unpack3A_428 = tpu.unpack_subelements %mul3A_427, 0 {pack_format = #tpu.pack_format<interleaved>} : vector<32xbf16> -> vector<16xf32>
        %unpack3A_429 = tpu.unpack_subelements %mul3A_427, 1 {pack_format = #tpu.pack_format<interleaved>} : vector<32xbf16> -> vector<16xf32>
        %add3A_430 = arith.addf %add3A_412, %unpack3A_428 : vector<16xf32>
        %add3A_431 = arith.addf %add3A_430, %unpack3A_429 : vector<16xf32>
        %scan3A_432 = arith.constant 6 : i32
        %scan3A_433 = arith.addi %scan3A_322, %scan3A_432 : i32
        %add3A_434 = vector.broadcast %scan3A_433 : i32 to vector<16xi32>
        %add3A_435 = arith.addi %iota3A, %add3A_434 : vector<16xi32>
        %and3A_436 = arith.constant 63 : i32
        %and3A_437 = vector.broadcast %and3A_436 : i32 to vector<16xi32>
        %and3A_438 = arith.andi %add3A_435, %and3A_437 : vector<16xi32>
        %gather3A_439 = tpu.vector_load_idx %arg12[%add3A_279, %and3A_438] : memref<80x64xi32, #tpu.memory_space<vmem>>[vector<16xi32>, vector<16xi32>], vector<16xi32>,
        %bitcast3A_440 = vector.bitcast %gather3A_439 : vector<16xi32> to vector<32xbf16>
        %gather3A_441 = tpu.vector_load_idx %arg13[%add3A_279, %and3A_438] : memref<80x64xi32, #tpu.memory_space<vmem>>[vector<16xi32>, vector<16xi32>], vector<16xi32>,
        %bitcast3A_442 = vector.bitcast %gather3A_441 : vector<16xi32> to vector<32xbf16>
        %gather3A_443 = tpu.vector_load_idx %arg14[%add3A_279, %and3A_438] : memref<80x64xi32, #tpu.memory_space<vmem>>[vector<16xi32>, vector<16xi32>], vector<16xi32>,
        %bitcast3A_444 = vector.bitcast %gather3A_443 : vector<16xi32> to vector<32xbf16>
        %mul3A_445 = arith.mulf %bitcast3A_440, %bitcast3A_442 : vector<32xbf16>
        %mul3A_446 = arith.mulf %mul3A_445, %bitcast3A_444 : vector<32xbf16>
        %unpack3A_447 = tpu.unpack_subelements %mul3A_446, 0 {pack_format = #tpu.pack_format<interleaved>} : vector<32xbf16> -> vector<16xf32>
        %unpack3A_448 = tpu.unpack_subelements %mul3A_446, 1 {pack_format = #tpu.pack_format<interleaved>} : vector<32xbf16> -> vector<16xf32>
        %add3A_449 = arith.addf %add3A_431, %unpack3A_447 : vector<16xf32>
        %add3A_450 = arith.addf %add3A_449, %unpack3A_448 : vector<16xf32>
        %scan3A_451 = arith.constant 7 : i32
        %scan3A_452 = arith.addi %scan3A_322, %scan3A_451 : i32
        %add3A_453 = vector.broadcast %scan3A_452 : i32 to vector<16xi32>
        %add3A_454 = arith.addi %iota3A, %add3A_453 : vector<16xi32>
        %and3A_455 = arith.constant 63 : i32
        %and3A_456 = vector.broadcast %and3A_455 : i32 to vector<16xi32>
        %and3A_457 = arith.andi %add3A_454, %and3A_456 : vector<16xi32>
        %gather3A_458 = tpu.vector_load_idx %arg12[%add3A_279, %and3A_457] : memref<80x64xi32, #tpu.memory_space<vmem>>[vector<16xi32>, vector<16xi32>], vector<16xi32>,
        %bitcast3A_459 = vector.bitcast %gather3A_458 : vector<16xi32> to vector<32xbf16>
        %gather3A_460 = tpu.vector_load_idx %arg13[%add3A_279, %and3A_457] : memref<80x64xi32, #tpu.memory_space<vmem>>[vector<16xi32>, vector<16xi32>], vector<16xi32>,
        %bitcast3A_461 = vector.bitcast %gather3A_460 : vector<16xi32> to vector<32xbf16>
        %gather3A_462 = tpu.vector_load_idx %arg14[%add3A_279, %and3A_457] : memref<80x64xi32, #tpu.memory_space<vmem>>[vector<16xi32>, vector<16xi32>], vector<16xi32>,
        %bitcast3A_463 = vector.bitcast %gather3A_462 : vector<16xi32> to vector<32xbf16>
        %mul3A_464 = arith.mulf %bitcast3A_459, %bitcast3A_461 : vector<32xbf16>
        %mul3A_465 = arith.mulf %mul3A_464, %bitcast3A_463 : vector<32xbf16>
        %unpack3A_466 = tpu.unpack_subelements %mul3A_465, 0 {pack_format = #tpu.pack_format<interleaved>} : vector<32xbf16> -> vector<16xf32>
        %unpack3A_467 = tpu.unpack_subelements %mul3A_465, 1 {pack_format = #tpu.pack_format<interleaved>} : vector<32xbf16> -> vector<16xf32>
        %add3A_468 = arith.addf %add3A_450, %unpack3A_466 : vector<16xf32>
        %add3A_469 = arith.addf %add3A_468, %unpack3A_467 : vector<16xf32>
        scf.yield %add3A_469 : vector<16xf32>
      }
      %scan3A_287 = arith.constant 64 : i32
      %add3A_288 = arith.constant 32 : i32
      %add3A_289 = arith.addi %mul3A_246, %add3A_288 : i32
      %swap3A_290 = arith.index_cast %add3A_289 : i32 to index
      %swap3A_291 = tpu.vector_load %arg15[%swap3A_290] {strides = array<i32>} : memref<10000xf32, #tpu.memory_space<vmem>>, vector<16xf32>,
      tpu.vector_store %arg15[%swap3A_290], %scan3A_286 {strides = array<i32>} : memref<10000xf32, #tpu.memory_space<vmem>>, vector<16xf32>,
      %add3A_292 = arith.constant 48 : i32
      %add3A_293 = vector.broadcast %add3A_292 : i32 to vector<16xi32>
      %add3A_294 = arith.addi %add3A_293, %iota3A : vector<16xi32>
      %broadcast_in_dim3A_295 = arith.constant 0.000000e+00 : f32
      %broadcast_in_dim3A_296 = vector.broadcast %broadcast_in_dim3A_295 : f32 to vector<16xf32>
      %scan3A_297 = arith.constant 0 : i32
      %scan3A_298 = arith.constant 64 : i32
      %scan3A_299 = arith.addi %scan3A_297, %scan3A_298 : i32
      %scan3A_300 = arith.constant 8 : i32
      %scan3A_301 = scf.for %scan3A_322 = %scan3A_297 to %scan3A_299 step %scan3A_300 iter_args(%scan3A_323 = %broadcast_in_dim3A_296) -> (vector<16xf32>)  : i32 {
        %add3A_324 = vector.broadcast %scan3A_322 : i32 to vector<16xi32>
        %add3A_325 = arith.addi %iota3A, %add3A_324 : vector<16xi32>
        %and3A = arith.constant 63 : i32
        %and3A_326 = vector.broadcast %and3A : i32 to vector<16xi32>
        %and3A_327 = arith.andi %add3A_325, %and3A_326 : vector<16xi32>
        %gather3A = tpu.vector_load_idx %arg12[%add3A_294, %and3A_327] : memref<80x64xi32, #tpu.memory_space<vmem>>[vector<16xi32>, vector<16xi32>], vector<16xi32>,
        %bitcast3A = vector.bitcast %gather3A : vector<16xi32> to vector<32xbf16>
        %gather3A_328 = tpu.vector_load_idx %arg13[%add3A_294, %and3A_327] : memref<80x64xi32, #tpu.memory_space<vmem>>[vector<16xi32>, vector<16xi32>], vector<16xi32>,
        %bitcast3A_329 = vector.bitcast %gather3A_328 : vector<16xi32> to vector<32xbf16>
        %gather3A_330 = tpu.vector_load_idx %arg14[%add3A_294, %and3A_327] : memref<80x64xi32, #tpu.memory_space<vmem>>[vector<16xi32>, vector<16xi32>], vector<16xi32>,
        %bitcast3A_331 = vector.bitcast %gather3A_330 : vector<16xi32> to vector<32xbf16>
        %mul3A_332 = arith.mulf %bitcast3A, %bitcast3A_329 : vector<32xbf16>
        %mul3A_333 = arith.mulf %mul3A_332, %bitcast3A_331 : vector<32xbf16>
        %unpack3A = tpu.unpack_subelements %mul3A_333, 0 {pack_format = #tpu.pack_format<interleaved>} : vector<32xbf16> -> vector<16xf32>
        %unpack3A_334 = tpu.unpack_subelements %mul3A_333, 1 {pack_format = #tpu.pack_format<interleaved>} : vector<32xbf16> -> vector<16xf32>
        %add3A_335 = arith.addf %scan3A_323, %unpack3A : vector<16xf32>
        %add3A_336 = arith.addf %add3A_335, %unpack3A_334 : vector<16xf32>
        %scan3A_337 = arith.constant 1 : i32
        %scan3A_338 = arith.addi %scan3A_322, %scan3A_337 : i32
        %add3A_339 = vector.broadcast %scan3A_338 : i32 to vector<16xi32>
        %add3A_340 = arith.addi %iota3A, %add3A_339 : vector<16xi32>
        %and3A_341 = arith.constant 63 : i32
        %and3A_342 = vector.broadcast %and3A_341 : i32 to vector<16xi32>
        %and3A_343 = arith.andi %add3A_340, %and3A_342 : vector<16xi32>
        %gather3A_344 = tpu.vector_load_idx %arg12[%add3A_294, %and3A_343] : memref<80x64xi32, #tpu.memory_space<vmem>>[vector<16xi32>, vector<16xi32>], vector<16xi32>,
        %bitcast3A_345 = vector.bitcast %gather3A_344 : vector<16xi32> to vector<32xbf16>
        %gather3A_346 = tpu.vector_load_idx %arg13[%add3A_294, %and3A_343] : memref<80x64xi32, #tpu.memory_space<vmem>>[vector<16xi32>, vector<16xi32>], vector<16xi32>,
        %bitcast3A_347 = vector.bitcast %gather3A_346 : vector<16xi32> to vector<32xbf16>
        %gather3A_348 = tpu.vector_load_idx %arg14[%add3A_294, %and3A_343] : memref<80x64xi32, #tpu.memory_space<vmem>>[vector<16xi32>, vector<16xi32>], vector<16xi32>,
        %bitcast3A_349 = vector.bitcast %gather3A_348 : vector<16xi32> to vector<32xbf16>
        %mul3A_350 = arith.mulf %bitcast3A_345, %bitcast3A_347 : vector<32xbf16>
        %mul3A_351 = arith.mulf %mul3A_350, %bitcast3A_349 : vector<32xbf16>
        %unpack3A_352 = tpu.unpack_subelements %mul3A_351, 0 {pack_format = #tpu.pack_format<interleaved>} : vector<32xbf16> -> vector<16xf32>
        %unpack3A_353 = tpu.unpack_subelements %mul3A_351, 1 {pack_format = #tpu.pack_format<interleaved>} : vector<32xbf16> -> vector<16xf32>
        %add3A_354 = arith.addf %add3A_336, %unpack3A_352 : vector<16xf32>
        %add3A_355 = arith.addf %add3A_354, %unpack3A_353 : vector<16xf32>
        %scan3A_356 = arith.constant 2 : i32
        %scan3A_357 = arith.addi %scan3A_322, %scan3A_356 : i32
        %add3A_358 = vector.broadcast %scan3A_357 : i32 to vector<16xi32>
        %add3A_359 = arith.addi %iota3A, %add3A_358 : vector<16xi32>
        %and3A_360 = arith.constant 63 : i32
        %and3A_361 = vector.broadcast %and3A_360 : i32 to vector<16xi32>
        %and3A_362 = arith.andi %add3A_359, %and3A_361 : vector<16xi32>
        %gather3A_363 = tpu.vector_load_idx %arg12[%add3A_294, %and3A_362] : memref<80x64xi32, #tpu.memory_space<vmem>>[vector<16xi32>, vector<16xi32>], vector<16xi32>,
        %bitcast3A_364 = vector.bitcast %gather3A_363 : vector<16xi32> to vector<32xbf16>
        %gather3A_365 = tpu.vector_load_idx %arg13[%add3A_294, %and3A_362] : memref<80x64xi32, #tpu.memory_space<vmem>>[vector<16xi32>, vector<16xi32>], vector<16xi32>,
        %bitcast3A_366 = vector.bitcast %gather3A_365 : vector<16xi32> to vector<32xbf16>
        %gather3A_367 = tpu.vector_load_idx %arg14[%add3A_294, %and3A_362] : memref<80x64xi32, #tpu.memory_space<vmem>>[vector<16xi32>, vector<16xi32>], vector<16xi32>,
        %bitcast3A_368 = vector.bitcast %gather3A_367 : vector<16xi32> to vector<32xbf16>
        %mul3A_369 = arith.mulf %bitcast3A_364, %bitcast3A_366 : vector<32xbf16>
        %mul3A_370 = arith.mulf %mul3A_369, %bitcast3A_368 : vector<32xbf16>
        %unpack3A_371 = tpu.unpack_subelements %mul3A_370, 0 {pack_format = #tpu.pack_format<interleaved>} : vector<32xbf16> -> vector<16xf32>
        %unpack3A_372 = tpu.unpack_subelements %mul3A_370, 1 {pack_format = #tpu.pack_format<interleaved>} : vector<32xbf16> -> vector<16xf32>
        %add3A_373 = arith.addf %add3A_355, %unpack3A_371 : vector<16xf32>
        %add3A_374 = arith.addf %add3A_373, %unpack3A_372 : vector<16xf32>
        %scan3A_375 = arith.constant 3 : i32
        %scan3A_376 = arith.addi %scan3A_322, %scan3A_375 : i32
        %add3A_377 = vector.broadcast %scan3A_376 : i32 to vector<16xi32>
        %add3A_378 = arith.addi %iota3A, %add3A_377 : vector<16xi32>
        %and3A_379 = arith.constant 63 : i32
        %and3A_380 = vector.broadcast %and3A_379 : i32 to vector<16xi32>
        %and3A_381 = arith.andi %add3A_378, %and3A_380 : vector<16xi32>
        %gather3A_382 = tpu.vector_load_idx %arg12[%add3A_294, %and3A_381] : memref<80x64xi32, #tpu.memory_space<vmem>>[vector<16xi32>, vector<16xi32>], vector<16xi32>,
        %bitcast3A_383 = vector.bitcast %gather3A_382 : vector<16xi32> to vector<32xbf16>
        %gather3A_384 = tpu.vector_load_idx %arg13[%add3A_294, %and3A_381] : memref<80x64xi32, #tpu.memory_space<vmem>>[vector<16xi32>, vector<16xi32>], vector<16xi32>,
        %bitcast3A_385 = vector.bitcast %gather3A_384 : vector<16xi32> to vector<32xbf16>
        %gather3A_386 = tpu.vector_load_idx %arg14[%add3A_294, %and3A_381] : memref<80x64xi32, #tpu.memory_space<vmem>>[vector<16xi32>, vector<16xi32>], vector<16xi32>,
        %bitcast3A_387 = vector.bitcast %gather3A_386 : vector<16xi32> to vector<32xbf16>
        %mul3A_388 = arith.mulf %bitcast3A_383, %bitcast3A_385 : vector<32xbf16>
        %mul3A_389 = arith.mulf %mul3A_388, %bitcast3A_387 : vector<32xbf16>
        %unpack3A_390 = tpu.unpack_subelements %mul3A_389, 0 {pack_format = #tpu.pack_format<interleaved>} : vector<32xbf16> -> vector<16xf32>
        %unpack3A_391 = tpu.unpack_subelements %mul3A_389, 1 {pack_format = #tpu.pack_format<interleaved>} : vector<32xbf16> -> vector<16xf32>
        %add3A_392 = arith.addf %add3A_374, %unpack3A_390 : vector<16xf32>
        %add3A_393 = arith.addf %add3A_392, %unpack3A_391 : vector<16xf32>
        %scan3A_394 = arith.constant 4 : i32
        %scan3A_395 = arith.addi %scan3A_322, %scan3A_394 : i32
        %add3A_396 = vector.broadcast %scan3A_395 : i32 to vector<16xi32>
        %add3A_397 = arith.addi %iota3A, %add3A_396 : vector<16xi32>
        %and3A_398 = arith.constant 63 : i32
        %and3A_399 = vector.broadcast %and3A_398 : i32 to vector<16xi32>
        %and3A_400 = arith.andi %add3A_397, %and3A_399 : vector<16xi32>
        %gather3A_401 = tpu.vector_load_idx %arg12[%add3A_294, %and3A_400] : memref<80x64xi32, #tpu.memory_space<vmem>>[vector<16xi32>, vector<16xi32>], vector<16xi32>,
        %bitcast3A_402 = vector.bitcast %gather3A_401 : vector<16xi32> to vector<32xbf16>
        %gather3A_403 = tpu.vector_load_idx %arg13[%add3A_294, %and3A_400] : memref<80x64xi32, #tpu.memory_space<vmem>>[vector<16xi32>, vector<16xi32>], vector<16xi32>,
        %bitcast3A_404 = vector.bitcast %gather3A_403 : vector<16xi32> to vector<32xbf16>
        %gather3A_405 = tpu.vector_load_idx %arg14[%add3A_294, %and3A_400] : memref<80x64xi32, #tpu.memory_space<vmem>>[vector<16xi32>, vector<16xi32>], vector<16xi32>,
        %bitcast3A_406 = vector.bitcast %gather3A_405 : vector<16xi32> to vector<32xbf16>
        %mul3A_407 = arith.mulf %bitcast3A_402, %bitcast3A_404 : vector<32xbf16>
        %mul3A_408 = arith.mulf %mul3A_407, %bitcast3A_406 : vector<32xbf16>
        %unpack3A_409 = tpu.unpack_subelements %mul3A_408, 0 {pack_format = #tpu.pack_format<interleaved>} : vector<32xbf16> -> vector<16xf32>
        %unpack3A_410 = tpu.unpack_subelements %mul3A_408, 1 {pack_format = #tpu.pack_format<interleaved>} : vector<32xbf16> -> vector<16xf32>
        %add3A_411 = arith.addf %add3A_393, %unpack3A_409 : vector<16xf32>
        %add3A_412 = arith.addf %add3A_411, %unpack3A_410 : vector<16xf32>
        %scan3A_413 = arith.constant 5 : i32
        %scan3A_414 = arith.addi %scan3A_322, %scan3A_413 : i32
        %add3A_415 = vector.broadcast %scan3A_414 : i32 to vector<16xi32>
        %add3A_416 = arith.addi %iota3A, %add3A_415 : vector<16xi32>
        %and3A_417 = arith.constant 63 : i32
        %and3A_418 = vector.broadcast %and3A_417 : i32 to vector<16xi32>
        %and3A_419 = arith.andi %add3A_416, %and3A_418 : vector<16xi32>
        %gather3A_420 = tpu.vector_load_idx %arg12[%add3A_294, %and3A_419] : memref<80x64xi32, #tpu.memory_space<vmem>>[vector<16xi32>, vector<16xi32>], vector<16xi32>,
        %bitcast3A_421 = vector.bitcast %gather3A_420 : vector<16xi32> to vector<32xbf16>
        %gather3A_422 = tpu.vector_load_idx %arg13[%add3A_294, %and3A_419] : memref<80x64xi32, #tpu.memory_space<vmem>>[vector<16xi32>, vector<16xi32>], vector<16xi32>,
        %bitcast3A_423 = vector.bitcast %gather3A_422 : vector<16xi32> to vector<32xbf16>
        %gather3A_424 = tpu.vector_load_idx %arg14[%add3A_294, %and3A_419] : memref<80x64xi32, #tpu.memory_space<vmem>>[vector<16xi32>, vector<16xi32>], vector<16xi32>,
        %bitcast3A_425 = vector.bitcast %gather3A_424 : vector<16xi32> to vector<32xbf16>
        %mul3A_426 = arith.mulf %bitcast3A_421, %bitcast3A_423 : vector<32xbf16>
        %mul3A_427 = arith.mulf %mul3A_426, %bitcast3A_425 : vector<32xbf16>
        %unpack3A_428 = tpu.unpack_subelements %mul3A_427, 0 {pack_format = #tpu.pack_format<interleaved>} : vector<32xbf16> -> vector<16xf32>
        %unpack3A_429 = tpu.unpack_subelements %mul3A_427, 1 {pack_format = #tpu.pack_format<interleaved>} : vector<32xbf16> -> vector<16xf32>
        %add3A_430 = arith.addf %add3A_412, %unpack3A_428 : vector<16xf32>
        %add3A_431 = arith.addf %add3A_430, %unpack3A_429 : vector<16xf32>
        %scan3A_432 = arith.constant 6 : i32
        %scan3A_433 = arith.addi %scan3A_322, %scan3A_432 : i32
        %add3A_434 = vector.broadcast %scan3A_433 : i32 to vector<16xi32>
        %add3A_435 = arith.addi %iota3A, %add3A_434 : vector<16xi32>
        %and3A_436 = arith.constant 63 : i32
        %and3A_437 = vector.broadcast %and3A_436 : i32 to vector<16xi32>
        %and3A_438 = arith.andi %add3A_435, %and3A_437 : vector<16xi32>
        %gather3A_439 = tpu.vector_load_idx %arg12[%add3A_294, %and3A_438] : memref<80x64xi32, #tpu.memory_space<vmem>>[vector<16xi32>, vector<16xi32>], vector<16xi32>,
        %bitcast3A_440 = vector.bitcast %gather3A_439 : vector<16xi32> to vector<32xbf16>
        %gather3A_441 = tpu.vector_load_idx %arg13[%add3A_294, %and3A_438] : memref<80x64xi32, #tpu.memory_space<vmem>>[vector<16xi32>, vector<16xi32>], vector<16xi32>,
        %bitcast3A_442 = vector.bitcast %gather3A_441 : vector<16xi32> to vector<32xbf16>
        %gather3A_443 = tpu.vector_load_idx %arg14[%add3A_294, %and3A_438] : memref<80x64xi32, #tpu.memory_space<vmem>>[vector<16xi32>, vector<16xi32>], vector<16xi32>,
        %bitcast3A_444 = vector.bitcast %gather3A_443 : vector<16xi32> to vector<32xbf16>
        %mul3A_445 = arith.mulf %bitcast3A_440, %bitcast3A_442 : vector<32xbf16>
        %mul3A_446 = arith.mulf %mul3A_445, %bitcast3A_444 : vector<32xbf16>
        %unpack3A_447 = tpu.unpack_subelements %mul3A_446, 0 {pack_format = #tpu.pack_format<interleaved>} : vector<32xbf16> -> vector<16xf32>
        %unpack3A_448 = tpu.unpack_subelements %mul3A_446, 1 {pack_format = #tpu.pack_format<interleaved>} : vector<32xbf16> -> vector<16xf32>
        %add3A_449 = arith.addf %add3A_431, %unpack3A_447 : vector<16xf32>
        %add3A_450 = arith.addf %add3A_449, %unpack3A_448 : vector<16xf32>
        %scan3A_451 = arith.constant 7 : i32
        %scan3A_452 = arith.addi %scan3A_322, %scan3A_451 : i32
        %add3A_453 = vector.broadcast %scan3A_452 : i32 to vector<16xi32>
        %add3A_454 = arith.addi %iota3A, %add3A_453 : vector<16xi32>
        %and3A_455 = arith.constant 63 : i32
        %and3A_456 = vector.broadcast %and3A_455 : i32 to vector<16xi32>
        %and3A_457 = arith.andi %add3A_454, %and3A_456 : vector<16xi32>
        %gather3A_458 = tpu.vector_load_idx %arg12[%add3A_294, %and3A_457] : memref<80x64xi32, #tpu.memory_space<vmem>>[vector<16xi32>, vector<16xi32>], vector<16xi32>,
        %bitcast3A_459 = vector.bitcast %gather3A_458 : vector<16xi32> to vector<32xbf16>
        %gather3A_460 = tpu.vector_load_idx %arg13[%add3A_294, %and3A_457] : memref<80x64xi32, #tpu.memory_space<vmem>>[vector<16xi32>, vector<16xi32>], vector<16xi32>,
        %bitcast3A_461 = vector.bitcast %gather3A_460 : vector<16xi32> to vector<32xbf16>
        %gather3A_462 = tpu.vector_load_idx %arg14[%add3A_294, %and3A_457] : memref<80x64xi32, #tpu.memory_space<vmem>>[vector<16xi32>, vector<16xi32>], vector<16xi32>,
        %bitcast3A_463 = vector.bitcast %gather3A_462 : vector<16xi32> to vector<32xbf16>
        %mul3A_464 = arith.mulf %bitcast3A_459, %bitcast3A_461 : vector<32xbf16>
        %mul3A_465 = arith.mulf %mul3A_464, %bitcast3A_463 : vector<32xbf16>
        %unpack3A_466 = tpu.unpack_subelements %mul3A_465, 0 {pack_format = #tpu.pack_format<interleaved>} : vector<32xbf16> -> vector<16xf32>
        %unpack3A_467 = tpu.unpack_subelements %mul3A_465, 1 {pack_format = #tpu.pack_format<interleaved>} : vector<32xbf16> -> vector<16xf32>
        %add3A_468 = arith.addf %add3A_450, %unpack3A_466 : vector<16xf32>
        %add3A_469 = arith.addf %add3A_468, %unpack3A_467 : vector<16xf32>
        scf.yield %add3A_469 : vector<16xf32>
      }
      %scan3A_302 = arith.constant 64 : i32
      %add3A_303 = arith.constant 48 : i32
      %add3A_304 = arith.addi %mul3A_246, %add3A_303 : i32
      %swap3A_305 = arith.index_cast %add3A_304 : i32 to index
      %swap3A_306 = tpu.vector_load %arg15[%swap3A_305] {strides = array<i32>} : memref<10000xf32, #tpu.memory_space<vmem>>, vector<16xf32>,
      tpu.vector_store %arg15[%swap3A_305], %scan3A_301 {strides = array<i32>} : memref<10000xf32, #tpu.memory_space<vmem>>, vector<16xf32>,
      %add3A_307 = arith.constant 64 : i32
      %add3A_308 = vector.broadcast %add3A_307 : i32 to vector<16xi32>
      %add3A_309 = arith.addi %add3A_308, %iota3A : vector<16xi32>
      %broadcast_in_dim3A_310 = arith.constant 0.000000e+00 : f32
      %broadcast_in_dim3A_311 = vector.broadcast %broadcast_in_dim3A_310 : f32 to vector<16xf32>
      %scan3A_312 = arith.constant 0 : i32
      %scan3A_313 = arith.constant 64 : i32
      %scan3A_314 = arith.addi %scan3A_312, %scan3A_313 : i32
      %scan3A_315 = arith.constant 8 : i32
      %scan3A_316 = scf.for %scan3A_322 = %scan3A_312 to %scan3A_314 step %scan3A_315 iter_args(%scan3A_323 = %broadcast_in_dim3A_311) -> (vector<16xf32>)  : i32 {
        %add3A_324 = vector.broadcast %scan3A_322 : i32 to vector<16xi32>
        %add3A_325 = arith.addi %iota3A, %add3A_324 : vector<16xi32>
        %and3A = arith.constant 63 : i32
        %and3A_326 = vector.broadcast %and3A : i32 to vector<16xi32>
        %and3A_327 = arith.andi %add3A_325, %and3A_326 : vector<16xi32>
        %gather3A = tpu.vector_load_idx %arg12[%add3A_309, %and3A_327] : memref<80x64xi32, #tpu.memory_space<vmem>>[vector<16xi32>, vector<16xi32>], vector<16xi32>,
        %bitcast3A = vector.bitcast %gather3A : vector<16xi32> to vector<32xbf16>
        %gather3A_328 = tpu.vector_load_idx %arg13[%add3A_309, %and3A_327] : memref<80x64xi32, #tpu.memory_space<vmem>>[vector<16xi32>, vector<16xi32>], vector<16xi32>,
        %bitcast3A_329 = vector.bitcast %gather3A_328 : vector<16xi32> to vector<32xbf16>
        %gather3A_330 = tpu.vector_load_idx %arg14[%add3A_309, %and3A_327] : memref<80x64xi32, #tpu.memory_space<vmem>>[vector<16xi32>, vector<16xi32>], vector<16xi32>,
        %bitcast3A_331 = vector.bitcast %gather3A_330 : vector<16xi32> to vector<32xbf16>
        %mul3A_332 = arith.mulf %bitcast3A, %bitcast3A_329 : vector<32xbf16>
        %mul3A_333 = arith.mulf %mul3A_332, %bitcast3A_331 : vector<32xbf16>
        %unpack3A = tpu.unpack_subelements %mul3A_333, 0 {pack_format = #tpu.pack_format<interleaved>} : vector<32xbf16> -> vector<16xf32>
        %unpack3A_334 = tpu.unpack_subelements %mul3A_333, 1 {pack_format = #tpu.pack_format<interleaved>} : vector<32xbf16> -> vector<16xf32>
        %add3A_335 = arith.addf %scan3A_323, %unpack3A : vector<16xf32>
        %add3A_336 = arith.addf %add3A_335, %unpack3A_334 : vector<16xf32>
        %scan3A_337 = arith.constant 1 : i32
        %scan3A_338 = arith.addi %scan3A_322, %scan3A_337 : i32
        %add3A_339 = vector.broadcast %scan3A_338 : i32 to vector<16xi32>
        %add3A_340 = arith.addi %iota3A, %add3A_339 : vector<16xi32>
        %and3A_341 = arith.constant 63 : i32
        %and3A_342 = vector.broadcast %and3A_341 : i32 to vector<16xi32>
        %and3A_343 = arith.andi %add3A_340, %and3A_342 : vector<16xi32>
        %gather3A_344 = tpu.vector_load_idx %arg12[%add3A_309, %and3A_343] : memref<80x64xi32, #tpu.memory_space<vmem>>[vector<16xi32>, vector<16xi32>], vector<16xi32>,
        %bitcast3A_345 = vector.bitcast %gather3A_344 : vector<16xi32> to vector<32xbf16>
        %gather3A_346 = tpu.vector_load_idx %arg13[%add3A_309, %and3A_343] : memref<80x64xi32, #tpu.memory_space<vmem>>[vector<16xi32>, vector<16xi32>], vector<16xi32>,
        %bitcast3A_347 = vector.bitcast %gather3A_346 : vector<16xi32> to vector<32xbf16>
        %gather3A_348 = tpu.vector_load_idx %arg14[%add3A_309, %and3A_343] : memref<80x64xi32, #tpu.memory_space<vmem>>[vector<16xi32>, vector<16xi32>], vector<16xi32>,
        %bitcast3A_349 = vector.bitcast %gather3A_348 : vector<16xi32> to vector<32xbf16>
        %mul3A_350 = arith.mulf %bitcast3A_345, %bitcast3A_347 : vector<32xbf16>
        %mul3A_351 = arith.mulf %mul3A_350, %bitcast3A_349 : vector<32xbf16>
        %unpack3A_352 = tpu.unpack_subelements %mul3A_351, 0 {pack_format = #tpu.pack_format<interleaved>} : vector<32xbf16> -> vector<16xf32>
        %unpack3A_353 = tpu.unpack_subelements %mul3A_351, 1 {pack_format = #tpu.pack_format<interleaved>} : vector<32xbf16> -> vector<16xf32>
        %add3A_354 = arith.addf %add3A_336, %unpack3A_352 : vector<16xf32>
        %add3A_355 = arith.addf %add3A_354, %unpack3A_353 : vector<16xf32>
        %scan3A_356 = arith.constant 2 : i32
        %scan3A_357 = arith.addi %scan3A_322, %scan3A_356 : i32
        %add3A_358 = vector.broadcast %scan3A_357 : i32 to vector<16xi32>
        %add3A_359 = arith.addi %iota3A, %add3A_358 : vector<16xi32>
        %and3A_360 = arith.constant 63 : i32
        %and3A_361 = vector.broadcast %and3A_360 : i32 to vector<16xi32>
        %and3A_362 = arith.andi %add3A_359, %and3A_361 : vector<16xi32>
        %gather3A_363 = tpu.vector_load_idx %arg12[%add3A_309, %and3A_362] : memref<80x64xi32, #tpu.memory_space<vmem>>[vector<16xi32>, vector<16xi32>], vector<16xi32>,
        %bitcast3A_364 = vector.bitcast %gather3A_363 : vector<16xi32> to vector<32xbf16>
        %gather3A_365 = tpu.vector_load_idx %arg13[%add3A_309, %and3A_362] : memref<80x64xi32, #tpu.memory_space<vmem>>[vector<16xi32>, vector<16xi32>], vector<16xi32>,
        %bitcast3A_366 = vector.bitcast %gather3A_365 : vector<16xi32> to vector<32xbf16>
        %gather3A_367 = tpu.vector_load_idx %arg14[%add3A_309, %and3A_362] : memref<80x64xi32, #tpu.memory_space<vmem>>[vector<16xi32>, vector<16xi32>], vector<16xi32>,
        %bitcast3A_368 = vector.bitcast %gather3A_367 : vector<16xi32> to vector<32xbf16>
        %mul3A_369 = arith.mulf %bitcast3A_364, %bitcast3A_366 : vector<32xbf16>
        %mul3A_370 = arith.mulf %mul3A_369, %bitcast3A_368 : vector<32xbf16>
        %unpack3A_371 = tpu.unpack_subelements %mul3A_370, 0 {pack_format = #tpu.pack_format<interleaved>} : vector<32xbf16> -> vector<16xf32>
        %unpack3A_372 = tpu.unpack_subelements %mul3A_370, 1 {pack_format = #tpu.pack_format<interleaved>} : vector<32xbf16> -> vector<16xf32>
        %add3A_373 = arith.addf %add3A_355, %unpack3A_371 : vector<16xf32>
        %add3A_374 = arith.addf %add3A_373, %unpack3A_372 : vector<16xf32>
        %scan3A_375 = arith.constant 3 : i32
        %scan3A_376 = arith.addi %scan3A_322, %scan3A_375 : i32
        %add3A_377 = vector.broadcast %scan3A_376 : i32 to vector<16xi32>
        %add3A_378 = arith.addi %iota3A, %add3A_377 : vector<16xi32>
        %and3A_379 = arith.constant 63 : i32
        %and3A_380 = vector.broadcast %and3A_379 : i32 to vector<16xi32>
        %and3A_381 = arith.andi %add3A_378, %and3A_380 : vector<16xi32>
        %gather3A_382 = tpu.vector_load_idx %arg12[%add3A_309, %and3A_381] : memref<80x64xi32, #tpu.memory_space<vmem>>[vector<16xi32>, vector<16xi32>], vector<16xi32>,
        %bitcast3A_383 = vector.bitcast %gather3A_382 : vector<16xi32> to vector<32xbf16>
        %gather3A_384 = tpu.vector_load_idx %arg13[%add3A_309, %and3A_381] : memref<80x64xi32, #tpu.memory_space<vmem>>[vector<16xi32>, vector<16xi32>], vector<16xi32>,
        %bitcast3A_385 = vector.bitcast %gather3A_384 : vector<16xi32> to vector<32xbf16>
        %gather3A_386 = tpu.vector_load_idx %arg14[%add3A_309, %and3A_381] : memref<80x64xi32, #tpu.memory_space<vmem>>[vector<16xi32>, vector<16xi32>], vector<16xi32>,
        %bitcast3A_387 = vector.bitcast %gather3A_386 : vector<16xi32> to vector<32xbf16>
        %mul3A_388 = arith.mulf %bitcast3A_383, %bitcast3A_385 : vector<32xbf16>
        %mul3A_389 = arith.mulf %mul3A_388, %bitcast3A_387 : vector<32xbf16>
        %unpack3A_390 = tpu.unpack_subelements %mul3A_389, 0 {pack_format = #tpu.pack_format<interleaved>} : vector<32xbf16> -> vector<16xf32>
        %unpack3A_391 = tpu.unpack_subelements %mul3A_389, 1 {pack_format = #tpu.pack_format<interleaved>} : vector<32xbf16> -> vector<16xf32>
        %add3A_392 = arith.addf %add3A_374, %unpack3A_390 : vector<16xf32>
        %add3A_393 = arith.addf %add3A_392, %unpack3A_391 : vector<16xf32>
        %scan3A_394 = arith.constant 4 : i32
        %scan3A_395 = arith.addi %scan3A_322, %scan3A_394 : i32
        %add3A_396 = vector.broadcast %scan3A_395 : i32 to vector<16xi32>
        %add3A_397 = arith.addi %iota3A, %add3A_396 : vector<16xi32>
        %and3A_398 = arith.constant 63 : i32
        %and3A_399 = vector.broadcast %and3A_398 : i32 to vector<16xi32>
        %and3A_400 = arith.andi %add3A_397, %and3A_399 : vector<16xi32>
        %gather3A_401 = tpu.vector_load_idx %arg12[%add3A_309, %and3A_400] : memref<80x64xi32, #tpu.memory_space<vmem>>[vector<16xi32>, vector<16xi32>], vector<16xi32>,
        %bitcast3A_402 = vector.bitcast %gather3A_401 : vector<16xi32> to vector<32xbf16>
        %gather3A_403 = tpu.vector_load_idx %arg13[%add3A_309, %and3A_400] : memref<80x64xi32, #tpu.memory_space<vmem>>[vector<16xi32>, vector<16xi32>], vector<16xi32>,
        %bitcast3A_404 = vector.bitcast %gather3A_403 : vector<16xi32> to vector<32xbf16>
        %gather3A_405 = tpu.vector_load_idx %arg14[%add3A_309, %and3A_400] : memref<80x64xi32, #tpu.memory_space<vmem>>[vector<16xi32>, vector<16xi32>], vector<16xi32>,
        %bitcast3A_406 = vector.bitcast %gather3A_405 : vector<16xi32> to vector<32xbf16>
        %mul3A_407 = arith.mulf %bitcast3A_402, %bitcast3A_404 : vector<32xbf16>
        %mul3A_408 = arith.mulf %mul3A_407, %bitcast3A_406 : vector<32xbf16>
        %unpack3A_409 = tpu.unpack_subelements %mul3A_408, 0 {pack_format = #tpu.pack_format<interleaved>} : vector<32xbf16> -> vector<16xf32>
        %unpack3A_410 = tpu.unpack_subelements %mul3A_408, 1 {pack_format = #tpu.pack_format<interleaved>} : vector<32xbf16> -> vector<16xf32>
        %add3A_411 = arith.addf %add3A_393, %unpack3A_409 : vector<16xf32>
        %add3A_412 = arith.addf %add3A_411, %unpack3A_410 : vector<16xf32>
        %scan3A_413 = arith.constant 5 : i32
        %scan3A_414 = arith.addi %scan3A_322, %scan3A_413 : i32
        %add3A_415 = vector.broadcast %scan3A_414 : i32 to vector<16xi32>
        %add3A_416 = arith.addi %iota3A, %add3A_415 : vector<16xi32>
        %and3A_417 = arith.constant 63 : i32
        %and3A_418 = vector.broadcast %and3A_417 : i32 to vector<16xi32>
        %and3A_419 = arith.andi %add3A_416, %and3A_418 : vector<16xi32>
        %gather3A_420 = tpu.vector_load_idx %arg12[%add3A_309, %and3A_419] : memref<80x64xi32, #tpu.memory_space<vmem>>[vector<16xi32>, vector<16xi32>], vector<16xi32>,
        %bitcast3A_421 = vector.bitcast %gather3A_420 : vector<16xi32> to vector<32xbf16>
        %gather3A_422 = tpu.vector_load_idx %arg13[%add3A_309, %and3A_419] : memref<80x64xi32, #tpu.memory_space<vmem>>[vector<16xi32>, vector<16xi32>], vector<16xi32>,
        %bitcast3A_423 = vector.bitcast %gather3A_422 : vector<16xi32> to vector<32xbf16>
        %gather3A_424 = tpu.vector_load_idx %arg14[%add3A_309, %and3A_419] : memref<80x64xi32, #tpu.memory_space<vmem>>[vector<16xi32>, vector<16xi32>], vector<16xi32>,
        %bitcast3A_425 = vector.bitcast %gather3A_424 : vector<16xi32> to vector<32xbf16>
        %mul3A_426 = arith.mulf %bitcast3A_421, %bitcast3A_423 : vector<32xbf16>
        %mul3A_427 = arith.mulf %mul3A_426, %bitcast3A_425 : vector<32xbf16>
        %unpack3A_428 = tpu.unpack_subelements %mul3A_427, 0 {pack_format = #tpu.pack_format<interleaved>} : vector<32xbf16> -> vector<16xf32>
        %unpack3A_429 = tpu.unpack_subelements %mul3A_427, 1 {pack_format = #tpu.pack_format<interleaved>} : vector<32xbf16> -> vector<16xf32>
        %add3A_430 = arith.addf %add3A_412, %unpack3A_428 : vector<16xf32>
        %add3A_431 = arith.addf %add3A_430, %unpack3A_429 : vector<16xf32>
        %scan3A_432 = arith.constant 6 : i32
        %scan3A_433 = arith.addi %scan3A_322, %scan3A_432 : i32
        %add3A_434 = vector.broadcast %scan3A_433 : i32 to vector<16xi32>
        %add3A_435 = arith.addi %iota3A, %add3A_434 : vector<16xi32>
        %and3A_436 = arith.constant 63 : i32
        %and3A_437 = vector.broadcast %and3A_436 : i32 to vector<16xi32>
        %and3A_438 = arith.andi %add3A_435, %and3A_437 : vector<16xi32>
        %gather3A_439 = tpu.vector_load_idx %arg12[%add3A_309, %and3A_438] : memref<80x64xi32, #tpu.memory_space<vmem>>[vector<16xi32>, vector<16xi32>], vector<16xi32>,
        %bitcast3A_440 = vector.bitcast %gather3A_439 : vector<16xi32> to vector<32xbf16>
        %gather3A_441 = tpu.vector_load_idx %arg13[%add3A_309, %and3A_438] : memref<80x64xi32, #tpu.memory_space<vmem>>[vector<16xi32>, vector<16xi32>], vector<16xi32>,
        %bitcast3A_442 = vector.bitcast %gather3A_441 : vector<16xi32> to vector<32xbf16>
        %gather3A_443 = tpu.vector_load_idx %arg14[%add3A_309, %and3A_438] : memref<80x64xi32, #tpu.memory_space<vmem>>[vector<16xi32>, vector<16xi32>], vector<16xi32>,
        %bitcast3A_444 = vector.bitcast %gather3A_443 : vector<16xi32> to vector<32xbf16>
        %mul3A_445 = arith.mulf %bitcast3A_440, %bitcast3A_442 : vector<32xbf16>
        %mul3A_446 = arith.mulf %mul3A_445, %bitcast3A_444 : vector<32xbf16>
        %unpack3A_447 = tpu.unpack_subelements %mul3A_446, 0 {pack_format = #tpu.pack_format<interleaved>} : vector<32xbf16> -> vector<16xf32>
        %unpack3A_448 = tpu.unpack_subelements %mul3A_446, 1 {pack_format = #tpu.pack_format<interleaved>} : vector<32xbf16> -> vector<16xf32>
        %add3A_449 = arith.addf %add3A_431, %unpack3A_447 : vector<16xf32>
        %add3A_450 = arith.addf %add3A_449, %unpack3A_448 : vector<16xf32>
        %scan3A_451 = arith.constant 7 : i32
        %scan3A_452 = arith.addi %scan3A_322, %scan3A_451 : i32
        %add3A_453 = vector.broadcast %scan3A_452 : i32 to vector<16xi32>
        %add3A_454 = arith.addi %iota3A, %add3A_453 : vector<16xi32>
        %and3A_455 = arith.constant 63 : i32
        %and3A_456 = vector.broadcast %and3A_455 : i32 to vector<16xi32>
        %and3A_457 = arith.andi %add3A_454, %and3A_456 : vector<16xi32>
        %gather3A_458 = tpu.vector_load_idx %arg12[%add3A_309, %and3A_457] : memref<80x64xi32, #tpu.memory_space<vmem>>[vector<16xi32>, vector<16xi32>], vector<16xi32>,
        %bitcast3A_459 = vector.bitcast %gather3A_458 : vector<16xi32> to vector<32xbf16>
        %gather3A_460 = tpu.vector_load_idx %arg13[%add3A_309, %and3A_457] : memref<80x64xi32, #tpu.memory_space<vmem>>[vector<16xi32>, vector<16xi32>], vector<16xi32>,
        %bitcast3A_461 = vector.bitcast %gather3A_460 : vector<16xi32> to vector<32xbf16>
        %gather3A_462 = tpu.vector_load_idx %arg14[%add3A_309, %and3A_457] : memref<80x64xi32, #tpu.memory_space<vmem>>[vector<16xi32>, vector<16xi32>], vector<16xi32>,
        %bitcast3A_463 = vector.bitcast %gather3A_462 : vector<16xi32> to vector<32xbf16>
        %mul3A_464 = arith.mulf %bitcast3A_459, %bitcast3A_461 : vector<32xbf16>
        %mul3A_465 = arith.mulf %mul3A_464, %bitcast3A_463 : vector<32xbf16>
        %unpack3A_466 = tpu.unpack_subelements %mul3A_465, 0 {pack_format = #tpu.pack_format<interleaved>} : vector<32xbf16> -> vector<16xf32>
        %unpack3A_467 = tpu.unpack_subelements %mul3A_465, 1 {pack_format = #tpu.pack_format<interleaved>} : vector<32xbf16> -> vector<16xf32>
        %add3A_468 = arith.addf %add3A_450, %unpack3A_466 : vector<16xf32>
        %add3A_469 = arith.addf %add3A_468, %unpack3A_467 : vector<16xf32>
        scf.yield %add3A_469 : vector<16xf32>
      }
      %scan3A_317 = arith.constant 64 : i32
      %add3A_318 = arith.constant 64 : i32
      %add3A_319 = arith.addi %mul3A_246, %add3A_318 : i32
      %swap3A_320 = arith.index_cast %add3A_319 : i32 to index
      %swap3A_321 = tpu.vector_load %arg15[%swap3A_320] {strides = array<i32>} : memref<10000xf32, #tpu.memory_space<vmem>>, vector<16xf32>,
      tpu.vector_store %arg15[%swap3A_320], %scan3A_316 {strides = array<i32>} : memref<10000xf32, #tpu.memory_space<vmem>>, vector<16xf32>,
    }
    %scan3A_23 = arith.constant 62 : i32
    %dma_wait3A = arith.constant 9920 : i32
    %dma_wait3A_24 = tpu.memref_slice %arg6[%dma_wait3A] : memref<10000xi32, #tpu.memory_space<vmem>> -> memref<80xi32, #tpu.memory_space<vmem>>
    %dma_wait3A_25 = arith.constant 0 : i32
    %dma_wait3A_26 = arith.constant 0 : i32
    %dma_wait3A_27 = tpu.memref_slice %arg2[%dma_wait3A_25, %dma_wait3A_26] : memref<10000x64xi32, #tpu.memory_space<hbm>> -> memref<10000x64xi32, #tpu.memory_space<hbm>>
    tpu.wait_indirect_dma semaphore(%arg16 : memref<!tpu.dma_semaphore, #tpu.memory_space<semaphore_mem>>) src(%dma_wait3A_27 : memref<10000x64xi32, #tpu.memory_space<hbm>>) dst(%arg9 : memref<80x64xi32, #tpu.memory_space<vmem>>)
    %dma_wait3A_28 = arith.constant 9920 : i32
    %dma_wait3A_29 = tpu.memref_slice %arg7[%dma_wait3A_28] : memref<10000xi32, #tpu.memory_space<vmem>> -> memref<80xi32, #tpu.memory_space<vmem>>
    %dma_wait3A_30 = arith.constant 0 : i32
    %dma_wait3A_31 = arith.constant 0 : i32
    %dma_wait3A_32 = tpu.memref_slice %arg3[%dma_wait3A_30, %dma_wait3A_31] : memref<10000x64xi32, #tpu.memory_space<hbm>> -> memref<10000x64xi32, #tpu.memory_space<hbm>>
    tpu.wait_indirect_dma semaphore(%arg16 : memref<!tpu.dma_semaphore, #tpu.memory_space<semaphore_mem>>) src(%dma_wait3A_32 : memref<10000x64xi32, #tpu.memory_space<hbm>>) dst(%arg10 : memref<80x64xi32, #tpu.memory_space<vmem>>)
    %dma_wait3A_33 = arith.constant 9920 : i32
    %dma_wait3A_34 = tpu.memref_slice %arg8[%dma_wait3A_33] : memref<10000xi32, #tpu.memory_space<vmem>> -> memref<80xi32, #tpu.memory_space<vmem>>
    %dma_wait3A_35 = arith.constant 0 : i32
    %dma_wait3A_36 = arith.constant 0 : i32
    %dma_wait3A_37 = tpu.memref_slice %arg2[%dma_wait3A_35, %dma_wait3A_36] : memref<10000x64xi32, #tpu.memory_space<hbm>> -> memref<10000x64xi32, #tpu.memory_space<hbm>>
    tpu.wait_indirect_dma semaphore(%arg16 : memref<!tpu.dma_semaphore, #tpu.memory_space<semaphore_mem>>) src(%dma_wait3A_37 : memref<10000x64xi32, #tpu.memory_space<hbm>>) dst(%arg11 : memref<80x64xi32, #tpu.memory_space<vmem>>)
    %add3A_38 = arith.constant 0 : i32
    %add3A_39 = vector.broadcast %add3A_38 : i32 to vector<16xi32>
    %add3A_40 = arith.addi %add3A_39, %iota3A : vector<16xi32>
    %broadcast_in_dim3A = arith.constant 0.000000e+00 : f32
    %broadcast_in_dim3A_41 = vector.broadcast %broadcast_in_dim3A : f32 to vector<16xf32>
    %scan3A_42 = arith.constant 0 : i32
    %scan3A_43 = arith.constant 64 : i32
    %scan3A_44 = arith.addi %scan3A_42, %scan3A_43 : i32
    %scan3A_45 = arith.constant 8 : i32
    %scan3A_46 = scf.for %scan3A_101 = %scan3A_42 to %scan3A_44 step %scan3A_45 iter_args(%scan3A_102 = %broadcast_in_dim3A_41) -> (vector<16xf32>)  : i32 {
      %add3A_103 = vector.broadcast %scan3A_101 : i32 to vector<16xi32>
      %add3A_104 = arith.addi %iota3A, %add3A_103 : vector<16xi32>
      %and3A = arith.constant 63 : i32
      %and3A_105 = vector.broadcast %and3A : i32 to vector<16xi32>
      %and3A_106 = arith.andi %add3A_104, %and3A_105 : vector<16xi32>
      %gather3A = tpu.vector_load_idx %arg9[%add3A_40, %and3A_106] : memref<80x64xi32, #tpu.memory_space<vmem>>[vector<16xi32>, vector<16xi32>], vector<16xi32>,
      %bitcast3A = vector.bitcast %gather3A : vector<16xi32> to vector<32xbf16>
      %gather3A_107 = tpu.vector_load_idx %arg10[%add3A_40, %and3A_106] : memref<80x64xi32, #tpu.memory_space<vmem>>[vector<16xi32>, vector<16xi32>], vector<16xi32>,
      %bitcast3A_108 = vector.bitcast %gather3A_107 : vector<16xi32> to vector<32xbf16>
      %gather3A_109 = tpu.vector_load_idx %arg11[%add3A_40, %and3A_106] : memref<80x64xi32, #tpu.memory_space<vmem>>[vector<16xi32>, vector<16xi32>], vector<16xi32>,
      %bitcast3A_110 = vector.bitcast %gather3A_109 : vector<16xi32> to vector<32xbf16>
      %mul3A_111 = arith.mulf %bitcast3A, %bitcast3A_108 : vector<32xbf16>
      %mul3A_112 = arith.mulf %mul3A_111, %bitcast3A_110 : vector<32xbf16>
      %unpack3A = tpu.unpack_subelements %mul3A_112, 0 {pack_format = #tpu.pack_format<interleaved>} : vector<32xbf16> -> vector<16xf32>
      %unpack3A_113 = tpu.unpack_subelements %mul3A_112, 1 {pack_format = #tpu.pack_format<interleaved>} : vector<32xbf16> -> vector<16xf32>
      %add3A_114 = arith.addf %scan3A_102, %unpack3A : vector<16xf32>
      %add3A_115 = arith.addf %add3A_114, %unpack3A_113 : vector<16xf32>
      %scan3A_116 = arith.constant 1 : i32
      %scan3A_117 = arith.addi %scan3A_101, %scan3A_116 : i32
      %add3A_118 = vector.broadcast %scan3A_117 : i32 to vector<16xi32>
      %add3A_119 = arith.addi %iota3A, %add3A_118 : vector<16xi32>
      %and3A_120 = arith.constant 63 : i32
      %and3A_121 = vector.broadcast %and3A_120 : i32 to vector<16xi32>
      %and3A_122 = arith.andi %add3A_119, %and3A_121 : vector<16xi32>
      %gather3A_123 = tpu.vector_load_idx %arg9[%add3A_40, %and3A_122] : memref<80x64xi32, #tpu.memory_space<vmem>>[vector<16xi32>, vector<16xi32>], vector<16xi32>,
      %bitcast3A_124 = vector.bitcast %gather3A_123 : vector<16xi32> to vector<32xbf16>
      %gather3A_125 = tpu.vector_load_idx %arg10[%add3A_40, %and3A_122] : memref<80x64xi32, #tpu.memory_space<vmem>>[vector<16xi32>, vector<16xi32>], vector<16xi32>,
      %bitcast3A_126 = vector.bitcast %gather3A_125 : vector<16xi32> to vector<32xbf16>
      %gather3A_127 = tpu.vector_load_idx %arg11[%add3A_40, %and3A_122] : memref<80x64xi32, #tpu.memory_space<vmem>>[vector<16xi32>, vector<16xi32>], vector<16xi32>,
      %bitcast3A_128 = vector.bitcast %gather3A_127 : vector<16xi32> to vector<32xbf16>
      %mul3A_129 = arith.mulf %bitcast3A_124, %bitcast3A_126 : vector<32xbf16>
      %mul3A_130 = arith.mulf %mul3A_129, %bitcast3A_128 : vector<32xbf16>
      %unpack3A_131 = tpu.unpack_subelements %mul3A_130, 0 {pack_format = #tpu.pack_format<interleaved>} : vector<32xbf16> -> vector<16xf32>
      %unpack3A_132 = tpu.unpack_subelements %mul3A_130, 1 {pack_format = #tpu.pack_format<interleaved>} : vector<32xbf16> -> vector<16xf32>
      %add3A_133 = arith.addf %add3A_115, %unpack3A_131 : vector<16xf32>
      %add3A_134 = arith.addf %add3A_133, %unpack3A_132 : vector<16xf32>
      %scan3A_135 = arith.constant 2 : i32
      %scan3A_136 = arith.addi %scan3A_101, %scan3A_135 : i32
      %add3A_137 = vector.broadcast %scan3A_136 : i32 to vector<16xi32>
      %add3A_138 = arith.addi %iota3A, %add3A_137 : vector<16xi32>
      %and3A_139 = arith.constant 63 : i32
      %and3A_140 = vector.broadcast %and3A_139 : i32 to vector<16xi32>
      %and3A_141 = arith.andi %add3A_138, %and3A_140 : vector<16xi32>
      %gather3A_142 = tpu.vector_load_idx %arg9[%add3A_40, %and3A_141] : memref<80x64xi32, #tpu.memory_space<vmem>>[vector<16xi32>, vector<16xi32>], vector<16xi32>,
      %bitcast3A_143 = vector.bitcast %gather3A_142 : vector<16xi32> to vector<32xbf16>
      %gather3A_144 = tpu.vector_load_idx %arg10[%add3A_40, %and3A_141] : memref<80x64xi32, #tpu.memory_space<vmem>>[vector<16xi32>, vector<16xi32>], vector<16xi32>,
      %bitcast3A_145 = vector.bitcast %gather3A_144 : vector<16xi32> to vector<32xbf16>
      %gather3A_146 = tpu.vector_load_idx %arg11[%add3A_40, %and3A_141] : memref<80x64xi32, #tpu.memory_space<vmem>>[vector<16xi32>, vector<16xi32>], vector<16xi32>,
      %bitcast3A_147 = vector.bitcast %gather3A_146 : vector<16xi32> to vector<32xbf16>
      %mul3A_148 = arith.mulf %bitcast3A_143, %bitcast3A_145 : vector<32xbf16>
      %mul3A_149 = arith.mulf %mul3A_148, %bitcast3A_147 : vector<32xbf16>
      %unpack3A_150 = tpu.unpack_subelements %mul3A_149, 0 {pack_format = #tpu.pack_format<interleaved>} : vector<32xbf16> -> vector<16xf32>
      %unpack3A_151 = tpu.unpack_subelements %mul3A_149, 1 {pack_format = #tpu.pack_format<interleaved>} : vector<32xbf16> -> vector<16xf32>
      %add3A_152 = arith.addf %add3A_134, %unpack3A_150 : vector<16xf32>
      %add3A_153 = arith.addf %add3A_152, %unpack3A_151 : vector<16xf32>
      %scan3A_154 = arith.constant 3 : i32
      %scan3A_155 = arith.addi %scan3A_101, %scan3A_154 : i32
      %add3A_156 = vector.broadcast %scan3A_155 : i32 to vector<16xi32>
      %add3A_157 = arith.addi %iota3A, %add3A_156 : vector<16xi32>
      %and3A_158 = arith.constant 63 : i32
      %and3A_159 = vector.broadcast %and3A_158 : i32 to vector<16xi32>
      %and3A_160 = arith.andi %add3A_157, %and3A_159 : vector<16xi32>
      %gather3A_161 = tpu.vector_load_idx %arg9[%add3A_40, %and3A_160] : memref<80x64xi32, #tpu.memory_space<vmem>>[vector<16xi32>, vector<16xi32>], vector<16xi32>,
      %bitcast3A_162 = vector.bitcast %gather3A_161 : vector<16xi32> to vector<32xbf16>
      %gather3A_163 = tpu.vector_load_idx %arg10[%add3A_40, %and3A_160] : memref<80x64xi32, #tpu.memory_space<vmem>>[vector<16xi32>, vector<16xi32>], vector<16xi32>,
      %bitcast3A_164 = vector.bitcast %gather3A_163 : vector<16xi32> to vector<32xbf16>
      %gather3A_165 = tpu.vector_load_idx %arg11[%add3A_40, %and3A_160] : memref<80x64xi32, #tpu.memory_space<vmem>>[vector<16xi32>, vector<16xi32>], vector<16xi32>,
      %bitcast3A_166 = vector.bitcast %gather3A_165 : vector<16xi32> to vector<32xbf16>
      %mul3A_167 = arith.mulf %bitcast3A_162, %bitcast3A_164 : vector<32xbf16>
      %mul3A_168 = arith.mulf %mul3A_167, %bitcast3A_166 : vector<32xbf16>
      %unpack3A_169 = tpu.unpack_subelements %mul3A_168, 0 {pack_format = #tpu.pack_format<interleaved>} : vector<32xbf16> -> vector<16xf32>
      %unpack3A_170 = tpu.unpack_subelements %mul3A_168, 1 {pack_format = #tpu.pack_format<interleaved>} : vector<32xbf16> -> vector<16xf32>
      %add3A_171 = arith.addf %add3A_153, %unpack3A_169 : vector<16xf32>
      %add3A_172 = arith.addf %add3A_171, %unpack3A_170 : vector<16xf32>
      %scan3A_173 = arith.constant 4 : i32
      %scan3A_174 = arith.addi %scan3A_101, %scan3A_173 : i32
      %add3A_175 = vector.broadcast %scan3A_174 : i32 to vector<16xi32>
      %add3A_176 = arith.addi %iota3A, %add3A_175 : vector<16xi32>
      %and3A_177 = arith.constant 63 : i32
      %and3A_178 = vector.broadcast %and3A_177 : i32 to vector<16xi32>
      %and3A_179 = arith.andi %add3A_176, %and3A_178 : vector<16xi32>
      %gather3A_180 = tpu.vector_load_idx %arg9[%add3A_40, %and3A_179] : memref<80x64xi32, #tpu.memory_space<vmem>>[vector<16xi32>, vector<16xi32>], vector<16xi32>,
      %bitcast3A_181 = vector.bitcast %gather3A_180 : vector<16xi32> to vector<32xbf16>
      %gather3A_182 = tpu.vector_load_idx %arg10[%add3A_40, %and3A_179] : memref<80x64xi32, #tpu.memory_space<vmem>>[vector<16xi32>, vector<16xi32>], vector<16xi32>,
      %bitcast3A_183 = vector.bitcast %gather3A_182 : vector<16xi32> to vector<32xbf16>
      %gather3A_184 = tpu.vector_load_idx %arg11[%add3A_40, %and3A_179] : memref<80x64xi32, #tpu.memory_space<vmem>>[vector<16xi32>, vector<16xi32>], vector<16xi32>,
      %bitcast3A_185 = vector.bitcast %gather3A_184 : vector<16xi32> to vector<32xbf16>
      %mul3A_186 = arith.mulf %bitcast3A_181, %bitcast3A_183 : vector<32xbf16>
      %mul3A_187 = arith.mulf %mul3A_186, %bitcast3A_185 : vector<32xbf16>
      %unpack3A_188 = tpu.unpack_subelements %mul3A_187, 0 {pack_format = #tpu.pack_format<interleaved>} : vector<32xbf16> -> vector<16xf32>
      %unpack3A_189 = tpu.unpack_subelements %mul3A_187, 1 {pack_format = #tpu.pack_format<interleaved>} : vector<32xbf16> -> vector<16xf32>
      %add3A_190 = arith.addf %add3A_172, %unpack3A_188 : vector<16xf32>
      %add3A_191 = arith.addf %add3A_190, %unpack3A_189 : vector<16xf32>
      %scan3A_192 = arith.constant 5 : i32
      %scan3A_193 = arith.addi %scan3A_101, %scan3A_192 : i32
      %add3A_194 = vector.broadcast %scan3A_193 : i32 to vector<16xi32>
      %add3A_195 = arith.addi %iota3A, %add3A_194 : vector<16xi32>
      %and3A_196 = arith.constant 63 : i32
      %and3A_197 = vector.broadcast %and3A_196 : i32 to vector<16xi32>
      %and3A_198 = arith.andi %add3A_195, %and3A_197 : vector<16xi32>
      %gather3A_199 = tpu.vector_load_idx %arg9[%add3A_40, %and3A_198] : memref<80x64xi32, #tpu.memory_space<vmem>>[vector<16xi32>, vector<16xi32>], vector<16xi32>,
      %bitcast3A_200 = vector.bitcast %gather3A_199 : vector<16xi32> to vector<32xbf16>
      %gather3A_201 = tpu.vector_load_idx %arg10[%add3A_40, %and3A_198] : memref<80x64xi32, #tpu.memory_space<vmem>>[vector<16xi32>, vector<16xi32>], vector<16xi32>,
      %bitcast3A_202 = vector.bitcast %gather3A_201 : vector<16xi32> to vector<32xbf16>
      %gather3A_203 = tpu.vector_load_idx %arg11[%add3A_40, %and3A_198] : memref<80x64xi32, #tpu.memory_space<vmem>>[vector<16xi32>, vector<16xi32>], vector<16xi32>,
      %bitcast3A_204 = vector.bitcast %gather3A_203 : vector<16xi32> to vector<32xbf16>
      %mul3A_205 = arith.mulf %bitcast3A_200, %bitcast3A_202 : vector<32xbf16>
      %mul3A_206 = arith.mulf %mul3A_205, %bitcast3A_204 : vector<32xbf16>
      %unpack3A_207 = tpu.unpack_subelements %mul3A_206, 0 {pack_format = #tpu.pack_format<interleaved>} : vector<32xbf16> -> vector<16xf32>
      %unpack3A_208 = tpu.unpack_subelements %mul3A_206, 1 {pack_format = #tpu.pack_format<interleaved>} : vector<32xbf16> -> vector<16xf32>
      %add3A_209 = arith.addf %add3A_191, %unpack3A_207 : vector<16xf32>
      %add3A_210 = arith.addf %add3A_209, %unpack3A_208 : vector<16xf32>
      %scan3A_211 = arith.constant 6 : i32
      %scan3A_212 = arith.addi %scan3A_101, %scan3A_211 : i32
      %add3A_213 = vector.broadcast %scan3A_212 : i32 to vector<16xi32>
      %add3A_214 = arith.addi %iota3A, %add3A_213 : vector<16xi32>
      %and3A_215 = arith.constant 63 : i32
      %and3A_216 = vector.broadcast %and3A_215 : i32 to vector<16xi32>
      %and3A_217 = arith.andi %add3A_214, %and3A_216 : vector<16xi32>
      %gather3A_218 = tpu.vector_load_idx %arg9[%add3A_40, %and3A_217] : memref<80x64xi32, #tpu.memory_space<vmem>>[vector<16xi32>, vector<16xi32>], vector<16xi32>,
      %bitcast3A_219 = vector.bitcast %gather3A_218 : vector<16xi32> to vector<32xbf16>
      %gather3A_220 = tpu.vector_load_idx %arg10[%add3A_40, %and3A_217] : memref<80x64xi32, #tpu.memory_space<vmem>>[vector<16xi32>, vector<16xi32>], vector<16xi32>,
      %bitcast3A_221 = vector.bitcast %gather3A_220 : vector<16xi32> to vector<32xbf16>
      %gather3A_222 = tpu.vector_load_idx %arg11[%add3A_40, %and3A_217] : memref<80x64xi32, #tpu.memory_space<vmem>>[vector<16xi32>, vector<16xi32>], vector<16xi32>,
      %bitcast3A_223 = vector.bitcast %gather3A_222 : vector<16xi32> to vector<32xbf16>
      %mul3A_224 = arith.mulf %bitcast3A_219, %bitcast3A_221 : vector<32xbf16>
      %mul3A_225 = arith.mulf %mul3A_224, %bitcast3A_223 : vector<32xbf16>
      %unpack3A_226 = tpu.unpack_subelements %mul3A_225, 0 {pack_format = #tpu.pack_format<interleaved>} : vector<32xbf16> -> vector<16xf32>
      %unpack3A_227 = tpu.unpack_subelements %mul3A_225, 1 {pack_format = #tpu.pack_format<interleaved>} : vector<32xbf16> -> vector<16xf32>
      %add3A_228 = arith.addf %add3A_210, %unpack3A_226 : vector<16xf32>
      %add3A_229 = arith.addf %add3A_228, %unpack3A_227 : vector<16xf32>
      %scan3A_230 = arith.constant 7 : i32
      %scan3A_231 = arith.addi %scan3A_101, %scan3A_230 : i32
      %add3A_232 = vector.broadcast %scan3A_231 : i32 to vector<16xi32>
      %add3A_233 = arith.addi %iota3A, %add3A_232 : vector<16xi32>
      %and3A_234 = arith.constant 63 : i32
      %and3A_235 = vector.broadcast %and3A_234 : i32 to vector<16xi32>
      %and3A_236 = arith.andi %add3A_233, %and3A_235 : vector<16xi32>
      %gather3A_237 = tpu.vector_load_idx %arg9[%add3A_40, %and3A_236] : memref<80x64xi32, #tpu.memory_space<vmem>>[vector<16xi32>, vector<16xi32>], vector<16xi32>,
      %bitcast3A_238 = vector.bitcast %gather3A_237 : vector<16xi32> to vector<32xbf16>
      %gather3A_239 = tpu.vector_load_idx %arg10[%add3A_40, %and3A_236] : memref<80x64xi32, #tpu.memory_space<vmem>>[vector<16xi32>, vector<16xi32>], vector<16xi32>,
      %bitcast3A_240 = vector.bitcast %gather3A_239 : vector<16xi32> to vector<32xbf16>
      %gather3A_241 = tpu.vector_load_idx %arg11[%add3A_40, %and3A_236] : memref<80x64xi32, #tpu.memory_space<vmem>>[vector<16xi32>, vector<16xi32>], vector<16xi32>,
      %bitcast3A_242 = vector.bitcast %gather3A_241 : vector<16xi32> to vector<32xbf16>
      %mul3A_243 = arith.mulf %bitcast3A_238, %bitcast3A_240 : vector<32xbf16>
      %mul3A_244 = arith.mulf %mul3A_243, %bitcast3A_242 : vector<32xbf16>
      %unpack3A_245 = tpu.unpack_subelements %mul3A_244, 0 {pack_format = #tpu.pack_format<interleaved>} : vector<32xbf16> -> vector<16xf32>
      %unpack3A_246 = tpu.unpack_subelements %mul3A_244, 1 {pack_format = #tpu.pack_format<interleaved>} : vector<32xbf16> -> vector<16xf32>
      %add3A_247 = arith.addf %add3A_229, %unpack3A_245 : vector<16xf32>
      %add3A_248 = arith.addf %add3A_247, %unpack3A_246 : vector<16xf32>
      scf.yield %add3A_248 : vector<16xf32>
    }
    %scan3A_47 = arith.constant 64 : i32
    %swap3A = arith.constant 9920 : index
    %swap3A_48 = tpu.vector_load %arg15[%swap3A] {strides = array<i32>} : memref<10000xf32, #tpu.memory_space<vmem>>, vector<16xf32>,
    tpu.vector_store %arg15[%swap3A], %scan3A_46 {strides = array<i32>} : memref<10000xf32, #tpu.memory_space<vmem>>, vector<16xf32>,
    %add3A_49 = arith.constant 16 : i32
    %add3A_50 = vector.broadcast %add3A_49 : i32 to vector<16xi32>
    %add3A_51 = arith.addi %add3A_50, %iota3A : vector<16xi32>
    %broadcast_in_dim3A_52 = arith.constant 0.000000e+00 : f32
    %broadcast_in_dim3A_53 = vector.broadcast %broadcast_in_dim3A_52 : f32 to vector<16xf32>
    %scan3A_54 = arith.constant 0 : i32
    %scan3A_55 = arith.constant 64 : i32
    %scan3A_56 = arith.addi %scan3A_54, %scan3A_55 : i32
    %scan3A_57 = arith.constant 8 : i32
    %scan3A_58 = scf.for %scan3A_101 = %scan3A_54 to %scan3A_56 step %scan3A_57 iter_args(%scan3A_102 = %broadcast_in_dim3A_53) -> (vector<16xf32>)  : i32 {
      %add3A_103 = vector.broadcast %scan3A_101 : i32 to vector<16xi32>
      %add3A_104 = arith.addi %iota3A, %add3A_103 : vector<16xi32>
      %and3A = arith.constant 63 : i32
      %and3A_105 = vector.broadcast %and3A : i32 to vector<16xi32>
      %and3A_106 = arith.andi %add3A_104, %and3A_105 : vector<16xi32>
      %gather3A = tpu.vector_load_idx %arg9[%add3A_51, %and3A_106] : memref<80x64xi32, #tpu.memory_space<vmem>>[vector<16xi32>, vector<16xi32>], vector<16xi32>,
      %bitcast3A = vector.bitcast %gather3A : vector<16xi32> to vector<32xbf16>
      %gather3A_107 = tpu.vector_load_idx %arg10[%add3A_51, %and3A_106] : memref<80x64xi32, #tpu.memory_space<vmem>>[vector<16xi32>, vector<16xi32>], vector<16xi32>,
      %bitcast3A_108 = vector.bitcast %gather3A_107 : vector<16xi32> to vector<32xbf16>
      %gather3A_109 = tpu.vector_load_idx %arg11[%add3A_51, %and3A_106] : memref<80x64xi32, #tpu.memory_space<vmem>>[vector<16xi32>, vector<16xi32>], vector<16xi32>,
      %bitcast3A_110 = vector.bitcast %gather3A_109 : vector<16xi32> to vector<32xbf16>
      %mul3A_111 = arith.mulf %bitcast3A, %bitcast3A_108 : vector<32xbf16>
      %mul3A_112 = arith.mulf %mul3A_111, %bitcast3A_110 : vector<32xbf16>
      %unpack3A = tpu.unpack_subelements %mul3A_112, 0 {pack_format = #tpu.pack_format<interleaved>} : vector<32xbf16> -> vector<16xf32>
      %unpack3A_113 = tpu.unpack_subelements %mul3A_112, 1 {pack_format = #tpu.pack_format<interleaved>} : vector<32xbf16> -> vector<16xf32>
      %add3A_114 = arith.addf %scan3A_102, %unpack3A : vector<16xf32>
      %add3A_115 = arith.addf %add3A_114, %unpack3A_113 : vector<16xf32>
      %scan3A_116 = arith.constant 1 : i32
      %scan3A_117 = arith.addi %scan3A_101, %scan3A_116 : i32
      %add3A_118 = vector.broadcast %scan3A_117 : i32 to vector<16xi32>
      %add3A_119 = arith.addi %iota3A, %add3A_118 : vector<16xi32>
      %and3A_120 = arith.constant 63 : i32
      %and3A_121 = vector.broadcast %and3A_120 : i32 to vector<16xi32>
      %and3A_122 = arith.andi %add3A_119, %and3A_121 : vector<16xi32>
      %gather3A_123 = tpu.vector_load_idx %arg9[%add3A_51, %and3A_122] : memref<80x64xi32, #tpu.memory_space<vmem>>[vector<16xi32>, vector<16xi32>], vector<16xi32>,
      %bitcast3A_124 = vector.bitcast %gather3A_123 : vector<16xi32> to vector<32xbf16>
      %gather3A_125 = tpu.vector_load_idx %arg10[%add3A_51, %and3A_122] : memref<80x64xi32, #tpu.memory_space<vmem>>[vector<16xi32>, vector<16xi32>], vector<16xi32>,
      %bitcast3A_126 = vector.bitcast %gather3A_125 : vector<16xi32> to vector<32xbf16>
      %gather3A_127 = tpu.vector_load_idx %arg11[%add3A_51, %and3A_122] : memref<80x64xi32, #tpu.memory_space<vmem>>[vector<16xi32>, vector<16xi32>], vector<16xi32>,
      %bitcast3A_128 = vector.bitcast %gather3A_127 : vector<16xi32> to vector<32xbf16>
      %mul3A_129 = arith.mulf %bitcast3A_124, %bitcast3A_126 : vector<32xbf16>
      %mul3A_130 = arith.mulf %mul3A_129, %bitcast3A_128 : vector<32xbf16>
      %unpack3A_131 = tpu.unpack_subelements %mul3A_130, 0 {pack_format = #tpu.pack_format<interleaved>} : vector<32xbf16> -> vector<16xf32>
      %unpack3A_132 = tpu.unpack_subelements %mul3A_130, 1 {pack_format = #tpu.pack_format<interleaved>} : vector<32xbf16> -> vector<16xf32>
      %add3A_133 = arith.addf %add3A_115, %unpack3A_131 : vector<16xf32>
      %add3A_134 = arith.addf %add3A_133, %unpack3A_132 : vector<16xf32>
      %scan3A_135 = arith.constant 2 : i32
      %scan3A_136 = arith.addi %scan3A_101, %scan3A_135 : i32
      %add3A_137 = vector.broadcast %scan3A_136 : i32 to vector<16xi32>
      %add3A_138 = arith.addi %iota3A, %add3A_137 : vector<16xi32>
      %and3A_139 = arith.constant 63 : i32
      %and3A_140 = vector.broadcast %and3A_139 : i32 to vector<16xi32>
      %and3A_141 = arith.andi %add3A_138, %and3A_140 : vector<16xi32>
      %gather3A_142 = tpu.vector_load_idx %arg9[%add3A_51, %and3A_141] : memref<80x64xi32, #tpu.memory_space<vmem>>[vector<16xi32>, vector<16xi32>], vector<16xi32>,
      %bitcast3A_143 = vector.bitcast %gather3A_142 : vector<16xi32> to vector<32xbf16>
      %gather3A_144 = tpu.vector_load_idx %arg10[%add3A_51, %and3A_141] : memref<80x64xi32, #tpu.memory_space<vmem>>[vector<16xi32>, vector<16xi32>], vector<16xi32>,
      %bitcast3A_145 = vector.bitcast %gather3A_144 : vector<16xi32> to vector<32xbf16>
      %gather3A_146 = tpu.vector_load_idx %arg11[%add3A_51, %and3A_141] : memref<80x64xi32, #tpu.memory_space<vmem>>[vector<16xi32>, vector<16xi32>], vector<16xi32>,
      %bitcast3A_147 = vector.bitcast %gather3A_146 : vector<16xi32> to vector<32xbf16>
      %mul3A_148 = arith.mulf %bitcast3A_143, %bitcast3A_145 : vector<32xbf16>
      %mul3A_149 = arith.mulf %mul3A_148, %bitcast3A_147 : vector<32xbf16>
      %unpack3A_150 = tpu.unpack_subelements %mul3A_149, 0 {pack_format = #tpu.pack_format<interleaved>} : vector<32xbf16> -> vector<16xf32>
      %unpack3A_151 = tpu.unpack_subelements %mul3A_149, 1 {pack_format = #tpu.pack_format<interleaved>} : vector<32xbf16> -> vector<16xf32>
      %add3A_152 = arith.addf %add3A_134, %unpack3A_150 : vector<16xf32>
      %add3A_153 = arith.addf %add3A_152, %unpack3A_151 : vector<16xf32>
      %scan3A_154 = arith.constant 3 : i32
      %scan3A_155 = arith.addi %scan3A_101, %scan3A_154 : i32
      %add3A_156 = vector.broadcast %scan3A_155 : i32 to vector<16xi32>
      %add3A_157 = arith.addi %iota3A, %add3A_156 : vector<16xi32>
      %and3A_158 = arith.constant 63 : i32
      %and3A_159 = vector.broadcast %and3A_158 : i32 to vector<16xi32>
      %and3A_160 = arith.andi %add3A_157, %and3A_159 : vector<16xi32>
      %gather3A_161 = tpu.vector_load_idx %arg9[%add3A_51, %and3A_160] : memref<80x64xi32, #tpu.memory_space<vmem>>[vector<16xi32>, vector<16xi32>], vector<16xi32>,
      %bitcast3A_162 = vector.bitcast %gather3A_161 : vector<16xi32> to vector<32xbf16>
      %gather3A_163 = tpu.vector_load_idx %arg10[%add3A_51, %and3A_160] : memref<80x64xi32, #tpu.memory_space<vmem>>[vector<16xi32>, vector<16xi32>], vector<16xi32>,
      %bitcast3A_164 = vector.bitcast %gather3A_163 : vector<16xi32> to vector<32xbf16>
      %gather3A_165 = tpu.vector_load_idx %arg11[%add3A_51, %and3A_160] : memref<80x64xi32, #tpu.memory_space<vmem>>[vector<16xi32>, vector<16xi32>], vector<16xi32>,
      %bitcast3A_166 = vector.bitcast %gather3A_165 : vector<16xi32> to vector<32xbf16>
      %mul3A_167 = arith.mulf %bitcast3A_162, %bitcast3A_164 : vector<32xbf16>
      %mul3A_168 = arith.mulf %mul3A_167, %bitcast3A_166 : vector<32xbf16>
      %unpack3A_169 = tpu.unpack_subelements %mul3A_168, 0 {pack_format = #tpu.pack_format<interleaved>} : vector<32xbf16> -> vector<16xf32>
      %unpack3A_170 = tpu.unpack_subelements %mul3A_168, 1 {pack_format = #tpu.pack_format<interleaved>} : vector<32xbf16> -> vector<16xf32>
      %add3A_171 = arith.addf %add3A_153, %unpack3A_169 : vector<16xf32>
      %add3A_172 = arith.addf %add3A_171, %unpack3A_170 : vector<16xf32>
      %scan3A_173 = arith.constant 4 : i32
      %scan3A_174 = arith.addi %scan3A_101, %scan3A_173 : i32
      %add3A_175 = vector.broadcast %scan3A_174 : i32 to vector<16xi32>
      %add3A_176 = arith.addi %iota3A, %add3A_175 : vector<16xi32>
      %and3A_177 = arith.constant 63 : i32
      %and3A_178 = vector.broadcast %and3A_177 : i32 to vector<16xi32>
      %and3A_179 = arith.andi %add3A_176, %and3A_178 : vector<16xi32>
      %gather3A_180 = tpu.vector_load_idx %arg9[%add3A_51, %and3A_179] : memref<80x64xi32, #tpu.memory_space<vmem>>[vector<16xi32>, vector<16xi32>], vector<16xi32>,
      %bitcast3A_181 = vector.bitcast %gather3A_180 : vector<16xi32> to vector<32xbf16>
      %gather3A_182 = tpu.vector_load_idx %arg10[%add3A_51, %and3A_179] : memref<80x64xi32, #tpu.memory_space<vmem>>[vector<16xi32>, vector<16xi32>], vector<16xi32>,
      %bitcast3A_183 = vector.bitcast %gather3A_182 : vector<16xi32> to vector<32xbf16>
      %gather3A_184 = tpu.vector_load_idx %arg11[%add3A_51, %and3A_179] : memref<80x64xi32, #tpu.memory_space<vmem>>[vector<16xi32>, vector<16xi32>], vector<16xi32>,
      %bitcast3A_185 = vector.bitcast %gather3A_184 : vector<16xi32> to vector<32xbf16>
      %mul3A_186 = arith.mulf %bitcast3A_181, %bitcast3A_183 : vector<32xbf16>
      %mul3A_187 = arith.mulf %mul3A_186, %bitcast3A_185 : vector<32xbf16>
      %unpack3A_188 = tpu.unpack_subelements %mul3A_187, 0 {pack_format = #tpu.pack_format<interleaved>} : vector<32xbf16> -> vector<16xf32>
      %unpack3A_189 = tpu.unpack_subelements %mul3A_187, 1 {pack_format = #tpu.pack_format<interleaved>} : vector<32xbf16> -> vector<16xf32>
      %add3A_190 = arith.addf %add3A_172, %unpack3A_188 : vector<16xf32>
      %add3A_191 = arith.addf %add3A_190, %unpack3A_189 : vector<16xf32>
      %scan3A_192 = arith.constant 5 : i32
      %scan3A_193 = arith.addi %scan3A_101, %scan3A_192 : i32
      %add3A_194 = vector.broadcast %scan3A_193 : i32 to vector<16xi32>
      %add3A_195 = arith.addi %iota3A, %add3A_194 : vector<16xi32>
      %and3A_196 = arith.constant 63 : i32
      %and3A_197 = vector.broadcast %and3A_196 : i32 to vector<16xi32>
      %and3A_198 = arith.andi %add3A_195, %and3A_197 : vector<16xi32>
      %gather3A_199 = tpu.vector_load_idx %arg9[%add3A_51, %and3A_198] : memref<80x64xi32, #tpu.memory_space<vmem>>[vector<16xi32>, vector<16xi32>], vector<16xi32>,
      %bitcast3A_200 = vector.bitcast %gather3A_199 : vector<16xi32> to vector<32xbf16>
      %gather3A_201 = tpu.vector_load_idx %arg10[%add3A_51, %and3A_198] : memref<80x64xi32, #tpu.memory_space<vmem>>[vector<16xi32>, vector<16xi32>], vector<16xi32>,
      %bitcast3A_202 = vector.bitcast %gather3A_201 : vector<16xi32> to vector<32xbf16>
      %gather3A_203 = tpu.vector_load_idx %arg11[%add3A_51, %and3A_198] : memref<80x64xi32, #tpu.memory_space<vmem>>[vector<16xi32>, vector<16xi32>], vector<16xi32>,
      %bitcast3A_204 = vector.bitcast %gather3A_203 : vector<16xi32> to vector<32xbf16>
      %mul3A_205 = arith.mulf %bitcast3A_200, %bitcast3A_202 : vector<32xbf16>
      %mul3A_206 = arith.mulf %mul3A_205, %bitcast3A_204 : vector<32xbf16>
      %unpack3A_207 = tpu.unpack_subelements %mul3A_206, 0 {pack_format = #tpu.pack_format<interleaved>} : vector<32xbf16> -> vector<16xf32>
      %unpack3A_208 = tpu.unpack_subelements %mul3A_206, 1 {pack_format = #tpu.pack_format<interleaved>} : vector<32xbf16> -> vector<16xf32>
      %add3A_209 = arith.addf %add3A_191, %unpack3A_207 : vector<16xf32>
      %add3A_210 = arith.addf %add3A_209, %unpack3A_208 : vector<16xf32>
      %scan3A_211 = arith.constant 6 : i32
      %scan3A_212 = arith.addi %scan3A_101, %scan3A_211 : i32
      %add3A_213 = vector.broadcast %scan3A_212 : i32 to vector<16xi32>
      %add3A_214 = arith.addi %iota3A, %add3A_213 : vector<16xi32>
      %and3A_215 = arith.constant 63 : i32
      %and3A_216 = vector.broadcast %and3A_215 : i32 to vector<16xi32>
      %and3A_217 = arith.andi %add3A_214, %and3A_216 : vector<16xi32>
      %gather3A_218 = tpu.vector_load_idx %arg9[%add3A_51, %and3A_217] : memref<80x64xi32, #tpu.memory_space<vmem>>[vector<16xi32>, vector<16xi32>], vector<16xi32>,
      %bitcast3A_219 = vector.bitcast %gather3A_218 : vector<16xi32> to vector<32xbf16>
      %gather3A_220 = tpu.vector_load_idx %arg10[%add3A_51, %and3A_217] : memref<80x64xi32, #tpu.memory_space<vmem>>[vector<16xi32>, vector<16xi32>], vector<16xi32>,
      %bitcast3A_221 = vector.bitcast %gather3A_220 : vector<16xi32> to vector<32xbf16>
      %gather3A_222 = tpu.vector_load_idx %arg11[%add3A_51, %and3A_217] : memref<80x64xi32, #tpu.memory_space<vmem>>[vector<16xi32>, vector<16xi32>], vector<16xi32>,
      %bitcast3A_223 = vector.bitcast %gather3A_222 : vector<16xi32> to vector<32xbf16>
      %mul3A_224 = arith.mulf %bitcast3A_219, %bitcast3A_221 : vector<32xbf16>
      %mul3A_225 = arith.mulf %mul3A_224, %bitcast3A_223 : vector<32xbf16>
      %unpack3A_226 = tpu.unpack_subelements %mul3A_225, 0 {pack_format = #tpu.pack_format<interleaved>} : vector<32xbf16> -> vector<16xf32>
      %unpack3A_227 = tpu.unpack_subelements %mul3A_225, 1 {pack_format = #tpu.pack_format<interleaved>} : vector<32xbf16> -> vector<16xf32>
      %add3A_228 = arith.addf %add3A_210, %unpack3A_226 : vector<16xf32>
      %add3A_229 = arith.addf %add3A_228, %unpack3A_227 : vector<16xf32>
      %scan3A_230 = arith.constant 7 : i32
      %scan3A_231 = arith.addi %scan3A_101, %scan3A_230 : i32
      %add3A_232 = vector.broadcast %scan3A_231 : i32 to vector<16xi32>
      %add3A_233 = arith.addi %iota3A, %add3A_232 : vector<16xi32>
      %and3A_234 = arith.constant 63 : i32
      %and3A_235 = vector.broadcast %and3A_234 : i32 to vector<16xi32>
      %and3A_236 = arith.andi %add3A_233, %and3A_235 : vector<16xi32>
      %gather3A_237 = tpu.vector_load_idx %arg9[%add3A_51, %and3A_236] : memref<80x64xi32, #tpu.memory_space<vmem>>[vector<16xi32>, vector<16xi32>], vector<16xi32>,
      %bitcast3A_238 = vector.bitcast %gather3A_237 : vector<16xi32> to vector<32xbf16>
      %gather3A_239 = tpu.vector_load_idx %arg10[%add3A_51, %and3A_236] : memref<80x64xi32, #tpu.memory_space<vmem>>[vector<16xi32>, vector<16xi32>], vector<16xi32>,
      %bitcast3A_240 = vector.bitcast %gather3A_239 : vector<16xi32> to vector<32xbf16>
      %gather3A_241 = tpu.vector_load_idx %arg11[%add3A_51, %and3A_236] : memref<80x64xi32, #tpu.memory_space<vmem>>[vector<16xi32>, vector<16xi32>], vector<16xi32>,
      %bitcast3A_242 = vector.bitcast %gather3A_241 : vector<16xi32> to vector<32xbf16>
      %mul3A_243 = arith.mulf %bitcast3A_238, %bitcast3A_240 : vector<32xbf16>
      %mul3A_244 = arith.mulf %mul3A_243, %bitcast3A_242 : vector<32xbf16>
      %unpack3A_245 = tpu.unpack_subelements %mul3A_244, 0 {pack_format = #tpu.pack_format<interleaved>} : vector<32xbf16> -> vector<16xf32>
      %unpack3A_246 = tpu.unpack_subelements %mul3A_244, 1 {pack_format = #tpu.pack_format<interleaved>} : vector<32xbf16> -> vector<16xf32>
      %add3A_247 = arith.addf %add3A_229, %unpack3A_245 : vector<16xf32>
      %add3A_248 = arith.addf %add3A_247, %unpack3A_246 : vector<16xf32>
      scf.yield %add3A_248 : vector<16xf32>
    }
    %scan3A_59 = arith.constant 64 : i32
    %swap3A_60 = arith.constant 9936 : index
    %swap3A_61 = tpu.vector_load %arg15[%swap3A_60] {strides = array<i32>} : memref<10000xf32, #tpu.memory_space<vmem>>, vector<16xf32>,
    tpu.vector_store %arg15[%swap3A_60], %scan3A_58 {strides = array<i32>} : memref<10000xf32, #tpu.memory_space<vmem>>, vector<16xf32>,
    %add3A_62 = arith.constant 32 : i32
    %add3A_63 = vector.broadcast %add3A_62 : i32 to vector<16xi32>
    %add3A_64 = arith.addi %add3A_63, %iota3A : vector<16xi32>
    %broadcast_in_dim3A_65 = arith.constant 0.000000e+00 : f32
    %broadcast_in_dim3A_66 = vector.broadcast %broadcast_in_dim3A_65 : f32 to vector<16xf32>
    %scan3A_67 = arith.constant 0 : i32
    %scan3A_68 = arith.constant 64 : i32
    %scan3A_69 = arith.addi %scan3A_67, %scan3A_68 : i32
    %scan3A_70 = arith.constant 8 : i32
    %scan3A_71 = scf.for %scan3A_101 = %scan3A_67 to %scan3A_69 step %scan3A_70 iter_args(%scan3A_102 = %broadcast_in_dim3A_66) -> (vector<16xf32>)  : i32 {
      %add3A_103 = vector.broadcast %scan3A_101 : i32 to vector<16xi32>
      %add3A_104 = arith.addi %iota3A, %add3A_103 : vector<16xi32>
      %and3A = arith.constant 63 : i32
      %and3A_105 = vector.broadcast %and3A : i32 to vector<16xi32>
      %and3A_106 = arith.andi %add3A_104, %and3A_105 : vector<16xi32>
      %gather3A = tpu.vector_load_idx %arg9[%add3A_64, %and3A_106] : memref<80x64xi32, #tpu.memory_space<vmem>>[vector<16xi32>, vector<16xi32>], vector<16xi32>,
      %bitcast3A = vector.bitcast %gather3A : vector<16xi32> to vector<32xbf16>
      %gather3A_107 = tpu.vector_load_idx %arg10[%add3A_64, %and3A_106] : memref<80x64xi32, #tpu.memory_space<vmem>>[vector<16xi32>, vector<16xi32>], vector<16xi32>,
      %bitcast3A_108 = vector.bitcast %gather3A_107 : vector<16xi32> to vector<32xbf16>
      %gather3A_109 = tpu.vector_load_idx %arg11[%add3A_64, %and3A_106] : memref<80x64xi32, #tpu.memory_space<vmem>>[vector<16xi32>, vector<16xi32>], vector<16xi32>,
      %bitcast3A_110 = vector.bitcast %gather3A_109 : vector<16xi32> to vector<32xbf16>
      %mul3A_111 = arith.mulf %bitcast3A, %bitcast3A_108 : vector<32xbf16>
      %mul3A_112 = arith.mulf %mul3A_111, %bitcast3A_110 : vector<32xbf16>
      %unpack3A = tpu.unpack_subelements %mul3A_112, 0 {pack_format = #tpu.pack_format<interleaved>} : vector<32xbf16> -> vector<16xf32>
      %unpack3A_113 = tpu.unpack_subelements %mul3A_112, 1 {pack_format = #tpu.pack_format<interleaved>} : vector<32xbf16> -> vector<16xf32>
      %add3A_114 = arith.addf %scan3A_102, %unpack3A : vector<16xf32>
      %add3A_115 = arith.addf %add3A_114, %unpack3A_113 : vector<16xf32>
      %scan3A_116 = arith.constant 1 : i32
      %scan3A_117 = arith.addi %scan3A_101, %scan3A_116 : i32
      %add3A_118 = vector.broadcast %scan3A_117 : i32 to vector<16xi32>
      %add3A_119 = arith.addi %iota3A, %add3A_118 : vector<16xi32>
      %and3A_120 = arith.constant 63 : i32
      %and3A_121 = vector.broadcast %and3A_120 : i32 to vector<16xi32>
      %and3A_122 = arith.andi %add3A_119, %and3A_121 : vector<16xi32>
      %gather3A_123 = tpu.vector_load_idx %arg9[%add3A_64, %and3A_122] : memref<80x64xi32, #tpu.memory_space<vmem>>[vector<16xi32>, vector<16xi32>], vector<16xi32>,
      %bitcast3A_124 = vector.bitcast %gather3A_123 : vector<16xi32> to vector<32xbf16>
      %gather3A_125 = tpu.vector_load_idx %arg10[%add3A_64, %and3A_122] : memref<80x64xi32, #tpu.memory_space<vmem>>[vector<16xi32>, vector<16xi32>], vector<16xi32>,
      %bitcast3A_126 = vector.bitcast %gather3A_125 : vector<16xi32> to vector<32xbf16>
      %gather3A_127 = tpu.vector_load_idx %arg11[%add3A_64, %and3A_122] : memref<80x64xi32, #tpu.memory_space<vmem>>[vector<16xi32>, vector<16xi32>], vector<16xi32>,
      %bitcast3A_128 = vector.bitcast %gather3A_127 : vector<16xi32> to vector<32xbf16>
      %mul3A_129 = arith.mulf %bitcast3A_124, %bitcast3A_126 : vector<32xbf16>
      %mul3A_130 = arith.mulf %mul3A_129, %bitcast3A_128 : vector<32xbf16>
      %unpack3A_131 = tpu.unpack_subelements %mul3A_130, 0 {pack_format = #tpu.pack_format<interleaved>} : vector<32xbf16> -> vector<16xf32>
      %unpack3A_132 = tpu.unpack_subelements %mul3A_130, 1 {pack_format = #tpu.pack_format<interleaved>} : vector<32xbf16> -> vector<16xf32>
      %add3A_133 = arith.addf %add3A_115, %unpack3A_131 : vector<16xf32>
      %add3A_134 = arith.addf %add3A_133, %unpack3A_132 : vector<16xf32>
      %scan3A_135 = arith.constant 2 : i32
      %scan3A_136 = arith.addi %scan3A_101, %scan3A_135 : i32
      %add3A_137 = vector.broadcast %scan3A_136 : i32 to vector<16xi32>
      %add3A_138 = arith.addi %iota3A, %add3A_137 : vector<16xi32>
      %and3A_139 = arith.constant 63 : i32
      %and3A_140 = vector.broadcast %and3A_139 : i32 to vector<16xi32>
      %and3A_141 = arith.andi %add3A_138, %and3A_140 : vector<16xi32>
      %gather3A_142 = tpu.vector_load_idx %arg9[%add3A_64, %and3A_141] : memref<80x64xi32, #tpu.memory_space<vmem>>[vector<16xi32>, vector<16xi32>], vector<16xi32>,
      %bitcast3A_143 = vector.bitcast %gather3A_142 : vector<16xi32> to vector<32xbf16>
      %gather3A_144 = tpu.vector_load_idx %arg10[%add3A_64, %and3A_141] : memref<80x64xi32, #tpu.memory_space<vmem>>[vector<16xi32>, vector<16xi32>], vector<16xi32>,
      %bitcast3A_145 = vector.bitcast %gather3A_144 : vector<16xi32> to vector<32xbf16>
      %gather3A_146 = tpu.vector_load_idx %arg11[%add3A_64, %and3A_141] : memref<80x64xi32, #tpu.memory_space<vmem>>[vector<16xi32>, vector<16xi32>], vector<16xi32>,
      %bitcast3A_147 = vector.bitcast %gather3A_146 : vector<16xi32> to vector<32xbf16>
      %mul3A_148 = arith.mulf %bitcast3A_143, %bitcast3A_145 : vector<32xbf16>
      %mul3A_149 = arith.mulf %mul3A_148, %bitcast3A_147 : vector<32xbf16>
      %unpack3A_150 = tpu.unpack_subelements %mul3A_149, 0 {pack_format = #tpu.pack_format<interleaved>} : vector<32xbf16> -> vector<16xf32>
      %unpack3A_151 = tpu.unpack_subelements %mul3A_149, 1 {pack_format = #tpu.pack_format<interleaved>} : vector<32xbf16> -> vector<16xf32>
      %add3A_152 = arith.addf %add3A_134, %unpack3A_150 : vector<16xf32>
      %add3A_153 = arith.addf %add3A_152, %unpack3A_151 : vector<16xf32>
      %scan3A_154 = arith.constant 3 : i32
      %scan3A_155 = arith.addi %scan3A_101, %scan3A_154 : i32
      %add3A_156 = vector.broadcast %scan3A_155 : i32 to vector<16xi32>
      %add3A_157 = arith.addi %iota3A, %add3A_156 : vector<16xi32>
      %and3A_158 = arith.constant 63 : i32
      %and3A_159 = vector.broadcast %and3A_158 : i32 to vector<16xi32>
      %and3A_160 = arith.andi %add3A_157, %and3A_159 : vector<16xi32>
      %gather3A_161 = tpu.vector_load_idx %arg9[%add3A_64, %and3A_160] : memref<80x64xi32, #tpu.memory_space<vmem>>[vector<16xi32>, vector<16xi32>], vector<16xi32>,
      %bitcast3A_162 = vector.bitcast %gather3A_161 : vector<16xi32> to vector<32xbf16>
      %gather3A_163 = tpu.vector_load_idx %arg10[%add3A_64, %and3A_160] : memref<80x64xi32, #tpu.memory_space<vmem>>[vector<16xi32>, vector<16xi32>], vector<16xi32>,
      %bitcast3A_164 = vector.bitcast %gather3A_163 : vector<16xi32> to vector<32xbf16>
      %gather3A_165 = tpu.vector_load_idx %arg11[%add3A_64, %and3A_160] : memref<80x64xi32, #tpu.memory_space<vmem>>[vector<16xi32>, vector<16xi32>], vector<16xi32>,
      %bitcast3A_166 = vector.bitcast %gather3A_165 : vector<16xi32> to vector<32xbf16>
      %mul3A_167 = arith.mulf %bitcast3A_162, %bitcast3A_164 : vector<32xbf16>
      %mul3A_168 = arith.mulf %mul3A_167, %bitcast3A_166 : vector<32xbf16>
      %unpack3A_169 = tpu.unpack_subelements %mul3A_168, 0 {pack_format = #tpu.pack_format<interleaved>} : vector<32xbf16> -> vector<16xf32>
      %unpack3A_170 = tpu.unpack_subelements %mul3A_168, 1 {pack_format = #tpu.pack_format<interleaved>} : vector<32xbf16> -> vector<16xf32>
      %add3A_171 = arith.addf %add3A_153, %unpack3A_169 : vector<16xf32>
      %add3A_172 = arith.addf %add3A_171, %unpack3A_170 : vector<16xf32>
      %scan3A_173 = arith.constant 4 : i32
      %scan3A_174 = arith.addi %scan3A_101, %scan3A_173 : i32
      %add3A_175 = vector.broadcast %scan3A_174 : i32 to vector<16xi32>
      %add3A_176 = arith.addi %iota3A, %add3A_175 : vector<16xi32>
      %and3A_177 = arith.constant 63 : i32
      %and3A_178 = vector.broadcast %and3A_177 : i32 to vector<16xi32>
      %and3A_179 = arith.andi %add3A_176, %and3A_178 : vector<16xi32>
      %gather3A_180 = tpu.vector_load_idx %arg9[%add3A_64, %and3A_179] : memref<80x64xi32, #tpu.memory_space<vmem>>[vector<16xi32>, vector<16xi32>], vector<16xi32>,
      %bitcast3A_181 = vector.bitcast %gather3A_180 : vector<16xi32> to vector<32xbf16>
      %gather3A_182 = tpu.vector_load_idx %arg10[%add3A_64, %and3A_179] : memref<80x64xi32, #tpu.memory_space<vmem>>[vector<16xi32>, vector<16xi32>], vector<16xi32>,
      %bitcast3A_183 = vector.bitcast %gather3A_182 : vector<16xi32> to vector<32xbf16>
      %gather3A_184 = tpu.vector_load_idx %arg11[%add3A_64, %and3A_179] : memref<80x64xi32, #tpu.memory_space<vmem>>[vector<16xi32>, vector<16xi32>], vector<16xi32>,
      %bitcast3A_185 = vector.bitcast %gather3A_184 : vector<16xi32> to vector<32xbf16>
      %mul3A_186 = arith.mulf %bitcast3A_181, %bitcast3A_183 : vector<32xbf16>
      %mul3A_187 = arith.mulf %mul3A_186, %bitcast3A_185 : vector<32xbf16>
      %unpack3A_188 = tpu.unpack_subelements %mul3A_187, 0 {pack_format = #tpu.pack_format<interleaved>} : vector<32xbf16> -> vector<16xf32>
      %unpack3A_189 = tpu.unpack_subelements %mul3A_187, 1 {pack_format = #tpu.pack_format<interleaved>} : vector<32xbf16> -> vector<16xf32>
      %add3A_190 = arith.addf %add3A_172, %unpack3A_188 : vector<16xf32>
      %add3A_191 = arith.addf %add3A_190, %unpack3A_189 : vector<16xf32>
      %scan3A_192 = arith.constant 5 : i32
      %scan3A_193 = arith.addi %scan3A_101, %scan3A_192 : i32
      %add3A_194 = vector.broadcast %scan3A_193 : i32 to vector<16xi32>
      %add3A_195 = arith.addi %iota3A, %add3A_194 : vector<16xi32>
      %and3A_196 = arith.constant 63 : i32
      %and3A_197 = vector.broadcast %and3A_196 : i32 to vector<16xi32>
      %and3A_198 = arith.andi %add3A_195, %and3A_197 : vector<16xi32>
      %gather3A_199 = tpu.vector_load_idx %arg9[%add3A_64, %and3A_198] : memref<80x64xi32, #tpu.memory_space<vmem>>[vector<16xi32>, vector<16xi32>], vector<16xi32>,
      %bitcast3A_200 = vector.bitcast %gather3A_199 : vector<16xi32> to vector<32xbf16>
      %gather3A_201 = tpu.vector_load_idx %arg10[%add3A_64, %and3A_198] : memref<80x64xi32, #tpu.memory_space<vmem>>[vector<16xi32>, vector<16xi32>], vector<16xi32>,
      %bitcast3A_202 = vector.bitcast %gather3A_201 : vector<16xi32> to vector<32xbf16>
      %gather3A_203 = tpu.vector_load_idx %arg11[%add3A_64, %and3A_198] : memref<80x64xi32, #tpu.memory_space<vmem>>[vector<16xi32>, vector<16xi32>], vector<16xi32>,
      %bitcast3A_204 = vector.bitcast %gather3A_203 : vector<16xi32> to vector<32xbf16>
      %mul3A_205 = arith.mulf %bitcast3A_200, %bitcast3A_202 : vector<32xbf16>
      %mul3A_206 = arith.mulf %mul3A_205, %bitcast3A_204 : vector<32xbf16>
      %unpack3A_207 = tpu.unpack_subelements %mul3A_206, 0 {pack_format = #tpu.pack_format<interleaved>} : vector<32xbf16> -> vector<16xf32>
      %unpack3A_208 = tpu.unpack_subelements %mul3A_206, 1 {pack_format = #tpu.pack_format<interleaved>} : vector<32xbf16> -> vector<16xf32>
      %add3A_209 = arith.addf %add3A_191, %unpack3A_207 : vector<16xf32>
      %add3A_210 = arith.addf %add3A_209, %unpack3A_208 : vector<16xf32>
      %scan3A_211 = arith.constant 6 : i32
      %scan3A_212 = arith.addi %scan3A_101, %scan3A_211 : i32
      %add3A_213 = vector.broadcast %scan3A_212 : i32 to vector<16xi32>
      %add3A_214 = arith.addi %iota3A, %add3A_213 : vector<16xi32>
      %and3A_215 = arith.constant 63 : i32
      %and3A_216 = vector.broadcast %and3A_215 : i32 to vector<16xi32>
      %and3A_217 = arith.andi %add3A_214, %and3A_216 : vector<16xi32>
      %gather3A_218 = tpu.vector_load_idx %arg9[%add3A_64, %and3A_217] : memref<80x64xi32, #tpu.memory_space<vmem>>[vector<16xi32>, vector<16xi32>], vector<16xi32>,
      %bitcast3A_219 = vector.bitcast %gather3A_218 : vector<16xi32> to vector<32xbf16>
      %gather3A_220 = tpu.vector_load_idx %arg10[%add3A_64, %and3A_217] : memref<80x64xi32, #tpu.memory_space<vmem>>[vector<16xi32>, vector<16xi32>], vector<16xi32>,
      %bitcast3A_221 = vector.bitcast %gather3A_220 : vector<16xi32> to vector<32xbf16>
      %gather3A_222 = tpu.vector_load_idx %arg11[%add3A_64, %and3A_217] : memref<80x64xi32, #tpu.memory_space<vmem>>[vector<16xi32>, vector<16xi32>], vector<16xi32>,
      %bitcast3A_223 = vector.bitcast %gather3A_222 : vector<16xi32> to vector<32xbf16>
      %mul3A_224 = arith.mulf %bitcast3A_219, %bitcast3A_221 : vector<32xbf16>
      %mul3A_225 = arith.mulf %mul3A_224, %bitcast3A_223 : vector<32xbf16>
      %unpack3A_226 = tpu.unpack_subelements %mul3A_225, 0 {pack_format = #tpu.pack_format<interleaved>} : vector<32xbf16> -> vector<16xf32>
      %unpack3A_227 = tpu.unpack_subelements %mul3A_225, 1 {pack_format = #tpu.pack_format<interleaved>} : vector<32xbf16> -> vector<16xf32>
      %add3A_228 = arith.addf %add3A_210, %unpack3A_226 : vector<16xf32>
      %add3A_229 = arith.addf %add3A_228, %unpack3A_227 : vector<16xf32>
      %scan3A_230 = arith.constant 7 : i32
      %scan3A_231 = arith.addi %scan3A_101, %scan3A_230 : i32
      %add3A_232 = vector.broadcast %scan3A_231 : i32 to vector<16xi32>
      %add3A_233 = arith.addi %iota3A, %add3A_232 : vector<16xi32>
      %and3A_234 = arith.constant 63 : i32
      %and3A_235 = vector.broadcast %and3A_234 : i32 to vector<16xi32>
      %and3A_236 = arith.andi %add3A_233, %and3A_235 : vector<16xi32>
      %gather3A_237 = tpu.vector_load_idx %arg9[%add3A_64, %and3A_236] : memref<80x64xi32, #tpu.memory_space<vmem>>[vector<16xi32>, vector<16xi32>], vector<16xi32>,
      %bitcast3A_238 = vector.bitcast %gather3A_237 : vector<16xi32> to vector<32xbf16>
      %gather3A_239 = tpu.vector_load_idx %arg10[%add3A_64, %and3A_236] : memref<80x64xi32, #tpu.memory_space<vmem>>[vector<16xi32>, vector<16xi32>], vector<16xi32>,
      %bitcast3A_240 = vector.bitcast %gather3A_239 : vector<16xi32> to vector<32xbf16>
      %gather3A_241 = tpu.vector_load_idx %arg11[%add3A_64, %and3A_236] : memref<80x64xi32, #tpu.memory_space<vmem>>[vector<16xi32>, vector<16xi32>], vector<16xi32>,
      %bitcast3A_242 = vector.bitcast %gather3A_241 : vector<16xi32> to vector<32xbf16>
      %mul3A_243 = arith.mulf %bitcast3A_238, %bitcast3A_240 : vector<32xbf16>
      %mul3A_244 = arith.mulf %mul3A_243, %bitcast3A_242 : vector<32xbf16>
      %unpack3A_245 = tpu.unpack_subelements %mul3A_244, 0 {pack_format = #tpu.pack_format<interleaved>} : vector<32xbf16> -> vector<16xf32>
      %unpack3A_246 = tpu.unpack_subelements %mul3A_244, 1 {pack_format = #tpu.pack_format<interleaved>} : vector<32xbf16> -> vector<16xf32>
      %add3A_247 = arith.addf %add3A_229, %unpack3A_245 : vector<16xf32>
      %add3A_248 = arith.addf %add3A_247, %unpack3A_246 : vector<16xf32>
      scf.yield %add3A_248 : vector<16xf32>
    }
    %scan3A_72 = arith.constant 64 : i32
    %swap3A_73 = arith.constant 9952 : index
    %swap3A_74 = tpu.vector_load %arg15[%swap3A_73] {strides = array<i32>} : memref<10000xf32, #tpu.memory_space<vmem>>, vector<16xf32>,
    tpu.vector_store %arg15[%swap3A_73], %scan3A_71 {strides = array<i32>} : memref<10000xf32, #tpu.memory_space<vmem>>, vector<16xf32>,
    %add3A_75 = arith.constant 48 : i32
    %add3A_76 = vector.broadcast %add3A_75 : i32 to vector<16xi32>
    %add3A_77 = arith.addi %add3A_76, %iota3A : vector<16xi32>
    %broadcast_in_dim3A_78 = arith.constant 0.000000e+00 : f32
    %broadcast_in_dim3A_79 = vector.broadcast %broadcast_in_dim3A_78 : f32 to vector<16xf32>
    %scan3A_80 = arith.constant 0 : i32
    %scan3A_81 = arith.constant 64 : i32
    %scan3A_82 = arith.addi %scan3A_80, %scan3A_81 : i32
    %scan3A_83 = arith.constant 8 : i32
    %scan3A_84 = scf.for %scan3A_101 = %scan3A_80 to %scan3A_82 step %scan3A_83 iter_args(%scan3A_102 = %broadcast_in_dim3A_79) -> (vector<16xf32>)  : i32 {
      %add3A_103 = vector.broadcast %scan3A_101 : i32 to vector<16xi32>
      %add3A_104 = arith.addi %iota3A, %add3A_103 : vector<16xi32>
      %and3A = arith.constant 63 : i32
      %and3A_105 = vector.broadcast %and3A : i32 to vector<16xi32>
      %and3A_106 = arith.andi %add3A_104, %and3A_105 : vector<16xi32>
      %gather3A = tpu.vector_load_idx %arg9[%add3A_77, %and3A_106] : memref<80x64xi32, #tpu.memory_space<vmem>>[vector<16xi32>, vector<16xi32>], vector<16xi32>,
      %bitcast3A = vector.bitcast %gather3A : vector<16xi32> to vector<32xbf16>
      %gather3A_107 = tpu.vector_load_idx %arg10[%add3A_77, %and3A_106] : memref<80x64xi32, #tpu.memory_space<vmem>>[vector<16xi32>, vector<16xi32>], vector<16xi32>,
      %bitcast3A_108 = vector.bitcast %gather3A_107 : vector<16xi32> to vector<32xbf16>
      %gather3A_109 = tpu.vector_load_idx %arg11[%add3A_77, %and3A_106] : memref<80x64xi32, #tpu.memory_space<vmem>>[vector<16xi32>, vector<16xi32>], vector<16xi32>,
      %bitcast3A_110 = vector.bitcast %gather3A_109 : vector<16xi32> to vector<32xbf16>
      %mul3A_111 = arith.mulf %bitcast3A, %bitcast3A_108 : vector<32xbf16>
      %mul3A_112 = arith.mulf %mul3A_111, %bitcast3A_110 : vector<32xbf16>
      %unpack3A = tpu.unpack_subelements %mul3A_112, 0 {pack_format = #tpu.pack_format<interleaved>} : vector<32xbf16> -> vector<16xf32>
      %unpack3A_113 = tpu.unpack_subelements %mul3A_112, 1 {pack_format = #tpu.pack_format<interleaved>} : vector<32xbf16> -> vector<16xf32>
      %add3A_114 = arith.addf %scan3A_102, %unpack3A : vector<16xf32>
      %add3A_115 = arith.addf %add3A_114, %unpack3A_113 : vector<16xf32>
      %scan3A_116 = arith.constant 1 : i32
      %scan3A_117 = arith.addi %scan3A_101, %scan3A_116 : i32
      %add3A_118 = vector.broadcast %scan3A_117 : i32 to vector<16xi32>
      %add3A_119 = arith.addi %iota3A, %add3A_118 : vector<16xi32>
      %and3A_120 = arith.constant 63 : i32
      %and3A_121 = vector.broadcast %and3A_120 : i32 to vector<16xi32>
      %and3A_122 = arith.andi %add3A_119, %and3A_121 : vector<16xi32>
      %gather3A_123 = tpu.vector_load_idx %arg9[%add3A_77, %and3A_122] : memref<80x64xi32, #tpu.memory_space<vmem>>[vector<16xi32>, vector<16xi32>], vector<16xi32>,
      %bitcast3A_124 = vector.bitcast %gather3A_123 : vector<16xi32> to vector<32xbf16>
      %gather3A_125 = tpu.vector_load_idx %arg10[%add3A_77, %and3A_122] : memref<80x64xi32, #tpu.memory_space<vmem>>[vector<16xi32>, vector<16xi32>], vector<16xi32>,
      %bitcast3A_126 = vector.bitcast %gather3A_125 : vector<16xi32> to vector<32xbf16>
      %gather3A_127 = tpu.vector_load_idx %arg11[%add3A_77, %and3A_122] : memref<80x64xi32, #tpu.memory_space<vmem>>[vector<16xi32>, vector<16xi32>], vector<16xi32>,
      %bitcast3A_128 = vector.bitcast %gather3A_127 : vector<16xi32> to vector<32xbf16>
      %mul3A_129 = arith.mulf %bitcast3A_124, %bitcast3A_126 : vector<32xbf16>
      %mul3A_130 = arith.mulf %mul3A_129, %bitcast3A_128 : vector<32xbf16>
      %unpack3A_131 = tpu.unpack_subelements %mul3A_130, 0 {pack_format = #tpu.pack_format<interleaved>} : vector<32xbf16> -> vector<16xf32>
      %unpack3A_132 = tpu.unpack_subelements %mul3A_130, 1 {pack_format = #tpu.pack_format<interleaved>} : vector<32xbf16> -> vector<16xf32>
      %add3A_133 = arith.addf %add3A_115, %unpack3A_131 : vector<16xf32>
      %add3A_134 = arith.addf %add3A_133, %unpack3A_132 : vector<16xf32>
      %scan3A_135 = arith.constant 2 : i32
      %scan3A_136 = arith.addi %scan3A_101, %scan3A_135 : i32
      %add3A_137 = vector.broadcast %scan3A_136 : i32 to vector<16xi32>
      %add3A_138 = arith.addi %iota3A, %add3A_137 : vector<16xi32>
      %and3A_139 = arith.constant 63 : i32
      %and3A_140 = vector.broadcast %and3A_139 : i32 to vector<16xi32>
      %and3A_141 = arith.andi %add3A_138, %and3A_140 : vector<16xi32>
      %gather3A_142 = tpu.vector_load_idx %arg9[%add3A_77, %and3A_141] : memref<80x64xi32, #tpu.memory_space<vmem>>[vector<16xi32>, vector<16xi32>], vector<16xi32>,
      %bitcast3A_143 = vector.bitcast %gather3A_142 : vector<16xi32> to vector<32xbf16>
      %gather3A_144 = tpu.vector_load_idx %arg10[%add3A_77, %and3A_141] : memref<80x64xi32, #tpu.memory_space<vmem>>[vector<16xi32>, vector<16xi32>], vector<16xi32>,
      %bitcast3A_145 = vector.bitcast %gather3A_144 : vector<16xi32> to vector<32xbf16>
      %gather3A_146 = tpu.vector_load_idx %arg11[%add3A_77, %and3A_141] : memref<80x64xi32, #tpu.memory_space<vmem>>[vector<16xi32>, vector<16xi32>], vector<16xi32>,
      %bitcast3A_147 = vector.bitcast %gather3A_146 : vector<16xi32> to vector<32xbf16>
      %mul3A_148 = arith.mulf %bitcast3A_143, %bitcast3A_145 : vector<32xbf16>
      %mul3A_149 = arith.mulf %mul3A_148, %bitcast3A_147 : vector<32xbf16>
      %unpack3A_150 = tpu.unpack_subelements %mul3A_149, 0 {pack_format = #tpu.pack_format<interleaved>} : vector<32xbf16> -> vector<16xf32>
      %unpack3A_151 = tpu.unpack_subelements %mul3A_149, 1 {pack_format = #tpu.pack_format<interleaved>} : vector<32xbf16> -> vector<16xf32>
      %add3A_152 = arith.addf %add3A_134, %unpack3A_150 : vector<16xf32>
      %add3A_153 = arith.addf %add3A_152, %unpack3A_151 : vector<16xf32>
      %scan3A_154 = arith.constant 3 : i32
      %scan3A_155 = arith.addi %scan3A_101, %scan3A_154 : i32
      %add3A_156 = vector.broadcast %scan3A_155 : i32 to vector<16xi32>
      %add3A_157 = arith.addi %iota3A, %add3A_156 : vector<16xi32>
      %and3A_158 = arith.constant 63 : i32
      %and3A_159 = vector.broadcast %and3A_158 : i32 to vector<16xi32>
      %and3A_160 = arith.andi %add3A_157, %and3A_159 : vector<16xi32>
      %gather3A_161 = tpu.vector_load_idx %arg9[%add3A_77, %and3A_160] : memref<80x64xi32, #tpu.memory_space<vmem>>[vector<16xi32>, vector<16xi32>], vector<16xi32>,
      %bitcast3A_162 = vector.bitcast %gather3A_161 : vector<16xi32> to vector<32xbf16>
      %gather3A_163 = tpu.vector_load_idx %arg10[%add3A_77, %and3A_160] : memref<80x64xi32, #tpu.memory_space<vmem>>[vector<16xi32>, vector<16xi32>], vector<16xi32>,
      %bitcast3A_164 = vector.bitcast %gather3A_163 : vector<16xi32> to vector<32xbf16>
      %gather3A_165 = tpu.vector_load_idx %arg11[%add3A_77, %and3A_160] : memref<80x64xi32, #tpu.memory_space<vmem>>[vector<16xi32>, vector<16xi32>], vector<16xi32>,
      %bitcast3A_166 = vector.bitcast %gather3A_165 : vector<16xi32> to vector<32xbf16>
      %mul3A_167 = arith.mulf %bitcast3A_162, %bitcast3A_164 : vector<32xbf16>
      %mul3A_168 = arith.mulf %mul3A_167, %bitcast3A_166 : vector<32xbf16>
      %unpack3A_169 = tpu.unpack_subelements %mul3A_168, 0 {pack_format = #tpu.pack_format<interleaved>} : vector<32xbf16> -> vector<16xf32>
      %unpack3A_170 = tpu.unpack_subelements %mul3A_168, 1 {pack_format = #tpu.pack_format<interleaved>} : vector<32xbf16> -> vector<16xf32>
      %add3A_171 = arith.addf %add3A_153, %unpack3A_169 : vector<16xf32>
      %add3A_172 = arith.addf %add3A_171, %unpack3A_170 : vector<16xf32>
      %scan3A_173 = arith.constant 4 : i32
      %scan3A_174 = arith.addi %scan3A_101, %scan3A_173 : i32
      %add3A_175 = vector.broadcast %scan3A_174 : i32 to vector<16xi32>
      %add3A_176 = arith.addi %iota3A, %add3A_175 : vector<16xi32>
      %and3A_177 = arith.constant 63 : i32
      %and3A_178 = vector.broadcast %and3A_177 : i32 to vector<16xi32>
      %and3A_179 = arith.andi %add3A_176, %and3A_178 : vector<16xi32>
      %gather3A_180 = tpu.vector_load_idx %arg9[%add3A_77, %and3A_179] : memref<80x64xi32, #tpu.memory_space<vmem>>[vector<16xi32>, vector<16xi32>], vector<16xi32>,
      %bitcast3A_181 = vector.bitcast %gather3A_180 : vector<16xi32> to vector<32xbf16>
      %gather3A_182 = tpu.vector_load_idx %arg10[%add3A_77, %and3A_179] : memref<80x64xi32, #tpu.memory_space<vmem>>[vector<16xi32>, vector<16xi32>], vector<16xi32>,
      %bitcast3A_183 = vector.bitcast %gather3A_182 : vector<16xi32> to vector<32xbf16>
      %gather3A_184 = tpu.vector_load_idx %arg11[%add3A_77, %and3A_179] : memref<80x64xi32, #tpu.memory_space<vmem>>[vector<16xi32>, vector<16xi32>], vector<16xi32>,
      %bitcast3A_185 = vector.bitcast %gather3A_184 : vector<16xi32> to vector<32xbf16>
      %mul3A_186 = arith.mulf %bitcast3A_181, %bitcast3A_183 : vector<32xbf16>
      %mul3A_187 = arith.mulf %mul3A_186, %bitcast3A_185 : vector<32xbf16>
      %unpack3A_188 = tpu.unpack_subelements %mul3A_187, 0 {pack_format = #tpu.pack_format<interleaved>} : vector<32xbf16> -> vector<16xf32>
      %unpack3A_189 = tpu.unpack_subelements %mul3A_187, 1 {pack_format = #tpu.pack_format<interleaved>} : vector<32xbf16> -> vector<16xf32>
      %add3A_190 = arith.addf %add3A_172, %unpack3A_188 : vector<16xf32>
      %add3A_191 = arith.addf %add3A_190, %unpack3A_189 : vector<16xf32>
      %scan3A_192 = arith.constant 5 : i32
      %scan3A_193 = arith.addi %scan3A_101, %scan3A_192 : i32
      %add3A_194 = vector.broadcast %scan3A_193 : i32 to vector<16xi32>
      %add3A_195 = arith.addi %iota3A, %add3A_194 : vector<16xi32>
      %and3A_196 = arith.constant 63 : i32
      %and3A_197 = vector.broadcast %and3A_196 : i32 to vector<16xi32>
      %and3A_198 = arith.andi %add3A_195, %and3A_197 : vector<16xi32>
      %gather3A_199 = tpu.vector_load_idx %arg9[%add3A_77, %and3A_198] : memref<80x64xi32, #tpu.memory_space<vmem>>[vector<16xi32>, vector<16xi32>], vector<16xi32>,
      %bitcast3A_200 = vector.bitcast %gather3A_199 : vector<16xi32> to vector<32xbf16>
      %gather3A_201 = tpu.vector_load_idx %arg10[%add3A_77, %and3A_198] : memref<80x64xi32, #tpu.memory_space<vmem>>[vector<16xi32>, vector<16xi32>], vector<16xi32>,
      %bitcast3A_202 = vector.bitcast %gather3A_201 : vector<16xi32> to vector<32xbf16>
      %gather3A_203 = tpu.vector_load_idx %arg11[%add3A_77, %and3A_198] : memref<80x64xi32, #tpu.memory_space<vmem>>[vector<16xi32>, vector<16xi32>], vector<16xi32>,
      %bitcast3A_204 = vector.bitcast %gather3A_203 : vector<16xi32> to vector<32xbf16>
      %mul3A_205 = arith.mulf %bitcast3A_200, %bitcast3A_202 : vector<32xbf16>
      %mul3A_206 = arith.mulf %mul3A_205, %bitcast3A_204 : vector<32xbf16>
      %unpack3A_207 = tpu.unpack_subelements %mul3A_206, 0 {pack_format = #tpu.pack_format<interleaved>} : vector<32xbf16> -> vector<16xf32>
      %unpack3A_208 = tpu.unpack_subelements %mul3A_206, 1 {pack_format = #tpu.pack_format<interleaved>} : vector<32xbf16> -> vector<16xf32>
      %add3A_209 = arith.addf %add3A_191, %unpack3A_207 : vector<16xf32>
      %add3A_210 = arith.addf %add3A_209, %unpack3A_208 : vector<16xf32>
      %scan3A_211 = arith.constant 6 : i32
      %scan3A_212 = arith.addi %scan3A_101, %scan3A_211 : i32
      %add3A_213 = vector.broadcast %scan3A_212 : i32 to vector<16xi32>
      %add3A_214 = arith.addi %iota3A, %add3A_213 : vector<16xi32>
      %and3A_215 = arith.constant 63 : i32
      %and3A_216 = vector.broadcast %and3A_215 : i32 to vector<16xi32>
      %and3A_217 = arith.andi %add3A_214, %and3A_216 : vector<16xi32>
      %gather3A_218 = tpu.vector_load_idx %arg9[%add3A_77, %and3A_217] : memref<80x64xi32, #tpu.memory_space<vmem>>[vector<16xi32>, vector<16xi32>], vector<16xi32>,
      %bitcast3A_219 = vector.bitcast %gather3A_218 : vector<16xi32> to vector<32xbf16>
      %gather3A_220 = tpu.vector_load_idx %arg10[%add3A_77, %and3A_217] : memref<80x64xi32, #tpu.memory_space<vmem>>[vector<16xi32>, vector<16xi32>], vector<16xi32>,
      %bitcast3A_221 = vector.bitcast %gather3A_220 : vector<16xi32> to vector<32xbf16>
      %gather3A_222 = tpu.vector_load_idx %arg11[%add3A_77, %and3A_217] : memref<80x64xi32, #tpu.memory_space<vmem>>[vector<16xi32>, vector<16xi32>], vector<16xi32>,
      %bitcast3A_223 = vector.bitcast %gather3A_222 : vector<16xi32> to vector<32xbf16>
      %mul3A_224 = arith.mulf %bitcast3A_219, %bitcast3A_221 : vector<32xbf16>
      %mul3A_225 = arith.mulf %mul3A_224, %bitcast3A_223 : vector<32xbf16>
      %unpack3A_226 = tpu.unpack_subelements %mul3A_225, 0 {pack_format = #tpu.pack_format<interleaved>} : vector<32xbf16> -> vector<16xf32>
      %unpack3A_227 = tpu.unpack_subelements %mul3A_225, 1 {pack_format = #tpu.pack_format<interleaved>} : vector<32xbf16> -> vector<16xf32>
      %add3A_228 = arith.addf %add3A_210, %unpack3A_226 : vector<16xf32>
      %add3A_229 = arith.addf %add3A_228, %unpack3A_227 : vector<16xf32>
      %scan3A_230 = arith.constant 7 : i32
      %scan3A_231 = arith.addi %scan3A_101, %scan3A_230 : i32
      %add3A_232 = vector.broadcast %scan3A_231 : i32 to vector<16xi32>
      %add3A_233 = arith.addi %iota3A, %add3A_232 : vector<16xi32>
      %and3A_234 = arith.constant 63 : i32
      %and3A_235 = vector.broadcast %and3A_234 : i32 to vector<16xi32>
      %and3A_236 = arith.andi %add3A_233, %and3A_235 : vector<16xi32>
      %gather3A_237 = tpu.vector_load_idx %arg9[%add3A_77, %and3A_236] : memref<80x64xi32, #tpu.memory_space<vmem>>[vector<16xi32>, vector<16xi32>], vector<16xi32>,
      %bitcast3A_238 = vector.bitcast %gather3A_237 : vector<16xi32> to vector<32xbf16>
      %gather3A_239 = tpu.vector_load_idx %arg10[%add3A_77, %and3A_236] : memref<80x64xi32, #tpu.memory_space<vmem>>[vector<16xi32>, vector<16xi32>], vector<16xi32>,
      %bitcast3A_240 = vector.bitcast %gather3A_239 : vector<16xi32> to vector<32xbf16>
      %gather3A_241 = tpu.vector_load_idx %arg11[%add3A_77, %and3A_236] : memref<80x64xi32, #tpu.memory_space<vmem>>[vector<16xi32>, vector<16xi32>], vector<16xi32>,
      %bitcast3A_242 = vector.bitcast %gather3A_241 : vector<16xi32> to vector<32xbf16>
      %mul3A_243 = arith.mulf %bitcast3A_238, %bitcast3A_240 : vector<32xbf16>
      %mul3A_244 = arith.mulf %mul3A_243, %bitcast3A_242 : vector<32xbf16>
      %unpack3A_245 = tpu.unpack_subelements %mul3A_244, 0 {pack_format = #tpu.pack_format<interleaved>} : vector<32xbf16> -> vector<16xf32>
      %unpack3A_246 = tpu.unpack_subelements %mul3A_244, 1 {pack_format = #tpu.pack_format<interleaved>} : vector<32xbf16> -> vector<16xf32>
      %add3A_247 = arith.addf %add3A_229, %unpack3A_245 : vector<16xf32>
      %add3A_248 = arith.addf %add3A_247, %unpack3A_246 : vector<16xf32>
      scf.yield %add3A_248 : vector<16xf32>
    }
    %scan3A_85 = arith.constant 64 : i32
    %swap3A_86 = arith.constant 9968 : index
    %swap3A_87 = tpu.vector_load %arg15[%swap3A_86] {strides = array<i32>} : memref<10000xf32, #tpu.memory_space<vmem>>, vector<16xf32>,
    tpu.vector_store %arg15[%swap3A_86], %scan3A_84 {strides = array<i32>} : memref<10000xf32, #tpu.memory_space<vmem>>, vector<16xf32>,
    %add3A_88 = arith.constant 64 : i32
    %add3A_89 = vector.broadcast %add3A_88 : i32 to vector<16xi32>
    %add3A_90 = arith.addi %add3A_89, %iota3A : vector<16xi32>
    %broadcast_in_dim3A_91 = arith.constant 0.000000e+00 : f32
    %broadcast_in_dim3A_92 = vector.broadcast %broadcast_in_dim3A_91 : f32 to vector<16xf32>
    %scan3A_93 = arith.constant 0 : i32
    %scan3A_94 = arith.constant 64 : i32
    %scan3A_95 = arith.addi %scan3A_93, %scan3A_94 : i32
    %scan3A_96 = arith.constant 8 : i32
    %scan3A_97 = scf.for %scan3A_101 = %scan3A_93 to %scan3A_95 step %scan3A_96 iter_args(%scan3A_102 = %broadcast_in_dim3A_92) -> (vector<16xf32>)  : i32 {
      %add3A_103 = vector.broadcast %scan3A_101 : i32 to vector<16xi32>
      %add3A_104 = arith.addi %iota3A, %add3A_103 : vector<16xi32>
      %and3A = arith.constant 63 : i32
      %and3A_105 = vector.broadcast %and3A : i32 to vector<16xi32>
      %and3A_106 = arith.andi %add3A_104, %and3A_105 : vector<16xi32>
      %gather3A = tpu.vector_load_idx %arg9[%add3A_90, %and3A_106] : memref<80x64xi32, #tpu.memory_space<vmem>>[vector<16xi32>, vector<16xi32>], vector<16xi32>,
      %bitcast3A = vector.bitcast %gather3A : vector<16xi32> to vector<32xbf16>
      %gather3A_107 = tpu.vector_load_idx %arg10[%add3A_90, %and3A_106] : memref<80x64xi32, #tpu.memory_space<vmem>>[vector<16xi32>, vector<16xi32>], vector<16xi32>,
      %bitcast3A_108 = vector.bitcast %gather3A_107 : vector<16xi32> to vector<32xbf16>
      %gather3A_109 = tpu.vector_load_idx %arg11[%add3A_90, %and3A_106] : memref<80x64xi32, #tpu.memory_space<vmem>>[vector<16xi32>, vector<16xi32>], vector<16xi32>,
      %bitcast3A_110 = vector.bitcast %gather3A_109 : vector<16xi32> to vector<32xbf16>
      %mul3A_111 = arith.mulf %bitcast3A, %bitcast3A_108 : vector<32xbf16>
      %mul3A_112 = arith.mulf %mul3A_111, %bitcast3A_110 : vector<32xbf16>
      %unpack3A = tpu.unpack_subelements %mul3A_112, 0 {pack_format = #tpu.pack_format<interleaved>} : vector<32xbf16> -> vector<16xf32>
      %unpack3A_113 = tpu.unpack_subelements %mul3A_112, 1 {pack_format = #tpu.pack_format<interleaved>} : vector<32xbf16> -> vector<16xf32>
      %add3A_114 = arith.addf %scan3A_102, %unpack3A : vector<16xf32>
      %add3A_115 = arith.addf %add3A_114, %unpack3A_113 : vector<16xf32>
      %scan3A_116 = arith.constant 1 : i32
      %scan3A_117 = arith.addi %scan3A_101, %scan3A_116 : i32
      %add3A_118 = vector.broadcast %scan3A_117 : i32 to vector<16xi32>
      %add3A_119 = arith.addi %iota3A, %add3A_118 : vector<16xi32>
      %and3A_120 = arith.constant 63 : i32
      %and3A_121 = vector.broadcast %and3A_120 : i32 to vector<16xi32>
      %and3A_122 = arith.andi %add3A_119, %and3A_121 : vector<16xi32>
      %gather3A_123 = tpu.vector_load_idx %arg9[%add3A_90, %and3A_122] : memref<80x64xi32, #tpu.memory_space<vmem>>[vector<16xi32>, vector<16xi32>], vector<16xi32>,
      %bitcast3A_124 = vector.bitcast %gather3A_123 : vector<16xi32> to vector<32xbf16>
      %gather3A_125 = tpu.vector_load_idx %arg10[%add3A_90, %and3A_122] : memref<80x64xi32, #tpu.memory_space<vmem>>[vector<16xi32>, vector<16xi32>], vector<16xi32>,
      %bitcast3A_126 = vector.bitcast %gather3A_125 : vector<16xi32> to vector<32xbf16>
      %gather3A_127 = tpu.vector_load_idx %arg11[%add3A_90, %and3A_122] : memref<80x64xi32, #tpu.memory_space<vmem>>[vector<16xi32>, vector<16xi32>], vector<16xi32>,
      %bitcast3A_128 = vector.bitcast %gather3A_127 : vector<16xi32> to vector<32xbf16>
      %mul3A_129 = arith.mulf %bitcast3A_124, %bitcast3A_126 : vector<32xbf16>
      %mul3A_130 = arith.mulf %mul3A_129, %bitcast3A_128 : vector<32xbf16>
      %unpack3A_131 = tpu.unpack_subelements %mul3A_130, 0 {pack_format = #tpu.pack_format<interleaved>} : vector<32xbf16> -> vector<16xf32>
      %unpack3A_132 = tpu.unpack_subelements %mul3A_130, 1 {pack_format = #tpu.pack_format<interleaved>} : vector<32xbf16> -> vector<16xf32>
      %add3A_133 = arith.addf %add3A_115, %unpack3A_131 : vector<16xf32>
      %add3A_134 = arith.addf %add3A_133, %unpack3A_132 : vector<16xf32>
      %scan3A_135 = arith.constant 2 : i32
      %scan3A_136 = arith.addi %scan3A_101, %scan3A_135 : i32
      %add3A_137 = vector.broadcast %scan3A_136 : i32 to vector<16xi32>
      %add3A_138 = arith.addi %iota3A, %add3A_137 : vector<16xi32>
      %and3A_139 = arith.constant 63 : i32
      %and3A_140 = vector.broadcast %and3A_139 : i32 to vector<16xi32>
      %and3A_141 = arith.andi %add3A_138, %and3A_140 : vector<16xi32>
      %gather3A_142 = tpu.vector_load_idx %arg9[%add3A_90, %and3A_141] : memref<80x64xi32, #tpu.memory_space<vmem>>[vector<16xi32>, vector<16xi32>], vector<16xi32>,
      %bitcast3A_143 = vector.bitcast %gather3A_142 : vector<16xi32> to vector<32xbf16>
      %gather3A_144 = tpu.vector_load_idx %arg10[%add3A_90, %and3A_141] : memref<80x64xi32, #tpu.memory_space<vmem>>[vector<16xi32>, vector<16xi32>], vector<16xi32>,
      %bitcast3A_145 = vector.bitcast %gather3A_144 : vector<16xi32> to vector<32xbf16>
      %gather3A_146 = tpu.vector_load_idx %arg11[%add3A_90, %and3A_141] : memref<80x64xi32, #tpu.memory_space<vmem>>[vector<16xi32>, vector<16xi32>], vector<16xi32>,
      %bitcast3A_147 = vector.bitcast %gather3A_146 : vector<16xi32> to vector<32xbf16>
      %mul3A_148 = arith.mulf %bitcast3A_143, %bitcast3A_145 : vector<32xbf16>
      %mul3A_149 = arith.mulf %mul3A_148, %bitcast3A_147 : vector<32xbf16>
      %unpack3A_150 = tpu.unpack_subelements %mul3A_149, 0 {pack_format = #tpu.pack_format<interleaved>} : vector<32xbf16> -> vector<16xf32>
      %unpack3A_151 = tpu.unpack_subelements %mul3A_149, 1 {pack_format = #tpu.pack_format<interleaved>} : vector<32xbf16> -> vector<16xf32>
      %add3A_152 = arith.addf %add3A_134, %unpack3A_150 : vector<16xf32>
      %add3A_153 = arith.addf %add3A_152, %unpack3A_151 : vector<16xf32>
      %scan3A_154 = arith.constant 3 : i32
      %scan3A_155 = arith.addi %scan3A_101, %scan3A_154 : i32
      %add3A_156 = vector.broadcast %scan3A_155 : i32 to vector<16xi32>
      %add3A_157 = arith.addi %iota3A, %add3A_156 : vector<16xi32>
      %and3A_158 = arith.constant 63 : i32
      %and3A_159 = vector.broadcast %and3A_158 : i32 to vector<16xi32>
      %and3A_160 = arith.andi %add3A_157, %and3A_159 : vector<16xi32>
      %gather3A_161 = tpu.vector_load_idx %arg9[%add3A_90, %and3A_160] : memref<80x64xi32, #tpu.memory_space<vmem>>[vector<16xi32>, vector<16xi32>], vector<16xi32>,
      %bitcast3A_162 = vector.bitcast %gather3A_161 : vector<16xi32> to vector<32xbf16>
      %gather3A_163 = tpu.vector_load_idx %arg10[%add3A_90, %and3A_160] : memref<80x64xi32, #tpu.memory_space<vmem>>[vector<16xi32>, vector<16xi32>], vector<16xi32>,
      %bitcast3A_164 = vector.bitcast %gather3A_163 : vector<16xi32> to vector<32xbf16>
      %gather3A_165 = tpu.vector_load_idx %arg11[%add3A_90, %and3A_160] : memref<80x64xi32, #tpu.memory_space<vmem>>[vector<16xi32>, vector<16xi32>], vector<16xi32>,
      %bitcast3A_166 = vector.bitcast %gather3A_165 : vector<16xi32> to vector<32xbf16>
      %mul3A_167 = arith.mulf %bitcast3A_162, %bitcast3A_164 : vector<32xbf16>
      %mul3A_168 = arith.mulf %mul3A_167, %bitcast3A_166 : vector<32xbf16>
      %unpack3A_169 = tpu.unpack_subelements %mul3A_168, 0 {pack_format = #tpu.pack_format<interleaved>} : vector<32xbf16> -> vector<16xf32>
      %unpack3A_170 = tpu.unpack_subelements %mul3A_168, 1 {pack_format = #tpu.pack_format<interleaved>} : vector<32xbf16> -> vector<16xf32>
      %add3A_171 = arith.addf %add3A_153, %unpack3A_169 : vector<16xf32>
      %add3A_172 = arith.addf %add3A_171, %unpack3A_170 : vector<16xf32>
      %scan3A_173 = arith.constant 4 : i32
      %scan3A_174 = arith.addi %scan3A_101, %scan3A_173 : i32
      %add3A_175 = vector.broadcast %scan3A_174 : i32 to vector<16xi32>
      %add3A_176 = arith.addi %iota3A, %add3A_175 : vector<16xi32>
      %and3A_177 = arith.constant 63 : i32
      %and3A_178 = vector.broadcast %and3A_177 : i32 to vector<16xi32>
      %and3A_179 = arith.andi %add3A_176, %and3A_178 : vector<16xi32>
      %gather3A_180 = tpu.vector_load_idx %arg9[%add3A_90, %and3A_179] : memref<80x64xi32, #tpu.memory_space<vmem>>[vector<16xi32>, vector<16xi32>], vector<16xi32>,
      %bitcast3A_181 = vector.bitcast %gather3A_180 : vector<16xi32> to vector<32xbf16>
      %gather3A_182 = tpu.vector_load_idx %arg10[%add3A_90, %and3A_179] : memref<80x64xi32, #tpu.memory_space<vmem>>[vector<16xi32>, vector<16xi32>], vector<16xi32>,
      %bitcast3A_183 = vector.bitcast %gather3A_182 : vector<16xi32> to vector<32xbf16>
      %gather3A_184 = tpu.vector_load_idx %arg11[%add3A_90, %and3A_179] : memref<80x64xi32, #tpu.memory_space<vmem>>[vector<16xi32>, vector<16xi32>], vector<16xi32>,
      %bitcast3A_185 = vector.bitcast %gather3A_184 : vector<16xi32> to vector<32xbf16>
      %mul3A_186 = arith.mulf %bitcast3A_181, %bitcast3A_183 : vector<32xbf16>
      %mul3A_187 = arith.mulf %mul3A_186, %bitcast3A_185 : vector<32xbf16>
      %unpack3A_188 = tpu.unpack_subelements %mul3A_187, 0 {pack_format = #tpu.pack_format<interleaved>} : vector<32xbf16> -> vector<16xf32>
      %unpack3A_189 = tpu.unpack_subelements %mul3A_187, 1 {pack_format = #tpu.pack_format<interleaved>} : vector<32xbf16> -> vector<16xf32>
      %add3A_190 = arith.addf %add3A_172, %unpack3A_188 : vector<16xf32>
      %add3A_191 = arith.addf %add3A_190, %unpack3A_189 : vector<16xf32>
      %scan3A_192 = arith.constant 5 : i32
      %scan3A_193 = arith.addi %scan3A_101, %scan3A_192 : i32
      %add3A_194 = vector.broadcast %scan3A_193 : i32 to vector<16xi32>
      %add3A_195 = arith.addi %iota3A, %add3A_194 : vector<16xi32>
      %and3A_196 = arith.constant 63 : i32
      %and3A_197 = vector.broadcast %and3A_196 : i32 to vector<16xi32>
      %and3A_198 = arith.andi %add3A_195, %and3A_197 : vector<16xi32>
      %gather3A_199 = tpu.vector_load_idx %arg9[%add3A_90, %and3A_198] : memref<80x64xi32, #tpu.memory_space<vmem>>[vector<16xi32>, vector<16xi32>], vector<16xi32>,
      %bitcast3A_200 = vector.bitcast %gather3A_199 : vector<16xi32> to vector<32xbf16>
      %gather3A_201 = tpu.vector_load_idx %arg10[%add3A_90, %and3A_198] : memref<80x64xi32, #tpu.memory_space<vmem>>[vector<16xi32>, vector<16xi32>], vector<16xi32>,
      %bitcast3A_202 = vector.bitcast %gather3A_201 : vector<16xi32> to vector<32xbf16>
      %gather3A_203 = tpu.vector_load_idx %arg11[%add3A_90, %and3A_198] : memref<80x64xi32, #tpu.memory_space<vmem>>[vector<16xi32>, vector<16xi32>], vector<16xi32>,
      %bitcast3A_204 = vector.bitcast %gather3A_203 : vector<16xi32> to vector<32xbf16>
      %mul3A_205 = arith.mulf %bitcast3A_200, %bitcast3A_202 : vector<32xbf16>
      %mul3A_206 = arith.mulf %mul3A_205, %bitcast3A_204 : vector<32xbf16>
      %unpack3A_207 = tpu.unpack_subelements %mul3A_206, 0 {pack_format = #tpu.pack_format<interleaved>} : vector<32xbf16> -> vector<16xf32>
      %unpack3A_208 = tpu.unpack_subelements %mul3A_206, 1 {pack_format = #tpu.pack_format<interleaved>} : vector<32xbf16> -> vector<16xf32>
      %add3A_209 = arith.addf %add3A_191, %unpack3A_207 : vector<16xf32>
      %add3A_210 = arith.addf %add3A_209, %unpack3A_208 : vector<16xf32>
      %scan3A_211 = arith.constant 6 : i32
      %scan3A_212 = arith.addi %scan3A_101, %scan3A_211 : i32
      %add3A_213 = vector.broadcast %scan3A_212 : i32 to vector<16xi32>
      %add3A_214 = arith.addi %iota3A, %add3A_213 : vector<16xi32>
      %and3A_215 = arith.constant 63 : i32
      %and3A_216 = vector.broadcast %and3A_215 : i32 to vector<16xi32>
      %and3A_217 = arith.andi %add3A_214, %and3A_216 : vector<16xi32>
      %gather3A_218 = tpu.vector_load_idx %arg9[%add3A_90, %and3A_217] : memref<80x64xi32, #tpu.memory_space<vmem>>[vector<16xi32>, vector<16xi32>], vector<16xi32>,
      %bitcast3A_219 = vector.bitcast %gather3A_218 : vector<16xi32> to vector<32xbf16>
      %gather3A_220 = tpu.vector_load_idx %arg10[%add3A_90, %and3A_217] : memref<80x64xi32, #tpu.memory_space<vmem>>[vector<16xi32>, vector<16xi32>], vector<16xi32>,
      %bitcast3A_221 = vector.bitcast %gather3A_220 : vector<16xi32> to vector<32xbf16>
      %gather3A_222 = tpu.vector_load_idx %arg11[%add3A_90, %and3A_217] : memref<80x64xi32, #tpu.memory_space<vmem>>[vector<16xi32>, vector<16xi32>], vector<16xi32>,
      %bitcast3A_223 = vector.bitcast %gather3A_222 : vector<16xi32> to vector<32xbf16>
      %mul3A_224 = arith.mulf %bitcast3A_219, %bitcast3A_221 : vector<32xbf16>
      %mul3A_225 = arith.mulf %mul3A_224, %bitcast3A_223 : vector<32xbf16>
      %unpack3A_226 = tpu.unpack_subelements %mul3A_225, 0 {pack_format = #tpu.pack_format<interleaved>} : vector<32xbf16> -> vector<16xf32>
      %unpack3A_227 = tpu.unpack_subelements %mul3A_225, 1 {pack_format = #tpu.pack_format<interleaved>} : vector<32xbf16> -> vector<16xf32>
      %add3A_228 = arith.addf %add3A_210, %unpack3A_226 : vector<16xf32>
      %add3A_229 = arith.addf %add3A_228, %unpack3A_227 : vector<16xf32>
      %scan3A_230 = arith.constant 7 : i32
      %scan3A_231 = arith.addi %scan3A_101, %scan3A_230 : i32
      %add3A_232 = vector.broadcast %scan3A_231 : i32 to vector<16xi32>
      %add3A_233 = arith.addi %iota3A, %add3A_232 : vector<16xi32>
      %and3A_234 = arith.constant 63 : i32
      %and3A_235 = vector.broadcast %and3A_234 : i32 to vector<16xi32>
      %and3A_236 = arith.andi %add3A_233, %and3A_235 : vector<16xi32>
      %gather3A_237 = tpu.vector_load_idx %arg9[%add3A_90, %and3A_236] : memref<80x64xi32, #tpu.memory_space<vmem>>[vector<16xi32>, vector<16xi32>], vector<16xi32>,
      %bitcast3A_238 = vector.bitcast %gather3A_237 : vector<16xi32> to vector<32xbf16>
      %gather3A_239 = tpu.vector_load_idx %arg10[%add3A_90, %and3A_236] : memref<80x64xi32, #tpu.memory_space<vmem>>[vector<16xi32>, vector<16xi32>], vector<16xi32>,
      %bitcast3A_240 = vector.bitcast %gather3A_239 : vector<16xi32> to vector<32xbf16>
      %gather3A_241 = tpu.vector_load_idx %arg11[%add3A_90, %and3A_236] : memref<80x64xi32, #tpu.memory_space<vmem>>[vector<16xi32>, vector<16xi32>], vector<16xi32>,
      %bitcast3A_242 = vector.bitcast %gather3A_241 : vector<16xi32> to vector<32xbf16>
      %mul3A_243 = arith.mulf %bitcast3A_238, %bitcast3A_240 : vector<32xbf16>
      %mul3A_244 = arith.mulf %mul3A_243, %bitcast3A_242 : vector<32xbf16>
      %unpack3A_245 = tpu.unpack_subelements %mul3A_244, 0 {pack_format = #tpu.pack_format<interleaved>} : vector<32xbf16> -> vector<16xf32>
      %unpack3A_246 = tpu.unpack_subelements %mul3A_244, 1 {pack_format = #tpu.pack_format<interleaved>} : vector<32xbf16> -> vector<16xf32>
      %add3A_247 = arith.addf %add3A_229, %unpack3A_245 : vector<16xf32>
      %add3A_248 = arith.addf %add3A_247, %unpack3A_246 : vector<16xf32>
      scf.yield %add3A_248 : vector<16xf32>
    }
    %scan3A_98 = arith.constant 64 : i32
    %swap3A_99 = arith.constant 9984 : index
    %swap3A_100 = tpu.vector_load %arg15[%swap3A_99] {strides = array<i32>} : memref<10000xf32, #tpu.memory_space<vmem>>, vector<16xf32>,
    tpu.vector_store %arg15[%swap3A_99], %scan3A_97 {strides = array<i32>} : memref<10000xf32, #tpu.memory_space<vmem>>, vector<16xf32>,
    "tpu.region"() ({
      %run_scoped3A_101 = tpu.sem_alloc : memref<!tpu.dma_semaphore, #tpu.memory_space<semaphore_mem>>
      %dma_start3A_102 = tpu.memref_slice %arg5[%mul3A_2] : memref<320000xf32, #tpu.memory_space<hbm>> -> memref<10000xf32, #tpu.memory_space<hbm>>
      %dma_start3A_103 = tpu.memref_slice %arg5[%mul3A_2] : memref<320000xf32, #tpu.memory_space<hbm>> -> memref<10000xf32, #tpu.memory_space<hbm>>
      tpu.enqueue_dma source(%arg15 : memref<10000xf32, #tpu.memory_space<vmem>>) target(%dma_start3A_103 : memref<10000xf32, #tpu.memory_space<hbm>>) target_semaphore(%run_scoped3A_101 : memref<!tpu.dma_semaphore, #tpu.memory_space<semaphore_mem>>)
      %dma_wait3A_104 = tpu.memref_slice %arg5[%mul3A_2] : memref<320000xf32, #tpu.memory_space<hbm>> -> memref<10000xf32, #tpu.memory_space<hbm>>
      %dma_wait3A_105 = tpu.memref_slice %arg5[%mul3A_2] : memref<320000xf32, #tpu.memory_space<hbm>> -> memref<10000xf32, #tpu.memory_space<hbm>>
      tpu.wait_dma2 semaphore(%run_scoped3A_101 : memref<!tpu.dma_semaphore, #tpu.memory_space<semaphore_mem>>) src(%arg15 : memref<10000xf32, #tpu.memory_space<vmem>>) dst(%dma_wait3A_105 : memref<10000xf32, #tpu.memory_space<hbm>>)
      tpu.yield
    }) : () -> ()
    return
  }
}

</mosaic_0001>

<sc_bundles>
// kernel: kernel.3.cloned.1.call-start
scs
__scs_entry_jumppad:
0x0: {  	(pc) =	sbr.rel $0x88, $3  }
0x1: {  	(tag) =	ssettag $0x0;
	lr =	simm.s32 $0x1  }
0x2: {  	[smem:$0x3F9E] =	sst lr;
	_ =	strace $0xD0000000  }
0x3: {  	_ = 	snop  }
0x4: {  	_ = 	snop  }
0x5: {  	_ = 	snop  }
0x6: {  	_ = 	snop  }
0x7: {  	_ = 	snop  }
__scs_overlays_trampoline_lowered:
0x8: {  	[smem:$0x3FAD] =	sst s0  }
0x9: {  	[smem:$0x3FAE] =	sst s1  }
0xa: {  	[smem:$0x3FAF] =	sst s2  }
0xb: {  	[smem:$0x3FB0] =	sst s3  }
0xc: {  	[smem:$0x3FB1] =	sst s4  }
0xd: {  	[smem:$0x3FB2] =	sst s5  }
0xe: {  	[smem:$0x3FB3] =	sst s6  }
0xf: {  	[smem:$0x3FB4] =	sst s7  }
0x10: {  	[smem:$0x3FB5] =	sst s8  }
0x11: {  	[smem:$0x3FB6] =	sst s9;
	s0 =	simm.s32 @!p0 $0x0  }
0x12: {  	s1 =	sld [smem:$0x3F9C];
	s0 =	simm.s32 @p0 $0x1  }
0x13: {  	[smem:$0x3FB7] =	sst s0;
	s0 =	simm.s32 @!p1 $0x0  }
0x14: {  	s2 =	sld [smem:$0x3F9B];
	s0 =	simm.s32 @p1 $0x1  }
0x15: {  	[smem:$0x3FB8] =	sst s0;
	s0 =	simm.s32 @!p2 $0x0  }
0x16: {  	s3 =	sld [smem:$0x3FDB];
	s0 =	simm.s32 @p2 $0x1  }
0x17: {  	s4 =	simm.s32 $0x1BF5;
	[smem:$0x3FBA] =	sst s0  }
0x18: {  	s0 =	sld [smem:$0x3F9D];
	_ =	swait.ge [sflag:s4], $0x0  }
0x19: {  	s7 =	sld [smem:$0x3F9E]  }
0x1a: {  	s8 =	sadd.s32 $0xFFFFE003, lr  }
0x1b: {  	s9 =	sadd.s32 $0xFFFFFEF7, lr;
	s5 =	simm.s32 $0xFFFFFFFF;
	p2 =	slt.u32 s8, $0xFFFFF086  }
0x1c: {  	p1 =	slt.u32 s9, $0xF7A;
	s5 =	simm.s32 @!p2 $0x0  }
0x1d: {  	s5 =	simm.s32 @p1 $0x1;
	p0 =	seq.s32 s7, s2  }
0x1e: {  	s7 =	smul.u32 @!p0 $0xF7A, s2;
	p2 =	seq.s32 @!p0 s5, $0x0  }
0x1f: {  	s9 =	smul.u32 $0xF7A, s1;
	s8 =	simm.s32 @!p0 $0x1BF5;
	p2 =	por !p2, p0  }
0x20: {  	[sflag:s8] =	ssyncset.s32 @!p0 $0xFFFFF086;
	s6 =	sadd.s32 @!p0 s3, s7;
	s7 =	simm.s32 @!p0 $0x108  }
0x21: {  	s3 =	sadd.s32 s3, s9;
	s6 =	sadd.s32 @!p0 $0x88, s6;
	s7 =	simm.s32 @p2 $0x1082  }
0x22: {  	[simem:s7], [sflag:s8] =	dma.local @!p0 [hbm:s6], $0xF7A  }
0x23: {  	s9 =	sor.u32 $0xD0000000, s2;
	s6 =	simm.s32 $0x108;
	_ =	swait.ge @!p0 [sflag:s8], $0x0  }
0x24: {  	s3 =	sadd.s32 $0x88, s3;
	s6 =	simm.s32 @!p1 $0x1082;
	[sflag:s4] =	ssyncset.s32 $0xFFFFF086  }
0x25: {  	[simem:s6], [sflag:s4] =	dma.local [hbm:s3], $0xF7A  }
0x26: {  	[smem:$0x3F9E] =	sst s1;
	(tag) =	ssettag s2;
	_ =	strace s9  }
0x27: {  	s1 =	sld [smem:$0x3FAE]  }
0x28: {  	s2 =	sld [smem:$0x3FAF]  }
0x29: {  	s4 =	sld [smem:$0x3FB1]  }
0x2a: {  	p0 =	seq.s32 s5, $0x0;
	s5 =	sld [smem:$0x3FB2]  }
0x2b: {  	s6 =	sld [smem:$0x3FB3]  }
0x2c: {  	s7 =	sld [smem:$0x3FB4]  }
0x2d: {  	s3 =	simm.s32 $0x108;
	s8 =	sld [smem:$0x3FB5]  }
0x2e: {  	s3 =	simm.s32 @!p0 $0x1082;
	s9 =	sld [smem:$0x3FB6]  }
0x2f: {  	lr =	sadd.s32 s0, s3;
	s0 =	sld [smem:$0x3FAD]  }
0x30: {  	s3 =	sld [smem:$0x3FB0]  }
0x31: {  	[smem:$0x3FB9] =	sst s10  }
0x32: {  	s10 =	sld [smem:$0x3FB7];
	_ =	sdelay $0x3  }
0x33: {  	p0 =	seq.s32 s10, $0x1;
	s10 =	sld [smem:$0x3FB9];
	_ =	sdelay $0x3  }
0x34: {  	[smem:$0x3FB9] =	sst s10  }
0x35: {  	s10 =	sld [smem:$0x3FB8];
	_ =	sdelay $0x3  }
0x36: {  	p1 =	seq.s32 s10, $0x1;
	s10 =	sld [smem:$0x3FB9];
	_ =	sdelay $0x3  }
0x37: {  	[smem:$0x3FB9] =	sst s10  }
0x38: {  	s10 =	sld [smem:$0x3FBA]  }
0x39: {  	_ = 	snop;
	(pc) =	sbr.ind lr, $3  }
0x3a: {  	_ = 	snop  }
0x3b: {  	_ = 	snop  }
0x3c: {  	p2 =	seq.s32 s10, $0x1;
	s10 =	sld [smem:$0x3FB9]  }
0x3d: {  	_ =	shalt  }
0x3e: {  	_ =	shalt  }
0x3f: {  	_ =	shalt  }
0x40: {  	_ =	shalt  }
0x41: {  	_ =	shalt  }
0x42: {  	_ =	shalt  }
0x43: {  	_ =	shalt  }
0x44: {  	_ =	shalt  }
0x45: {  	_ =	shalt  }
0x46: {  	_ =	shalt  }
0x47: {  	_ =	shalt  }
0x48: {  	_ =	shalt  }
0x49: {  	_ =	shalt  }
0x4a: {  	_ =	shalt  }
0x4b: {  	_ =	shalt  }
0x4c: {  	_ =	shalt  }
0x4d: {  	_ =	shalt  }
0x4e: {  	_ =	shalt  }
0x4f: {  	_ =	shalt  }
0x50: {  	_ =	shalt  }
0x51: {  	_ =	shalt  }
0x52: {  	_ =	shalt  }
0x53: {  	_ =	shalt  }
0x54: {  	_ =	shalt  }
0x55: {  	_ =	shalt  }
0x56: {  	_ =	shalt  }
0x57: {  	_ =	shalt  }
0x58: {  	_ =	shalt  }
0x59: {  	_ =	shalt  }
0x5a: {  	_ =	shalt  }
0x5b: {  	_ =	shalt  }
0x5c: {  	_ =	shalt  }
0x5d: {  	_ =	shalt  }
0x5e: {  	_ =	shalt  }
0x5f: {  	_ =	shalt  }
0x60: {  	_ =	shalt  }
0x61: {  	_ =	shalt  }
0x62: {  	_ =	shalt  }
0x63: {  	_ =	shalt  }
0x64: {  	_ =	shalt  }
0x65: {  	_ =	shalt  }
0x66: {  	_ =	shalt  }
0x67: {  	_ =	shalt  }
0x68: {  	_ =	shalt  }
0x69: {  	_ =	shalt  }
0x6a: {  	_ =	shalt  }
0x6b: {  	_ =	shalt  }
0x6c: {  	_ =	shalt  }
0x6d: {  	_ =	shalt  }
0x6e: {  	_ =	shalt  }
0x6f: {  	_ =	shalt  }
0x70: {  	_ =	shalt  }
0x71: {  	_ =	shalt  }
0x72: {  	_ =	shalt  }
0x73: {  	_ =	shalt  }
0x74: {  	_ =	shalt  }
0x75: {  	_ =	shalt  }
0x76: {  	_ =	shalt  }
0x77: {  	_ =	shalt  }
0x78: {  	_ =	shalt  }
0x79: {  	_ =	shalt  }
0x7a: {  	_ =	shalt  }
0x7b: {  	_ =	shalt  }
0x7c: {  	_ =	shalt  }
0x7d: {  	_ =	shalt  }
0x7e: {  	_ =	shalt  }
0x7f: {  	_ =	shalt  }
0x80: {  	_ =	shalt  }
0x81: {  	_ =	shalt  }
0x82: {  	_ =	shalt  }
0x83: {  	_ =	shalt  }
0x84: {  	_ =	shalt  }
0x85: {  	_ =	shalt  }
0x86: {  	_ =	shalt  }
0x87: {  	_ =	shalt  }
.Lfunc_end0:
.L_simem_size_0:
called_computation_lowered:
.L_overlay_start_0:
0x88: {  	s2 =	sld [smem:$0x3FD9]  }
0x89: {  	s3 =	sld [smem:$0x3FFE];
	_ =	sdelay $0x1  }
0x8a: {  	s1 =	srdreg.scid  }
0x8b: {  	s0 =	sand.u32 $0x1, s1  }
0x8c: {  	s17 =	sshll.u32 s0, $0xA;
	s2 =	sadd.s32 s3, s2  }
0x8d: {  	s2 =	sadd.s32 s2, s17  }
0x8e: {  	[smem:$0x3FC5] =	sst s2  }
0x8f: {  	_ = 	snop  }
0x90: {  	s2 =	sld [smem:$0x3FD0];
	(tm) =	ssettm $0x1  }
0x91: {  	s18 =	sld [smem:$0x3FFB];
	_ =	sdelay $0x3  }
0x92: {  	_ =	strace s18  }
0x93: {  	s3 =	sld [smem:$0x3FFC];
	_ =	sdelay $0x3  }
0x94: {  	_ =	strace s3  }
0x95: {  	s3 =	sld [smem:$0x3FFD];
	_ =	sdelay $0x3  }
0x96: {  	_ =	strace s3  }
0x97: {  	_ =	strace $0x8FFFFFFF  }
0x98: {  	s19 =	sld [smem:$0x3FDB];
	_ =	sdelay $0x1  }
0x99: {  	s4 =	simm.s32 $_scs_section_size  }
0x9a: {  	s5 =	simm.s32 $_size__tile_overlayer_lowered;
	s6 =	simm.s32 $_tile_overlayer_lowered  }
0x9b: {  	s22 =	simm.s32 $0x1BFF;
	s21 =	sshll.u32 s6, $0x1;
	s3 =	sadd.s32 s4, s19  }
0x9c: {  	s7 =	simm.s32 $0x0;
	s20 =	sshll.u32 s5, $0x1;
	s5 =	sadd.s32 s21, s3  }
0x9d: {  	[timem:s7], [sflag:s22] =	dma.local [hbm:s5], s20  }
0x9e: {  	_ =	swait.ge [sflag:s22], s20  }
0x9f: {  	s4 =	ssub.s32 $0x0, s20;
	[sflag:s22] =	ssyncset.done $0x0  }
0xa0: {  	[sflag:s22] =	ssyncadd.s32 s4;
	_ =	sdelay $0x1  }
0xa1: {  	s23 =	simm.s32 $0x1B8B  }
0xa2: {  	_ =	swait.ge [sflag:s23], $0x1  }
0xa3: {  	[sflag:s23] =	ssyncset.done $0x0  }
0xa4: {  	s25 =	simm.s32 $0x1B8E;
	s24 =	sld [smem:$0x3FFE];
	[sflag:s23] =	ssyncadd.s32 $0xFFFFFFFF  }
0xa5: {  	s26 =	simm.s32 $execute0_lowered;
	[smem:$0x3FD2] =	sst s25  }
0xa6: {  	s5 =	sshll.u32 s26, $0x1;
	_ =	strace $0x80000046;
	[dreg:$0x1] =	wrdreg $0xFFFFFFFF  }
0xa7: {  	s28 =	simm.s32 $_size_execute0_lowered;
	s3 =	sadd.s32 s3, s5;
	[dreg:$0x0] =	wrdreg $0x0  }
0xa8: {  	s5 =	sshll.u32 s28, $0x1;
	[dreg:$0x2] =	wrdreg s3  }
0xa9: {  	[dreg:$0x3] =	wrdreg s5  }
0xaa: {  	[dreg:$0x4] =	wrdreg $0xC0  }
0xab: {  	_ =	task [dreg:s7], $0x5FFFF  }
0xac: {  	[dreg:$0x1] =	wrdreg $0xFFFFFFFF  }
0xad: {  	[dreg:$0x0] =	wrdreg $0x60  }
0xae: {  	[dreg:$0x2] =	wrdreg s24  }
0xaf: {  	[dreg:$0x3] =	wrdreg s2  }
0xb0: {  	[dreg:$0x4] =	wrdreg $0x9  }
0xb1: {  	_ =	task.clear_ibuf [dreg:s7], $0x5FFFF;
	_ =	strace $0x90000046  }
0xb2: {  	s29 =	simm.s32 $0x9;
	_ =	strace $0x80000048  }
0xb3: {  	_ =	swait.ge [sflag:s29], $0x1  }
0xb4: {  	[sflag:s29] =	ssyncadd.s32 $0xFFFFFFFF  }
0xb5: {  	_ =	strace $0x90000048  }
0xb6: {  	_ =	sfence  }
0xb7: {  	s30 =	sld [smem:$0x0];
	_ =	sdelay $0x2  }
0xb8: {  	s31 =	sshll.u32 s1, $0xD;
	s1 =	sshrl.u32 s1, $0x2  }
0xb9: {  	s3 =	sand.u32 $0x4000, s31;
	s1 =	sadd.s32 s1, s30  }
0xba: {  	s0 =	sor.u32 s3, s0;
	s1 =	sshll.u32 s1, $0x11  }
0xbb: {  	s0 =	sor.u32 s1, s0  }
0xbc: {  	s0 =	sadd.s32 $0x8F2B, s0  }
0xbd: {  	[sflag:s0] =	ssyncadd.remote.s32 $0x1  }
0xbe: {  	_ =	sfence.sel $0xFFFF  }
0xbf: {  	[dreg:$0x0] =	wrdreg $0xFFFFFFFF;
	(pc) =	sbr.abs _section_cstart, $3  }
0xc0: {  	[dreg:$0x1] =	wrdreg $0xFFFFFFFF  }
0xc1: {  	_ =	task.clear_ibuf [dreg:s7], $0x2FFFF;
	_ =	strace $0x9FFFFFFF  }
0xc2: {  	(tm) =	ssettm $0x7FFFFFFF  }
0xc3: {  	_ =	shalt  }
tec
execute0_lowered:
.L_overlay_start_1:
0x0: {  	(tag) =	ssettag $0x1  }
0x1: {  	v0 =	vimm.s32 $0xC3824100  }
0x2: {  	vm0 =	vcmask $0xF00;
	v1 =	vimm.s32 $0x7C7;
	vm14 =	vcmask $0x300  }
0x3: {  	vm8 =	vcmask $0x1310;
	vm13 =	vcmask $0x704;
	vm12 =	vcmask $0xB08  }
0x4: {  	vm10 =	vcmask $0x1714;
	vm11 =	vcmask $0xF0C;
	vm9 =	vcmask $0x1B18  }
0x5: {  	vm7 =	vcmask $0x1F1C;
	vm6 =	vcmask $0x2320;
	vm5 =	vcmask $0x2724  }
0x6: {  	vm4 =	vcmask $0x2B28;
	vm3 =	vcmask $0x2F2C;
	vm2 =	vcmask $0x3330  }
0x7: {  	vm15 =	vcmask $0x3734;
	vm1 =	vcmask $0x3B38;
	v5 =	vimm.s32 $0xBC7  }
0x8: {  	v6 =	vimm.s32 $0xFC7;
	v7 =	vimm.s32 $0x13C7;
	v0 =	vunpack.c.0.s8.s32 v0  }
0x9: {  	v1 =	vsel vm14, $0x400, v1;
	v5 =	vsel vm14, $0x800, v5;
	v6 =	vsel vm14, $0xC00, v6  }
0xa: {  	v7 =	vsel vm14, $0x1000, v7;
	v1 =	vsel vm13, $0x441, v1;
	v5 =	vsel vm13, $0x841, v5  }
0xb: {  	v6 =	vsel vm13, $0xC41, v6;
	v7 =	vsel vm13, $0x1041, v7;
	v0 =	vand.u32 $0xFF, v0  }
0xc: {  	v1 =	vsel vm12, $0x482, v1;
	v5 =	vsel vm12, $0x882, v5;
	v6 =	vsel vm12, $0xC82, v6  }
0xd: {  	v7 =	vsel vm12, $0x1082, v7;
	v0 =	vnsel vm0, $0x3C7, v0;
	v1 =	vsel vm11, $0x4C3, v1  }
0xe: {  	v5 =	vsel vm11, $0x8C3, v5;
	v6 =	vsel vm11, $0xCC3, v6;
	v7 =	vsel vm11, $0x10C3, v7  }
0xf: {  	v0 =	vsel vm8, $0x104, v0;
	v1 =	vsel vm8, $0x504, v1;
	v5 =	vsel vm8, $0x904, v5  }
0x10: {  	v6 =	vsel vm8, $0xD04, v6;
	v7 =	vsel vm8, $0x1104, v7;
	v0 =	vsel vm10, $0x145, v0  }
0x11: {  	v1 =	vsel vm10, $0x545, v1;
	v5 =	vsel vm10, $0x945, v5;
	v6 =	vsel vm10, $0xD45, v6  }
0x12: {  	v7 =	vsel vm10, $0x1145, v7;
	v0 =	vsel vm9, $0x186, v0;
	v1 =	vsel vm9, $0x586, v1  }
0x13: {  	v5 =	vsel vm9, $0x986, v5;
	v6 =	vsel vm9, $0xD86, v6;
	v7 =	vsel vm9, $0x1186, v7  }
0x14: {  	v0 =	vsel vm7, $0x1C7, v0;
	v1 =	vsel vm7, $0x5C7, v1;
	v5 =	vsel vm7, $0x9C7, v5  }
0x15: {  	v6 =	vsel vm7, $0xDC7, v6;
	v7 =	vsel vm7, $0x11C7, v7;
	v0 =	vsel vm6, $0x200, v0  }
0x16: {  	s1 =	srdreg.scid;
	s4 =	rddreg [dreg:$0x0];
	v1 =	vsel vm6, $0x600, v1;
	v5 =	vsel vm6, $0xA00, v5;
	v6 =	vsel vm6, $0xE00, v6  }
0x17: {  	s0 =	stileid.u32;
	s8 =	rddreg [dreg:$0x1];
	s2 =	simm.s32 $0x0;
	v7 =	vsel vm6, $0x1200, v7;
	v0 =	vsel vm5, $0x241, v0;
	v1 =	vsel vm5, $0x641, v1  }
0x18: {  	s11 =	simm.s32 $0x2710;
	s12 =	simm.s32 $0x4E20;
	s13 =	simm.s32 $0x50;
	v5 =	vsel vm5, $0xA41, v5;
	v6 =	vsel vm5, $0xE41, v6;
	v7 =	vsel vm5, $0x1241, v7  }
0x19: {  	s14 =	simm.s32 $0x7530;
	s15 =	simm.s32 $0x8930;
	s16 =	simm.s32 $0x9D30;
	v0 =	vsel vm4, $0x282, v0;
	v1 =	vsel vm4, $0x682, v1;
	v5 =	vsel vm4, $0xA82, v5  }
0x1a: {  	s17 =	simm.s32 $0xB130;
	s18 =	simm.s32 $0xC530;
	s19 =	simm.s32 $0xD930;
	v6 =	vsel vm4, $0xE82, v6;
	v7 =	vsel vm4, $0x1282, v7;
	v0 =	vsel vm3, $0x2C3, v0  }
0x1b: {  	s20 =	simm.s32 $0x1;
	s3 =	sand.u32 $0x1, s1;
	s30 =	sshll.u32 s0, $0x1;
	v3 =	vsel vm3, $0x6C3, v1;
	v5 =	vsel vm3, $0xAC3, v5;
	v6 =	vsel vm3, $0xEC3, v6  }
0x1c: {  	s21 =	simm.s32 $0x2;
	s22 =	simm.s32 $0xED30;
	s5 =	sor.u32 s3, s30;
	v7 =	vsel vm3, $0x12C3, v7;
	v2 =	vsel vm2, $0x304, v0;
	v0 =	vlaneseq.u32  }
0x1d: {  	s23 =	simm.s32 $0x0;
	[smem:$0x7FF] =	sst s2;
	s5 =	smul.u32 $0x2710, s5;
	v3 =	vsel vm2, $0x704, v3;
	v5 =	vsel vm2, $0xB04, v5;
	v8 =	vsel vm2, $0xF04, v6  }
0x1e: {  	s1 =	rddreg [dreg:$0x2];
	_ =	strace $0x80000047;
	s31 =	ssub.s32 $0x2, s3;
	v7 =	vsel vm2, $0x1304, v7;
	v2 =	vsel vm15, $0x345, v2;
	v1 =	vmul.u32 $0x40, v0  }
0x1f: {  	s3 =	sadd.s32 $0x14E00, s4;
	s6 =	sshrl.u32 s31, $0x1;
	s9 =	sshrl.u32 s5, $0x3;
	v3 =	vsel vm15, $0x745, v3;
	v5 =	vsel vm15, $0xB45, v5;
	v8 =	vsel vm15, $0xF45, v8  }
0x20: {  	s10 =	ssub.s32 s31, s6;
	s7 =	sadd.s32 s9, s4;
	s4 =	sadd.s32 $0x1400, s4;
	v9 =	vsel vm15, $0x1345, v7;
	v2 =	vsel vm1, $0x386, v2;
	v3 =	vsel vm1, $0x786, v3  }
0x21: {  	s8 =	sadd.s32 s8, s9;
	s9 =	smax.u32 s10, $0x1;
	s10 =	simm.s32 $0x3;
	v5 =	vsel vm1, $0xB86, v5;
	v7 =	vsel vm1, $0xF86, v8;
	v9 =	vsel vm1, $0x1386, v9  }
0x22: {  	s5 =	sadd.s32 $0x28800, s7;
	s6 =	sadd.s32 $0x32440, s7;
	s7 =	sadd.s32 $0x3C080, s7;
	v4 =	vor.u32 $0x400, v1;
	v6 =	vor.u32 $0x800, v1;
	v8 =	vor.u32 $0xC00, v1  }
.LBB2_1:
0x23: {  	[tilespmem:s2], [sflag:$0x3] =	stream.linear.gather [hbm4b:s5+s2], $0x2710, $0x38;
	[tilespmem:$0x11440] =	vst v63  }
0x24: {  	_ =	swait.ge [sflag:s10], $0x2710  }
0x25: {  	[sflag:s10] =	ssyncset.done $0x0  }
0x26: {  	[sflag:s10] =	ssyncadd.s32 $0xFFFFD8F0  }
0x27: {  	[tilespmem:s11], [sflag:$0x3] =	stream.linear.gather [hbm4b:s6+s2], $0x2710, $0x38;
	[tilespmem:$0x11440] =	vst v63  }
0x28: {  	_ =	swait.ge [sflag:s10], $0x2710  }
0x29: {  	[sflag:s10] =	ssyncset.done $0x0  }
0x2a: {  	[sflag:s10] =	ssyncadd.s32 $0xFFFFD8F0  }
0x2b: {  	[tilespmem:s12], [sflag:$0x3] =	stream.linear.gather [hbm4b:s7+s2], $0x2710, $0x38;
	[tilespmem:$0x11440] =	vst v63  }
0x2c: {  	_ =	swait.ge [sflag:s10], $0x2710  }
0x2d: {  	[sflag:s10] =	ssyncset.done $0x0  }
0x2e: {  	[sflag:s10] =	ssyncadd.s32 $0xFFFFD8F0  }
0x2f: {  	[tilespmem:s14], [sflag:$0x1] =	stream.indirect.gather [hbm4b:s3+s13], $0x40, s2, s13, $0xb8;
	[tilespmem:$0x11440] =	vst v63  }
0x30: {  	_ = 	snop  }
0x31: {  	[tilespmem:s15], [sflag:$0x1] =	stream.indirect.gather [hbm4b:s4+s13], $0x40, s11, s13, $0xb8;
	[tilespmem:$0x11440] =	vst v63  }
0x32: {  	s24 =	simm.s32 $0x0  }
0x33: {  	[tilespmem:s16], [sflag:$0x1] =	stream.indirect.gather [hbm4b:s3+s13], $0x40, s12, s13, $0xb8;
	[tilespmem:$0x11440] =	vst v63  }
.LBB2_2:
0x34: {  	s25 =	smul.u32 $0xA0, s24;
	_ =	sdelay $0x1  }
0x35: {  	s26 =	sadd.s32 $0x50, s25  }
0x36: {  	[tilespmem:s17], [sflag:$0x2] =	stream.indirect.gather [hbm4b:s3+s13], $0x40, s26, s13, $0xb8;
	[tilespmem:$0x11440] =	vst v63  }
0x37: {  	s28 =	sadd.s32 $0x2760, s25  }
0x38: {  	[tilespmem:s18], [sflag:$0x2] =	stream.indirect.gather [hbm4b:s4+s13], $0x40, s28, s13, $0xb8;
	[tilespmem:$0x11440] =	vst v63  }
0x39: {  	s28 =	sadd.s32 $0x4E70, s25  }
0x3a: {  	[tilespmem:s19], [sflag:$0x2] =	stream.indirect.gather [hbm4b:s3+s13], $0x40, s28, s13, $0xb8;
	[tilespmem:$0x11440] =	vst v63  }
0x3b: {  	_ =	swait.ge [sflag:s20], $0x1400  }
0x3c: {  	s28 =	simm.s32 $0x0;
	[sflag:s20] =	ssyncset.done $0x0  }
0x3d: {  	v10 =	vadd.s32 s28, v0;
	[sflag:s20] =	ssyncadd.s32 $0xFFFFEC00  }
0x3e: {  	v10 =	vand.u32 $0x38, v10;
	_ =	swait.ge [sflag:s20], $0x1400  }
0x3f: {  	v10 =	vor.u32 v2, v10;
	[sflag:s20] =	ssyncset.done $0x0  }
0x40: {  	s28 =	simm.s32 $0x1;
	[sflag:s20] =	ssyncadd.s32 $0xFFFFEC00  }
0x41: {  	v11 =	vadd.s32 s28, v0;
	_ =	swait.ge [sflag:s20], $0x1400  }
0x42: {  	v11 =	vand.u32 $0x3F, v11;
	[sflag:s20] =	ssyncset.done $0x0  }
0x43: {  	v11 =	vor.u32 v1, v11;
	[sflag:s20] =	ssyncadd.s32 $0xFFFFEC00  }
0x44: {  	s28 =	simm.s32 $0x2;
	v12 =	vld.idx.msk [tilespmem:v10+s14+$0x0], $0xffff  }
0x45: {  	v14 =	vadd.s32 s28, v0;
	v13 =	vld.idx.msk [tilespmem:v10+s15+$0x0], $0xffff  }
0x46: {  	v14 =	vand.u32 $0x3F, v14  }
0x47: {  	v14 =	vor.u32 v1, v14;
	v10 =	vld.idx.msk [tilespmem:v10+s16+$0x0], $0xffff  }
0x48: {  	s28 =	simm.s32 $0x3;
	v15 =	vld.idx.msk [tilespmem:v11+s14+$0x0], $0xffff  }
0x49: {  	v17 =	vadd.s32 s28, v0;
	v16 =	vld.idx.msk [tilespmem:v11+s15+$0x0], $0xffff  }
0x4a: {  	v17 =	vand.u32 $0x3F, v17;
	v12 =	vmul.bf16 v13, v12  }
0x4b: {  	v11 =	vld.idx.msk [tilespmem:v11+s16+$0x0], $0xffff;
	v13 =	vor.u32 v1, v17  }
0x4c: {  	s28 =	simm.s32 $0x4;
	v18 =	vld.idx.msk [tilespmem:v14+s15+$0x0], $0xffff;
	v10 =	vmul.bf16 v10, v12  }
0x4d: {  	v19 =	vadd.s32 s28, v0;
	v17 =	vld.idx.msk [tilespmem:v14+s14+$0x0], $0xffff  }
0x4e: {  	v15 =	vmul.bf16 v16, v15;
	v12 =	vimm.f32 $0.0e+00;
	v20 =	vunpack.i.l.bf16.f32 v10  }
0x4f: {  	v16 =	vand.u32 $0x3F, v19;
	v14 =	vld.idx.msk [tilespmem:v14+s16+$0x0], $0xffff;
	v12 =	vadd.f32 v20, v12  }
0x50: {  	v16 =	vor.u32 v1, v16;
	v11 =	vmul.bf16 v11, v15;
	v10 =	vunpack.i.u.bf16.f32 v10;
	v19 =	vld.idx.msk [tilespmem:v13+s14+$0x0], $0xffff  }
0x51: {  	s28 =	simm.s32 $0x5;
	v15 =	vld.idx.msk [tilespmem:v13+s15+$0x0], $0xffff;
	v10 =	vadd.f32 v12, v10  }
0x52: {  	v20 =	vunpack.i.l.bf16.f32 v11;
	v17 =	vmul.bf16 v18, v17;
	v12 =	vadd.s32 s28, v0  }
0x53: {  	v13 =	vld.idx.msk [tilespmem:v13+s16+$0x0], $0xffff;
	v12 =	vand.u32 $0x3F, v12;
	v10 =	vadd.f32 v20, v10  }
0x54: {  	v11 =	vunpack.i.u.bf16.f32 v11;
	s28 =	simm.s32 $0x6;
	v18 =	vor.u32 v1, v12;
	v12 =	vmul.bf16 v14, v17  }
0x55: {  	v14 =	vld.idx.msk [tilespmem:v16+s14+$0x0], $0xffff;
	v17 =	vadd.s32 s28, v0;
	v11 =	vadd.f32 v10, v11  }
0x56: {  	v20 =	vld.idx.msk [tilespmem:v16+s15+$0x0], $0xffff;
	v15 =	vmul.bf16 v15, v19;
	v10 =	vand.u32 $0x3F, v17;
	v17 =	vunpack.i.l.bf16.f32 v12  }
0x57: {  	v11 =	vadd.f32 v17, v11  }
0x58: {  	v16 =	vld.idx.msk [tilespmem:v16+s16+$0x0], $0xffff;
	s28 =	simm.s32 $0x7;
	v10 =	vor.u32 v1, v10;
	v19 =	vmul.bf16 v13, v15;
	v17 =	vunpack.i.u.bf16.f32 v12  }
0x59: {  	v13 =	vadd.s32 s28, v0;
	v12 =	vld.idx.msk [tilespmem:v18+s14+$0x0], $0xffff;
	v11 =	vadd.f32 v11, v17  }
0x5a: {  	v13 =	vand.u32 $0x3F, v13;
	v15 =	vld.idx.msk [tilespmem:v18+s15+$0x0], $0xffff;
	v17 =	vunpack.i.l.bf16.f32 v19  }
0x5b: {  	v20 =	vmul.bf16 v20, v14;
	v14 =	vld.idx.msk [tilespmem:v18+s16+$0x0], $0xffff;
	v18 =	vadd.f32 v17, v11;
	v11 =	vor.u32 v1, v13  }
0x5c: {  	s28 =	simm.s32 $0x8  }
0x5d: {  	v21 =	vadd.s32 s28, v0;
	v22 =	vunpack.i.u.bf16.f32 v19;
	v13 =	vld.idx.msk [tilespmem:v10+s14+$0x0], $0xffff;
	v17 =	vmul.bf16 v16, v20  }
0x5e: {  	s29 =	simm.s32 $0x10;
	v19 =	vand.u32 $0x38, v21;
	v16 =	vld.idx.msk [tilespmem:v10+s15+$0x0], $0xffff;
	v18 =	vadd.f32 v18, v22  }
.LBB2_3:
0x5f: {  	p0 =	slt.u32 s29, $0x38;
	v19 =	vor.u32 v2, v19;
	v20 =	vunpack.i.l.bf16.f32 v17;
	v12 =	vmul.bf16 v15, v12;
	v10 =	vld.idx.msk [tilespmem:v10+s16+$0x0], $0xffff  }
0x60: {  	s30 =	sadd.s32 $0x1, s28;
	v15 =	vadd.f32 v20, v18;
	v18 =	vld.idx.msk [tilespmem:v11+s14+$0x0], $0xffff  }
0x61: {  	v17 =	vunpack.i.u.bf16.f32 v17;
	v20 =	vadd.s32 s30, v0;
	v12 =	vmul.bf16 v14, v12;
	v14 =	vld.idx.msk [tilespmem:v11+s15+$0x0], $0xffff  }
0x62: {  	v20 =	vand.u32 $0x3F, v20;
	v15 =	vadd.f32 v15, v17  }
0x63: {  	v17 =	vor.u32 v1, v20;
	v13 =	vmul.bf16 v16, v13;
	v20 =	vunpack.i.l.bf16.f32 v12;
	v11 =	vld.idx.msk [tilespmem:v11+s16+$0x0], $0xffff  }
0x64: {  	s30 =	sadd.s32 $0x2, s28;
	v16 =	vld.idx.msk [tilespmem:v19+s14+$0x0], $0xffff;
	v15 =	vadd.f32 v20, v15  }
0x65: {  	v21 =	vadd.s32 s30, v0;
	v12 =	vunpack.i.u.bf16.f32 v12;
	v10 =	vmul.bf16 v10, v13;
	v20 =	vld.idx.msk [tilespmem:v19+s15+$0x0], $0xffff  }
0x66: {  	v13 =	vand.u32 $0x3F, v21;
	v12 =	vadd.f32 v15, v12  }
0x67: {  	v13 =	vor.u32 v1, v13;
	v14 =	vmul.bf16 v14, v18;
	v15 =	vld.idx.msk [tilespmem:v19+s16+$0x0], $0xffff;
	v19 =	vunpack.i.l.bf16.f32 v10  }
0x68: {  	s30 =	sadd.s32 $0x3, s28;
	v18 =	vld.idx.msk [tilespmem:v17+s14+$0x0], $0xffff;
	v12 =	vadd.f32 v19, v12  }
0x69: {  	v21 =	vadd.s32 s30, v0;
	v10 =	vunpack.i.u.bf16.f32 v10;
	v11 =	vmul.bf16 v11, v14;
	v19 =	vld.idx.msk [tilespmem:v17+s15+$0x0], $0xffff  }
0x6a: {  	v14 =	vand.u32 $0x3F, v21;
	v10 =	vadd.f32 v12, v10  }
0x6b: {  	v14 =	vor.u32 v1, v14;
	v12 =	vmul.bf16 v20, v16;
	v16 =	vld.idx.msk [tilespmem:v17+s16+$0x0], $0xffff;
	v17 =	vunpack.i.l.bf16.f32 v11  }
0x6c: {  	s30 =	sadd.s32 $0x4, s28;
	v20 =	vld.idx.msk [tilespmem:v13+s14+$0x0], $0xffff;
	v10 =	vadd.f32 v17, v10  }
0x6d: {  	v11 =	vunpack.i.u.bf16.f32 v11;
	v12 =	vmul.bf16 v15, v12;
	v17 =	vadd.s32 s30, v0;
	v15 =	vld.idx.msk [tilespmem:v13+s15+$0x0], $0xffff  }
0x6e: {  	v17 =	vand.u32 $0x3F, v17;
	v10 =	vadd.f32 v10, v11  }
0x6f: {  	v11 =	vunpack.i.l.bf16.f32 v12;
	v18 =	vmul.bf16 v19, v18;
	v17 =	vor.u32 v1, v17;
	v13 =	vld.idx.msk [tilespmem:v13+s16+$0x0], $0xffff  }
0x70: {  	s30 =	sadd.s32 $0x5, s28;
	v10 =	vadd.f32 v11, v10;
	v11 =	vld.idx.msk [tilespmem:v14+s14+$0x0], $0xffff  }
0x71: {  	v12 =	vunpack.i.u.bf16.f32 v12;
	v19 =	vadd.s32 s30, v0;
	v16 =	vmul.bf16 v16, v18;
	v18 =	vld.idx.msk [tilespmem:v14+s15+$0x0], $0xffff  }
0x72: {  	v10 =	vadd.f32 v10, v12;
	v12 =	vand.u32 $0x3F, v19  }
0x73: {  	v19 =	vunpack.i.l.bf16.f32 v16;
	v15 =	vmul.bf16 v15, v20;
	v14 =	vld.idx.msk [tilespmem:v14+s16+$0x0], $0xffff;
	v20 =	vor.u32 v1, v12  }
0x74: {  	s30 =	sadd.s32 $0x6, s28;
	v10 =	vadd.f32 v19, v10;
	v19 =	vld.idx.msk [tilespmem:v17+s14+$0x0], $0xffff  }
0x75: {  	v12 =	vunpack.i.u.bf16.f32 v16;
	v13 =	vmul.bf16 v13, v15;
	v15 =	vadd.s32 s30, v0;
	v16 =	vld.idx.msk [tilespmem:v17+s15+$0x0], $0xffff  }
0x76: {  	v12 =	vadd.f32 v10, v12;
	v10 =	vand.u32 $0x3F, v15  }
0x77: {  	v15 =	vunpack.i.l.bf16.f32 v13;
	v11 =	vmul.bf16 v18, v11;
	v17 =	vld.idx.msk [tilespmem:v17+s16+$0x0], $0xffff;
	v10 =	vor.u32 v1, v10  }
0x78: {  	s30 =	sadd.s32 $0x7, s28;
	s28 =	smov.u32 s29;
	v18 =	vadd.f32 v15, v12;
	v12 =	vld.idx.msk [tilespmem:v20+s14+$0x0], $0xffff  }
0x79: {  	v13 =	vunpack.i.u.bf16.f32 v13;
	v21 =	vmul.bf16 v14, v11;
	v11 =	vadd.s32 s30, v0;
	v15 =	vld.idx.msk [tilespmem:v20+s15+$0x0], $0xffff  }
.Ltmp0:
0x7a: {  	v11 =	vand.u32 $0x3F, v11;
	v13 =	vadd.f32 v18, v13;
	(pc) =	sbr.rel @p0 .LBB2_3-.Ltmp0, $4  }
0x7b: {  	v18 =	vunpack.i.l.bf16.f32 v21;
	v16 =	vmul.bf16 v16, v19;
	v11 =	vor.u32 v1, v11;
	v14 =	vld.idx.msk [tilespmem:v20+s16+$0x0], $0xffff  }
0x7c: {  	v18 =	vadd.f32 v18, v13;
	v13 =	vld.idx.msk [tilespmem:v10+s14+$0x0], $0xffff  }
0x7d: {  	v19 =	vadd.s32 s29, v0;
	v20 =	vunpack.i.u.bf16.f32 v21;
	v17 =	vmul.bf16 v17, v16;
	v16 =	vld.idx.msk [tilespmem:v10+s15+$0x0], $0xffff  }
0x7e: {  	s29 =	sadd.s32 $0x8, s29;
	v19 =	vand.u32 $0x38, v19;
	v18 =	vadd.f32 v18, v20  }
0x7f: {  	_ =	sdelay $0x2  }
0x80: {  	v20 =	vunpack.i.l.bf16.f32 v17;
	v12 =	vmul.bf16 v15, v12  }
0x81: {  	v15 =	vor.u32 v2, v19;
	v10 =	vld.idx.msk [tilespmem:v10+s16+$0x0], $0xffff;
	v18 =	vadd.f32 v20, v18  }
0x82: {  	s29 =	sadd.s32 $0x1, s28;
	v19 =	vld.idx.msk [tilespmem:v11+s14+$0x0], $0xffff;
	v17 =	vunpack.i.u.bf16.f32 v17;
	v12 =	vmul.bf16 v14, v12  }
0x83: {  	v20 =	vld.idx.msk [tilespmem:v11+s15+$0x0], $0xffff;
	v14 =	vadd.s32 s29, v0;
	v17 =	vadd.f32 v18, v17  }
0x84: {  	v14 =	vand.u32 $0x3F, v14;
	v13 =	vmul.bf16 v16, v13;
	v18 =	vunpack.i.l.bf16.f32 v12  }
0x85: {  	v11 =	vld.idx.msk [tilespmem:v11+s16+$0x0], $0xffff;
	v14 =	vor.u32 v1, v14;
	v16 =	vadd.f32 v18, v17  }
0x86: {  	s29 =	sadd.s32 $0x2, s28;
	v12 =	vunpack.i.u.bf16.f32 v12;
	v17 =	vld.idx.msk [tilespmem:v15+s14+$0x0], $0xffff;
	v10 =	vmul.bf16 v10, v13  }
0x87: {  	v13 =	vld.idx.msk [tilespmem:v15+s15+$0x0], $0xffff;
	v18 =	vadd.s32 s29, v0;
	v12 =	vadd.f32 v16, v12  }
0x88: {  	v19 =	vmul.bf16 v20, v19;
	v16 =	vand.u32 $0x3F, v18;
	v18 =	vunpack.i.l.bf16.f32 v10  }
0x89: {  	v15 =	vld.idx.msk [tilespmem:v15+s16+$0x0], $0xffff;
	v16 =	vor.u32 v1, v16;
	v12 =	vadd.f32 v18, v12  }
0x8a: {  	s29 =	sadd.s32 $0x3, s28;
	v10 =	vunpack.i.u.bf16.f32 v10;
	v11 =	vmul.bf16 v11, v19;
	v18 =	vld.idx.msk [tilespmem:v14+s14+$0x0], $0xffff  }
0x8b: {  	v20 =	vadd.s32 s29, v0;
	v19 =	vld.idx.msk [tilespmem:v14+s15+$0x0], $0xffff;
	v10 =	vadd.f32 v12, v10  }
0x8c: {  	v13 =	vmul.bf16 v13, v17;
	v17 =	vunpack.i.l.bf16.f32 v11;
	v12 =	vand.u32 $0x3F, v20  }
0x8d: {  	v14 =	vld.idx.msk [tilespmem:v14+s16+$0x0], $0xffff;
	v12 =	vor.u32 v1, v12;
	v10 =	vadd.f32 v17, v10  }
0x8e: {  	s29 =	sadd.s32 $0x4, s28;
	v11 =	vunpack.i.u.bf16.f32 v11;
	v13 =	vmul.bf16 v15, v13;
	v17 =	vld.idx.msk [tilespmem:v16+s14+$0x0], $0xffff  }
0x8f: {  	v20 =	vadd.s32 s29, v0;
	v15 =	vld.idx.msk [tilespmem:v16+s15+$0x0], $0xffff;
	v10 =	vadd.f32 v10, v11  }
0x90: {  	v18 =	vmul.bf16 v19, v18;
	v11 =	vand.u32 $0x3F, v20;
	v20 =	vunpack.i.l.bf16.f32 v13  }
0x91: {  	v16 =	vld.idx.msk [tilespmem:v16+s16+$0x0], $0xffff;
	v11 =	vor.u32 v1, v11;
	v10 =	vadd.f32 v20, v10  }
0x92: {  	s29 =	sadd.s32 $0x5, s28;
	v13 =	vunpack.i.u.bf16.f32 v13;
	v14 =	vmul.bf16 v14, v18;
	v19 =	vld.idx.msk [tilespmem:v12+s14+$0x0], $0xffff  }
0x93: {  	v18 =	vld.idx.msk [tilespmem:v12+s15+$0x0], $0xffff;
	v20 =	vadd.s32 s29, v0;
	v10 =	vadd.f32 v10, v13  }
0x94: {  	v15 =	vmul.bf16 v15, v17;
	v13 =	vand.u32 $0x3F, v20;
	v20 =	vunpack.i.l.bf16.f32 v14  }
0x95: {  	v12 =	vld.idx.msk [tilespmem:v12+s16+$0x0], $0xffff;
	v13 =	vor.u32 v1, v13;
	v10 =	vadd.f32 v20, v10  }
0x96: {  	s29 =	sadd.s32 $0x6, s28;
	v14 =	vunpack.i.u.bf16.f32 v14;
	v15 =	vmul.bf16 v16, v15;
	v17 =	vld.idx.msk [tilespmem:v11+s14+$0x0], $0xffff  }
0x97: {  	v16 =	vld.idx.msk [tilespmem:v11+s15+$0x0], $0xffff;
	v20 =	vadd.s32 s29, v0;
	v10 =	vadd.f32 v10, v14  }
0x98: {  	v18 =	vmul.bf16 v18, v19;
	v14 =	vand.u32 $0x3F, v20;
	v20 =	vunpack.i.l.bf16.f32 v15  }
0x99: {  	v11 =	vld.idx.msk [tilespmem:v11+s16+$0x0], $0xffff;
	v14 =	vor.u32 v1, v14;
	v10 =	vadd.f32 v20, v10  }
0x9a: {  	s28 =	sadd.s32 $0x7, s28;
	v15 =	vunpack.i.u.bf16.f32 v15;
	v12 =	vmul.bf16 v12, v18;
	v19 =	vld.idx.msk [tilespmem:v13+s14+$0x0], $0xffff  }
0x9b: {  	v18 =	vld.idx.msk [tilespmem:v13+s15+$0x0], $0xffff;
	v20 =	vadd.s32 s28, v0;
	v10 =	vadd.f32 v10, v15  }
0x9c: {  	v16 =	vmul.bf16 v16, v17;
	v15 =	vand.u32 $0x3F, v20;
	v20 =	vunpack.i.l.bf16.f32 v12  }
0x9d: {  	v13 =	vld.idx.msk [tilespmem:v13+s16+$0x0], $0xffff;
	v15 =	vor.u32 v1, v15;
	v10 =	vadd.f32 v20, v10  }
0x9e: {  	v12 =	vunpack.i.u.bf16.f32 v12;
	v11 =	vmul.bf16 v11, v16;
	v17 =	vld.idx.msk [tilespmem:v14+s14+$0x0], $0xffff  }
0x9f: {  	v16 =	vld.idx.msk [tilespmem:v14+s15+$0x0], $0xffff;
	v10 =	vadd.f32 v10, v12  }
0xa0: {  	v18 =	vmul.bf16 v18, v19;
	v12 =	vunpack.i.l.bf16.f32 v11  }
0xa1: {  	v14 =	vld.idx.msk [tilespmem:v14+s16+$0x0], $0xffff;
	v10 =	vadd.f32 v12, v10  }
0xa2: {  	v11 =	vunpack.i.u.bf16.f32 v11;
	v13 =	vmul.bf16 v13, v18;
	v12 =	vld.idx.msk [tilespmem:v15+s14+$0x0], $0xffff  }
0xa3: {  	v18 =	vld.idx.msk [tilespmem:v15+s15+$0x0], $0xffff;
	v10 =	vadd.f32 v10, v11  }
0xa4: {  	v16 =	vmul.bf16 v16, v17;
	v11 =	vunpack.i.l.bf16.f32 v13  }
0xa5: {  	v15 =	vld.idx.msk [tilespmem:v15+s16+$0x0], $0xffff;
	v10 =	vadd.f32 v11, v10  }
0xa6: {  	v11 =	vunpack.i.u.bf16.f32 v13;
	v13 =	vmul.bf16 v14, v16  }
0xa7: {  	v10 =	vadd.f32 v10, v11  }
0xa8: {  	v12 =	vmul.bf16 v18, v12;
	v11 =	vunpack.i.l.bf16.f32 v13  }
0xa9: {  	v10 =	vadd.f32 v11, v10  }
0xaa: {  	s28 =	simm.s32 $0x0;
	v12 =	vmul.bf16 v15, v12;
	v11 =	vunpack.i.u.bf16.f32 v13  }
0xab: {  	v10 =	vadd.f32 v10, v11;
	v11 =	vadd.s32 s28, v0  }
0xac: {  	v13 =	vunpack.i.l.bf16.f32 v12;
	v11 =	vand.u32 $0x38, v11  }
0xad: {  	v10 =	vadd.f32 v13, v10;
	v11 =	vor.u32 v3, v11  }
0xae: {  	v12 =	vunpack.i.u.bf16.f32 v12;
	s28 =	simm.s32 $0x1  }
0xaf: {  	v10 =	vadd.f32 v10, v12;
	v12 =	vadd.s32 s28, v0  }
0xb0: {  	v12 =	vand.u32 $0x3F, v12  }
0xb1: {  	[tilespmem:s25+$0xED30] =	vst v10;
	v10 =	vor.u32 v4, v12  }
0xb2: {  	s28 =	simm.s32 $0x2;
	v12 =	vld.idx.msk [tilespmem:v11+s14+$0x0], $0xffff  }
0xb3: {  	v14 =	vadd.s32 s28, v0;
	v13 =	vld.idx.msk [tilespmem:v11+s15+$0x0], $0xffff  }
0xb4: {  	v14 =	vand.u32 $0x3F, v14  }
0xb5: {  	v11 =	vld.idx.msk [tilespmem:v11+s16+$0x0], $0xffff;
	v14 =	vor.u32 v4, v14  }
0xb6: {  	s28 =	simm.s32 $0x3;
	v15 =	vld.idx.msk [tilespmem:v10+s14+$0x0], $0xffff  }
0xb7: {  	v17 =	vadd.s32 s28, v0;
	v16 =	vld.idx.msk [tilespmem:v10+s15+$0x0], $0xffff  }
0xb8: {  	v17 =	vand.u32 $0x3F, v17;
	v12 =	vmul.bf16 v13, v12  }
0xb9: {  	v10 =	vld.idx.msk [tilespmem:v10+s16+$0x0], $0xffff;
	v13 =	vor.u32 v4, v17  }
0xba: {  	s28 =	simm.s32 $0x4;
	v17 =	vld.idx.msk [tilespmem:v14+s14+$0x0], $0xffff;
	v11 =	vmul.bf16 v11, v12  }
0xbb: {  	v19 =	vadd.s32 s28, v0;
	v18 =	vld.idx.msk [tilespmem:v14+s15+$0x0], $0xffff  }
0xbc: {  	v12 =	vimm.f32 $0.0e+00;
	v20 =	vunpack.i.l.bf16.f32 v11;
	v15 =	vmul.bf16 v16, v15  }
0xbd: {  	v14 =	vld.idx.msk [tilespmem:v14+s16+$0x0], $0xffff;
	v16 =	vand.u32 $0x3F, v19;
	v12 =	vadd.f32 v20, v12  }
0xbe: {  	v11 =	vunpack.i.u.bf16.f32 v11;
	v16 =	vor.u32 v4, v16;
	v19 =	vld.idx.msk [tilespmem:v13+s14+$0x0], $0xffff;
	v10 =	vmul.bf16 v10, v15  }
0xbf: {  	s28 =	simm.s32 $0x5;
	v15 =	vld.idx.msk [tilespmem:v13+s15+$0x0], $0xffff;
	v11 =	vadd.f32 v12, v11  }
0xc0: {  	v17 =	vmul.bf16 v18, v17;
	v12 =	vadd.s32 s28, v0;
	v20 =	vunpack.i.l.bf16.f32 v10  }
0xc1: {  	v13 =	vld.idx.msk [tilespmem:v13+s16+$0x0], $0xffff;
	v12 =	vand.u32 $0x3F, v12;
	v11 =	vadd.f32 v20, v11  }
0xc2: {  	s28 =	simm.s32 $0x6;
	v10 =	vunpack.i.u.bf16.f32 v10;
	v18 =	vor.u32 v4, v12;
	v12 =	vmul.bf16 v14, v17  }
0xc3: {  	v17 =	vadd.s32 s28, v0;
	v14 =	vld.idx.msk [tilespmem:v16+s14+$0x0], $0xffff;
	v11 =	vadd.f32 v11, v10  }
0xc4: {  	v20 =	vld.idx.msk [tilespmem:v16+s15+$0x0], $0xffff;
	v10 =	vand.u32 $0x3F, v17;
	v17 =	vunpack.i.l.bf16.f32 v12;
	v15 =	vmul.bf16 v15, v19  }
0xc5: {  	v11 =	vadd.f32 v17, v11  }
0xc6: {  	s28 =	simm.s32 $0x7;
	v16 =	vld.idx.msk [tilespmem:v16+s16+$0x0], $0xffff;
	v10 =	vor.u32 v4, v10;
	v17 =	vunpack.i.u.bf16.f32 v12;
	v19 =	vmul.bf16 v13, v15  }
0xc7: {  	v13 =	vadd.s32 s28, v0;
	v12 =	vld.idx.msk [tilespmem:v18+s14+$0x0], $0xffff;
	v11 =	vadd.f32 v11, v17  }
0xc8: {  	v15 =	vld.idx.msk [tilespmem:v18+s15+$0x0], $0xffff;
	v13 =	vand.u32 $0x3F, v13;
	v17 =	vunpack.i.l.bf16.f32 v19  }
0xc9: {  	v20 =	vmul.bf16 v20, v14;
	v14 =	vld.idx.msk [tilespmem:v18+s16+$0x0], $0xffff;
	v18 =	vadd.f32 v17, v11;
	v11 =	vor.u32 v4, v13  }
0xca: {  	s28 =	simm.s32 $0x8  }
0xcb: {  	v21 =	vadd.s32 s28, v0;
	v22 =	vunpack.i.u.bf16.f32 v19;
	v13 =	vld.idx.msk [tilespmem:v10+s14+$0x0], $0xffff;
	v17 =	vmul.bf16 v16, v20  }
0xcc: {  	s29 =	simm.s32 $0x10;
	v19 =	vand.u32 $0x38, v21;
	v16 =	vld.idx.msk [tilespmem:v10+s15+$0x0], $0xffff;
	v18 =	vadd.f32 v18, v22  }
.LBB2_5:
0xcd: {  	p0 =	slt.u32 s29, $0x38;
	v19 =	vor.u32 v3, v19;
	v20 =	vunpack.i.l.bf16.f32 v17;
	v12 =	vmul.bf16 v15, v12;
	v10 =	vld.idx.msk [tilespmem:v10+s16+$0x0], $0xffff  }
0xce: {  	s30 =	sadd.s32 $0x1, s28;
	v15 =	vadd.f32 v20, v18;
	v18 =	vld.idx.msk [tilespmem:v11+s14+$0x0], $0xffff  }
0xcf: {  	v17 =	vunpack.i.u.bf16.f32 v17;
	v20 =	vadd.s32 s30, v0;
	v12 =	vmul.bf16 v14, v12;
	v14 =	vld.idx.msk [tilespmem:v11+s15+$0x0], $0xffff  }
0xd0: {  	v20 =	vand.u32 $0x3F, v20;
	v15 =	vadd.f32 v15, v17  }
0xd1: {  	v17 =	vor.u32 v4, v20;
	v13 =	vmul.bf16 v16, v13;
	v20 =	vunpack.i.l.bf16.f32 v12;
	v11 =	vld.idx.msk [tilespmem:v11+s16+$0x0], $0xffff  }
0xd2: {  	s30 =	sadd.s32 $0x2, s28;
	v16 =	vld.idx.msk [tilespmem:v19+s14+$0x0], $0xffff;
	v15 =	vadd.f32 v20, v15  }
0xd3: {  	v21 =	vadd.s32 s30, v0;
	v12 =	vunpack.i.u.bf16.f32 v12;
	v10 =	vmul.bf16 v10, v13;
	v20 =	vld.idx.msk [tilespmem:v19+s15+$0x0], $0xffff  }
0xd4: {  	v13 =	vand.u32 $0x3F, v21;
	v12 =	vadd.f32 v15, v12  }
0xd5: {  	v13 =	vor.u32 v4, v13;
	v14 =	vmul.bf16 v14, v18;
	v15 =	vld.idx.msk [tilespmem:v19+s16+$0x0], $0xffff;
	v19 =	vunpack.i.l.bf16.f32 v10  }
0xd6: {  	s30 =	sadd.s32 $0x3, s28;
	v18 =	vld.idx.msk [tilespmem:v17+s14+$0x0], $0xffff;
	v12 =	vadd.f32 v19, v12  }
0xd7: {  	v21 =	vadd.s32 s30, v0;
	v10 =	vunpack.i.u.bf16.f32 v10;
	v11 =	vmul.bf16 v11, v14;
	v19 =	vld.idx.msk [tilespmem:v17+s15+$0x0], $0xffff  }
0xd8: {  	v14 =	vand.u32 $0x3F, v21;
	v10 =	vadd.f32 v12, v10  }
0xd9: {  	v14 =	vor.u32 v4, v14;
	v12 =	vmul.bf16 v20, v16;
	v16 =	vld.idx.msk [tilespmem:v17+s16+$0x0], $0xffff;
	v17 =	vunpack.i.l.bf16.f32 v11  }
0xda: {  	s30 =	sadd.s32 $0x4, s28;
	v20 =	vld.idx.msk [tilespmem:v13+s14+$0x0], $0xffff;
	v10 =	vadd.f32 v17, v10  }
0xdb: {  	v11 =	vunpack.i.u.bf16.f32 v11;
	v12 =	vmul.bf16 v15, v12;
	v17 =	vadd.s32 s30, v0;
	v15 =	vld.idx.msk [tilespmem:v13+s15+$0x0], $0xffff  }
0xdc: {  	v17 =	vand.u32 $0x3F, v17;
	v10 =	vadd.f32 v10, v11  }
0xdd: {  	v11 =	vunpack.i.l.bf16.f32 v12;
	v18 =	vmul.bf16 v19, v18;
	v17 =	vor.u32 v4, v17;
	v13 =	vld.idx.msk [tilespmem:v13+s16+$0x0], $0xffff  }
0xde: {  	s30 =	sadd.s32 $0x5, s28;
	v10 =	vadd.f32 v11, v10;
	v11 =	vld.idx.msk [tilespmem:v14+s14+$0x0], $0xffff  }
0xdf: {  	v12 =	vunpack.i.u.bf16.f32 v12;
	v19 =	vadd.s32 s30, v0;
	v16 =	vmul.bf16 v16, v18;
	v18 =	vld.idx.msk [tilespmem:v14+s15+$0x0], $0xffff  }
0xe0: {  	v10 =	vadd.f32 v10, v12;
	v12 =	vand.u32 $0x3F, v19  }
0xe1: {  	v19 =	vunpack.i.l.bf16.f32 v16;
	v15 =	vmul.bf16 v15, v20;
	v14 =	vld.idx.msk [tilespmem:v14+s16+$0x0], $0xffff;
	v20 =	vor.u32 v4, v12  }
0xe2: {  	s30 =	sadd.s32 $0x6, s28;
	v10 =	vadd.f32 v19, v10;
	v19 =	vld.idx.msk [tilespmem:v17+s14+$0x0], $0xffff  }
0xe3: {  	v12 =	vunpack.i.u.bf16.f32 v16;
	v13 =	vmul.bf16 v13, v15;
	v15 =	vadd.s32 s30, v0;
	v16 =	vld.idx.msk [tilespmem:v17+s15+$0x0], $0xffff  }
0xe4: {  	v12 =	vadd.f32 v10, v12;
	v10 =	vand.u32 $0x3F, v15  }
0xe5: {  	v15 =	vunpack.i.l.bf16.f32 v13;
	v11 =	vmul.bf16 v18, v11;
	v17 =	vld.idx.msk [tilespmem:v17+s16+$0x0], $0xffff;
	v10 =	vor.u32 v4, v10  }
0xe6: {  	s30 =	sadd.s32 $0x7, s28;
	s28 =	smov.u32 s29;
	v18 =	vadd.f32 v15, v12;
	v12 =	vld.idx.msk [tilespmem:v20+s14+$0x0], $0xffff  }
0xe7: {  	v13 =	vunpack.i.u.bf16.f32 v13;
	v21 =	vmul.bf16 v14, v11;
	v11 =	vadd.s32 s30, v0;
	v15 =	vld.idx.msk [tilespmem:v20+s15+$0x0], $0xffff  }
.Ltmp1:
0xe8: {  	v11 =	vand.u32 $0x3F, v11;
	v13 =	vadd.f32 v18, v13;
	(pc) =	sbr.rel @p0 .LBB2_5-.Ltmp1, $4  }
0xe9: {  	v18 =	vunpack.i.l.bf16.f32 v21;
	v16 =	vmul.bf16 v16, v19;
	v11 =	vor.u32 v4, v11;
	v14 =	vld.idx.msk [tilespmem:v20+s16+$0x0], $0xffff  }
0xea: {  	v18 =	vadd.f32 v18, v13;
	v13 =	vld.idx.msk [tilespmem:v10+s14+$0x0], $0xffff  }
0xeb: {  	v19 =	vadd.s32 s29, v0;
	v20 =	vunpack.i.u.bf16.f32 v21;
	v17 =	vmul.bf16 v17, v16;
	v16 =	vld.idx.msk [tilespmem:v10+s15+$0x0], $0xffff  }
0xec: {  	s29 =	sadd.s32 $0x8, s29;
	v19 =	vand.u32 $0x38, v19;
	v18 =	vadd.f32 v18, v20  }
0xed: {  	_ =	sdelay $0x2  }
0xee: {  	v20 =	vunpack.i.l.bf16.f32 v17;
	v12 =	vmul.bf16 v15, v12  }
0xef: {  	v15 =	vor.u32 v3, v19;
	v10 =	vld.idx.msk [tilespmem:v10+s16+$0x0], $0xffff;
	v18 =	vadd.f32 v20, v18  }
0xf0: {  	s29 =	sadd.s32 $0x1, s28;
	v19 =	vld.idx.msk [tilespmem:v11+s14+$0x0], $0xffff;
	v17 =	vunpack.i.u.bf16.f32 v17;
	v12 =	vmul.bf16 v14, v12  }
0xf1: {  	v20 =	vld.idx.msk [tilespmem:v11+s15+$0x0], $0xffff;
	v14 =	vadd.s32 s29, v0;
	v17 =	vadd.f32 v18, v17  }
0xf2: {  	v14 =	vand.u32 $0x3F, v14;
	v13 =	vmul.bf16 v16, v13;
	v18 =	vunpack.i.l.bf16.f32 v12  }
0xf3: {  	v11 =	vld.idx.msk [tilespmem:v11+s16+$0x0], $0xffff;
	v14 =	vor.u32 v4, v14;
	v16 =	vadd.f32 v18, v17  }
0xf4: {  	s29 =	sadd.s32 $0x2, s28;
	v12 =	vunpack.i.u.bf16.f32 v12;
	v17 =	vld.idx.msk [tilespmem:v15+s14+$0x0], $0xffff;
	v10 =	vmul.bf16 v10, v13  }
0xf5: {  	v13 =	vld.idx.msk [tilespmem:v15+s15+$0x0], $0xffff;
	v18 =	vadd.s32 s29, v0;
	v12 =	vadd.f32 v16, v12  }
0xf6: {  	v19 =	vmul.bf16 v20, v19;
	v16 =	vand.u32 $0x3F, v18;
	v18 =	vunpack.i.l.bf16.f32 v10  }
0xf7: {  	v15 =	vld.idx.msk [tilespmem:v15+s16+$0x0], $0xffff;
	v16 =	vor.u32 v4, v16;
	v12 =	vadd.f32 v18, v12  }
0xf8: {  	s29 =	sadd.s32 $0x3, s28;
	v10 =	vunpack.i.u.bf16.f32 v10;
	v11 =	vmul.bf16 v11, v19;
	v18 =	vld.idx.msk [tilespmem:v14+s14+$0x0], $0xffff  }
0xf9: {  	v20 =	vadd.s32 s29, v0;
	v19 =	vld.idx.msk [tilespmem:v14+s15+$0x0], $0xffff;
	v10 =	vadd.f32 v12, v10  }
0xfa: {  	v13 =	vmul.bf16 v13, v17;
	v17 =	vunpack.i.l.bf16.f32 v11;
	v12 =	vand.u32 $0x3F, v20  }
0xfb: {  	v14 =	vld.idx.msk [tilespmem:v14+s16+$0x0], $0xffff;
	v12 =	vor.u32 v4, v12;
	v10 =	vadd.f32 v17, v10  }
0xfc: {  	s29 =	sadd.s32 $0x4, s28;
	v11 =	vunpack.i.u.bf16.f32 v11;
	v13 =	vmul.bf16 v15, v13;
	v17 =	vld.idx.msk [tilespmem:v16+s14+$0x0], $0xffff  }
0xfd: {  	v20 =	vadd.s32 s29, v0;
	v15 =	vld.idx.msk [tilespmem:v16+s15+$0x0], $0xffff;
	v10 =	vadd.f32 v10, v11  }
0xfe: {  	v18 =	vmul.bf16 v19, v18;
	v11 =	vand.u32 $0x3F, v20;
	v20 =	vunpack.i.l.bf16.f32 v13  }
0xff: {  	v16 =	vld.idx.msk [tilespmem:v16+s16+$0x0], $0xffff;
	v11 =	vor.u32 v4, v11;
	v10 =	vadd.f32 v20, v10  }
0x100: {  	s29 =	sadd.s32 $0x5, s28;
	v13 =	vunpack.i.u.bf16.f32 v13;
	v14 =	vmul.bf16 v14, v18;
	v19 =	vld.idx.msk [tilespmem:v12+s14+$0x0], $0xffff  }
0x101: {  	v18 =	vld.idx.msk [tilespmem:v12+s15+$0x0], $0xffff;
	v20 =	vadd.s32 s29, v0;
	v10 =	vadd.f32 v10, v13  }
0x102: {  	v15 =	vmul.bf16 v15, v17;
	v13 =	vand.u32 $0x3F, v20;
	v20 =	vunpack.i.l.bf16.f32 v14  }
0x103: {  	v12 =	vld.idx.msk [tilespmem:v12+s16+$0x0], $0xffff;
	v13 =	vor.u32 v4, v13;
	v10 =	vadd.f32 v20, v10  }
0x104: {  	s29 =	sadd.s32 $0x6, s28;
	v14 =	vunpack.i.u.bf16.f32 v14;
	v15 =	vmul.bf16 v16, v15;
	v17 =	vld.idx.msk [tilespmem:v11+s14+$0x0], $0xffff  }
0x105: {  	v16 =	vld.idx.msk [tilespmem:v11+s15+$0x0], $0xffff;
	v20 =	vadd.s32 s29, v0;
	v10 =	vadd.f32 v10, v14  }
0x106: {  	v18 =	vmul.bf16 v18, v19;
	v14 =	vand.u32 $0x3F, v20;
	v20 =	vunpack.i.l.bf16.f32 v15  }
0x107: {  	v11 =	vld.idx.msk [tilespmem:v11+s16+$0x0], $0xffff;
	v14 =	vor.u32 v4, v14;
	v10 =	vadd.f32 v20, v10  }
0x108: {  	s28 =	sadd.s32 $0x7, s28;
	v15 =	vunpack.i.u.bf16.f32 v15;
	v12 =	vmul.bf16 v12, v18;
	v19 =	vld.idx.msk [tilespmem:v13+s14+$0x0], $0xffff  }
0x109: {  	v18 =	vld.idx.msk [tilespmem:v13+s15+$0x0], $0xffff;
	v20 =	vadd.s32 s28, v0;
	v10 =	vadd.f32 v10, v15  }
0x10a: {  	v16 =	vmul.bf16 v16, v17;
	v15 =	vand.u32 $0x3F, v20;
	v20 =	vunpack.i.l.bf16.f32 v12  }
0x10b: {  	v13 =	vld.idx.msk [tilespmem:v13+s16+$0x0], $0xffff;
	v15 =	vor.u32 v4, v15;
	v10 =	vadd.f32 v20, v10  }
0x10c: {  	v12 =	vunpack.i.u.bf16.f32 v12;
	v11 =	vmul.bf16 v11, v16;
	v17 =	vld.idx.msk [tilespmem:v14+s14+$0x0], $0xffff  }
0x10d: {  	v16 =	vld.idx.msk [tilespmem:v14+s15+$0x0], $0xffff;
	v10 =	vadd.f32 v10, v12  }
0x10e: {  	v18 =	vmul.bf16 v18, v19;
	v12 =	vunpack.i.l.bf16.f32 v11  }
0x10f: {  	v14 =	vld.idx.msk [tilespmem:v14+s16+$0x0], $0xffff;
	v10 =	vadd.f32 v12, v10  }
0x110: {  	v11 =	vunpack.i.u.bf16.f32 v11;
	v13 =	vmul.bf16 v13, v18;
	v12 =	vld.idx.msk [tilespmem:v15+s14+$0x0], $0xffff  }
0x111: {  	v18 =	vld.idx.msk [tilespmem:v15+s15+$0x0], $0xffff;
	v10 =	vadd.f32 v10, v11  }
0x112: {  	v16 =	vmul.bf16 v16, v17;
	v11 =	vunpack.i.l.bf16.f32 v13  }
0x113: {  	v15 =	vld.idx.msk [tilespmem:v15+s16+$0x0], $0xffff;
	v10 =	vadd.f32 v11, v10  }
0x114: {  	v11 =	vunpack.i.u.bf16.f32 v13;
	v13 =	vmul.bf16 v14, v16  }
0x115: {  	v10 =	vadd.f32 v10, v11  }
0x116: {  	v12 =	vmul.bf16 v18, v12;
	v11 =	vunpack.i.l.bf16.f32 v13  }
0x117: {  	v10 =	vadd.f32 v11, v10  }
0x118: {  	s28 =	simm.s32 $0x0;
	v12 =	vmul.bf16 v15, v12;
	v11 =	vunpack.i.u.bf16.f32 v13  }
0x119: {  	v10 =	vadd.f32 v10, v11;
	v11 =	vadd.s32 s28, v0  }
0x11a: {  	v13 =	vunpack.i.l.bf16.f32 v12;
	v11 =	vand.u32 $0x38, v11  }
0x11b: {  	v10 =	vadd.f32 v13, v10;
	v11 =	vor.u32 v5, v11  }
0x11c: {  	v12 =	vunpack.i.u.bf16.f32 v12;
	s28 =	simm.s32 $0x1  }
0x11d: {  	v10 =	vadd.f32 v10, v12;
	v12 =	vadd.s32 s28, v0  }
0x11e: {  	v12 =	vand.u32 $0x3F, v12  }
0x11f: {  	[tilespmem:s25+$0xED40] =	vst v10;
	v10 =	vor.u32 v6, v12  }
0x120: {  	s28 =	simm.s32 $0x2;
	v12 =	vld.idx.msk [tilespmem:v11+s14+$0x0], $0xffff  }
0x121: {  	v14 =	vadd.s32 s28, v0;
	v13 =	vld.idx.msk [tilespmem:v11+s15+$0x0], $0xffff  }
0x122: {  	v14 =	vand.u32 $0x3F, v14  }
0x123: {  	v11 =	vld.idx.msk [tilespmem:v11+s16+$0x0], $0xffff;
	v14 =	vor.u32 v6, v14  }
0x124: {  	s28 =	simm.s32 $0x3;
	v15 =	vld.idx.msk [tilespmem:v10+s14+$0x0], $0xffff  }
0x125: {  	v17 =	vadd.s32 s28, v0;
	v16 =	vld.idx.msk [tilespmem:v10+s15+$0x0], $0xffff  }
0x126: {  	v17 =	vand.u32 $0x3F, v17;
	v12 =	vmul.bf16 v13, v12  }
0x127: {  	v10 =	vld.idx.msk [tilespmem:v10+s16+$0x0], $0xffff;
	v13 =	vor.u32 v6, v17  }
0x128: {  	s28 =	simm.s32 $0x4;
	v17 =	vld.idx.msk [tilespmem:v14+s14+$0x0], $0xffff;
	v11 =	vmul.bf16 v11, v12  }
0x129: {  	v19 =	vadd.s32 s28, v0;
	v18 =	vld.idx.msk [tilespmem:v14+s15+$0x0], $0xffff  }
0x12a: {  	v12 =	vimm.f32 $0.0e+00;
	v20 =	vunpack.i.l.bf16.f32 v11;
	v15 =	vmul.bf16 v16, v15  }
0x12b: {  	v14 =	vld.idx.msk [tilespmem:v14+s16+$0x0], $0xffff;
	v16 =	vand.u32 $0x3F, v19;
	v12 =	vadd.f32 v20, v12  }
0x12c: {  	v11 =	vunpack.i.u.bf16.f32 v11;
	v16 =	vor.u32 v6, v16;
	v19 =	vld.idx.msk [tilespmem:v13+s14+$0x0], $0xffff;
	v10 =	vmul.bf16 v10, v15  }
0x12d: {  	s28 =	simm.s32 $0x5;
	v15 =	vld.idx.msk [tilespmem:v13+s15+$0x0], $0xffff;
	v11 =	vadd.f32 v12, v11  }
0x12e: {  	v17 =	vmul.bf16 v18, v17;
	v12 =	vadd.s32 s28, v0;
	v20 =	vunpack.i.l.bf16.f32 v10  }
0x12f: {  	v13 =	vld.idx.msk [tilespmem:v13+s16+$0x0], $0xffff;
	v12 =	vand.u32 $0x3F, v12;
	v11 =	vadd.f32 v20, v11  }
0x130: {  	s28 =	simm.s32 $0x6;
	v10 =	vunpack.i.u.bf16.f32 v10;
	v18 =	vor.u32 v6, v12;
	v12 =	vmul.bf16 v14, v17  }
0x131: {  	v17 =	vadd.s32 s28, v0;
	v14 =	vld.idx.msk [tilespmem:v16+s14+$0x0], $0xffff;
	v11 =	vadd.f32 v11, v10  }
0x132: {  	v20 =	vld.idx.msk [tilespmem:v16+s15+$0x0], $0xffff;
	v10 =	vand.u32 $0x3F, v17;
	v17 =	vunpack.i.l.bf16.f32 v12;
	v15 =	vmul.bf16 v15, v19  }
0x133: {  	v11 =	vadd.f32 v17, v11  }
0x134: {  	s28 =	simm.s32 $0x7;
	v16 =	vld.idx.msk [tilespmem:v16+s16+$0x0], $0xffff;
	v10 =	vor.u32 v6, v10;
	v17 =	vunpack.i.u.bf16.f32 v12;
	v19 =	vmul.bf16 v13, v15  }
0x135: {  	v13 =	vadd.s32 s28, v0;
	v12 =	vld.idx.msk [tilespmem:v18+s14+$0x0], $0xffff;
	v11 =	vadd.f32 v11, v17  }
0x136: {  	v15 =	vld.idx.msk [tilespmem:v18+s15+$0x0], $0xffff;
	v13 =	vand.u32 $0x3F, v13;
	v17 =	vunpack.i.l.bf16.f32 v19  }
0x137: {  	v20 =	vmul.bf16 v20, v14;
	v14 =	vld.idx.msk [tilespmem:v18+s16+$0x0], $0xffff;
	v18 =	vadd.f32 v17, v11;
	v11 =	vor.u32 v6, v13  }
0x138: {  	s28 =	simm.s32 $0x8  }
0x139: {  	v21 =	vadd.s32 s28, v0;
	v22 =	vunpack.i.u.bf16.f32 v19;
	v13 =	vld.idx.msk [tilespmem:v10+s14+$0x0], $0xffff;
	v17 =	vmul.bf16 v16, v20  }
0x13a: {  	s29 =	simm.s32 $0x10;
	v19 =	vand.u32 $0x38, v21;
	v16 =	vld.idx.msk [tilespmem:v10+s15+$0x0], $0xffff;
	v18 =	vadd.f32 v18, v22  }
.LBB2_7:
0x13b: {  	p0 =	slt.u32 s29, $0x38;
	v19 =	vor.u32 v5, v19;
	v20 =	vunpack.i.l.bf16.f32 v17;
	v12 =	vmul.bf16 v15, v12;
	v10 =	vld.idx.msk [tilespmem:v10+s16+$0x0], $0xffff  }
0x13c: {  	s30 =	sadd.s32 $0x1, s28;
	v15 =	vadd.f32 v20, v18;
	v18 =	vld.idx.msk [tilespmem:v11+s14+$0x0], $0xffff  }
0x13d: {  	v17 =	vunpack.i.u.bf16.f32 v17;
	v20 =	vadd.s32 s30, v0;
	v12 =	vmul.bf16 v14, v12;
	v14 =	vld.idx.msk [tilespmem:v11+s15+$0x0], $0xffff  }
0x13e: {  	v20 =	vand.u32 $0x3F, v20;
	v15 =	vadd.f32 v15, v17  }
0x13f: {  	v17 =	vor.u32 v6, v20;
	v13 =	vmul.bf16 v16, v13;
	v20 =	vunpack.i.l.bf16.f32 v12;
	v11 =	vld.idx.msk [tilespmem:v11+s16+$0x0], $0xffff  }
0x140: {  	s30 =	sadd.s32 $0x2, s28;
	v16 =	vld.idx.msk [tilespmem:v19+s14+$0x0], $0xffff;
	v15 =	vadd.f32 v20, v15  }
0x141: {  	v21 =	vadd.s32 s30, v0;
	v12 =	vunpack.i.u.bf16.f32 v12;
	v10 =	vmul.bf16 v10, v13;
	v20 =	vld.idx.msk [tilespmem:v19+s15+$0x0], $0xffff  }
0x142: {  	v13 =	vand.u32 $0x3F, v21;
	v12 =	vadd.f32 v15, v12  }
0x143: {  	v13 =	vor.u32 v6, v13;
	v14 =	vmul.bf16 v14, v18;
	v15 =	vld.idx.msk [tilespmem:v19+s16+$0x0], $0xffff;
	v19 =	vunpack.i.l.bf16.f32 v10  }
0x144: {  	s30 =	sadd.s32 $0x3, s28;
	v18 =	vld.idx.msk [tilespmem:v17+s14+$0x0], $0xffff;
	v12 =	vadd.f32 v19, v12  }
0x145: {  	v21 =	vadd.s32 s30, v0;
	v10 =	vunpack.i.u.bf16.f32 v10;
	v11 =	vmul.bf16 v11, v14;
	v19 =	vld.idx.msk [tilespmem:v17+s15+$0x0], $0xffff  }
0x146: {  	v14 =	vand.u32 $0x3F, v21;
	v10 =	vadd.f32 v12, v10  }
0x147: {  	v14 =	vor.u32 v6, v14;
	v12 =	vmul.bf16 v20, v16;
	v16 =	vld.idx.msk [tilespmem:v17+s16+$0x0], $0xffff;
	v17 =	vunpack.i.l.bf16.f32 v11  }
0x148: {  	s30 =	sadd.s32 $0x4, s28;
	v20 =	vld.idx.msk [tilespmem:v13+s14+$0x0], $0xffff;
	v10 =	vadd.f32 v17, v10  }
0x149: {  	v11 =	vunpack.i.u.bf16.f32 v11;
	v12 =	vmul.bf16 v15, v12;
	v17 =	vadd.s32 s30, v0;
	v15 =	vld.idx.msk [tilespmem:v13+s15+$0x0], $0xffff  }
0x14a: {  	v17 =	vand.u32 $0x3F, v17;
	v10 =	vadd.f32 v10, v11  }
0x14b: {  	v11 =	vunpack.i.l.bf16.f32 v12;
	v18 =	vmul.bf16 v19, v18;
	v17 =	vor.u32 v6, v17;
	v13 =	vld.idx.msk [tilespmem:v13+s16+$0x0], $0xffff  }
0x14c: {  	s30 =	sadd.s32 $0x5, s28;
	v10 =	vadd.f32 v11, v10;
	v11 =	vld.idx.msk [tilespmem:v14+s14+$0x0], $0xffff  }
0x14d: {  	v12 =	vunpack.i.u.bf16.f32 v12;
	v19 =	vadd.s32 s30, v0;
	v16 =	vmul.bf16 v16, v18;
	v18 =	vld.idx.msk [tilespmem:v14+s15+$0x0], $0xffff  }
0x14e: {  	v10 =	vadd.f32 v10, v12;
	v12 =	vand.u32 $0x3F, v19  }
0x14f: {  	v19 =	vunpack.i.l.bf16.f32 v16;
	v15 =	vmul.bf16 v15, v20;
	v14 =	vld.idx.msk [tilespmem:v14+s16+$0x0], $0xffff;
	v20 =	vor.u32 v6, v12  }
0x150: {  	s30 =	sadd.s32 $0x6, s28;
	v10 =	vadd.f32 v19, v10;
	v19 =	vld.idx.msk [tilespmem:v17+s14+$0x0], $0xffff  }
0x151: {  	v12 =	vunpack.i.u.bf16.f32 v16;
	v13 =	vmul.bf16 v13, v15;
	v15 =	vadd.s32 s30, v0;
	v16 =	vld.idx.msk [tilespmem:v17+s15+$0x0], $0xffff  }
0x152: {  	v12 =	vadd.f32 v10, v12;
	v10 =	vand.u32 $0x3F, v15  }
0x153: {  	v15 =	vunpack.i.l.bf16.f32 v13;
	v11 =	vmul.bf16 v18, v11;
	v17 =	vld.idx.msk [tilespmem:v17+s16+$0x0], $0xffff;
	v10 =	vor.u32 v6, v10  }
0x154: {  	s30 =	sadd.s32 $0x7, s28;
	s28 =	smov.u32 s29;
	v18 =	vadd.f32 v15, v12;
	v12 =	vld.idx.msk [tilespmem:v20+s14+$0x0], $0xffff  }
0x155: {  	v13 =	vunpack.i.u.bf16.f32 v13;
	v21 =	vmul.bf16 v14, v11;
	v11 =	vadd.s32 s30, v0;
	v15 =	vld.idx.msk [tilespmem:v20+s15+$0x0], $0xffff  }
.Ltmp2:
0x156: {  	v11 =	vand.u32 $0x3F, v11;
	v13 =	vadd.f32 v18, v13;
	(pc) =	sbr.rel @p0 .LBB2_7-.Ltmp2, $4  }
0x157: {  	v18 =	vunpack.i.l.bf16.f32 v21;
	v16 =	vmul.bf16 v16, v19;
	v11 =	vor.u32 v6, v11;
	v14 =	vld.idx.msk [tilespmem:v20+s16+$0x0], $0xffff  }
0x158: {  	v18 =	vadd.f32 v18, v13;
	v13 =	vld.idx.msk [tilespmem:v10+s14+$0x0], $0xffff  }
0x159: {  	v19 =	vadd.s32 s29, v0;
	v20 =	vunpack.i.u.bf16.f32 v21;
	v17 =	vmul.bf16 v17, v16;
	v16 =	vld.idx.msk [tilespmem:v10+s15+$0x0], $0xffff  }
0x15a: {  	s29 =	sadd.s32 $0x8, s29;
	v19 =	vand.u32 $0x38, v19;
	v18 =	vadd.f32 v18, v20  }
0x15b: {  	_ =	sdelay $0x2  }
0x15c: {  	v20 =	vunpack.i.l.bf16.f32 v17;
	v12 =	vmul.bf16 v15, v12  }
0x15d: {  	v15 =	vor.u32 v5, v19;
	v10 =	vld.idx.msk [tilespmem:v10+s16+$0x0], $0xffff;
	v18 =	vadd.f32 v20, v18  }
0x15e: {  	s29 =	sadd.s32 $0x1, s28;
	v19 =	vld.idx.msk [tilespmem:v11+s14+$0x0], $0xffff;
	v17 =	vunpack.i.u.bf16.f32 v17;
	v12 =	vmul.bf16 v14, v12  }
0x15f: {  	v20 =	vld.idx.msk [tilespmem:v11+s15+$0x0], $0xffff;
	v14 =	vadd.s32 s29, v0;
	v17 =	vadd.f32 v18, v17  }
0x160: {  	v14 =	vand.u32 $0x3F, v14;
	v13 =	vmul.bf16 v16, v13;
	v18 =	vunpack.i.l.bf16.f32 v12  }
0x161: {  	v11 =	vld.idx.msk [tilespmem:v11+s16+$0x0], $0xffff;
	v14 =	vor.u32 v6, v14;
	v16 =	vadd.f32 v18, v17  }
0x162: {  	s29 =	sadd.s32 $0x2, s28;
	v12 =	vunpack.i.u.bf16.f32 v12;
	v17 =	vld.idx.msk [tilespmem:v15+s14+$0x0], $0xffff;
	v10 =	vmul.bf16 v10, v13  }
0x163: {  	v13 =	vld.idx.msk [tilespmem:v15+s15+$0x0], $0xffff;
	v18 =	vadd.s32 s29, v0;
	v12 =	vadd.f32 v16, v12  }
0x164: {  	v19 =	vmul.bf16 v20, v19;
	v16 =	vand.u32 $0x3F, v18;
	v18 =	vunpack.i.l.bf16.f32 v10  }
0x165: {  	v15 =	vld.idx.msk [tilespmem:v15+s16+$0x0], $0xffff;
	v16 =	vor.u32 v6, v16;
	v12 =	vadd.f32 v18, v12  }
0x166: {  	s29 =	sadd.s32 $0x3, s28;
	v10 =	vunpack.i.u.bf16.f32 v10;
	v11 =	vmul.bf16 v11, v19;
	v18 =	vld.idx.msk [tilespmem:v14+s14+$0x0], $0xffff  }
0x167: {  	v20 =	vadd.s32 s29, v0;
	v19 =	vld.idx.msk [tilespmem:v14+s15+$0x0], $0xffff;
	v10 =	vadd.f32 v12, v10  }
0x168: {  	v13 =	vmul.bf16 v13, v17;
	v17 =	vunpack.i.l.bf16.f32 v11;
	v12 =	vand.u32 $0x3F, v20  }
0x169: {  	v14 =	vld.idx.msk [tilespmem:v14+s16+$0x0], $0xffff;
	v12 =	vor.u32 v6, v12;
	v10 =	vadd.f32 v17, v10  }
0x16a: {  	s29 =	sadd.s32 $0x4, s28;
	v11 =	vunpack.i.u.bf16.f32 v11;
	v13 =	vmul.bf16 v15, v13;
	v17 =	vld.idx.msk [tilespmem:v16+s14+$0x0], $0xffff  }
0x16b: {  	v20 =	vadd.s32 s29, v0;
	v15 =	vld.idx.msk [tilespmem:v16+s15+$0x0], $0xffff;
	v10 =	vadd.f32 v10, v11  }
0x16c: {  	v18 =	vmul.bf16 v19, v18;
	v11 =	vand.u32 $0x3F, v20;
	v20 =	vunpack.i.l.bf16.f32 v13  }
0x16d: {  	v16 =	vld.idx.msk [tilespmem:v16+s16+$0x0], $0xffff;
	v11 =	vor.u32 v6, v11;
	v10 =	vadd.f32 v20, v10  }
0x16e: {  	s29 =	sadd.s32 $0x5, s28;
	v13 =	vunpack.i.u.bf16.f32 v13;
	v14 =	vmul.bf16 v14, v18;
	v19 =	vld.idx.msk [tilespmem:v12+s14+$0x0], $0xffff  }
0x16f: {  	v18 =	vld.idx.msk [tilespmem:v12+s15+$0x0], $0xffff;
	v20 =	vadd.s32 s29, v0;
	v10 =	vadd.f32 v10, v13  }
0x170: {  	v15 =	vmul.bf16 v15, v17;
	v13 =	vand.u32 $0x3F, v20;
	v20 =	vunpack.i.l.bf16.f32 v14  }
0x171: {  	v12 =	vld.idx.msk [tilespmem:v12+s16+$0x0], $0xffff;
	v13 =	vor.u32 v6, v13;
	v10 =	vadd.f32 v20, v10  }
0x172: {  	s29 =	sadd.s32 $0x6, s28;
	v14 =	vunpack.i.u.bf16.f32 v14;
	v15 =	vmul.bf16 v16, v15;
	v17 =	vld.idx.msk [tilespmem:v11+s14+$0x0], $0xffff  }
0x173: {  	v16 =	vld.idx.msk [tilespmem:v11+s15+$0x0], $0xffff;
	v20 =	vadd.s32 s29, v0;
	v10 =	vadd.f32 v10, v14  }
0x174: {  	v18 =	vmul.bf16 v18, v19;
	v14 =	vand.u32 $0x3F, v20;
	v20 =	vunpack.i.l.bf16.f32 v15  }
0x175: {  	v11 =	vld.idx.msk [tilespmem:v11+s16+$0x0], $0xffff;
	v14 =	vor.u32 v6, v14;
	v10 =	vadd.f32 v20, v10  }
0x176: {  	s28 =	sadd.s32 $0x7, s28;
	v15 =	vunpack.i.u.bf16.f32 v15;
	v12 =	vmul.bf16 v12, v18;
	v19 =	vld.idx.msk [tilespmem:v13+s14+$0x0], $0xffff  }
0x177: {  	v18 =	vld.idx.msk [tilespmem:v13+s15+$0x0], $0xffff;
	v20 =	vadd.s32 s28, v0;
	v10 =	vadd.f32 v10, v15  }
0x178: {  	v16 =	vmul.bf16 v16, v17;
	v15 =	vand.u32 $0x3F, v20;
	v20 =	vunpack.i.l.bf16.f32 v12  }
0x179: {  	v13 =	vld.idx.msk [tilespmem:v13+s16+$0x0], $0xffff;
	v15 =	vor.u32 v6, v15;
	v10 =	vadd.f32 v20, v10  }
0x17a: {  	v12 =	vunpack.i.u.bf16.f32 v12;
	v11 =	vmul.bf16 v11, v16;
	v17 =	vld.idx.msk [tilespmem:v14+s14+$0x0], $0xffff  }
0x17b: {  	v16 =	vld.idx.msk [tilespmem:v14+s15+$0x0], $0xffff;
	v10 =	vadd.f32 v10, v12  }
0x17c: {  	v18 =	vmul.bf16 v18, v19;
	v12 =	vunpack.i.l.bf16.f32 v11  }
0x17d: {  	v14 =	vld.idx.msk [tilespmem:v14+s16+$0x0], $0xffff;
	v10 =	vadd.f32 v12, v10  }
0x17e: {  	v11 =	vunpack.i.u.bf16.f32 v11;
	v13 =	vmul.bf16 v13, v18;
	v12 =	vld.idx.msk [tilespmem:v15+s14+$0x0], $0xffff  }
0x17f: {  	v18 =	vld.idx.msk [tilespmem:v15+s15+$0x0], $0xffff;
	v10 =	vadd.f32 v10, v11  }
0x180: {  	v16 =	vmul.bf16 v16, v17;
	v11 =	vunpack.i.l.bf16.f32 v13  }
0x181: {  	v15 =	vld.idx.msk [tilespmem:v15+s16+$0x0], $0xffff;
	v10 =	vadd.f32 v11, v10  }
0x182: {  	v11 =	vunpack.i.u.bf16.f32 v13;
	v13 =	vmul.bf16 v14, v16  }
0x183: {  	v10 =	vadd.f32 v10, v11  }
0x184: {  	v12 =	vmul.bf16 v18, v12;
	v11 =	vunpack.i.l.bf16.f32 v13  }
0x185: {  	v10 =	vadd.f32 v11, v10  }
0x186: {  	s28 =	simm.s32 $0x0;
	v12 =	vmul.bf16 v15, v12;
	v11 =	vunpack.i.u.bf16.f32 v13  }
0x187: {  	v10 =	vadd.f32 v10, v11;
	v11 =	vadd.s32 s28, v0  }
0x188: {  	v13 =	vunpack.i.l.bf16.f32 v12;
	v11 =	vand.u32 $0x38, v11  }
0x189: {  	v10 =	vadd.f32 v13, v10;
	v11 =	vor.u32 v7, v11  }
0x18a: {  	v12 =	vunpack.i.u.bf16.f32 v12;
	s28 =	simm.s32 $0x1  }
0x18b: {  	v10 =	vadd.f32 v10, v12;
	v12 =	vadd.s32 s28, v0  }
0x18c: {  	v12 =	vand.u32 $0x3F, v12  }
0x18d: {  	[tilespmem:s25+$0xED50] =	vst v10;
	v10 =	vor.u32 v8, v12  }
0x18e: {  	s28 =	simm.s32 $0x2;
	v12 =	vld.idx.msk [tilespmem:v11+s14+$0x0], $0xffff  }
0x18f: {  	v14 =	vadd.s32 s28, v0;
	v13 =	vld.idx.msk [tilespmem:v11+s15+$0x0], $0xffff  }
0x190: {  	v14 =	vand.u32 $0x3F, v14  }
0x191: {  	v11 =	vld.idx.msk [tilespmem:v11+s16+$0x0], $0xffff;
	v14 =	vor.u32 v8, v14  }
0x192: {  	s28 =	simm.s32 $0x3;
	v15 =	vld.idx.msk [tilespmem:v10+s14+$0x0], $0xffff  }
0x193: {  	v17 =	vadd.s32 s28, v0;
	v16 =	vld.idx.msk [tilespmem:v10+s15+$0x0], $0xffff  }
0x194: {  	v17 =	vand.u32 $0x3F, v17;
	v12 =	vmul.bf16 v13, v12  }
0x195: {  	v10 =	vld.idx.msk [tilespmem:v10+s16+$0x0], $0xffff;
	v13 =	vor.u32 v8, v17  }
0x196: {  	s28 =	simm.s32 $0x4;
	v17 =	vld.idx.msk [tilespmem:v14+s14+$0x0], $0xffff;
	v11 =	vmul.bf16 v11, v12  }
0x197: {  	v19 =	vadd.s32 s28, v0;
	v18 =	vld.idx.msk [tilespmem:v14+s15+$0x0], $0xffff  }
0x198: {  	v12 =	vimm.f32 $0.0e+00;
	v20 =	vunpack.i.l.bf16.f32 v11;
	v15 =	vmul.bf16 v16, v15  }
0x199: {  	v14 =	vld.idx.msk [tilespmem:v14+s16+$0x0], $0xffff;
	v16 =	vand.u32 $0x3F, v19;
	v12 =	vadd.f32 v20, v12  }
0x19a: {  	v11 =	vunpack.i.u.bf16.f32 v11;
	v16 =	vor.u32 v8, v16;
	v19 =	vld.idx.msk [tilespmem:v13+s14+$0x0], $0xffff;
	v10 =	vmul.bf16 v10, v15  }
0x19b: {  	s28 =	simm.s32 $0x5;
	v15 =	vld.idx.msk [tilespmem:v13+s15+$0x0], $0xffff;
	v11 =	vadd.f32 v12, v11  }
0x19c: {  	v17 =	vmul.bf16 v18, v17;
	v12 =	vadd.s32 s28, v0;
	v20 =	vunpack.i.l.bf16.f32 v10  }
0x19d: {  	v13 =	vld.idx.msk [tilespmem:v13+s16+$0x0], $0xffff;
	v12 =	vand.u32 $0x3F, v12;
	v11 =	vadd.f32 v20, v11  }
0x19e: {  	s28 =	simm.s32 $0x6;
	v10 =	vunpack.i.u.bf16.f32 v10;
	v18 =	vor.u32 v8, v12;
	v12 =	vmul.bf16 v14, v17  }
0x19f: {  	v17 =	vadd.s32 s28, v0;
	v14 =	vld.idx.msk [tilespmem:v16+s14+$0x0], $0xffff;
	v11 =	vadd.f32 v11, v10  }
0x1a0: {  	v20 =	vld.idx.msk [tilespmem:v16+s15+$0x0], $0xffff;
	v10 =	vand.u32 $0x3F, v17;
	v17 =	vunpack.i.l.bf16.f32 v12;
	v15 =	vmul.bf16 v15, v19  }
0x1a1: {  	v11 =	vadd.f32 v17, v11  }
0x1a2: {  	s28 =	simm.s32 $0x7;
	v16 =	vld.idx.msk [tilespmem:v16+s16+$0x0], $0xffff;
	v10 =	vor.u32 v8, v10;
	v17 =	vunpack.i.u.bf16.f32 v12;
	v19 =	vmul.bf16 v13, v15  }
0x1a3: {  	v13 =	vadd.s32 s28, v0;
	v12 =	vld.idx.msk [tilespmem:v18+s14+$0x0], $0xffff;
	v11 =	vadd.f32 v11, v17  }
0x1a4: {  	v15 =	vld.idx.msk [tilespmem:v18+s15+$0x0], $0xffff;
	v13 =	vand.u32 $0x3F, v13;
	v17 =	vunpack.i.l.bf16.f32 v19  }
0x1a5: {  	v20 =	vmul.bf16 v20, v14;
	v14 =	vld.idx.msk [tilespmem:v18+s16+$0x0], $0xffff;
	v18 =	vadd.f32 v17, v11;
	v11 =	vor.u32 v8, v13  }
0x1a6: {  	s28 =	simm.s32 $0x8  }
0x1a7: {  	v21 =	vadd.s32 s28, v0;
	v22 =	vunpack.i.u.bf16.f32 v19;
	v13 =	vld.idx.msk [tilespmem:v10+s14+$0x0], $0xffff;
	v17 =	vmul.bf16 v16, v20  }
0x1a8: {  	s29 =	simm.s32 $0x10;
	v19 =	vand.u32 $0x38, v21;
	v16 =	vld.idx.msk [tilespmem:v10+s15+$0x0], $0xffff;
	v18 =	vadd.f32 v18, v22  }
.LBB2_9:
0x1a9: {  	p0 =	slt.u32 s29, $0x38;
	v19 =	vor.u32 v7, v19;
	v20 =	vunpack.i.l.bf16.f32 v17;
	v12 =	vmul.bf16 v15, v12;
	v10 =	vld.idx.msk [tilespmem:v10+s16+$0x0], $0xffff  }
0x1aa: {  	s30 =	sadd.s32 $0x1, s28;
	v15 =	vadd.f32 v20, v18;
	v18 =	vld.idx.msk [tilespmem:v11+s14+$0x0], $0xffff  }
0x1ab: {  	v17 =	vunpack.i.u.bf16.f32 v17;
	v20 =	vadd.s32 s30, v0;
	v12 =	vmul.bf16 v14, v12;
	v14 =	vld.idx.msk [tilespmem:v11+s15+$0x0], $0xffff  }
0x1ac: {  	v20 =	vand.u32 $0x3F, v20;
	v15 =	vadd.f32 v15, v17  }
0x1ad: {  	v17 =	vor.u32 v8, v20;
	v13 =	vmul.bf16 v16, v13;
	v20 =	vunpack.i.l.bf16.f32 v12;
	v11 =	vld.idx.msk [tilespmem:v11+s16+$0x0], $0xffff  }
0x1ae: {  	s30 =	sadd.s32 $0x2, s28;
	v16 =	vld.idx.msk [tilespmem:v19+s14+$0x0], $0xffff;
	v15 =	vadd.f32 v20, v15  }
0x1af: {  	v21 =	vadd.s32 s30, v0;
	v12 =	vunpack.i.u.bf16.f32 v12;
	v10 =	vmul.bf16 v10, v13;
	v20 =	vld.idx.msk [tilespmem:v19+s15+$0x0], $0xffff  }
0x1b0: {  	v13 =	vand.u32 $0x3F, v21;
	v12 =	vadd.f32 v15, v12  }
0x1b1: {  	v13 =	vor.u32 v8, v13;
	v14 =	vmul.bf16 v14, v18;
	v15 =	vld.idx.msk [tilespmem:v19+s16+$0x0], $0xffff;
	v19 =	vunpack.i.l.bf16.f32 v10  }
0x1b2: {  	s30 =	sadd.s32 $0x3, s28;
	v18 =	vld.idx.msk [tilespmem:v17+s14+$0x0], $0xffff;
	v12 =	vadd.f32 v19, v12  }
0x1b3: {  	v21 =	vadd.s32 s30, v0;
	v10 =	vunpack.i.u.bf16.f32 v10;
	v11 =	vmul.bf16 v11, v14;
	v19 =	vld.idx.msk [tilespmem:v17+s15+$0x0], $0xffff  }
0x1b4: {  	v14 =	vand.u32 $0x3F, v21;
	v10 =	vadd.f32 v12, v10  }
0x1b5: {  	v14 =	vor.u32 v8, v14;
	v12 =	vmul.bf16 v20, v16;
	v16 =	vld.idx.msk [tilespmem:v17+s16+$0x0], $0xffff;
	v17 =	vunpack.i.l.bf16.f32 v11  }
0x1b6: {  	s30 =	sadd.s32 $0x4, s28;
	v20 =	vld.idx.msk [tilespmem:v13+s14+$0x0], $0xffff;
	v10 =	vadd.f32 v17, v10  }
0x1b7: {  	v11 =	vunpack.i.u.bf16.f32 v11;
	v12 =	vmul.bf16 v15, v12;
	v17 =	vadd.s32 s30, v0;
	v15 =	vld.idx.msk [tilespmem:v13+s15+$0x0], $0xffff  }
0x1b8: {  	v17 =	vand.u32 $0x3F, v17;
	v10 =	vadd.f32 v10, v11  }
0x1b9: {  	v11 =	vunpack.i.l.bf16.f32 v12;
	v18 =	vmul.bf16 v19, v18;
	v17 =	vor.u32 v8, v17;
	v13 =	vld.idx.msk [tilespmem:v13+s16+$0x0], $0xffff  }
0x1ba: {  	s30 =	sadd.s32 $0x5, s28;
	v10 =	vadd.f32 v11, v10;
	v11 =	vld.idx.msk [tilespmem:v14+s14+$0x0], $0xffff  }
0x1bb: {  	v12 =	vunpack.i.u.bf16.f32 v12;
	v19 =	vadd.s32 s30, v0;
	v16 =	vmul.bf16 v16, v18;
	v18 =	vld.idx.msk [tilespmem:v14+s15+$0x0], $0xffff  }
0x1bc: {  	v10 =	vadd.f32 v10, v12;
	v12 =	vand.u32 $0x3F, v19  }
0x1bd: {  	v19 =	vunpack.i.l.bf16.f32 v16;
	v15 =	vmul.bf16 v15, v20;
	v14 =	vld.idx.msk [tilespmem:v14+s16+$0x0], $0xffff;
	v20 =	vor.u32 v8, v12  }
0x1be: {  	s30 =	sadd.s32 $0x6, s28;
	v10 =	vadd.f32 v19, v10;
	v19 =	vld.idx.msk [tilespmem:v17+s14+$0x0], $0xffff  }
0x1bf: {  	v12 =	vunpack.i.u.bf16.f32 v16;
	v13 =	vmul.bf16 v13, v15;
	v15 =	vadd.s32 s30, v0;
	v16 =	vld.idx.msk [tilespmem:v17+s15+$0x0], $0xffff  }
0x1c0: {  	v12 =	vadd.f32 v10, v12;
	v10 =	vand.u32 $0x3F, v15  }
0x1c1: {  	v15 =	vunpack.i.l.bf16.f32 v13;
	v11 =	vmul.bf16 v18, v11;
	v17 =	vld.idx.msk [tilespmem:v17+s16+$0x0], $0xffff;
	v10 =	vor.u32 v8, v10  }
0x1c2: {  	s30 =	sadd.s32 $0x7, s28;
	s28 =	smov.u32 s29;
	v18 =	vadd.f32 v15, v12;
	v12 =	vld.idx.msk [tilespmem:v20+s14+$0x0], $0xffff  }
0x1c3: {  	v13 =	vunpack.i.u.bf16.f32 v13;
	v21 =	vmul.bf16 v14, v11;
	v11 =	vadd.s32 s30, v0;
	v15 =	vld.idx.msk [tilespmem:v20+s15+$0x0], $0xffff  }
.Ltmp3:
0x1c4: {  	v11 =	vand.u32 $0x3F, v11;
	v13 =	vadd.f32 v18, v13;
	(pc) =	sbr.rel @p0 .LBB2_9-.Ltmp3, $4  }
0x1c5: {  	v18 =	vunpack.i.l.bf16.f32 v21;
	v16 =	vmul.bf16 v16, v19;
	v11 =	vor.u32 v8, v11;
	v14 =	vld.idx.msk [tilespmem:v20+s16+$0x0], $0xffff  }
0x1c6: {  	v18 =	vadd.f32 v18, v13;
	v13 =	vld.idx.msk [tilespmem:v10+s14+$0x0], $0xffff  }
0x1c7: {  	v19 =	vadd.s32 s29, v0;
	v20 =	vunpack.i.u.bf16.f32 v21;
	v17 =	vmul.bf16 v17, v16;
	v16 =	vld.idx.msk [tilespmem:v10+s15+$0x0], $0xffff  }
0x1c8: {  	s29 =	sadd.s32 $0x8, s29;
	v19 =	vand.u32 $0x38, v19;
	v18 =	vadd.f32 v18, v20  }
0x1c9: {  	_ =	sdelay $0x2  }
0x1ca: {  	v20 =	vunpack.i.l.bf16.f32 v17;
	v12 =	vmul.bf16 v15, v12  }
0x1cb: {  	v15 =	vor.u32 v7, v19;
	v10 =	vld.idx.msk [tilespmem:v10+s16+$0x0], $0xffff;
	v18 =	vadd.f32 v20, v18  }
0x1cc: {  	s29 =	sadd.s32 $0x1, s28;
	v19 =	vld.idx.msk [tilespmem:v11+s14+$0x0], $0xffff;
	v17 =	vunpack.i.u.bf16.f32 v17;
	v12 =	vmul.bf16 v14, v12  }
0x1cd: {  	v20 =	vld.idx.msk [tilespmem:v11+s15+$0x0], $0xffff;
	v14 =	vadd.s32 s29, v0;
	v17 =	vadd.f32 v18, v17  }
0x1ce: {  	v14 =	vand.u32 $0x3F, v14;
	v13 =	vmul.bf16 v16, v13;
	v18 =	vunpack.i.l.bf16.f32 v12  }
0x1cf: {  	v11 =	vld.idx.msk [tilespmem:v11+s16+$0x0], $0xffff;
	v14 =	vor.u32 v8, v14;
	v16 =	vadd.f32 v18, v17  }
0x1d0: {  	s29 =	sadd.s32 $0x2, s28;
	v12 =	vunpack.i.u.bf16.f32 v12;
	v17 =	vld.idx.msk [tilespmem:v15+s14+$0x0], $0xffff;
	v10 =	vmul.bf16 v10, v13  }
0x1d1: {  	v13 =	vld.idx.msk [tilespmem:v15+s15+$0x0], $0xffff;
	v18 =	vadd.s32 s29, v0;
	v12 =	vadd.f32 v16, v12  }
0x1d2: {  	v19 =	vmul.bf16 v20, v19;
	v16 =	vand.u32 $0x3F, v18;
	v18 =	vunpack.i.l.bf16.f32 v10  }
0x1d3: {  	v15 =	vld.idx.msk [tilespmem:v15+s16+$0x0], $0xffff;
	v16 =	vor.u32 v8, v16;
	v12 =	vadd.f32 v18, v12  }
0x1d4: {  	s29 =	sadd.s32 $0x3, s28;
	v10 =	vunpack.i.u.bf16.f32 v10;
	v11 =	vmul.bf16 v11, v19;
	v18 =	vld.idx.msk [tilespmem:v14+s14+$0x0], $0xffff  }
0x1d5: {  	v20 =	vadd.s32 s29, v0;
	v19 =	vld.idx.msk [tilespmem:v14+s15+$0x0], $0xffff;
	v10 =	vadd.f32 v12, v10  }
0x1d6: {  	v13 =	vmul.bf16 v13, v17;
	v17 =	vunpack.i.l.bf16.f32 v11;
	v12 =	vand.u32 $0x3F, v20  }
0x1d7: {  	v14 =	vld.idx.msk [tilespmem:v14+s16+$0x0], $0xffff;
	v12 =	vor.u32 v8, v12;
	v10 =	vadd.f32 v17, v10  }
0x1d8: {  	s29 =	sadd.s32 $0x4, s28;
	v11 =	vunpack.i.u.bf16.f32 v11;
	v13 =	vmul.bf16 v15, v13;
	v17 =	vld.idx.msk [tilespmem:v16+s14+$0x0], $0xffff  }
0x1d9: {  	v20 =	vadd.s32 s29, v0;
	v15 =	vld.idx.msk [tilespmem:v16+s15+$0x0], $0xffff;
	v10 =	vadd.f32 v10, v11  }
0x1da: {  	v18 =	vmul.bf16 v19, v18;
	v11 =	vand.u32 $0x3F, v20;
	v20 =	vunpack.i.l.bf16.f32 v13  }
0x1db: {  	v16 =	vld.idx.msk [tilespmem:v16+s16+$0x0], $0xffff;
	v11 =	vor.u32 v8, v11;
	v10 =	vadd.f32 v20, v10  }
0x1dc: {  	s29 =	sadd.s32 $0x5, s28;
	v13 =	vunpack.i.u.bf16.f32 v13;
	v14 =	vmul.bf16 v14, v18;
	v19 =	vld.idx.msk [tilespmem:v12+s14+$0x0], $0xffff  }
0x1dd: {  	v18 =	vld.idx.msk [tilespmem:v12+s15+$0x0], $0xffff;
	v20 =	vadd.s32 s29, v0;
	v10 =	vadd.f32 v10, v13  }
0x1de: {  	v15 =	vmul.bf16 v15, v17;
	v13 =	vand.u32 $0x3F, v20;
	v20 =	vunpack.i.l.bf16.f32 v14  }
0x1df: {  	v12 =	vld.idx.msk [tilespmem:v12+s16+$0x0], $0xffff;
	v13 =	vor.u32 v8, v13;
	v10 =	vadd.f32 v20, v10  }
0x1e0: {  	s29 =	sadd.s32 $0x6, s28;
	v14 =	vunpack.i.u.bf16.f32 v14;
	v15 =	vmul.bf16 v16, v15;
	v17 =	vld.idx.msk [tilespmem:v11+s14+$0x0], $0xffff  }
0x1e1: {  	v16 =	vld.idx.msk [tilespmem:v11+s15+$0x0], $0xffff;
	v20 =	vadd.s32 s29, v0;
	v10 =	vadd.f32 v10, v14  }
0x1e2: {  	v18 =	vmul.bf16 v18, v19;
	v14 =	vand.u32 $0x3F, v20;
	v20 =	vunpack.i.l.bf16.f32 v15  }
0x1e3: {  	v11 =	vld.idx.msk [tilespmem:v11+s16+$0x0], $0xffff;
	v14 =	vor.u32 v8, v14;
	v10 =	vadd.f32 v20, v10  }
0x1e4: {  	s28 =	sadd.s32 $0x7, s28;
	v15 =	vunpack.i.u.bf16.f32 v15;
	v12 =	vmul.bf16 v12, v18;
	v19 =	vld.idx.msk [tilespmem:v13+s14+$0x0], $0xffff  }
0x1e5: {  	v18 =	vld.idx.msk [tilespmem:v13+s15+$0x0], $0xffff;
	v20 =	vadd.s32 s28, v0;
	v10 =	vadd.f32 v10, v15  }
0x1e6: {  	v16 =	vmul.bf16 v16, v17;
	v15 =	vand.u32 $0x3F, v20;
	v20 =	vunpack.i.l.bf16.f32 v12  }
0x1e7: {  	v13 =	vld.idx.msk [tilespmem:v13+s16+$0x0], $0xffff;
	v15 =	vor.u32 v8, v15;
	v10 =	vadd.f32 v20, v10  }
0x1e8: {  	v12 =	vunpack.i.u.bf16.f32 v12;
	v11 =	vmul.bf16 v11, v16;
	v17 =	vld.idx.msk [tilespmem:v14+s14+$0x0], $0xffff  }
0x1e9: {  	v16 =	vld.idx.msk [tilespmem:v14+s15+$0x0], $0xffff;
	v10 =	vadd.f32 v10, v12  }
0x1ea: {  	v18 =	vmul.bf16 v18, v19;
	v12 =	vunpack.i.l.bf16.f32 v11  }
0x1eb: {  	v14 =	vld.idx.msk [tilespmem:v14+s16+$0x0], $0xffff;
	v10 =	vadd.f32 v12, v10  }
0x1ec: {  	v11 =	vunpack.i.u.bf16.f32 v11;
	v13 =	vmul.bf16 v13, v18;
	v12 =	vld.idx.msk [tilespmem:v15+s14+$0x0], $0xffff  }
0x1ed: {  	v18 =	vld.idx.msk [tilespmem:v15+s15+$0x0], $0xffff;
	v10 =	vadd.f32 v10, v11  }
0x1ee: {  	v16 =	vmul.bf16 v16, v17;
	v11 =	vunpack.i.l.bf16.f32 v13  }
0x1ef: {  	v15 =	vld.idx.msk [tilespmem:v15+s16+$0x0], $0xffff;
	v10 =	vadd.f32 v11, v10  }
0x1f0: {  	v11 =	vunpack.i.u.bf16.f32 v13;
	v13 =	vmul.bf16 v14, v16  }
0x1f1: {  	v10 =	vadd.f32 v10, v11  }
0x1f2: {  	v12 =	vmul.bf16 v18, v12;
	v11 =	vunpack.i.l.bf16.f32 v13  }
0x1f3: {  	v10 =	vadd.f32 v11, v10  }
0x1f4: {  	s28 =	simm.s32 $0x0;
	v12 =	vmul.bf16 v15, v12;
	v11 =	vunpack.i.u.bf16.f32 v13  }
0x1f5: {  	v10 =	vadd.f32 v10, v11;
	v11 =	vadd.s32 s28, v0  }
0x1f6: {  	v13 =	vunpack.i.l.bf16.f32 v12;
	v11 =	vand.u32 $0x38, v11  }
0x1f7: {  	v10 =	vadd.f32 v13, v10;
	v11 =	vor.u32 v9, v11  }
0x1f8: {  	v12 =	vunpack.i.u.bf16.f32 v12;
	s28 =	simm.s32 $0x1  }
0x1f9: {  	v12 =	vadd.f32 v10, v12;
	v10 =	vadd.s32 s28, v0  }
0x1fa: {  	v13 =	vand.u32 $0x3F, v10;
	v10 =	vor.u32 $0x1000, v1  }
0x1fb: {  	[tilespmem:s25+$0xED60] =	vst v12;
	v12 =	vor.u32 v10, v13  }
0x1fc: {  	s28 =	simm.s32 $0x2;
	v13 =	vld.idx.msk [tilespmem:v11+s14+$0x0], $0xffff  }
0x1fd: {  	v15 =	vadd.s32 s28, v0;
	v14 =	vld.idx.msk [tilespmem:v11+s15+$0x0], $0xffff  }
0x1fe: {  	v15 =	vand.u32 $0x3F, v15  }
0x1ff: {  	v11 =	vld.idx.msk [tilespmem:v11+s16+$0x0], $0xffff;
	v15 =	vor.u32 v10, v15  }
0x200: {  	s28 =	simm.s32 $0x3;
	v16 =	vld.idx.msk [tilespmem:v12+s14+$0x0], $0xffff  }
0x201: {  	v18 =	vadd.s32 s28, v0;
	v17 =	vld.idx.msk [tilespmem:v12+s15+$0x0], $0xffff  }
0x202: {  	v18 =	vand.u32 $0x3F, v18;
	v13 =	vmul.bf16 v14, v13  }
0x203: {  	v12 =	vld.idx.msk [tilespmem:v12+s16+$0x0], $0xffff;
	v14 =	vor.u32 v10, v18  }
0x204: {  	s28 =	simm.s32 $0x4;
	v18 =	vld.idx.msk [tilespmem:v15+s14+$0x0], $0xffff;
	v11 =	vmul.bf16 v11, v13  }
0x205: {  	v20 =	vadd.s32 s28, v0;
	v19 =	vld.idx.msk [tilespmem:v15+s15+$0x0], $0xffff  }
0x206: {  	v13 =	vimm.f32 $0.0e+00;
	v21 =	vunpack.i.l.bf16.f32 v11;
	v16 =	vmul.bf16 v17, v16  }
0x207: {  	v15 =	vld.idx.msk [tilespmem:v15+s16+$0x0], $0xffff;
	v17 =	vand.u32 $0x3F, v20;
	v13 =	vadd.f32 v21, v13  }
0x208: {  	v11 =	vunpack.i.u.bf16.f32 v11;
	v17 =	vor.u32 v10, v17;
	v20 =	vld.idx.msk [tilespmem:v14+s14+$0x0], $0xffff;
	v12 =	vmul.bf16 v12, v16  }
0x209: {  	s28 =	simm.s32 $0x5;
	v16 =	vld.idx.msk [tilespmem:v14+s15+$0x0], $0xffff;
	v11 =	vadd.f32 v13, v11  }
0x20a: {  	v18 =	vmul.bf16 v19, v18;
	v13 =	vadd.s32 s28, v0;
	v21 =	vunpack.i.l.bf16.f32 v12  }
0x20b: {  	v14 =	vld.idx.msk [tilespmem:v14+s16+$0x0], $0xffff;
	v13 =	vand.u32 $0x3F, v13;
	v11 =	vadd.f32 v21, v11  }
0x20c: {  	s28 =	simm.s32 $0x6;
	v12 =	vunpack.i.u.bf16.f32 v12;
	v19 =	vor.u32 v10, v13;
	v13 =	vmul.bf16 v15, v18  }
0x20d: {  	v18 =	vadd.s32 s28, v0;
	v15 =	vld.idx.msk [tilespmem:v17+s14+$0x0], $0xffff;
	v12 =	vadd.f32 v11, v12  }
0x20e: {  	v21 =	vld.idx.msk [tilespmem:v17+s15+$0x0], $0xffff;
	v11 =	vand.u32 $0x3F, v18;
	v18 =	vunpack.i.l.bf16.f32 v13;
	v16 =	vmul.bf16 v16, v20  }
0x20f: {  	v12 =	vadd.f32 v18, v12  }
0x210: {  	s28 =	simm.s32 $0x7;
	v17 =	vld.idx.msk [tilespmem:v17+s16+$0x0], $0xffff;
	v11 =	vor.u32 v10, v11;
	v18 =	vunpack.i.u.bf16.f32 v13;
	v20 =	vmul.bf16 v14, v16  }
0x211: {  	v14 =	vadd.s32 s28, v0;
	v13 =	vld.idx.msk [tilespmem:v19+s14+$0x0], $0xffff;
	v12 =	vadd.f32 v12, v18  }
0x212: {  	v16 =	vld.idx.msk [tilespmem:v19+s15+$0x0], $0xffff;
	v14 =	vand.u32 $0x3F, v14;
	v18 =	vunpack.i.l.bf16.f32 v20  }
0x213: {  	v21 =	vmul.bf16 v21, v15;
	v15 =	vld.idx.msk [tilespmem:v19+s16+$0x0], $0xffff;
	v19 =	vadd.f32 v18, v12;
	v12 =	vor.u32 v10, v14  }
0x214: {  	s28 =	simm.s32 $0x8  }
0x215: {  	v22 =	vadd.s32 s28, v0;
	v23 =	vunpack.i.u.bf16.f32 v20;
	v14 =	vld.idx.msk [tilespmem:v11+s14+$0x0], $0xffff;
	v18 =	vmul.bf16 v17, v21  }
0x216: {  	s29 =	simm.s32 $0x10;
	v20 =	vand.u32 $0x38, v22;
	v17 =	vld.idx.msk [tilespmem:v11+s15+$0x0], $0xffff;
	v19 =	vadd.f32 v19, v23  }
.LBB2_11:
0x217: {  	p0 =	slt.u32 s29, $0x38;
	v20 =	vor.u32 v9, v20;
	v21 =	vunpack.i.l.bf16.f32 v18;
	v13 =	vmul.bf16 v16, v13;
	v11 =	vld.idx.msk [tilespmem:v11+s16+$0x0], $0xffff  }
0x218: {  	s30 =	sadd.s32 $0x1, s28;
	v16 =	vadd.f32 v21, v19;
	v19 =	vld.idx.msk [tilespmem:v12+s14+$0x0], $0xffff  }
0x219: {  	v18 =	vunpack.i.u.bf16.f32 v18;
	v21 =	vadd.s32 s30, v0;
	v13 =	vmul.bf16 v15, v13;
	v15 =	vld.idx.msk [tilespmem:v12+s15+$0x0], $0xffff  }
0x21a: {  	v21 =	vand.u32 $0x3F, v21;
	v16 =	vadd.f32 v16, v18  }
0x21b: {  	v18 =	vor.u32 v10, v21;
	v14 =	vmul.bf16 v17, v14;
	v21 =	vunpack.i.l.bf16.f32 v13;
	v12 =	vld.idx.msk [tilespmem:v12+s16+$0x0], $0xffff  }
0x21c: {  	s30 =	sadd.s32 $0x2, s28;
	v17 =	vld.idx.msk [tilespmem:v20+s14+$0x0], $0xffff;
	v16 =	vadd.f32 v21, v16  }
0x21d: {  	v22 =	vadd.s32 s30, v0;
	v13 =	vunpack.i.u.bf16.f32 v13;
	v11 =	vmul.bf16 v11, v14;
	v21 =	vld.idx.msk [tilespmem:v20+s15+$0x0], $0xffff  }
0x21e: {  	v14 =	vand.u32 $0x3F, v22;
	v13 =	vadd.f32 v16, v13  }
0x21f: {  	v14 =	vor.u32 v10, v14;
	v15 =	vmul.bf16 v15, v19;
	v16 =	vld.idx.msk [tilespmem:v20+s16+$0x0], $0xffff;
	v20 =	vunpack.i.l.bf16.f32 v11  }
0x220: {  	s30 =	sadd.s32 $0x3, s28;
	v19 =	vld.idx.msk [tilespmem:v18+s14+$0x0], $0xffff;
	v13 =	vadd.f32 v20, v13  }
0x221: {  	v22 =	vadd.s32 s30, v0;
	v11 =	vunpack.i.u.bf16.f32 v11;
	v12 =	vmul.bf16 v12, v15;
	v20 =	vld.idx.msk [tilespmem:v18+s15+$0x0], $0xffff  }
0x222: {  	v15 =	vand.u32 $0x3F, v22;
	v11 =	vadd.f32 v13, v11  }
0x223: {  	v15 =	vor.u32 v10, v15;
	v13 =	vmul.bf16 v21, v17;
	v17 =	vld.idx.msk [tilespmem:v18+s16+$0x0], $0xffff;
	v18 =	vunpack.i.l.bf16.f32 v12  }
0x224: {  	s30 =	sadd.s32 $0x4, s28;
	v21 =	vld.idx.msk [tilespmem:v14+s14+$0x0], $0xffff;
	v11 =	vadd.f32 v18, v11  }
0x225: {  	v12 =	vunpack.i.u.bf16.f32 v12;
	v13 =	vmul.bf16 v16, v13;
	v18 =	vadd.s32 s30, v0;
	v16 =	vld.idx.msk [tilespmem:v14+s15+$0x0], $0xffff  }
0x226: {  	v18 =	vand.u32 $0x3F, v18;
	v11 =	vadd.f32 v11, v12  }
0x227: {  	v12 =	vunpack.i.l.bf16.f32 v13;
	v19 =	vmul.bf16 v20, v19;
	v18 =	vor.u32 v10, v18;
	v14 =	vld.idx.msk [tilespmem:v14+s16+$0x0], $0xffff  }
0x228: {  	s30 =	sadd.s32 $0x5, s28;
	v11 =	vadd.f32 v12, v11;
	v12 =	vld.idx.msk [tilespmem:v15+s14+$0x0], $0xffff  }
0x229: {  	v13 =	vunpack.i.u.bf16.f32 v13;
	v20 =	vadd.s32 s30, v0;
	v17 =	vmul.bf16 v17, v19;
	v19 =	vld.idx.msk [tilespmem:v15+s15+$0x0], $0xffff  }
0x22a: {  	v11 =	vadd.f32 v11, v13;
	v13 =	vand.u32 $0x3F, v20  }
0x22b: {  	v20 =	vunpack.i.l.bf16.f32 v17;
	v16 =	vmul.bf16 v16, v21;
	v15 =	vld.idx.msk [tilespmem:v15+s16+$0x0], $0xffff;
	v21 =	vor.u32 v10, v13  }
0x22c: {  	s30 =	sadd.s32 $0x6, s28;
	v11 =	vadd.f32 v20, v11;
	v20 =	vld.idx.msk [tilespmem:v18+s14+$0x0], $0xffff  }
0x22d: {  	v13 =	vunpack.i.u.bf16.f32 v17;
	v14 =	vmul.bf16 v14, v16;
	v16 =	vadd.s32 s30, v0;
	v17 =	vld.idx.msk [tilespmem:v18+s15+$0x0], $0xffff  }
0x22e: {  	v13 =	vadd.f32 v11, v13;
	v11 =	vand.u32 $0x3F, v16  }
0x22f: {  	v16 =	vunpack.i.l.bf16.f32 v14;
	v12 =	vmul.bf16 v19, v12;
	v18 =	vld.idx.msk [tilespmem:v18+s16+$0x0], $0xffff;
	v11 =	vor.u32 v10, v11  }
0x230: {  	s30 =	sadd.s32 $0x7, s28;
	s28 =	smov.u32 s29;
	v19 =	vadd.f32 v16, v13;
	v13 =	vld.idx.msk [tilespmem:v21+s14+$0x0], $0xffff  }
0x231: {  	v14 =	vunpack.i.u.bf16.f32 v14;
	v22 =	vmul.bf16 v15, v12;
	v12 =	vadd.s32 s30, v0;
	v16 =	vld.idx.msk [tilespmem:v21+s15+$0x0], $0xffff  }
.Ltmp4:
0x232: {  	v12 =	vand.u32 $0x3F, v12;
	v14 =	vadd.f32 v19, v14;
	(pc) =	sbr.rel @p0 .LBB2_11-.Ltmp4, $4  }
0x233: {  	v19 =	vunpack.i.l.bf16.f32 v22;
	v17 =	vmul.bf16 v17, v20;
	v12 =	vor.u32 v10, v12;
	v15 =	vld.idx.msk [tilespmem:v21+s16+$0x0], $0xffff  }
0x234: {  	v19 =	vadd.f32 v19, v14;
	v14 =	vld.idx.msk [tilespmem:v11+s14+$0x0], $0xffff  }
0x235: {  	v20 =	vadd.s32 s29, v0;
	v21 =	vunpack.i.u.bf16.f32 v22;
	v18 =	vmul.bf16 v18, v17;
	v17 =	vld.idx.msk [tilespmem:v11+s15+$0x0], $0xffff  }
0x236: {  	s29 =	sadd.s32 $0x8, s29;
	v20 =	vand.u32 $0x38, v20;
	v19 =	vadd.f32 v19, v21  }
0x237: {  	_ =	sdelay $0x2  }
0x238: {  	v21 =	vunpack.i.l.bf16.f32 v18;
	v13 =	vmul.bf16 v16, v13  }
0x239: {  	v16 =	vor.u32 v9, v20;
	v11 =	vld.idx.msk [tilespmem:v11+s16+$0x0], $0xffff;
	v19 =	vadd.f32 v21, v19  }
0x23a: {  	s29 =	sadd.s32 $0x1, s28;
	v20 =	vld.idx.msk [tilespmem:v12+s14+$0x0], $0xffff;
	v18 =	vunpack.i.u.bf16.f32 v18;
	v13 =	vmul.bf16 v15, v13  }
0x23b: {  	v21 =	vld.idx.msk [tilespmem:v12+s15+$0x0], $0xffff;
	v15 =	vadd.s32 s29, v0;
	v18 =	vadd.f32 v19, v18  }
0x23c: {  	v15 =	vand.u32 $0x3F, v15;
	v14 =	vmul.bf16 v17, v14;
	v19 =	vunpack.i.l.bf16.f32 v13  }
0x23d: {  	v12 =	vld.idx.msk [tilespmem:v12+s16+$0x0], $0xffff;
	v15 =	vor.u32 v10, v15;
	v17 =	vadd.f32 v19, v18  }
0x23e: {  	s29 =	sadd.s32 $0x2, s28;
	v13 =	vunpack.i.u.bf16.f32 v13;
	v18 =	vld.idx.msk [tilespmem:v16+s14+$0x0], $0xffff;
	v11 =	vmul.bf16 v11, v14  }
0x23f: {  	v14 =	vld.idx.msk [tilespmem:v16+s15+$0x0], $0xffff;
	v19 =	vadd.s32 s29, v0;
	v13 =	vadd.f32 v17, v13  }
0x240: {  	v20 =	vmul.bf16 v21, v20;
	v17 =	vand.u32 $0x3F, v19;
	v19 =	vunpack.i.l.bf16.f32 v11  }
0x241: {  	v16 =	vld.idx.msk [tilespmem:v16+s16+$0x0], $0xffff;
	v17 =	vor.u32 v10, v17;
	v13 =	vadd.f32 v19, v13  }
0x242: {  	s29 =	sadd.s32 $0x3, s28;
	v11 =	vunpack.i.u.bf16.f32 v11;
	v12 =	vmul.bf16 v12, v20;
	v19 =	vld.idx.msk [tilespmem:v15+s14+$0x0], $0xffff  }
0x243: {  	v21 =	vadd.s32 s29, v0;
	v20 =	vld.idx.msk [tilespmem:v15+s15+$0x0], $0xffff;
	v11 =	vadd.f32 v13, v11  }
0x244: {  	v14 =	vmul.bf16 v14, v18;
	v18 =	vunpack.i.l.bf16.f32 v12;
	v13 =	vand.u32 $0x3F, v21  }
0x245: {  	v15 =	vld.idx.msk [tilespmem:v15+s16+$0x0], $0xffff;
	v13 =	vor.u32 v10, v13;
	v11 =	vadd.f32 v18, v11  }
0x246: {  	s29 =	sadd.s32 $0x4, s28;
	v12 =	vunpack.i.u.bf16.f32 v12;
	v14 =	vmul.bf16 v16, v14;
	v18 =	vld.idx.msk [tilespmem:v17+s14+$0x0], $0xffff  }
0x247: {  	v21 =	vadd.s32 s29, v0;
	v16 =	vld.idx.msk [tilespmem:v17+s15+$0x0], $0xffff;
	v11 =	vadd.f32 v11, v12  }
0x248: {  	v19 =	vmul.bf16 v20, v19;
	v12 =	vand.u32 $0x3F, v21;
	v21 =	vunpack.i.l.bf16.f32 v14  }
0x249: {  	v17 =	vld.idx.msk [tilespmem:v17+s16+$0x0], $0xffff;
	v12 =	vor.u32 v10, v12;
	v11 =	vadd.f32 v21, v11  }
0x24a: {  	s29 =	sadd.s32 $0x5, s28;
	v14 =	vunpack.i.u.bf16.f32 v14;
	v15 =	vmul.bf16 v15, v19;
	v20 =	vld.idx.msk [tilespmem:v13+s14+$0x0], $0xffff  }
0x24b: {  	v19 =	vld.idx.msk [tilespmem:v13+s15+$0x0], $0xffff;
	v21 =	vadd.s32 s29, v0;
	v11 =	vadd.f32 v11, v14  }
0x24c: {  	v16 =	vmul.bf16 v16, v18;
	v14 =	vand.u32 $0x3F, v21;
	v21 =	vunpack.i.l.bf16.f32 v15  }
0x24d: {  	v13 =	vld.idx.msk [tilespmem:v13+s16+$0x0], $0xffff;
	v14 =	vor.u32 v10, v14;
	v11 =	vadd.f32 v21, v11  }
0x24e: {  	s29 =	sadd.s32 $0x6, s28;
	v15 =	vunpack.i.u.bf16.f32 v15;
	v16 =	vmul.bf16 v17, v16;
	v18 =	vld.idx.msk [tilespmem:v12+s14+$0x0], $0xffff  }
0x24f: {  	v17 =	vld.idx.msk [tilespmem:v12+s15+$0x0], $0xffff;
	v21 =	vadd.s32 s29, v0;
	v11 =	vadd.f32 v11, v15  }
0x250: {  	v19 =	vmul.bf16 v19, v20;
	v15 =	vand.u32 $0x3F, v21;
	v21 =	vunpack.i.l.bf16.f32 v16  }
0x251: {  	v12 =	vld.idx.msk [tilespmem:v12+s16+$0x0], $0xffff;
	v15 =	vor.u32 v10, v15;
	v11 =	vadd.f32 v21, v11  }
0x252: {  	s28 =	sadd.s32 $0x7, s28;
	v16 =	vunpack.i.u.bf16.f32 v16;
	v13 =	vmul.bf16 v13, v19;
	v20 =	vld.idx.msk [tilespmem:v14+s14+$0x0], $0xffff  }
0x253: {  	v19 =	vld.idx.msk [tilespmem:v14+s15+$0x0], $0xffff;
	v21 =	vadd.s32 s28, v0;
	v11 =	vadd.f32 v11, v16  }
0x254: {  	v17 =	vmul.bf16 v17, v18;
	v16 =	vand.u32 $0x3F, v21;
	v21 =	vunpack.i.l.bf16.f32 v13  }
0x255: {  	v14 =	vld.idx.msk [tilespmem:v14+s16+$0x0], $0xffff;
	v16 =	vor.u32 v10, v16;
	v11 =	vadd.f32 v21, v11  }
0x256: {  	v13 =	vunpack.i.u.bf16.f32 v13;
	v12 =	vmul.bf16 v12, v17;
	v18 =	vld.idx.msk [tilespmem:v15+s14+$0x0], $0xffff  }
0x257: {  	v17 =	vld.idx.msk [tilespmem:v15+s15+$0x0], $0xffff;
	v11 =	vadd.f32 v11, v13  }
0x258: {  	v19 =	vmul.bf16 v19, v20;
	v13 =	vunpack.i.l.bf16.f32 v12  }
0x259: {  	v15 =	vld.idx.msk [tilespmem:v15+s16+$0x0], $0xffff;
	v11 =	vadd.f32 v13, v11  }
0x25a: {  	v12 =	vunpack.i.u.bf16.f32 v12;
	v14 =	vmul.bf16 v14, v19;
	v13 =	vld.idx.msk [tilespmem:v16+s14+$0x0], $0xffff  }
0x25b: {  	v19 =	vld.idx.msk [tilespmem:v16+s15+$0x0], $0xffff;
	v11 =	vadd.f32 v11, v12  }
0x25c: {  	v17 =	vmul.bf16 v17, v18;
	v12 =	vunpack.i.l.bf16.f32 v14  }
0x25d: {  	v16 =	vld.idx.msk [tilespmem:v16+s16+$0x0], $0xffff;
	v11 =	vadd.f32 v12, v11  }
0x25e: {  	v12 =	vunpack.i.u.bf16.f32 v14;
	v14 =	vmul.bf16 v15, v17  }
0x25f: {  	v11 =	vadd.f32 v11, v12  }
0x260: {  	v13 =	vmul.bf16 v19, v13;
	v12 =	vunpack.i.l.bf16.f32 v14  }
0x261: {  	v11 =	vadd.f32 v12, v11  }
0x262: {  	v13 =	vmul.bf16 v16, v13;
	v12 =	vunpack.i.u.bf16.f32 v14  }
0x263: {  	v11 =	vadd.f32 v11, v12  }
0x264: {  	v12 =	vunpack.i.l.bf16.f32 v13  }
0x265: {  	v11 =	vadd.f32 v12, v11  }
0x266: {  	v12 =	vunpack.i.u.bf16.f32 v13  }
0x267: {  	v11 =	vadd.f32 v11, v12;
	_ =	sdelay $0x1  }
0x268: {  	s28 =	sadd.s32 $0xA0, s25;
	[tilespmem:s25+$0xED70] =	vst v11  }
0x269: {  	[tilespmem:s14], [sflag:$0x1] =	stream.indirect.gather [hbm4b:s3+s13], $0x40, s28, s13, $0xb8;
	[tilespmem:$0x11440] =	vst v63  }
0x26a: {  	s28 =	sadd.s32 $0x27B0, s25  }
0x26b: {  	[tilespmem:s15], [sflag:$0x1] =	stream.indirect.gather [hbm4b:s4+s13], $0x40, s28, s13, $0xb8;
	[tilespmem:$0x11440] =	vst v63  }
0x26c: {  	s28 =	sadd.s32 $0x4EC0, s25  }
0x26d: {  	[tilespmem:s16], [sflag:$0x1] =	stream.indirect.gather [hbm4b:s3+s13], $0x40, s28, s13, $0xb8;
	[tilespmem:$0x11440] =	vst v63  }
0x26e: {  	_ =	swait.ge [sflag:s21], $0x1400  }
0x26f: {  	s28 =	simm.s32 $0x0;
	[sflag:s21] =	ssyncset.done $0x0  }
0x270: {  	v11 =	vadd.s32 s28, v0;
	[sflag:s21] =	ssyncadd.s32 $0xFFFFEC00  }
0x271: {  	v11 =	vand.u32 $0x38, v11;
	_ =	swait.ge [sflag:s21], $0x1400  }
0x272: {  	v11 =	vor.u32 v2, v11;
	[sflag:s21] =	ssyncset.done $0x0  }
0x273: {  	s28 =	simm.s32 $0x1;
	[sflag:s21] =	ssyncadd.s32 $0xFFFFEC00  }
0x274: {  	v12 =	vadd.s32 s28, v0;
	_ =	swait.ge [sflag:s21], $0x1400  }
0x275: {  	v12 =	vand.u32 $0x3F, v12;
	[sflag:s21] =	ssyncset.done $0x0  }
0x276: {  	v12 =	vor.u32 v1, v12;
	[sflag:s21] =	ssyncadd.s32 $0xFFFFEC00  }
0x277: {  	s28 =	simm.s32 $0x2;
	v13 =	vld.idx.msk [tilespmem:v11+s17+$0x0], $0xffff  }
0x278: {  	v15 =	vadd.s32 s28, v0;
	v14 =	vld.idx.msk [tilespmem:v11+s18+$0x0], $0xffff  }
0x279: {  	v15 =	vand.u32 $0x3F, v15  }
0x27a: {  	v15 =	vor.u32 v1, v15;
	v11 =	vld.idx.msk [tilespmem:v11+s19+$0x0], $0xffff  }
0x27b: {  	s28 =	simm.s32 $0x3;
	v16 =	vld.idx.msk [tilespmem:v12+s17+$0x0], $0xffff  }
0x27c: {  	v18 =	vadd.s32 s28, v0;
	v17 =	vld.idx.msk [tilespmem:v12+s18+$0x0], $0xffff  }
0x27d: {  	v18 =	vand.u32 $0x3F, v18;
	v13 =	vmul.bf16 v14, v13  }
0x27e: {  	v12 =	vld.idx.msk [tilespmem:v12+s19+$0x0], $0xffff;
	v14 =	vor.u32 v1, v18  }
0x27f: {  	s28 =	simm.s32 $0x4;
	v19 =	vld.idx.msk [tilespmem:v15+s18+$0x0], $0xffff;
	v11 =	vmul.bf16 v11, v13  }
0x280: {  	v20 =	vadd.s32 s28, v0;
	v18 =	vld.idx.msk [tilespmem:v15+s17+$0x0], $0xffff  }
0x281: {  	v16 =	vmul.bf16 v17, v16;
	v13 =	vimm.f32 $0.0e+00;
	v21 =	vunpack.i.l.bf16.f32 v11  }
0x282: {  	v17 =	vand.u32 $0x3F, v20;
	v15 =	vld.idx.msk [tilespmem:v15+s19+$0x0], $0xffff;
	v13 =	vadd.f32 v21, v13  }
0x283: {  	v17 =	vor.u32 v1, v17;
	v12 =	vmul.bf16 v12, v16;
	v11 =	vunpack.i.u.bf16.f32 v11;
	v20 =	vld.idx.msk [tilespmem:v14+s17+$0x0], $0xffff  }
0x284: {  	s28 =	simm.s32 $0x5;
	v16 =	vld.idx.msk [tilespmem:v14+s18+$0x0], $0xffff;
	v11 =	vadd.f32 v13, v11  }
0x285: {  	v21 =	vunpack.i.l.bf16.f32 v12;
	v18 =	vmul.bf16 v19, v18;
	v13 =	vadd.s32 s28, v0  }
0x286: {  	v14 =	vld.idx.msk [tilespmem:v14+s19+$0x0], $0xffff;
	v13 =	vand.u32 $0x3F, v13;
	v11 =	vadd.f32 v21, v11  }
0x287: {  	v12 =	vunpack.i.u.bf16.f32 v12;
	s28 =	simm.s32 $0x6;
	v19 =	vor.u32 v1, v13;
	v13 =	vmul.bf16 v15, v18  }
0x288: {  	v15 =	vld.idx.msk [tilespmem:v17+s17+$0x0], $0xffff;
	v18 =	vadd.s32 s28, v0;
	v12 =	vadd.f32 v11, v12  }
0x289: {  	v21 =	vld.idx.msk [tilespmem:v17+s18+$0x0], $0xffff;
	v16 =	vmul.bf16 v16, v20;
	v11 =	vand.u32 $0x3F, v18;
	v18 =	vunpack.i.l.bf16.f32 v13  }
0x28a: {  	v12 =	vadd.f32 v18, v12  }
0x28b: {  	v17 =	vld.idx.msk [tilespmem:v17+s19+$0x0], $0xffff;
	s28 =	simm.s32 $0x7;
	v11 =	vor.u32 v1, v11;
	v20 =	vmul.bf16 v14, v16;
	v18 =	vunpack.i.u.bf16.f32 v13  }
0x28c: {  	v14 =	vadd.s32 s28, v0;
	v13 =	vld.idx.msk [tilespmem:v19+s17+$0x0], $0xffff;
	v12 =	vadd.f32 v12, v18  }
0x28d: {  	v14 =	vand.u32 $0x3F, v14;
	v16 =	vld.idx.msk [tilespmem:v19+s18+$0x0], $0xffff;
	v18 =	vunpack.i.l.bf16.f32 v20  }
0x28e: {  	v21 =	vmul.bf16 v21, v15;
	v15 =	vld.idx.msk [tilespmem:v19+s19+$0x0], $0xffff;
	v19 =	vadd.f32 v18, v12;
	v12 =	vor.u32 v1, v14  }
0x28f: {  	s28 =	simm.s32 $0x8  }
0x290: {  	v22 =	vadd.s32 s28, v0;
	v23 =	vunpack.i.u.bf16.f32 v20;
	v14 =	vld.idx.msk [tilespmem:v11+s17+$0x0], $0xffff;
	v18 =	vmul.bf16 v17, v21  }
0x291: {  	s29 =	simm.s32 $0x10;
	v20 =	vand.u32 $0x38, v22;
	v17 =	vld.idx.msk [tilespmem:v11+s18+$0x0], $0xffff;
	v19 =	vadd.f32 v19, v23  }
.LBB2_13:
0x292: {  	p0 =	slt.u32 s29, $0x38;
	v20 =	vor.u32 v2, v20;
	v21 =	vunpack.i.l.bf16.f32 v18;
	v13 =	vmul.bf16 v16, v13;
	v11 =	vld.idx.msk [tilespmem:v11+s19+$0x0], $0xffff  }
0x293: {  	s30 =	sadd.s32 $0x1, s28;
	v16 =	vadd.f32 v21, v19;
	v19 =	vld.idx.msk [tilespmem:v12+s17+$0x0], $0xffff  }
0x294: {  	v18 =	vunpack.i.u.bf16.f32 v18;
	v21 =	vadd.s32 s30, v0;
	v13 =	vmul.bf16 v15, v13;
	v15 =	vld.idx.msk [tilespmem:v12+s18+$0x0], $0xffff  }
0x295: {  	v21 =	vand.u32 $0x3F, v21;
	v16 =	vadd.f32 v16, v18  }
0x296: {  	v18 =	vor.u32 v1, v21;
	v14 =	vmul.bf16 v17, v14;
	v21 =	vunpack.i.l.bf16.f32 v13;
	v12 =	vld.idx.msk [tilespmem:v12+s19+$0x0], $0xffff  }
0x297: {  	s30 =	sadd.s32 $0x2, s28;
	v17 =	vld.idx.msk [tilespmem:v20+s17+$0x0], $0xffff;
	v16 =	vadd.f32 v21, v16  }
0x298: {  	v22 =	vadd.s32 s30, v0;
	v13 =	vunpack.i.u.bf16.f32 v13;
	v11 =	vmul.bf16 v11, v14;
	v21 =	vld.idx.msk [tilespmem:v20+s18+$0x0], $0xffff  }
0x299: {  	v14 =	vand.u32 $0x3F, v22;
	v13 =	vadd.f32 v16, v13  }
0x29a: {  	v14 =	vor.u32 v1, v14;
	v15 =	vmul.bf16 v15, v19;
	v16 =	vld.idx.msk [tilespmem:v20+s19+$0x0], $0xffff;
	v20 =	vunpack.i.l.bf16.f32 v11  }
0x29b: {  	s30 =	sadd.s32 $0x3, s28;
	v19 =	vld.idx.msk [tilespmem:v18+s17+$0x0], $0xffff;
	v13 =	vadd.f32 v20, v13  }
0x29c: {  	v22 =	vadd.s32 s30, v0;
	v11 =	vunpack.i.u.bf16.f32 v11;
	v12 =	vmul.bf16 v12, v15;
	v20 =	vld.idx.msk [tilespmem:v18+s18+$0x0], $0xffff  }
0x29d: {  	v15 =	vand.u32 $0x3F, v22;
	v11 =	vadd.f32 v13, v11  }
0x29e: {  	v15 =	vor.u32 v1, v15;
	v13 =	vmul.bf16 v21, v17;
	v17 =	vld.idx.msk [tilespmem:v18+s19+$0x0], $0xffff;
	v18 =	vunpack.i.l.bf16.f32 v12  }
0x29f: {  	s30 =	sadd.s32 $0x4, s28;
	v21 =	vld.idx.msk [tilespmem:v14+s17+$0x0], $0xffff;
	v11 =	vadd.f32 v18, v11  }
0x2a0: {  	v12 =	vunpack.i.u.bf16.f32 v12;
	v13 =	vmul.bf16 v16, v13;
	v18 =	vadd.s32 s30, v0;
	v16 =	vld.idx.msk [tilespmem:v14+s18+$0x0], $0xffff  }
0x2a1: {  	v18 =	vand.u32 $0x3F, v18;
	v11 =	vadd.f32 v11, v12  }
0x2a2: {  	v12 =	vunpack.i.l.bf16.f32 v13;
	v19 =	vmul.bf16 v20, v19;
	v18 =	vor.u32 v1, v18;
	v14 =	vld.idx.msk [tilespmem:v14+s19+$0x0], $0xffff  }
0x2a3: {  	s30 =	sadd.s32 $0x5, s28;
	v11 =	vadd.f32 v12, v11;
	v12 =	vld.idx.msk [tilespmem:v15+s17+$0x0], $0xffff  }
0x2a4: {  	v13 =	vunpack.i.u.bf16.f32 v13;
	v20 =	vadd.s32 s30, v0;
	v17 =	vmul.bf16 v17, v19;
	v19 =	vld.idx.msk [tilespmem:v15+s18+$0x0], $0xffff  }
0x2a5: {  	v11 =	vadd.f32 v11, v13;
	v13 =	vand.u32 $0x3F, v20  }
0x2a6: {  	v20 =	vunpack.i.l.bf16.f32 v17;
	v16 =	vmul.bf16 v16, v21;
	v15 =	vld.idx.msk [tilespmem:v15+s19+$0x0], $0xffff;
	v21 =	vor.u32 v1, v13  }
0x2a7: {  	s30 =	sadd.s32 $0x6, s28;
	v11 =	vadd.f32 v20, v11;
	v20 =	vld.idx.msk [tilespmem:v18+s17+$0x0], $0xffff  }
0x2a8: {  	v13 =	vunpack.i.u.bf16.f32 v17;
	v14 =	vmul.bf16 v14, v16;
	v16 =	vadd.s32 s30, v0;
	v17 =	vld.idx.msk [tilespmem:v18+s18+$0x0], $0xffff  }
0x2a9: {  	v13 =	vadd.f32 v11, v13;
	v11 =	vand.u32 $0x3F, v16  }
0x2aa: {  	v16 =	vunpack.i.l.bf16.f32 v14;
	v12 =	vmul.bf16 v19, v12;
	v18 =	vld.idx.msk [tilespmem:v18+s19+$0x0], $0xffff;
	v11 =	vor.u32 v1, v11  }
0x2ab: {  	s30 =	sadd.s32 $0x7, s28;
	s28 =	smov.u32 s29;
	v19 =	vadd.f32 v16, v13;
	v13 =	vld.idx.msk [tilespmem:v21+s17+$0x0], $0xffff  }
0x2ac: {  	v14 =	vunpack.i.u.bf16.f32 v14;
	v22 =	vmul.bf16 v15, v12;
	v12 =	vadd.s32 s30, v0;
	v16 =	vld.idx.msk [tilespmem:v21+s18+$0x0], $0xffff  }
.Ltmp5:
0x2ad: {  	v12 =	vand.u32 $0x3F, v12;
	v14 =	vadd.f32 v19, v14;
	(pc) =	sbr.rel @p0 .LBB2_13-.Ltmp5, $4  }
0x2ae: {  	v19 =	vunpack.i.l.bf16.f32 v22;
	v17 =	vmul.bf16 v17, v20;
	v12 =	vor.u32 v1, v12;
	v15 =	vld.idx.msk [tilespmem:v21+s19+$0x0], $0xffff  }
0x2af: {  	v19 =	vadd.f32 v19, v14;
	v14 =	vld.idx.msk [tilespmem:v11+s17+$0x0], $0xffff  }
0x2b0: {  	v20 =	vadd.s32 s29, v0;
	v21 =	vunpack.i.u.bf16.f32 v22;
	v18 =	vmul.bf16 v18, v17;
	v17 =	vld.idx.msk [tilespmem:v11+s18+$0x0], $0xffff  }
0x2b1: {  	s29 =	sadd.s32 $0x8, s29;
	v20 =	vand.u32 $0x38, v20;
	v19 =	vadd.f32 v19, v21  }
0x2b2: {  	_ =	sdelay $0x2  }
0x2b3: {  	v21 =	vunpack.i.l.bf16.f32 v18;
	v13 =	vmul.bf16 v16, v13  }
0x2b4: {  	v16 =	vor.u32 v2, v20;
	v11 =	vld.idx.msk [tilespmem:v11+s19+$0x0], $0xffff;
	v19 =	vadd.f32 v21, v19  }
0x2b5: {  	s29 =	sadd.s32 $0x1, s28;
	v20 =	vld.idx.msk [tilespmem:v12+s17+$0x0], $0xffff;
	v18 =	vunpack.i.u.bf16.f32 v18;
	v13 =	vmul.bf16 v15, v13  }
0x2b6: {  	v21 =	vld.idx.msk [tilespmem:v12+s18+$0x0], $0xffff;
	v15 =	vadd.s32 s29, v0;
	v18 =	vadd.f32 v19, v18  }
0x2b7: {  	v15 =	vand.u32 $0x3F, v15;
	v14 =	vmul.bf16 v17, v14;
	v19 =	vunpack.i.l.bf16.f32 v13  }
0x2b8: {  	v12 =	vld.idx.msk [tilespmem:v12+s19+$0x0], $0xffff;
	v15 =	vor.u32 v1, v15;
	v17 =	vadd.f32 v19, v18  }
0x2b9: {  	s31 =	sadd.s32 $0x2, s28;
	v13 =	vunpack.i.u.bf16.f32 v13;
	v18 =	vld.idx.msk [tilespmem:v16+s17+$0x0], $0xffff;
	v11 =	vmul.bf16 v11, v14  }
0x2ba: {  	v14 =	vld.idx.msk [tilespmem:v16+s18+$0x0], $0xffff;
	v19 =	vadd.s32 s31, v0;
	v13 =	vadd.f32 v17, v13  }
0x2bb: {  	v20 =	vmul.bf16 v21, v20;
	v17 =	vand.u32 $0x3F, v19;
	v19 =	vunpack.i.l.bf16.f32 v11  }
0x2bc: {  	v16 =	vld.idx.msk [tilespmem:v16+s19+$0x0], $0xffff;
	v17 =	vor.u32 v1, v17;
	v13 =	vadd.f32 v19, v13  }
0x2bd: {  	s30 =	sadd.s32 $0x3, s28;
	v11 =	vunpack.i.u.bf16.f32 v11;
	v12 =	vmul.bf16 v12, v20;
	v19 =	vld.idx.msk [tilespmem:v15+s17+$0x0], $0xffff  }
0x2be: {  	v21 =	vadd.s32 s30, v0;
	v20 =	vld.idx.msk [tilespmem:v15+s18+$0x0], $0xffff;
	v11 =	vadd.f32 v13, v11  }
0x2bf: {  	v14 =	vmul.bf16 v14, v18;
	v18 =	vunpack.i.l.bf16.f32 v12;
	v13 =	vand.u32 $0x3F, v21  }
0x2c0: {  	v15 =	vld.idx.msk [tilespmem:v15+s19+$0x0], $0xffff;
	v13 =	vor.u32 v1, v13;
	v11 =	vadd.f32 v18, v11  }
0x2c1: {  	s31 =	sadd.s32 $0x4, s28;
	v12 =	vunpack.i.u.bf16.f32 v12;
	v14 =	vmul.bf16 v16, v14;
	v18 =	vld.idx.msk [tilespmem:v17+s17+$0x0], $0xffff  }
0x2c2: {  	v21 =	vadd.s32 s31, v0;
	v16 =	vld.idx.msk [tilespmem:v17+s18+$0x0], $0xffff;
	v11 =	vadd.f32 v11, v12  }
0x2c3: {  	v19 =	vmul.bf16 v20, v19;
	v12 =	vand.u32 $0x3F, v21;
	v21 =	vunpack.i.l.bf16.f32 v14  }
0x2c4: {  	v17 =	vld.idx.msk [tilespmem:v17+s19+$0x0], $0xffff;
	v12 =	vor.u32 v1, v12;
	v11 =	vadd.f32 v21, v11  }
0x2c5: {  	s30 =	sadd.s32 $0x5, s28;
	v14 =	vunpack.i.u.bf16.f32 v14;
	v15 =	vmul.bf16 v15, v19;
	v20 =	vld.idx.msk [tilespmem:v13+s17+$0x0], $0xffff  }
0x2c6: {  	v19 =	vld.idx.msk [tilespmem:v13+s18+$0x0], $0xffff;
	v21 =	vadd.s32 s30, v0;
	v11 =	vadd.f32 v11, v14  }
0x2c7: {  	v16 =	vmul.bf16 v16, v18;
	v14 =	vand.u32 $0x3F, v21;
	v21 =	vunpack.i.l.bf16.f32 v15  }
0x2c8: {  	v13 =	vld.idx.msk [tilespmem:v13+s19+$0x0], $0xffff;
	v14 =	vor.u32 v1, v14;
	v11 =	vadd.f32 v21, v11  }
0x2c9: {  	s31 =	sadd.s32 $0x6, s28;
	v15 =	vunpack.i.u.bf16.f32 v15;
	v16 =	vmul.bf16 v17, v16;
	v18 =	vld.idx.msk [tilespmem:v12+s17+$0x0], $0xffff  }
0x2ca: {  	v17 =	vld.idx.msk [tilespmem:v12+s18+$0x0], $0xffff;
	v21 =	vadd.s32 s31, v0;
	v11 =	vadd.f32 v11, v15  }
0x2cb: {  	v19 =	vmul.bf16 v19, v20;
	v15 =	vand.u32 $0x3F, v21;
	v21 =	vunpack.i.l.bf16.f32 v16  }
0x2cc: {  	v12 =	vld.idx.msk [tilespmem:v12+s19+$0x0], $0xffff;
	v15 =	vor.u32 v1, v15;
	v11 =	vadd.f32 v21, v11  }
0x2cd: {  	s28 =	sadd.s32 $0x7, s28;
	v16 =	vunpack.i.u.bf16.f32 v16;
	v13 =	vmul.bf16 v13, v19;
	v20 =	vld.idx.msk [tilespmem:v14+s17+$0x0], $0xffff  }
0x2ce: {  	v19 =	vld.idx.msk [tilespmem:v14+s18+$0x0], $0xffff;
	v21 =	vadd.s32 s28, v0;
	v11 =	vadd.f32 v11, v16  }
0x2cf: {  	v17 =	vmul.bf16 v17, v18;
	v16 =	vand.u32 $0x3F, v21;
	v21 =	vunpack.i.l.bf16.f32 v13  }
0x2d0: {  	v14 =	vld.idx.msk [tilespmem:v14+s19+$0x0], $0xffff;
	v16 =	vor.u32 v1, v16;
	v11 =	vadd.f32 v21, v11  }
0x2d1: {  	v13 =	vunpack.i.u.bf16.f32 v13;
	v12 =	vmul.bf16 v12, v17;
	v18 =	vld.idx.msk [tilespmem:v15+s17+$0x0], $0xffff  }
0x2d2: {  	v17 =	vld.idx.msk [tilespmem:v15+s18+$0x0], $0xffff;
	v11 =	vadd.f32 v11, v13  }
0x2d3: {  	v19 =	vmul.bf16 v19, v20;
	v13 =	vunpack.i.l.bf16.f32 v12  }
0x2d4: {  	v15 =	vld.idx.msk [tilespmem:v15+s19+$0x0], $0xffff;
	v11 =	vadd.f32 v13, v11  }
0x2d5: {  	v12 =	vunpack.i.u.bf16.f32 v12;
	v14 =	vmul.bf16 v14, v19;
	v13 =	vld.idx.msk [tilespmem:v16+s17+$0x0], $0xffff  }
0x2d6: {  	v19 =	vld.idx.msk [tilespmem:v16+s18+$0x0], $0xffff;
	v11 =	vadd.f32 v11, v12  }
0x2d7: {  	v17 =	vmul.bf16 v17, v18;
	v12 =	vunpack.i.l.bf16.f32 v14  }
0x2d8: {  	v16 =	vld.idx.msk [tilespmem:v16+s19+$0x0], $0xffff;
	v11 =	vadd.f32 v12, v11  }
0x2d9: {  	v12 =	vunpack.i.u.bf16.f32 v14;
	v14 =	vmul.bf16 v15, v17  }
0x2da: {  	v11 =	vadd.f32 v11, v12  }
0x2db: {  	v13 =	vmul.bf16 v19, v13;
	v12 =	vunpack.i.l.bf16.f32 v14  }
0x2dc: {  	v11 =	vadd.f32 v12, v11  }
0x2dd: {  	s28 =	simm.s32 $0x0;
	v13 =	vmul.bf16 v16, v13;
	v12 =	vunpack.i.u.bf16.f32 v14  }
0x2de: {  	v11 =	vadd.f32 v11, v12;
	v12 =	vadd.s32 s28, v0  }
0x2df: {  	v14 =	vunpack.i.l.bf16.f32 v13;
	v12 =	vand.u32 $0x38, v12  }
0x2e0: {  	v11 =	vadd.f32 v14, v11;
	v12 =	vor.u32 v3, v12  }
0x2e1: {  	v13 =	vunpack.i.u.bf16.f32 v13;
	s28 =	simm.s32 $0x1  }
0x2e2: {  	v11 =	vadd.f32 v11, v13;
	v13 =	vadd.s32 s28, v0  }
0x2e3: {  	v13 =	vand.u32 $0x3F, v13  }
0x2e4: {  	[tilespmem:s26+$0xED30] =	vst v11;
	v11 =	vor.u32 v4, v13  }
0x2e5: {  	s29 =	simm.s32 $0x2;
	v13 =	vld.idx.msk [tilespmem:v12+s17+$0x0], $0xffff  }
0x2e6: {  	v15 =	vadd.s32 s29, v0;
	v14 =	vld.idx.msk [tilespmem:v12+s18+$0x0], $0xffff  }
0x2e7: {  	v15 =	vand.u32 $0x3F, v15  }
0x2e8: {  	v15 =	vor.u32 v4, v15;
	v12 =	vld.idx.msk [tilespmem:v12+s19+$0x0], $0xffff  }
0x2e9: {  	s30 =	simm.s32 $0x3;
	v16 =	vld.idx.msk [tilespmem:v11+s17+$0x0], $0xffff  }
0x2ea: {  	v18 =	vadd.s32 s30, v0;
	v17 =	vld.idx.msk [tilespmem:v11+s18+$0x0], $0xffff  }
0x2eb: {  	v18 =	vand.u32 $0x3F, v18;
	v13 =	vmul.bf16 v14, v13  }
0x2ec: {  	v11 =	vld.idx.msk [tilespmem:v11+s19+$0x0], $0xffff;
	v14 =	vor.u32 v4, v18  }
0x2ed: {  	s31 =	simm.s32 $0x4;
	v19 =	vld.idx.msk [tilespmem:v15+s18+$0x0], $0xffff;
	v12 =	vmul.bf16 v12, v13  }
0x2ee: {  	v20 =	vadd.s32 s31, v0;
	v18 =	vld.idx.msk [tilespmem:v15+s17+$0x0], $0xffff  }
0x2ef: {  	v13 =	vimm.f32 $0.0e+00;
	v21 =	vunpack.i.l.bf16.f32 v12;
	v16 =	vmul.bf16 v17, v16  }
0x2f0: {  	v15 =	vld.idx.msk [tilespmem:v15+s19+$0x0], $0xffff;
	v17 =	vand.u32 $0x3F, v20;
	v13 =	vadd.f32 v21, v13  }
0x2f1: {  	v12 =	vunpack.i.u.bf16.f32 v12;
	v17 =	vor.u32 v4, v17;
	v20 =	vld.idx.msk [tilespmem:v14+s17+$0x0], $0xffff;
	v11 =	vmul.bf16 v11, v16  }
0x2f2: {  	s29 =	simm.s32 $0x5;
	v16 =	vld.idx.msk [tilespmem:v14+s18+$0x0], $0xffff;
	v12 =	vadd.f32 v13, v12  }
0x2f3: {  	v18 =	vmul.bf16 v19, v18;
	v13 =	vadd.s32 s29, v0;
	v21 =	vunpack.i.l.bf16.f32 v11  }
0x2f4: {  	v14 =	vld.idx.msk [tilespmem:v14+s19+$0x0], $0xffff;
	v13 =	vand.u32 $0x3F, v13;
	v12 =	vadd.f32 v21, v12  }
0x2f5: {  	s30 =	simm.s32 $0x6;
	v11 =	vunpack.i.u.bf16.f32 v11;
	v19 =	vor.u32 v4, v13;
	v13 =	vmul.bf16 v15, v18  }
0x2f6: {  	v18 =	vadd.s32 s30, v0;
	v15 =	vld.idx.msk [tilespmem:v17+s17+$0x0], $0xffff;
	v12 =	vadd.f32 v12, v11  }
0x2f7: {  	v21 =	vld.idx.msk [tilespmem:v17+s18+$0x0], $0xffff;
	v11 =	vand.u32 $0x3F, v18;
	v18 =	vunpack.i.l.bf16.f32 v13;
	v16 =	vmul.bf16 v16, v20  }
0x2f8: {  	v12 =	vadd.f32 v18, v12  }
0x2f9: {  	s31 =	simm.s32 $0x7;
	v17 =	vld.idx.msk [tilespmem:v17+s19+$0x0], $0xffff;
	v11 =	vor.u32 v4, v11;
	v18 =	vunpack.i.u.bf16.f32 v13;
	v20 =	vmul.bf16 v14, v16  }
0x2fa: {  	v14 =	vadd.s32 s31, v0;
	v13 =	vld.idx.msk [tilespmem:v19+s17+$0x0], $0xffff;
	v12 =	vadd.f32 v12, v18  }
0x2fb: {  	v16 =	vld.idx.msk [tilespmem:v19+s18+$0x0], $0xffff;
	v14 =	vand.u32 $0x3F, v14;
	v18 =	vunpack.i.l.bf16.f32 v20  }
0x2fc: {  	v21 =	vmul.bf16 v21, v15;
	v15 =	vld.idx.msk [tilespmem:v19+s19+$0x0], $0xffff;
	v19 =	vadd.f32 v18, v12;
	v12 =	vor.u32 v4, v14  }
0x2fd: {  	s26 =	simm.s32 $0x8  }
0x2fe: {  	v22 =	vadd.s32 s26, v0;
	v23 =	vunpack.i.u.bf16.f32 v20;
	v14 =	vld.idx.msk [tilespmem:v11+s17+$0x0], $0xffff;
	v18 =	vmul.bf16 v17, v21  }
0x2ff: {  	s28 =	simm.s32 $0x10;
	v20 =	vand.u32 $0x38, v22;
	v17 =	vld.idx.msk [tilespmem:v11+s18+$0x0], $0xffff;
	v19 =	vadd.f32 v19, v23  }
.LBB2_15:
0x300: {  	p0 =	slt.u32 s28, $0x38;
	v20 =	vor.u32 v3, v20;
	v21 =	vunpack.i.l.bf16.f32 v18;
	v13 =	vmul.bf16 v16, v13;
	v11 =	vld.idx.msk [tilespmem:v11+s19+$0x0], $0xffff  }
0x301: {  	s29 =	sadd.s32 $0x1, s26;
	v16 =	vadd.f32 v21, v19;
	v19 =	vld.idx.msk [tilespmem:v12+s17+$0x0], $0xffff  }
0x302: {  	v18 =	vunpack.i.u.bf16.f32 v18;
	v21 =	vadd.s32 s29, v0;
	v13 =	vmul.bf16 v15, v13;
	v15 =	vld.idx.msk [tilespmem:v12+s18+$0x0], $0xffff  }
0x303: {  	v21 =	vand.u32 $0x3F, v21;
	v16 =	vadd.f32 v16, v18  }
0x304: {  	v18 =	vor.u32 v4, v21;
	v14 =	vmul.bf16 v17, v14;
	v21 =	vunpack.i.l.bf16.f32 v13;
	v12 =	vld.idx.msk [tilespmem:v12+s19+$0x0], $0xffff  }
0x305: {  	s29 =	sadd.s32 $0x2, s26;
	v17 =	vld.idx.msk [tilespmem:v20+s17+$0x0], $0xffff;
	v16 =	vadd.f32 v21, v16  }
0x306: {  	v22 =	vadd.s32 s29, v0;
	v13 =	vunpack.i.u.bf16.f32 v13;
	v11 =	vmul.bf16 v11, v14;
	v21 =	vld.idx.msk [tilespmem:v20+s18+$0x0], $0xffff  }
0x307: {  	v14 =	vand.u32 $0x3F, v22;
	v13 =	vadd.f32 v16, v13  }
0x308: {  	v14 =	vor.u32 v4, v14;
	v15 =	vmul.bf16 v15, v19;
	v16 =	vld.idx.msk [tilespmem:v20+s19+$0x0], $0xffff;
	v20 =	vunpack.i.l.bf16.f32 v11  }
0x309: {  	s29 =	sadd.s32 $0x3, s26;
	v19 =	vld.idx.msk [tilespmem:v18+s17+$0x0], $0xffff;
	v13 =	vadd.f32 v20, v13  }
0x30a: {  	v22 =	vadd.s32 s29, v0;
	v11 =	vunpack.i.u.bf16.f32 v11;
	v12 =	vmul.bf16 v12, v15;
	v20 =	vld.idx.msk [tilespmem:v18+s18+$0x0], $0xffff  }
0x30b: {  	v15 =	vand.u32 $0x3F, v22;
	v11 =	vadd.f32 v13, v11  }
0x30c: {  	v15 =	vor.u32 v4, v15;
	v13 =	vmul.bf16 v21, v17;
	v17 =	vld.idx.msk [tilespmem:v18+s19+$0x0], $0xffff;
	v18 =	vunpack.i.l.bf16.f32 v12  }
0x30d: {  	s29 =	sadd.s32 $0x4, s26;
	v21 =	vld.idx.msk [tilespmem:v14+s17+$0x0], $0xffff;
	v11 =	vadd.f32 v18, v11  }
0x30e: {  	v12 =	vunpack.i.u.bf16.f32 v12;
	v13 =	vmul.bf16 v16, v13;
	v18 =	vadd.s32 s29, v0;
	v16 =	vld.idx.msk [tilespmem:v14+s18+$0x0], $0xffff  }
0x30f: {  	v18 =	vand.u32 $0x3F, v18;
	v11 =	vadd.f32 v11, v12  }
0x310: {  	v12 =	vunpack.i.l.bf16.f32 v13;
	v19 =	vmul.bf16 v20, v19;
	v18 =	vor.u32 v4, v18;
	v14 =	vld.idx.msk [tilespmem:v14+s19+$0x0], $0xffff  }
0x311: {  	s29 =	sadd.s32 $0x5, s26;
	v11 =	vadd.f32 v12, v11;
	v12 =	vld.idx.msk [tilespmem:v15+s17+$0x0], $0xffff  }
0x312: {  	v13 =	vunpack.i.u.bf16.f32 v13;
	v20 =	vadd.s32 s29, v0;
	v17 =	vmul.bf16 v17, v19;
	v19 =	vld.idx.msk [tilespmem:v15+s18+$0x0], $0xffff  }
0x313: {  	v11 =	vadd.f32 v11, v13;
	v13 =	vand.u32 $0x3F, v20  }
0x314: {  	v20 =	vunpack.i.l.bf16.f32 v17;
	v16 =	vmul.bf16 v16, v21;
	v15 =	vld.idx.msk [tilespmem:v15+s19+$0x0], $0xffff;
	v21 =	vor.u32 v4, v13  }
0x315: {  	s29 =	sadd.s32 $0x6, s26;
	v11 =	vadd.f32 v20, v11;
	v20 =	vld.idx.msk [tilespmem:v18+s17+$0x0], $0xffff  }
0x316: {  	v13 =	vunpack.i.u.bf16.f32 v17;
	v14 =	vmul.bf16 v14, v16;
	v16 =	vadd.s32 s29, v0;
	v17 =	vld.idx.msk [tilespmem:v18+s18+$0x0], $0xffff  }
0x317: {  	v13 =	vadd.f32 v11, v13;
	v11 =	vand.u32 $0x3F, v16  }
0x318: {  	v16 =	vunpack.i.l.bf16.f32 v14;
	v12 =	vmul.bf16 v19, v12;
	v18 =	vld.idx.msk [tilespmem:v18+s19+$0x0], $0xffff;
	v11 =	vor.u32 v4, v11  }
0x319: {  	s29 =	sadd.s32 $0x7, s26;
	s26 =	smov.u32 s28;
	v19 =	vadd.f32 v16, v13;
	v13 =	vld.idx.msk [tilespmem:v21+s17+$0x0], $0xffff  }
0x31a: {  	v14 =	vunpack.i.u.bf16.f32 v14;
	v22 =	vmul.bf16 v15, v12;
	v12 =	vadd.s32 s29, v0;
	v16 =	vld.idx.msk [tilespmem:v21+s18+$0x0], $0xffff  }
.Ltmp6:
0x31b: {  	v12 =	vand.u32 $0x3F, v12;
	v14 =	vadd.f32 v19, v14;
	(pc) =	sbr.rel @p0 .LBB2_15-.Ltmp6, $4  }
0x31c: {  	v19 =	vunpack.i.l.bf16.f32 v22;
	v17 =	vmul.bf16 v17, v20;
	v12 =	vor.u32 v4, v12;
	v15 =	vld.idx.msk [tilespmem:v21+s19+$0x0], $0xffff  }
0x31d: {  	v19 =	vadd.f32 v19, v14;
	v14 =	vld.idx.msk [tilespmem:v11+s17+$0x0], $0xffff  }
0x31e: {  	v20 =	vadd.s32 s28, v0;
	v21 =	vunpack.i.u.bf16.f32 v22;
	v18 =	vmul.bf16 v18, v17;
	v17 =	vld.idx.msk [tilespmem:v11+s18+$0x0], $0xffff  }
0x31f: {  	s28 =	sadd.s32 $0x8, s28;
	v20 =	vand.u32 $0x38, v20;
	v19 =	vadd.f32 v19, v21  }
0x320: {  	_ =	sdelay $0x2  }
0x321: {  	v21 =	vunpack.i.l.bf16.f32 v18;
	v13 =	vmul.bf16 v16, v13  }
0x322: {  	v16 =	vor.u32 v3, v20;
	v11 =	vld.idx.msk [tilespmem:v11+s19+$0x0], $0xffff;
	v19 =	vadd.f32 v21, v19  }
0x323: {  	s28 =	sadd.s32 $0x1, s26;
	v20 =	vld.idx.msk [tilespmem:v12+s17+$0x0], $0xffff;
	v18 =	vunpack.i.u.bf16.f32 v18;
	v13 =	vmul.bf16 v15, v13  }
0x324: {  	v21 =	vld.idx.msk [tilespmem:v12+s18+$0x0], $0xffff;
	v15 =	vadd.s32 s28, v0;
	v18 =	vadd.f32 v19, v18  }
0x325: {  	v15 =	vand.u32 $0x3F, v15;
	v14 =	vmul.bf16 v17, v14;
	v19 =	vunpack.i.l.bf16.f32 v13  }
0x326: {  	v12 =	vld.idx.msk [tilespmem:v12+s19+$0x0], $0xffff;
	v15 =	vor.u32 v4, v15;
	v17 =	vadd.f32 v19, v18  }
0x327: {  	s28 =	sadd.s32 $0x2, s26;
	v13 =	vunpack.i.u.bf16.f32 v13;
	v18 =	vld.idx.msk [tilespmem:v16+s17+$0x0], $0xffff;
	v11 =	vmul.bf16 v11, v14  }
0x328: {  	v14 =	vld.idx.msk [tilespmem:v16+s18+$0x0], $0xffff;
	v19 =	vadd.s32 s28, v0;
	v13 =	vadd.f32 v17, v13  }
0x329: {  	v20 =	vmul.bf16 v21, v20;
	v17 =	vand.u32 $0x3F, v19;
	v19 =	vunpack.i.l.bf16.f32 v11  }
0x32a: {  	v16 =	vld.idx.msk [tilespmem:v16+s19+$0x0], $0xffff;
	v17 =	vor.u32 v4, v17;
	v13 =	vadd.f32 v19, v13  }
0x32b: {  	s28 =	sadd.s32 $0x3, s26;
	v11 =	vunpack.i.u.bf16.f32 v11;
	v12 =	vmul.bf16 v12, v20;
	v19 =	vld.idx.msk [tilespmem:v15+s17+$0x0], $0xffff  }
0x32c: {  	v21 =	vadd.s32 s28, v0;
	v20 =	vld.idx.msk [tilespmem:v15+s18+$0x0], $0xffff;
	v11 =	vadd.f32 v13, v11  }
0x32d: {  	v14 =	vmul.bf16 v14, v18;
	v18 =	vunpack.i.l.bf16.f32 v12;
	v13 =	vand.u32 $0x3F, v21  }
0x32e: {  	v15 =	vld.idx.msk [tilespmem:v15+s19+$0x0], $0xffff;
	v13 =	vor.u32 v4, v13;
	v11 =	vadd.f32 v18, v11  }
0x32f: {  	s28 =	sadd.s32 $0x4, s26;
	v12 =	vunpack.i.u.bf16.f32 v12;
	v14 =	vmul.bf16 v16, v14;
	v18 =	vld.idx.msk [tilespmem:v17+s17+$0x0], $0xffff  }
0x330: {  	v21 =	vadd.s32 s28, v0;
	v16 =	vld.idx.msk [tilespmem:v17+s18+$0x0], $0xffff;
	v11 =	vadd.f32 v11, v12  }
0x331: {  	v19 =	vmul.bf16 v20, v19;
	v12 =	vand.u32 $0x3F, v21;
	v21 =	vunpack.i.l.bf16.f32 v14  }
0x332: {  	v17 =	vld.idx.msk [tilespmem:v17+s19+$0x0], $0xffff;
	v12 =	vor.u32 v4, v12;
	v11 =	vadd.f32 v21, v11  }
0x333: {  	s28 =	sadd.s32 $0x5, s26;
	v14 =	vunpack.i.u.bf16.f32 v14;
	v15 =	vmul.bf16 v15, v19;
	v20 =	vld.idx.msk [tilespmem:v13+s17+$0x0], $0xffff  }
0x334: {  	v19 =	vld.idx.msk [tilespmem:v13+s18+$0x0], $0xffff;
	v21 =	vadd.s32 s28, v0;
	v11 =	vadd.f32 v11, v14  }
0x335: {  	v16 =	vmul.bf16 v16, v18;
	v14 =	vand.u32 $0x3F, v21;
	v21 =	vunpack.i.l.bf16.f32 v15  }
0x336: {  	v13 =	vld.idx.msk [tilespmem:v13+s19+$0x0], $0xffff;
	v14 =	vor.u32 v4, v14;
	v11 =	vadd.f32 v21, v11  }
0x337: {  	s28 =	sadd.s32 $0x6, s26;
	v15 =	vunpack.i.u.bf16.f32 v15;
	v16 =	vmul.bf16 v17, v16;
	v18 =	vld.idx.msk [tilespmem:v12+s17+$0x0], $0xffff  }
0x338: {  	v17 =	vld.idx.msk [tilespmem:v12+s18+$0x0], $0xffff;
	v21 =	vadd.s32 s28, v0;
	v11 =	vadd.f32 v11, v15  }
0x339: {  	v19 =	vmul.bf16 v19, v20;
	v15 =	vand.u32 $0x3F, v21;
	v21 =	vunpack.i.l.bf16.f32 v16  }
0x33a: {  	v12 =	vld.idx.msk [tilespmem:v12+s19+$0x0], $0xffff;
	v15 =	vor.u32 v4, v15;
	v11 =	vadd.f32 v21, v11  }
0x33b: {  	s29 =	sadd.s32 $0x7, s26;
	v16 =	vunpack.i.u.bf16.f32 v16;
	v13 =	vmul.bf16 v13, v19;
	v20 =	vld.idx.msk [tilespmem:v14+s17+$0x0], $0xffff  }
0x33c: {  	v19 =	vld.idx.msk [tilespmem:v14+s18+$0x0], $0xffff;
	v21 =	vadd.s32 s29, v0;
	v11 =	vadd.f32 v11, v16  }
0x33d: {  	v17 =	vmul.bf16 v17, v18;
	v16 =	vand.u32 $0x3F, v21;
	v21 =	vunpack.i.l.bf16.f32 v13  }
0x33e: {  	v14 =	vld.idx.msk [tilespmem:v14+s19+$0x0], $0xffff;
	v16 =	vor.u32 v4, v16;
	v11 =	vadd.f32 v21, v11  }
0x33f: {  	v13 =	vunpack.i.u.bf16.f32 v13;
	v12 =	vmul.bf16 v12, v17;
	v18 =	vld.idx.msk [tilespmem:v15+s17+$0x0], $0xffff  }
0x340: {  	v17 =	vld.idx.msk [tilespmem:v15+s18+$0x0], $0xffff;
	v11 =	vadd.f32 v11, v13  }
0x341: {  	v19 =	vmul.bf16 v19, v20;
	v13 =	vunpack.i.l.bf16.f32 v12  }
0x342: {  	v15 =	vld.idx.msk [tilespmem:v15+s19+$0x0], $0xffff;
	v11 =	vadd.f32 v13, v11  }
0x343: {  	v12 =	vunpack.i.u.bf16.f32 v12;
	v14 =	vmul.bf16 v14, v19;
	v13 =	vld.idx.msk [tilespmem:v16+s17+$0x0], $0xffff  }
0x344: {  	v19 =	vld.idx.msk [tilespmem:v16+s18+$0x0], $0xffff;
	v11 =	vadd.f32 v11, v12  }
0x345: {  	v17 =	vmul.bf16 v17, v18;
	v12 =	vunpack.i.l.bf16.f32 v14  }
0x346: {  	v16 =	vld.idx.msk [tilespmem:v16+s19+$0x0], $0xffff;
	v11 =	vadd.f32 v12, v11  }
0x347: {  	v12 =	vunpack.i.u.bf16.f32 v14;
	v14 =	vmul.bf16 v15, v17  }
0x348: {  	v11 =	vadd.f32 v11, v12  }
0x349: {  	v13 =	vmul.bf16 v19, v13;
	v12 =	vunpack.i.l.bf16.f32 v14  }
0x34a: {  	v11 =	vadd.f32 v12, v11  }
0x34b: {  	s30 =	simm.s32 $0x0;
	v13 =	vmul.bf16 v16, v13;
	v12 =	vunpack.i.u.bf16.f32 v14  }
0x34c: {  	v11 =	vadd.f32 v11, v12;
	v12 =	vadd.s32 s30, v0  }
0x34d: {  	v14 =	vunpack.i.l.bf16.f32 v13;
	v12 =	vand.u32 $0x38, v12  }
0x34e: {  	v11 =	vadd.f32 v14, v11;
	v12 =	vor.u32 v5, v12  }
0x34f: {  	s31 =	simm.s32 $0x1;
	v13 =	vunpack.i.u.bf16.f32 v13  }
0x350: {  	v11 =	vadd.f32 v11, v13;
	v13 =	vadd.s32 s31, v0  }
0x351: {  	v13 =	vand.u32 $0x3F, v13  }
0x352: {  	[tilespmem:s25+$0xED90] =	vst v11;
	v11 =	vor.u32 v6, v13  }
0x353: {  	s29 =	simm.s32 $0x2;
	v13 =	vld.idx.msk [tilespmem:v12+s17+$0x0], $0xffff  }
0x354: {  	v15 =	vadd.s32 s29, v0;
	v14 =	vld.idx.msk [tilespmem:v12+s18+$0x0], $0xffff  }
0x355: {  	v15 =	vand.u32 $0x3F, v15  }
0x356: {  	v15 =	vor.u32 v6, v15;
	v12 =	vld.idx.msk [tilespmem:v12+s19+$0x0], $0xffff  }
0x357: {  	s30 =	simm.s32 $0x3;
	v16 =	vld.idx.msk [tilespmem:v11+s17+$0x0], $0xffff  }
0x358: {  	v18 =	vadd.s32 s30, v0;
	v17 =	vld.idx.msk [tilespmem:v11+s18+$0x0], $0xffff  }
0x359: {  	v18 =	vand.u32 $0x3F, v18;
	v13 =	vmul.bf16 v14, v13  }
0x35a: {  	v11 =	vld.idx.msk [tilespmem:v11+s19+$0x0], $0xffff;
	v14 =	vor.u32 v6, v18  }
0x35b: {  	s31 =	simm.s32 $0x4;
	v19 =	vld.idx.msk [tilespmem:v15+s18+$0x0], $0xffff;
	v12 =	vmul.bf16 v12, v13  }
0x35c: {  	v20 =	vadd.s32 s31, v0;
	v18 =	vld.idx.msk [tilespmem:v15+s17+$0x0], $0xffff  }
0x35d: {  	v13 =	vimm.f32 $0.0e+00;
	v21 =	vunpack.i.l.bf16.f32 v12;
	v16 =	vmul.bf16 v17, v16  }
0x35e: {  	v15 =	vld.idx.msk [tilespmem:v15+s19+$0x0], $0xffff;
	v17 =	vand.u32 $0x3F, v20;
	v13 =	vadd.f32 v21, v13  }
0x35f: {  	v12 =	vunpack.i.u.bf16.f32 v12;
	v17 =	vor.u32 v6, v17;
	v20 =	vld.idx.msk [tilespmem:v14+s17+$0x0], $0xffff;
	v11 =	vmul.bf16 v11, v16  }
0x360: {  	s29 =	simm.s32 $0x5;
	v16 =	vld.idx.msk [tilespmem:v14+s18+$0x0], $0xffff;
	v12 =	vadd.f32 v13, v12  }
0x361: {  	v18 =	vmul.bf16 v19, v18;
	v13 =	vadd.s32 s29, v0;
	v21 =	vunpack.i.l.bf16.f32 v11  }
0x362: {  	v14 =	vld.idx.msk [tilespmem:v14+s19+$0x0], $0xffff;
	v13 =	vand.u32 $0x3F, v13;
	v12 =	vadd.f32 v21, v12  }
0x363: {  	s30 =	simm.s32 $0x6;
	v11 =	vunpack.i.u.bf16.f32 v11;
	v19 =	vor.u32 v6, v13;
	v13 =	vmul.bf16 v15, v18  }
0x364: {  	v18 =	vadd.s32 s30, v0;
	v15 =	vld.idx.msk [tilespmem:v17+s17+$0x0], $0xffff;
	v12 =	vadd.f32 v12, v11  }
0x365: {  	v21 =	vld.idx.msk [tilespmem:v17+s18+$0x0], $0xffff;
	v11 =	vand.u32 $0x3F, v18;
	v18 =	vunpack.i.l.bf16.f32 v13;
	v16 =	vmul.bf16 v16, v20  }
0x366: {  	v12 =	vadd.f32 v18, v12  }
0x367: {  	s31 =	simm.s32 $0x7;
	v17 =	vld.idx.msk [tilespmem:v17+s19+$0x0], $0xffff;
	v11 =	vor.u32 v6, v11;
	v18 =	vunpack.i.u.bf16.f32 v13;
	v20 =	vmul.bf16 v14, v16  }
0x368: {  	v14 =	vadd.s32 s31, v0;
	v13 =	vld.idx.msk [tilespmem:v19+s17+$0x0], $0xffff;
	v12 =	vadd.f32 v12, v18  }
0x369: {  	v16 =	vld.idx.msk [tilespmem:v19+s18+$0x0], $0xffff;
	v14 =	vand.u32 $0x3F, v14;
	v18 =	vunpack.i.l.bf16.f32 v20  }
0x36a: {  	v21 =	vmul.bf16 v21, v15;
	v15 =	vld.idx.msk [tilespmem:v19+s19+$0x0], $0xffff;
	v19 =	vadd.f32 v18, v12;
	v12 =	vor.u32 v6, v14  }
0x36b: {  	s26 =	simm.s32 $0x8  }
0x36c: {  	v22 =	vadd.s32 s26, v0;
	v23 =	vunpack.i.u.bf16.f32 v20;
	v14 =	vld.idx.msk [tilespmem:v11+s17+$0x0], $0xffff;
	v18 =	vmul.bf16 v17, v21  }
0x36d: {  	s28 =	simm.s32 $0x10;
	v20 =	vand.u32 $0x38, v22;
	v17 =	vld.idx.msk [tilespmem:v11+s18+$0x0], $0xffff;
	v19 =	vadd.f32 v19, v23  }
.LBB2_17:
0x36e: {  	p0 =	slt.u32 s28, $0x38;
	v20 =	vor.u32 v5, v20;
	v21 =	vunpack.i.l.bf16.f32 v18;
	v13 =	vmul.bf16 v16, v13;
	v11 =	vld.idx.msk [tilespmem:v11+s19+$0x0], $0xffff  }
0x36f: {  	s29 =	sadd.s32 $0x1, s26;
	v16 =	vadd.f32 v21, v19;
	v19 =	vld.idx.msk [tilespmem:v12+s17+$0x0], $0xffff  }
0x370: {  	v18 =	vunpack.i.u.bf16.f32 v18;
	v21 =	vadd.s32 s29, v0;
	v13 =	vmul.bf16 v15, v13;
	v15 =	vld.idx.msk [tilespmem:v12+s18+$0x0], $0xffff  }
0x371: {  	v21 =	vand.u32 $0x3F, v21;
	v16 =	vadd.f32 v16, v18  }
0x372: {  	v18 =	vor.u32 v6, v21;
	v14 =	vmul.bf16 v17, v14;
	v21 =	vunpack.i.l.bf16.f32 v13;
	v12 =	vld.idx.msk [tilespmem:v12+s19+$0x0], $0xffff  }
0x373: {  	s29 =	sadd.s32 $0x2, s26;
	v17 =	vld.idx.msk [tilespmem:v20+s17+$0x0], $0xffff;
	v16 =	vadd.f32 v21, v16  }
0x374: {  	v22 =	vadd.s32 s29, v0;
	v13 =	vunpack.i.u.bf16.f32 v13;
	v11 =	vmul.bf16 v11, v14;
	v21 =	vld.idx.msk [tilespmem:v20+s18+$0x0], $0xffff  }
0x375: {  	v14 =	vand.u32 $0x3F, v22;
	v13 =	vadd.f32 v16, v13  }
0x376: {  	v14 =	vor.u32 v6, v14;
	v15 =	vmul.bf16 v15, v19;
	v16 =	vld.idx.msk [tilespmem:v20+s19+$0x0], $0xffff;
	v20 =	vunpack.i.l.bf16.f32 v11  }
0x377: {  	s29 =	sadd.s32 $0x3, s26;
	v19 =	vld.idx.msk [tilespmem:v18+s17+$0x0], $0xffff;
	v13 =	vadd.f32 v20, v13  }
0x378: {  	v22 =	vadd.s32 s29, v0;
	v11 =	vunpack.i.u.bf16.f32 v11;
	v12 =	vmul.bf16 v12, v15;
	v20 =	vld.idx.msk [tilespmem:v18+s18+$0x0], $0xffff  }
0x379: {  	v15 =	vand.u32 $0x3F, v22;
	v11 =	vadd.f32 v13, v11  }
0x37a: {  	v15 =	vor.u32 v6, v15;
	v13 =	vmul.bf16 v21, v17;
	v17 =	vld.idx.msk [tilespmem:v18+s19+$0x0], $0xffff;
	v18 =	vunpack.i.l.bf16.f32 v12  }
0x37b: {  	s29 =	sadd.s32 $0x4, s26;
	v21 =	vld.idx.msk [tilespmem:v14+s17+$0x0], $0xffff;
	v11 =	vadd.f32 v18, v11  }
0x37c: {  	v12 =	vunpack.i.u.bf16.f32 v12;
	v13 =	vmul.bf16 v16, v13;
	v18 =	vadd.s32 s29, v0;
	v16 =	vld.idx.msk [tilespmem:v14+s18+$0x0], $0xffff  }
0x37d: {  	v18 =	vand.u32 $0x3F, v18;
	v11 =	vadd.f32 v11, v12  }
0x37e: {  	v12 =	vunpack.i.l.bf16.f32 v13;
	v19 =	vmul.bf16 v20, v19;
	v18 =	vor.u32 v6, v18;
	v14 =	vld.idx.msk [tilespmem:v14+s19+$0x0], $0xffff  }
0x37f: {  	s29 =	sadd.s32 $0x5, s26;
	v11 =	vadd.f32 v12, v11;
	v12 =	vld.idx.msk [tilespmem:v15+s17+$0x0], $0xffff  }
0x380: {  	v13 =	vunpack.i.u.bf16.f32 v13;
	v20 =	vadd.s32 s29, v0;
	v17 =	vmul.bf16 v17, v19;
	v19 =	vld.idx.msk [tilespmem:v15+s18+$0x0], $0xffff  }
0x381: {  	v11 =	vadd.f32 v11, v13;
	v13 =	vand.u32 $0x3F, v20  }
0x382: {  	v20 =	vunpack.i.l.bf16.f32 v17;
	v16 =	vmul.bf16 v16, v21;
	v15 =	vld.idx.msk [tilespmem:v15+s19+$0x0], $0xffff;
	v21 =	vor.u32 v6, v13  }
0x383: {  	s29 =	sadd.s32 $0x6, s26;
	v11 =	vadd.f32 v20, v11;
	v20 =	vld.idx.msk [tilespmem:v18+s17+$0x0], $0xffff  }
0x384: {  	v13 =	vunpack.i.u.bf16.f32 v17;
	v14 =	vmul.bf16 v14, v16;
	v16 =	vadd.s32 s29, v0;
	v17 =	vld.idx.msk [tilespmem:v18+s18+$0x0], $0xffff  }
0x385: {  	v13 =	vadd.f32 v11, v13;
	v11 =	vand.u32 $0x3F, v16  }
0x386: {  	v16 =	vunpack.i.l.bf16.f32 v14;
	v12 =	vmul.bf16 v19, v12;
	v18 =	vld.idx.msk [tilespmem:v18+s19+$0x0], $0xffff;
	v11 =	vor.u32 v6, v11  }
0x387: {  	s29 =	sadd.s32 $0x7, s26;
	s26 =	smov.u32 s28;
	v19 =	vadd.f32 v16, v13;
	v13 =	vld.idx.msk [tilespmem:v21+s17+$0x0], $0xffff  }
0x388: {  	v14 =	vunpack.i.u.bf16.f32 v14;
	v22 =	vmul.bf16 v15, v12;
	v12 =	vadd.s32 s29, v0;
	v16 =	vld.idx.msk [tilespmem:v21+s18+$0x0], $0xffff  }
.Ltmp7:
0x389: {  	v12 =	vand.u32 $0x3F, v12;
	v14 =	vadd.f32 v19, v14;
	(pc) =	sbr.rel @p0 .LBB2_17-.Ltmp7, $4  }
0x38a: {  	v19 =	vunpack.i.l.bf16.f32 v22;
	v17 =	vmul.bf16 v17, v20;
	v12 =	vor.u32 v6, v12;
	v15 =	vld.idx.msk [tilespmem:v21+s19+$0x0], $0xffff  }
0x38b: {  	v19 =	vadd.f32 v19, v14;
	v14 =	vld.idx.msk [tilespmem:v11+s17+$0x0], $0xffff  }
0x38c: {  	v20 =	vadd.s32 s28, v0;
	v21 =	vunpack.i.u.bf16.f32 v22;
	v18 =	vmul.bf16 v18, v17;
	v17 =	vld.idx.msk [tilespmem:v11+s18+$0x0], $0xffff  }
0x38d: {  	s28 =	sadd.s32 $0x8, s28;
	v20 =	vand.u32 $0x38, v20;
	v19 =	vadd.f32 v19, v21  }
0x38e: {  	_ =	sdelay $0x2  }
0x38f: {  	v21 =	vunpack.i.l.bf16.f32 v18;
	v13 =	vmul.bf16 v16, v13  }
0x390: {  	v16 =	vor.u32 v5, v20;
	v11 =	vld.idx.msk [tilespmem:v11+s19+$0x0], $0xffff;
	v19 =	vadd.f32 v21, v19  }
0x391: {  	s28 =	sadd.s32 $0x1, s26;
	v20 =	vld.idx.msk [tilespmem:v12+s17+$0x0], $0xffff;
	v18 =	vunpack.i.u.bf16.f32 v18;
	v13 =	vmul.bf16 v15, v13  }
0x392: {  	v21 =	vld.idx.msk [tilespmem:v12+s18+$0x0], $0xffff;
	v15 =	vadd.s32 s28, v0;
	v18 =	vadd.f32 v19, v18  }
0x393: {  	v15 =	vand.u32 $0x3F, v15;
	v14 =	vmul.bf16 v17, v14;
	v19 =	vunpack.i.l.bf16.f32 v13  }
0x394: {  	v12 =	vld.idx.msk [tilespmem:v12+s19+$0x0], $0xffff;
	v15 =	vor.u32 v6, v15;
	v17 =	vadd.f32 v19, v18  }
0x395: {  	s28 =	sadd.s32 $0x2, s26;
	v13 =	vunpack.i.u.bf16.f32 v13;
	v18 =	vld.idx.msk [tilespmem:v16+s17+$0x0], $0xffff;
	v11 =	vmul.bf16 v11, v14  }
0x396: {  	v14 =	vld.idx.msk [tilespmem:v16+s18+$0x0], $0xffff;
	v19 =	vadd.s32 s28, v0;
	v13 =	vadd.f32 v17, v13  }
0x397: {  	v20 =	vmul.bf16 v21, v20;
	v17 =	vand.u32 $0x3F, v19;
	v19 =	vunpack.i.l.bf16.f32 v11  }
0x398: {  	v16 =	vld.idx.msk [tilespmem:v16+s19+$0x0], $0xffff;
	v17 =	vor.u32 v6, v17;
	v13 =	vadd.f32 v19, v13  }
0x399: {  	s28 =	sadd.s32 $0x3, s26;
	v11 =	vunpack.i.u.bf16.f32 v11;
	v12 =	vmul.bf16 v12, v20;
	v19 =	vld.idx.msk [tilespmem:v15+s17+$0x0], $0xffff  }
0x39a: {  	v21 =	vadd.s32 s28, v0;
	v20 =	vld.idx.msk [tilespmem:v15+s18+$0x0], $0xffff;
	v11 =	vadd.f32 v13, v11  }
0x39b: {  	v14 =	vmul.bf16 v14, v18;
	v18 =	vunpack.i.l.bf16.f32 v12;
	v13 =	vand.u32 $0x3F, v21  }
0x39c: {  	v15 =	vld.idx.msk [tilespmem:v15+s19+$0x0], $0xffff;
	v13 =	vor.u32 v6, v13;
	v11 =	vadd.f32 v18, v11  }
0x39d: {  	s28 =	sadd.s32 $0x4, s26;
	v12 =	vunpack.i.u.bf16.f32 v12;
	v14 =	vmul.bf16 v16, v14;
	v18 =	vld.idx.msk [tilespmem:v17+s17+$0x0], $0xffff  }
0x39e: {  	v21 =	vadd.s32 s28, v0;
	v16 =	vld.idx.msk [tilespmem:v17+s18+$0x0], $0xffff;
	v11 =	vadd.f32 v11, v12  }
0x39f: {  	v19 =	vmul.bf16 v20, v19;
	v12 =	vand.u32 $0x3F, v21;
	v21 =	vunpack.i.l.bf16.f32 v14  }
0x3a0: {  	v17 =	vld.idx.msk [tilespmem:v17+s19+$0x0], $0xffff;
	v12 =	vor.u32 v6, v12;
	v11 =	vadd.f32 v21, v11  }
0x3a1: {  	s28 =	sadd.s32 $0x5, s26;
	v14 =	vunpack.i.u.bf16.f32 v14;
	v15 =	vmul.bf16 v15, v19;
	v20 =	vld.idx.msk [tilespmem:v13+s17+$0x0], $0xffff  }
0x3a2: {  	v19 =	vld.idx.msk [tilespmem:v13+s18+$0x0], $0xffff;
	v21 =	vadd.s32 s28, v0;
	v11 =	vadd.f32 v11, v14  }
0x3a3: {  	v16 =	vmul.bf16 v16, v18;
	v14 =	vand.u32 $0x3F, v21;
	v21 =	vunpack.i.l.bf16.f32 v15  }
0x3a4: {  	v13 =	vld.idx.msk [tilespmem:v13+s19+$0x0], $0xffff;
	v14 =	vor.u32 v6, v14;
	v11 =	vadd.f32 v21, v11  }
0x3a5: {  	s28 =	sadd.s32 $0x6, s26;
	v15 =	vunpack.i.u.bf16.f32 v15;
	v16 =	vmul.bf16 v17, v16;
	v18 =	vld.idx.msk [tilespmem:v12+s17+$0x0], $0xffff  }
0x3a6: {  	v17 =	vld.idx.msk [tilespmem:v12+s18+$0x0], $0xffff;
	v21 =	vadd.s32 s28, v0;
	v11 =	vadd.f32 v11, v15  }
0x3a7: {  	v19 =	vmul.bf16 v19, v20;
	v15 =	vand.u32 $0x3F, v21;
	v21 =	vunpack.i.l.bf16.f32 v16  }
0x3a8: {  	v12 =	vld.idx.msk [tilespmem:v12+s19+$0x0], $0xffff;
	v15 =	vor.u32 v6, v15;
	v11 =	vadd.f32 v21, v11  }
0x3a9: {  	s29 =	sadd.s32 $0x7, s26;
	v16 =	vunpack.i.u.bf16.f32 v16;
	v13 =	vmul.bf16 v13, v19;
	v20 =	vld.idx.msk [tilespmem:v14+s17+$0x0], $0xffff  }
0x3aa: {  	v19 =	vld.idx.msk [tilespmem:v14+s18+$0x0], $0xffff;
	v21 =	vadd.s32 s29, v0;
	v11 =	vadd.f32 v11, v16  }
0x3ab: {  	v17 =	vmul.bf16 v17, v18;
	v16 =	vand.u32 $0x3F, v21;
	v21 =	vunpack.i.l.bf16.f32 v13  }
0x3ac: {  	v14 =	vld.idx.msk [tilespmem:v14+s19+$0x0], $0xffff;
	v16 =	vor.u32 v6, v16;
	v11 =	vadd.f32 v21, v11  }
0x3ad: {  	v13 =	vunpack.i.u.bf16.f32 v13;
	v12 =	vmul.bf16 v12, v17;
	v18 =	vld.idx.msk [tilespmem:v15+s17+$0x0], $0xffff  }
0x3ae: {  	v17 =	vld.idx.msk [tilespmem:v15+s18+$0x0], $0xffff;
	v11 =	vadd.f32 v11, v13  }
0x3af: {  	v19 =	vmul.bf16 v19, v20;
	v13 =	vunpack.i.l.bf16.f32 v12  }
0x3b0: {  	v15 =	vld.idx.msk [tilespmem:v15+s19+$0x0], $0xffff;
	v11 =	vadd.f32 v13, v11  }
0x3b1: {  	v12 =	vunpack.i.u.bf16.f32 v12;
	v14 =	vmul.bf16 v14, v19;
	v13 =	vld.idx.msk [tilespmem:v16+s17+$0x0], $0xffff  }
0x3b2: {  	v19 =	vld.idx.msk [tilespmem:v16+s18+$0x0], $0xffff;
	v11 =	vadd.f32 v11, v12  }
0x3b3: {  	v17 =	vmul.bf16 v17, v18;
	v12 =	vunpack.i.l.bf16.f32 v14  }
0x3b4: {  	v16 =	vld.idx.msk [tilespmem:v16+s19+$0x0], $0xffff;
	v11 =	vadd.f32 v12, v11  }
0x3b5: {  	v12 =	vunpack.i.u.bf16.f32 v14;
	v14 =	vmul.bf16 v15, v17  }
0x3b6: {  	v11 =	vadd.f32 v11, v12  }
0x3b7: {  	v13 =	vmul.bf16 v19, v13;
	v12 =	vunpack.i.l.bf16.f32 v14  }
0x3b8: {  	v11 =	vadd.f32 v12, v11  }
0x3b9: {  	s30 =	simm.s32 $0x0;
	v13 =	vmul.bf16 v16, v13;
	v12 =	vunpack.i.u.bf16.f32 v14  }
0x3ba: {  	v11 =	vadd.f32 v11, v12;
	v12 =	vadd.s32 s30, v0  }
0x3bb: {  	v14 =	vunpack.i.l.bf16.f32 v13;
	v12 =	vand.u32 $0x38, v12  }
0x3bc: {  	v11 =	vadd.f32 v14, v11;
	v12 =	vor.u32 v7, v12  }
0x3bd: {  	s31 =	simm.s32 $0x1;
	v13 =	vunpack.i.u.bf16.f32 v13  }
0x3be: {  	v11 =	vadd.f32 v11, v13;
	v13 =	vadd.s32 s31, v0  }
0x3bf: {  	v13 =	vand.u32 $0x3F, v13  }
0x3c0: {  	[tilespmem:s25+$0xEDA0] =	vst v11;
	v11 =	vor.u32 v8, v13  }
0x3c1: {  	s29 =	simm.s32 $0x2;
	v13 =	vld.idx.msk [tilespmem:v12+s17+$0x0], $0xffff  }
0x3c2: {  	v15 =	vadd.s32 s29, v0;
	v14 =	vld.idx.msk [tilespmem:v12+s18+$0x0], $0xffff  }
0x3c3: {  	v15 =	vand.u32 $0x3F, v15  }
0x3c4: {  	v15 =	vor.u32 v8, v15;
	v12 =	vld.idx.msk [tilespmem:v12+s19+$0x0], $0xffff  }
0x3c5: {  	s30 =	simm.s32 $0x3;
	v16 =	vld.idx.msk [tilespmem:v11+s17+$0x0], $0xffff  }
0x3c6: {  	v18 =	vadd.s32 s30, v0;
	v17 =	vld.idx.msk [tilespmem:v11+s18+$0x0], $0xffff  }
0x3c7: {  	v18 =	vand.u32 $0x3F, v18;
	v13 =	vmul.bf16 v14, v13  }
0x3c8: {  	v11 =	vld.idx.msk [tilespmem:v11+s19+$0x0], $0xffff;
	v14 =	vor.u32 v8, v18  }
0x3c9: {  	s31 =	simm.s32 $0x4;
	v19 =	vld.idx.msk [tilespmem:v15+s18+$0x0], $0xffff;
	v12 =	vmul.bf16 v12, v13  }
0x3ca: {  	v20 =	vadd.s32 s31, v0;
	v18 =	vld.idx.msk [tilespmem:v15+s17+$0x0], $0xffff  }
0x3cb: {  	v13 =	vimm.f32 $0.0e+00;
	v21 =	vunpack.i.l.bf16.f32 v12;
	v16 =	vmul.bf16 v17, v16  }
0x3cc: {  	v15 =	vld.idx.msk [tilespmem:v15+s19+$0x0], $0xffff;
	v17 =	vand.u32 $0x3F, v20;
	v13 =	vadd.f32 v21, v13  }
0x3cd: {  	v12 =	vunpack.i.u.bf16.f32 v12;
	v17 =	vor.u32 v8, v17;
	v20 =	vld.idx.msk [tilespmem:v14+s17+$0x0], $0xffff;
	v11 =	vmul.bf16 v11, v16  }
0x3ce: {  	s29 =	simm.s32 $0x5;
	v16 =	vld.idx.msk [tilespmem:v14+s18+$0x0], $0xffff;
	v12 =	vadd.f32 v13, v12  }
0x3cf: {  	v18 =	vmul.bf16 v19, v18;
	v13 =	vadd.s32 s29, v0;
	v21 =	vunpack.i.l.bf16.f32 v11  }
0x3d0: {  	v14 =	vld.idx.msk [tilespmem:v14+s19+$0x0], $0xffff;
	v13 =	vand.u32 $0x3F, v13;
	v12 =	vadd.f32 v21, v12  }
0x3d1: {  	s30 =	simm.s32 $0x6;
	v11 =	vunpack.i.u.bf16.f32 v11;
	v19 =	vor.u32 v8, v13;
	v13 =	vmul.bf16 v15, v18  }
0x3d2: {  	v18 =	vadd.s32 s30, v0;
	v15 =	vld.idx.msk [tilespmem:v17+s17+$0x0], $0xffff;
	v12 =	vadd.f32 v12, v11  }
0x3d3: {  	v21 =	vld.idx.msk [tilespmem:v17+s18+$0x0], $0xffff;
	v11 =	vand.u32 $0x3F, v18;
	v18 =	vunpack.i.l.bf16.f32 v13;
	v16 =	vmul.bf16 v16, v20  }
0x3d4: {  	v12 =	vadd.f32 v18, v12  }
0x3d5: {  	s31 =	simm.s32 $0x7;
	v17 =	vld.idx.msk [tilespmem:v17+s19+$0x0], $0xffff;
	v11 =	vor.u32 v8, v11;
	v18 =	vunpack.i.u.bf16.f32 v13;
	v20 =	vmul.bf16 v14, v16  }
0x3d6: {  	v14 =	vadd.s32 s31, v0;
	v13 =	vld.idx.msk [tilespmem:v19+s17+$0x0], $0xffff;
	v12 =	vadd.f32 v12, v18  }
0x3d7: {  	v16 =	vld.idx.msk [tilespmem:v19+s18+$0x0], $0xffff;
	v14 =	vand.u32 $0x3F, v14;
	v18 =	vunpack.i.l.bf16.f32 v20  }
0x3d8: {  	v21 =	vmul.bf16 v21, v15;
	v15 =	vld.idx.msk [tilespmem:v19+s19+$0x0], $0xffff;
	v19 =	vadd.f32 v18, v12;
	v12 =	vor.u32 v8, v14  }
0x3d9: {  	s26 =	simm.s32 $0x8  }
0x3da: {  	v22 =	vadd.s32 s26, v0;
	v23 =	vunpack.i.u.bf16.f32 v20;
	v14 =	vld.idx.msk [tilespmem:v11+s17+$0x0], $0xffff;
	v18 =	vmul.bf16 v17, v21  }
0x3db: {  	s28 =	simm.s32 $0x10;
	v20 =	vand.u32 $0x38, v22;
	v17 =	vld.idx.msk [tilespmem:v11+s18+$0x0], $0xffff;
	v19 =	vadd.f32 v19, v23  }
.LBB2_19:
0x3dc: {  	p0 =	slt.u32 s28, $0x38;
	v20 =	vor.u32 v7, v20;
	v21 =	vunpack.i.l.bf16.f32 v18;
	v13 =	vmul.bf16 v16, v13;
	v11 =	vld.idx.msk [tilespmem:v11+s19+$0x0], $0xffff  }
0x3dd: {  	s29 =	sadd.s32 $0x1, s26;
	v16 =	vadd.f32 v21, v19;
	v19 =	vld.idx.msk [tilespmem:v12+s17+$0x0], $0xffff  }
0x3de: {  	v18 =	vunpack.i.u.bf16.f32 v18;
	v21 =	vadd.s32 s29, v0;
	v13 =	vmul.bf16 v15, v13;
	v15 =	vld.idx.msk [tilespmem:v12+s18+$0x0], $0xffff  }
0x3df: {  	v21 =	vand.u32 $0x3F, v21;
	v16 =	vadd.f32 v16, v18  }
0x3e0: {  	v18 =	vor.u32 v8, v21;
	v14 =	vmul.bf16 v17, v14;
	v21 =	vunpack.i.l.bf16.f32 v13;
	v12 =	vld.idx.msk [tilespmem:v12+s19+$0x0], $0xffff  }
0x3e1: {  	s29 =	sadd.s32 $0x2, s26;
	v17 =	vld.idx.msk [tilespmem:v20+s17+$0x0], $0xffff;
	v16 =	vadd.f32 v21, v16  }
0x3e2: {  	v22 =	vadd.s32 s29, v0;
	v13 =	vunpack.i.u.bf16.f32 v13;
	v11 =	vmul.bf16 v11, v14;
	v21 =	vld.idx.msk [tilespmem:v20+s18+$0x0], $0xffff  }
0x3e3: {  	v14 =	vand.u32 $0x3F, v22;
	v13 =	vadd.f32 v16, v13  }
0x3e4: {  	v14 =	vor.u32 v8, v14;
	v15 =	vmul.bf16 v15, v19;
	v16 =	vld.idx.msk [tilespmem:v20+s19+$0x0], $0xffff;
	v20 =	vunpack.i.l.bf16.f32 v11  }
0x3e5: {  	s29 =	sadd.s32 $0x3, s26;
	v19 =	vld.idx.msk [tilespmem:v18+s17+$0x0], $0xffff;
	v13 =	vadd.f32 v20, v13  }
0x3e6: {  	v22 =	vadd.s32 s29, v0;
	v11 =	vunpack.i.u.bf16.f32 v11;
	v12 =	vmul.bf16 v12, v15;
	v20 =	vld.idx.msk [tilespmem:v18+s18+$0x0], $0xffff  }
0x3e7: {  	v15 =	vand.u32 $0x3F, v22;
	v11 =	vadd.f32 v13, v11  }
0x3e8: {  	v15 =	vor.u32 v8, v15;
	v13 =	vmul.bf16 v21, v17;
	v17 =	vld.idx.msk [tilespmem:v18+s19+$0x0], $0xffff;
	v18 =	vunpack.i.l.bf16.f32 v12  }
0x3e9: {  	s29 =	sadd.s32 $0x4, s26;
	v21 =	vld.idx.msk [tilespmem:v14+s17+$0x0], $0xffff;
	v11 =	vadd.f32 v18, v11  }
0x3ea: {  	v12 =	vunpack.i.u.bf16.f32 v12;
	v13 =	vmul.bf16 v16, v13;
	v18 =	vadd.s32 s29, v0;
	v16 =	vld.idx.msk [tilespmem:v14+s18+$0x0], $0xffff  }
0x3eb: {  	v18 =	vand.u32 $0x3F, v18;
	v11 =	vadd.f32 v11, v12  }
0x3ec: {  	v12 =	vunpack.i.l.bf16.f32 v13;
	v19 =	vmul.bf16 v20, v19;
	v18 =	vor.u32 v8, v18;
	v14 =	vld.idx.msk [tilespmem:v14+s19+$0x0], $0xffff  }
0x3ed: {  	s29 =	sadd.s32 $0x5, s26;
	v11 =	vadd.f32 v12, v11;
	v12 =	vld.idx.msk [tilespmem:v15+s17+$0x0], $0xffff  }
0x3ee: {  	v13 =	vunpack.i.u.bf16.f32 v13;
	v20 =	vadd.s32 s29, v0;
	v17 =	vmul.bf16 v17, v19;
	v19 =	vld.idx.msk [tilespmem:v15+s18+$0x0], $0xffff  }
0x3ef: {  	v11 =	vadd.f32 v11, v13;
	v13 =	vand.u32 $0x3F, v20  }
0x3f0: {  	v20 =	vunpack.i.l.bf16.f32 v17;
	v16 =	vmul.bf16 v16, v21;
	v15 =	vld.idx.msk [tilespmem:v15+s19+$0x0], $0xffff;
	v21 =	vor.u32 v8, v13  }
0x3f1: {  	s29 =	sadd.s32 $0x6, s26;
	v11 =	vadd.f32 v20, v11;
	v20 =	vld.idx.msk [tilespmem:v18+s17+$0x0], $0xffff  }
0x3f2: {  	v13 =	vunpack.i.u.bf16.f32 v17;
	v14 =	vmul.bf16 v14, v16;
	v16 =	vadd.s32 s29, v0;
	v17 =	vld.idx.msk [tilespmem:v18+s18+$0x0], $0xffff  }
0x3f3: {  	v13 =	vadd.f32 v11, v13;
	v11 =	vand.u32 $0x3F, v16  }
0x3f4: {  	v16 =	vunpack.i.l.bf16.f32 v14;
	v12 =	vmul.bf16 v19, v12;
	v18 =	vld.idx.msk [tilespmem:v18+s19+$0x0], $0xffff;
	v11 =	vor.u32 v8, v11  }
0x3f5: {  	s29 =	sadd.s32 $0x7, s26;
	s26 =	smov.u32 s28;
	v19 =	vadd.f32 v16, v13;
	v13 =	vld.idx.msk [tilespmem:v21+s17+$0x0], $0xffff  }
0x3f6: {  	v14 =	vunpack.i.u.bf16.f32 v14;
	v22 =	vmul.bf16 v15, v12;
	v12 =	vadd.s32 s29, v0;
	v16 =	vld.idx.msk [tilespmem:v21+s18+$0x0], $0xffff  }
.Ltmp8:
0x3f7: {  	v12 =	vand.u32 $0x3F, v12;
	v14 =	vadd.f32 v19, v14;
	(pc) =	sbr.rel @p0 .LBB2_19-.Ltmp8, $4  }
0x3f8: {  	v19 =	vunpack.i.l.bf16.f32 v22;
	v17 =	vmul.bf16 v17, v20;
	v12 =	vor.u32 v8, v12;
	v15 =	vld.idx.msk [tilespmem:v21+s19+$0x0], $0xffff  }
0x3f9: {  	v19 =	vadd.f32 v19, v14;
	v14 =	vld.idx.msk [tilespmem:v11+s17+$0x0], $0xffff  }
0x3fa: {  	v20 =	vadd.s32 s28, v0;
	v21 =	vunpack.i.u.bf16.f32 v22;
	v18 =	vmul.bf16 v18, v17;
	v17 =	vld.idx.msk [tilespmem:v11+s18+$0x0], $0xffff  }
0x3fb: {  	s28 =	sadd.s32 $0x8, s28;
	v20 =	vand.u32 $0x38, v20;
	v19 =	vadd.f32 v19, v21  }
0x3fc: {  	_ =	sdelay $0x2  }
0x3fd: {  	v21 =	vunpack.i.l.bf16.f32 v18;
	v13 =	vmul.bf16 v16, v13  }
0x3fe: {  	v16 =	vor.u32 v7, v20;
	v11 =	vld.idx.msk [tilespmem:v11+s19+$0x0], $0xffff;
	v19 =	vadd.f32 v21, v19  }
0x3ff: {  	s28 =	sadd.s32 $0x1, s26;
	v20 =	vld.idx.msk [tilespmem:v12+s17+$0x0], $0xffff;
	v18 =	vunpack.i.u.bf16.f32 v18;
	v13 =	vmul.bf16 v15, v13  }
0x400: {  	v21 =	vld.idx.msk [tilespmem:v12+s18+$0x0], $0xffff;
	v15 =	vadd.s32 s28, v0;
	v18 =	vadd.f32 v19, v18  }
0x401: {  	v15 =	vand.u32 $0x3F, v15;
	v14 =	vmul.bf16 v17, v14;
	v19 =	vunpack.i.l.bf16.f32 v13  }
0x402: {  	v12 =	vld.idx.msk [tilespmem:v12+s19+$0x0], $0xffff;
	v15 =	vor.u32 v8, v15;
	v17 =	vadd.f32 v19, v18  }
0x403: {  	s28 =	sadd.s32 $0x2, s26;
	v13 =	vunpack.i.u.bf16.f32 v13;
	v18 =	vld.idx.msk [tilespmem:v16+s17+$0x0], $0xffff;
	v11 =	vmul.bf16 v11, v14  }
0x404: {  	v14 =	vld.idx.msk [tilespmem:v16+s18+$0x0], $0xffff;
	v19 =	vadd.s32 s28, v0;
	v13 =	vadd.f32 v17, v13  }
0x405: {  	v20 =	vmul.bf16 v21, v20;
	v17 =	vand.u32 $0x3F, v19;
	v19 =	vunpack.i.l.bf16.f32 v11  }
0x406: {  	v16 =	vld.idx.msk [tilespmem:v16+s19+$0x0], $0xffff;
	v17 =	vor.u32 v8, v17;
	v13 =	vadd.f32 v19, v13  }
0x407: {  	s28 =	sadd.s32 $0x3, s26;
	v11 =	vunpack.i.u.bf16.f32 v11;
	v12 =	vmul.bf16 v12, v20;
	v19 =	vld.idx.msk [tilespmem:v15+s17+$0x0], $0xffff  }
0x408: {  	v21 =	vadd.s32 s28, v0;
	v20 =	vld.idx.msk [tilespmem:v15+s18+$0x0], $0xffff;
	v11 =	vadd.f32 v13, v11  }
0x409: {  	v14 =	vmul.bf16 v14, v18;
	v18 =	vunpack.i.l.bf16.f32 v12;
	v13 =	vand.u32 $0x3F, v21  }
0x40a: {  	v15 =	vld.idx.msk [tilespmem:v15+s19+$0x0], $0xffff;
	v13 =	vor.u32 v8, v13;
	v11 =	vadd.f32 v18, v11  }
0x40b: {  	s28 =	sadd.s32 $0x4, s26;
	v12 =	vunpack.i.u.bf16.f32 v12;
	v14 =	vmul.bf16 v16, v14;
	v18 =	vld.idx.msk [tilespmem:v17+s17+$0x0], $0xffff  }
0x40c: {  	v21 =	vadd.s32 s28, v0;
	v16 =	vld.idx.msk [tilespmem:v17+s18+$0x0], $0xffff;
	v11 =	vadd.f32 v11, v12  }
0x40d: {  	v19 =	vmul.bf16 v20, v19;
	v12 =	vand.u32 $0x3F, v21;
	v21 =	vunpack.i.l.bf16.f32 v14  }
0x40e: {  	v17 =	vld.idx.msk [tilespmem:v17+s19+$0x0], $0xffff;
	v12 =	vor.u32 v8, v12;
	v11 =	vadd.f32 v21, v11  }
0x40f: {  	s28 =	sadd.s32 $0x5, s26;
	v14 =	vunpack.i.u.bf16.f32 v14;
	v15 =	vmul.bf16 v15, v19;
	v20 =	vld.idx.msk [tilespmem:v13+s17+$0x0], $0xffff  }
0x410: {  	v19 =	vld.idx.msk [tilespmem:v13+s18+$0x0], $0xffff;
	v21 =	vadd.s32 s28, v0;
	v11 =	vadd.f32 v11, v14  }
0x411: {  	v16 =	vmul.bf16 v16, v18;
	v14 =	vand.u32 $0x3F, v21;
	v21 =	vunpack.i.l.bf16.f32 v15  }
0x412: {  	v13 =	vld.idx.msk [tilespmem:v13+s19+$0x0], $0xffff;
	v14 =	vor.u32 v8, v14;
	v11 =	vadd.f32 v21, v11  }
0x413: {  	s28 =	sadd.s32 $0x6, s26;
	v15 =	vunpack.i.u.bf16.f32 v15;
	v16 =	vmul.bf16 v17, v16;
	v18 =	vld.idx.msk [tilespmem:v12+s17+$0x0], $0xffff  }
0x414: {  	v17 =	vld.idx.msk [tilespmem:v12+s18+$0x0], $0xffff;
	v21 =	vadd.s32 s28, v0;
	v11 =	vadd.f32 v11, v15  }
0x415: {  	v19 =	vmul.bf16 v19, v20;
	v15 =	vand.u32 $0x3F, v21;
	v21 =	vunpack.i.l.bf16.f32 v16  }
0x416: {  	v12 =	vld.idx.msk [tilespmem:v12+s19+$0x0], $0xffff;
	v15 =	vor.u32 v8, v15;
	v11 =	vadd.f32 v21, v11  }
0x417: {  	s29 =	sadd.s32 $0x7, s26;
	v16 =	vunpack.i.u.bf16.f32 v16;
	v13 =	vmul.bf16 v13, v19;
	v20 =	vld.idx.msk [tilespmem:v14+s17+$0x0], $0xffff  }
0x418: {  	v19 =	vld.idx.msk [tilespmem:v14+s18+$0x0], $0xffff;
	v21 =	vadd.s32 s29, v0;
	v11 =	vadd.f32 v11, v16  }
0x419: {  	v17 =	vmul.bf16 v17, v18;
	v16 =	vand.u32 $0x3F, v21;
	v21 =	vunpack.i.l.bf16.f32 v13  }
0x41a: {  	v14 =	vld.idx.msk [tilespmem:v14+s19+$0x0], $0xffff;
	v16 =	vor.u32 v8, v16;
	v11 =	vadd.f32 v21, v11  }
0x41b: {  	v13 =	vunpack.i.u.bf16.f32 v13;
	v12 =	vmul.bf16 v12, v17;
	v18 =	vld.idx.msk [tilespmem:v15+s17+$0x0], $0xffff  }
0x41c: {  	v17 =	vld.idx.msk [tilespmem:v15+s18+$0x0], $0xffff;
	v11 =	vadd.f32 v11, v13  }
0x41d: {  	v19 =	vmul.bf16 v19, v20;
	v13 =	vunpack.i.l.bf16.f32 v12  }
0x41e: {  	v15 =	vld.idx.msk [tilespmem:v15+s19+$0x0], $0xffff;
	v11 =	vadd.f32 v13, v11  }
0x41f: {  	v12 =	vunpack.i.u.bf16.f32 v12;
	v14 =	vmul.bf16 v14, v19;
	v13 =	vld.idx.msk [tilespmem:v16+s17+$0x0], $0xffff  }
0x420: {  	v19 =	vld.idx.msk [tilespmem:v16+s18+$0x0], $0xffff;
	v11 =	vadd.f32 v11, v12  }
0x421: {  	v17 =	vmul.bf16 v17, v18;
	v12 =	vunpack.i.l.bf16.f32 v14  }
0x422: {  	v16 =	vld.idx.msk [tilespmem:v16+s19+$0x0], $0xffff;
	v11 =	vadd.f32 v12, v11  }
0x423: {  	v12 =	vunpack.i.u.bf16.f32 v14;
	v14 =	vmul.bf16 v15, v17  }
0x424: {  	v11 =	vadd.f32 v11, v12  }
0x425: {  	v13 =	vmul.bf16 v19, v13;
	v12 =	vunpack.i.l.bf16.f32 v14  }
0x426: {  	v11 =	vadd.f32 v12, v11  }
0x427: {  	s30 =	simm.s32 $0x0;
	v13 =	vmul.bf16 v16, v13;
	v12 =	vunpack.i.u.bf16.f32 v14  }
0x428: {  	v11 =	vadd.f32 v11, v12;
	v12 =	vadd.s32 s30, v0  }
0x429: {  	v14 =	vunpack.i.l.bf16.f32 v13;
	v12 =	vand.u32 $0x38, v12  }
0x42a: {  	v11 =	vadd.f32 v14, v11;
	v12 =	vor.u32 v9, v12  }
0x42b: {  	s31 =	simm.s32 $0x1;
	v13 =	vunpack.i.u.bf16.f32 v13  }
0x42c: {  	v11 =	vadd.f32 v11, v13;
	v13 =	vadd.s32 s31, v0  }
0x42d: {  	v13 =	vand.u32 $0x3F, v13  }
0x42e: {  	[tilespmem:s25+$0xEDB0] =	vst v11;
	v11 =	vor.u32 v10, v13  }
0x42f: {  	s29 =	simm.s32 $0x2;
	v13 =	vld.idx.msk [tilespmem:v12+s17+$0x0], $0xffff  }
0x430: {  	v15 =	vadd.s32 s29, v0;
	v14 =	vld.idx.msk [tilespmem:v12+s18+$0x0], $0xffff  }
0x431: {  	v15 =	vand.u32 $0x3F, v15  }
0x432: {  	v15 =	vor.u32 v10, v15;
	v12 =	vld.idx.msk [tilespmem:v12+s19+$0x0], $0xffff  }
0x433: {  	s30 =	simm.s32 $0x3;
	v16 =	vld.idx.msk [tilespmem:v11+s17+$0x0], $0xffff  }
0x434: {  	v18 =	vadd.s32 s30, v0;
	v17 =	vld.idx.msk [tilespmem:v11+s18+$0x0], $0xffff  }
0x435: {  	v18 =	vand.u32 $0x3F, v18;
	v13 =	vmul.bf16 v14, v13  }
0x436: {  	v11 =	vld.idx.msk [tilespmem:v11+s19+$0x0], $0xffff;
	v14 =	vor.u32 v10, v18  }
0x437: {  	s31 =	simm.s32 $0x4;
	v19 =	vld.idx.msk [tilespmem:v15+s18+$0x0], $0xffff;
	v12 =	vmul.bf16 v12, v13  }
0x438: {  	v20 =	vadd.s32 s31, v0;
	v18 =	vld.idx.msk [tilespmem:v15+s17+$0x0], $0xffff  }
0x439: {  	v13 =	vimm.f32 $0.0e+00;
	v21 =	vunpack.i.l.bf16.f32 v12;
	v16 =	vmul.bf16 v17, v16  }
0x43a: {  	v15 =	vld.idx.msk [tilespmem:v15+s19+$0x0], $0xffff;
	v17 =	vand.u32 $0x3F, v20;
	v13 =	vadd.f32 v21, v13  }
0x43b: {  	v12 =	vunpack.i.u.bf16.f32 v12;
	v17 =	vor.u32 v10, v17;
	v20 =	vld.idx.msk [tilespmem:v14+s17+$0x0], $0xffff;
	v11 =	vmul.bf16 v11, v16  }
0x43c: {  	s29 =	simm.s32 $0x5;
	v16 =	vld.idx.msk [tilespmem:v14+s18+$0x0], $0xffff;
	v12 =	vadd.f32 v13, v12  }
0x43d: {  	v18 =	vmul.bf16 v19, v18;
	v13 =	vadd.s32 s29, v0;
	v21 =	vunpack.i.l.bf16.f32 v11  }
0x43e: {  	v14 =	vld.idx.msk [tilespmem:v14+s19+$0x0], $0xffff;
	v13 =	vand.u32 $0x3F, v13;
	v12 =	vadd.f32 v21, v12  }
0x43f: {  	s30 =	simm.s32 $0x6;
	v11 =	vunpack.i.u.bf16.f32 v11;
	v19 =	vor.u32 v10, v13;
	v13 =	vmul.bf16 v15, v18  }
0x440: {  	v18 =	vadd.s32 s30, v0;
	v15 =	vld.idx.msk [tilespmem:v17+s17+$0x0], $0xffff;
	v12 =	vadd.f32 v12, v11  }
0x441: {  	v21 =	vld.idx.msk [tilespmem:v17+s18+$0x0], $0xffff;
	v11 =	vand.u32 $0x3F, v18;
	v18 =	vunpack.i.l.bf16.f32 v13;
	v16 =	vmul.bf16 v16, v20  }
0x442: {  	v12 =	vadd.f32 v18, v12  }
0x443: {  	s31 =	simm.s32 $0x7;
	v17 =	vld.idx.msk [tilespmem:v17+s19+$0x0], $0xffff;
	v11 =	vor.u32 v10, v11;
	v18 =	vunpack.i.u.bf16.f32 v13;
	v20 =	vmul.bf16 v14, v16  }
0x444: {  	v14 =	vadd.s32 s31, v0;
	v13 =	vld.idx.msk [tilespmem:v19+s17+$0x0], $0xffff;
	v12 =	vadd.f32 v12, v18  }
0x445: {  	v16 =	vld.idx.msk [tilespmem:v19+s18+$0x0], $0xffff;
	v14 =	vand.u32 $0x3F, v14;
	v18 =	vunpack.i.l.bf16.f32 v20  }
0x446: {  	v21 =	vmul.bf16 v21, v15;
	v15 =	vld.idx.msk [tilespmem:v19+s19+$0x0], $0xffff;
	v19 =	vadd.f32 v18, v12;
	v12 =	vor.u32 v10, v14  }
0x447: {  	s26 =	simm.s32 $0x8  }
0x448: {  	v22 =	vadd.s32 s26, v0;
	v23 =	vunpack.i.u.bf16.f32 v20;
	v14 =	vld.idx.msk [tilespmem:v11+s17+$0x0], $0xffff;
	v18 =	vmul.bf16 v17, v21  }
0x449: {  	s28 =	simm.s32 $0x10;
	v20 =	vand.u32 $0x38, v22;
	v17 =	vld.idx.msk [tilespmem:v11+s18+$0x0], $0xffff;
	v19 =	vadd.f32 v19, v23  }
.LBB2_21:
0x44a: {  	p0 =	slt.u32 s28, $0x38;
	v20 =	vor.u32 v9, v20;
	v21 =	vunpack.i.l.bf16.f32 v18;
	v13 =	vmul.bf16 v16, v13;
	v11 =	vld.idx.msk [tilespmem:v11+s19+$0x0], $0xffff  }
0x44b: {  	s29 =	sadd.s32 $0x1, s26;
	v16 =	vadd.f32 v21, v19;
	v19 =	vld.idx.msk [tilespmem:v12+s17+$0x0], $0xffff  }
0x44c: {  	v18 =	vunpack.i.u.bf16.f32 v18;
	v21 =	vadd.s32 s29, v0;
	v13 =	vmul.bf16 v15, v13;
	v15 =	vld.idx.msk [tilespmem:v12+s18+$0x0], $0xffff  }
0x44d: {  	v21 =	vand.u32 $0x3F, v21;
	v16 =	vadd.f32 v16, v18  }
0x44e: {  	v18 =	vor.u32 v10, v21;
	v14 =	vmul.bf16 v17, v14;
	v21 =	vunpack.i.l.bf16.f32 v13;
	v12 =	vld.idx.msk [tilespmem:v12+s19+$0x0], $0xffff  }
0x44f: {  	s29 =	sadd.s32 $0x2, s26;
	v17 =	vld.idx.msk [tilespmem:v20+s17+$0x0], $0xffff;
	v16 =	vadd.f32 v21, v16  }
0x450: {  	v22 =	vadd.s32 s29, v0;
	v13 =	vunpack.i.u.bf16.f32 v13;
	v11 =	vmul.bf16 v11, v14;
	v21 =	vld.idx.msk [tilespmem:v20+s18+$0x0], $0xffff  }
0x451: {  	v14 =	vand.u32 $0x3F, v22;
	v13 =	vadd.f32 v16, v13  }
0x452: {  	v14 =	vor.u32 v10, v14;
	v15 =	vmul.bf16 v15, v19;
	v16 =	vld.idx.msk [tilespmem:v20+s19+$0x0], $0xffff;
	v20 =	vunpack.i.l.bf16.f32 v11  }
0x453: {  	s29 =	sadd.s32 $0x3, s26;
	v19 =	vld.idx.msk [tilespmem:v18+s17+$0x0], $0xffff;
	v13 =	vadd.f32 v20, v13  }
0x454: {  	v22 =	vadd.s32 s29, v0;
	v11 =	vunpack.i.u.bf16.f32 v11;
	v12 =	vmul.bf16 v12, v15;
	v20 =	vld.idx.msk [tilespmem:v18+s18+$0x0], $0xffff  }
0x455: {  	v15 =	vand.u32 $0x3F, v22;
	v11 =	vadd.f32 v13, v11  }
0x456: {  	v15 =	vor.u32 v10, v15;
	v13 =	vmul.bf16 v21, v17;
	v17 =	vld.idx.msk [tilespmem:v18+s19+$0x0], $0xffff;
	v18 =	vunpack.i.l.bf16.f32 v12  }
0x457: {  	s29 =	sadd.s32 $0x4, s26;
	v21 =	vld.idx.msk [tilespmem:v14+s17+$0x0], $0xffff;
	v11 =	vadd.f32 v18, v11  }
0x458: {  	v12 =	vunpack.i.u.bf16.f32 v12;
	v13 =	vmul.bf16 v16, v13;
	v18 =	vadd.s32 s29, v0;
	v16 =	vld.idx.msk [tilespmem:v14+s18+$0x0], $0xffff  }
0x459: {  	v18 =	vand.u32 $0x3F, v18;
	v11 =	vadd.f32 v11, v12  }
0x45a: {  	v12 =	vunpack.i.l.bf16.f32 v13;
	v19 =	vmul.bf16 v20, v19;
	v18 =	vor.u32 v10, v18;
	v14 =	vld.idx.msk [tilespmem:v14+s19+$0x0], $0xffff  }
0x45b: {  	s29 =	sadd.s32 $0x5, s26;
	v11 =	vadd.f32 v12, v11;
	v12 =	vld.idx.msk [tilespmem:v15+s17+$0x0], $0xffff  }
0x45c: {  	v13 =	vunpack.i.u.bf16.f32 v13;
	v20 =	vadd.s32 s29, v0;
	v17 =	vmul.bf16 v17, v19;
	v19 =	vld.idx.msk [tilespmem:v15+s18+$0x0], $0xffff  }
0x45d: {  	v11 =	vadd.f32 v11, v13;
	v13 =	vand.u32 $0x3F, v20  }
0x45e: {  	v20 =	vunpack.i.l.bf16.f32 v17;
	v16 =	vmul.bf16 v16, v21;
	v15 =	vld.idx.msk [tilespmem:v15+s19+$0x0], $0xffff;
	v21 =	vor.u32 v10, v13  }
0x45f: {  	s29 =	sadd.s32 $0x6, s26;
	v11 =	vadd.f32 v20, v11;
	v20 =	vld.idx.msk [tilespmem:v18+s17+$0x0], $0xffff  }
0x460: {  	v13 =	vunpack.i.u.bf16.f32 v17;
	v14 =	vmul.bf16 v14, v16;
	v16 =	vadd.s32 s29, v0;
	v17 =	vld.idx.msk [tilespmem:v18+s18+$0x0], $0xffff  }
0x461: {  	v13 =	vadd.f32 v11, v13;
	v11 =	vand.u32 $0x3F, v16  }
0x462: {  	v16 =	vunpack.i.l.bf16.f32 v14;
	v12 =	vmul.bf16 v19, v12;
	v18 =	vld.idx.msk [tilespmem:v18+s19+$0x0], $0xffff;
	v11 =	vor.u32 v10, v11  }
0x463: {  	s29 =	sadd.s32 $0x7, s26;
	s26 =	smov.u32 s28;
	v19 =	vadd.f32 v16, v13;
	v13 =	vld.idx.msk [tilespmem:v21+s17+$0x0], $0xffff  }
0x464: {  	v14 =	vunpack.i.u.bf16.f32 v14;
	v22 =	vmul.bf16 v15, v12;
	v12 =	vadd.s32 s29, v0;
	v16 =	vld.idx.msk [tilespmem:v21+s18+$0x0], $0xffff  }
.Ltmp9:
0x465: {  	v12 =	vand.u32 $0x3F, v12;
	v14 =	vadd.f32 v19, v14;
	(pc) =	sbr.rel @p0 .LBB2_21-.Ltmp9, $4  }
0x466: {  	v19 =	vunpack.i.l.bf16.f32 v22;
	v17 =	vmul.bf16 v17, v20;
	v12 =	vor.u32 v10, v12;
	v15 =	vld.idx.msk [tilespmem:v21+s19+$0x0], $0xffff  }
0x467: {  	v19 =	vadd.f32 v19, v14;
	v14 =	vld.idx.msk [tilespmem:v11+s17+$0x0], $0xffff  }
0x468: {  	v20 =	vadd.s32 s28, v0;
	v21 =	vunpack.i.u.bf16.f32 v22;
	v18 =	vmul.bf16 v18, v17;
	v17 =	vld.idx.msk [tilespmem:v11+s18+$0x0], $0xffff  }
0x469: {  	s28 =	sadd.s32 $0x8, s28;
	v20 =	vand.u32 $0x38, v20;
	v19 =	vadd.f32 v19, v21  }
0x46a: {  	_ =	sdelay $0x2  }
0x46b: {  	v21 =	vunpack.i.l.bf16.f32 v18;
	v13 =	vmul.bf16 v16, v13  }
0x46c: {  	v54 =	vor.u32 v9, v20;
	v11 =	vld.idx.msk [tilespmem:v11+s19+$0x0], $0xffff;
	v19 =	vadd.f32 v21, v19  }
0x46d: {  	s28 =	sadd.s32 $0x1, s26;
	v55 =	vld.idx.msk [tilespmem:v12+s17+$0x0], $0xffff;
	v56 =	vunpack.i.u.bf16.f32 v18;
	v13 =	vmul.bf16 v15, v13  }
0x46e: {  	v58 =	vld.idx.msk [tilespmem:v12+s18+$0x0], $0xffff;
	v57 =	vadd.s32 s28, v0;
	v18 =	vadd.f32 v19, v56  }
0x46f: {  	v15 =	vand.u32 $0x3F, v57;
	v14 =	vmul.bf16 v17, v14;
	v59 =	vunpack.i.l.bf16.f32 v13  }
0x470: {  	v60 =	vld.idx.msk [tilespmem:v12+s19+$0x0], $0xffff;
	v15 =	vor.u32 v10, v15;
	v61 =	vadd.f32 v59, v18  }
0x471: {  	s29 =	sadd.s32 $0x2, s26;
	v13 =	vunpack.i.u.bf16.f32 v13;
	v62 =	vld.idx.msk [tilespmem:v54+s17+$0x0], $0xffff;
	v11 =	vmul.bf16 v11, v14  }
0x472: {  	v24 =	vadd.s32 s29, v0;
	v63 =	vld.idx.msk [tilespmem:v54+s18+$0x0], $0xffff;
	v13 =	vadd.f32 v61, v13  }
0x473: {  	v25 =	vand.u32 $0x3F, v24;
	v20 =	vmul.bf16 v58, v55;
	v26 =	vunpack.i.l.bf16.f32 v11  }
0x474: {  	v17 =	vor.u32 v10, v25;
	v16 =	vld.idx.msk [tilespmem:v54+s19+$0x0], $0xffff;
	v13 =	vadd.f32 v26, v13  }
0x475: {  	s30 =	sadd.s32 $0x3, s26;
	v11 =	vunpack.i.u.bf16.f32 v11;
	v12 =	vmul.bf16 v60, v20;
	v27 =	vld.idx.msk [tilespmem:v15+s17+$0x0], $0xffff  }
0x476: {  	v29 =	vadd.s32 s30, v0;
	v28 =	vld.idx.msk [tilespmem:v15+s18+$0x0], $0xffff;
	v11 =	vadd.f32 v13, v11  }
0x477: {  	v30 =	vand.u32 $0x3F, v29;
	v31 =	vunpack.i.l.bf16.f32 v12;
	v14 =	vmul.bf16 v63, v62  }
0x478: {  	v15 =	vld.idx.msk [tilespmem:v15+s19+$0x0], $0xffff;
	v13 =	vor.u32 v10, v30;
	v11 =	vadd.f32 v31, v11  }
0x479: {  	s31 =	sadd.s32 $0x4, s26;
	v32 =	vld.idx.msk [tilespmem:v17+s17+$0x0], $0xffff;
	v12 =	vunpack.i.u.bf16.f32 v12;
	v14 =	vmul.bf16 v16, v14  }
0x47a: {  	v34 =	vadd.s32 s31, v0;
	v33 =	vld.idx.msk [tilespmem:v17+s18+$0x0], $0xffff;
	v11 =	vadd.f32 v11, v12  }
0x47b: {  	v35 =	vand.u32 $0x3F, v34;
	v19 =	vmul.bf16 v28, v27;
	v36 =	vunpack.i.l.bf16.f32 v14  }
0x47c: {  	v17 =	vld.idx.msk [tilespmem:v17+s19+$0x0], $0xffff;
	v12 =	vor.u32 v10, v35;
	v11 =	vadd.f32 v36, v11  }
0x47d: {  	s29 =	sadd.s32 $0x5, s26;
	v14 =	vunpack.i.u.bf16.f32 v14;
	v15 =	vmul.bf16 v15, v19;
	v37 =	vld.idx.msk [tilespmem:v13+s17+$0x0], $0xffff  }
0x47e: {  	v39 =	vadd.s32 s29, v0;
	v38 =	vld.idx.msk [tilespmem:v13+s18+$0x0], $0xffff;
	v11 =	vadd.f32 v11, v14  }
0x47f: {  	v40 =	vand.u32 $0x3F, v39;
	v16 =	vmul.bf16 v33, v32;
	v41 =	vunpack.i.l.bf16.f32 v15  }
0x480: {  	v13 =	vld.idx.msk [tilespmem:v13+s19+$0x0], $0xffff;
	v14 =	vor.u32 v10, v40;
	v11 =	vadd.f32 v41, v11  }
0x481: {  	s30 =	sadd.s32 $0x6, s26;
	v16 =	vmul.bf16 v17, v16;
	v15 =	vunpack.i.u.bf16.f32 v15;
	v42 =	vld.idx.msk [tilespmem:v12+s17+$0x0], $0xffff  }
0x482: {  	v44 =	vadd.s32 s30, v0;
	v43 =	vld.idx.msk [tilespmem:v12+s18+$0x0], $0xffff;
	v11 =	vadd.f32 v11, v15  }
0x483: {  	v45 =	vand.u32 $0x3F, v44;
	v46 =	vunpack.i.l.bf16.f32 v16;
	v19 =	vmul.bf16 v38, v37  }
0x484: {  	v12 =	vld.idx.msk [tilespmem:v12+s19+$0x0], $0xffff;
	v15 =	vor.u32 v10, v45;
	v11 =	vadd.f32 v46, v11  }
0x485: {  	s31 =	sadd.s32 $0x7, s26;
	v16 =	vunpack.i.u.bf16.f32 v16;
	v13 =	vmul.bf16 v13, v19;
	v47 =	vld.idx.msk [tilespmem:v14+s17+$0x0], $0xffff  }
0x486: {  	v49 =	vadd.s32 s31, v0;
	v48 =	vld.idx.msk [tilespmem:v14+s18+$0x0], $0xffff;
	v11 =	vadd.f32 v11, v16  }
0x487: {  	v50 =	vand.u32 $0x3F, v49;
	v51 =	vunpack.i.l.bf16.f32 v13;
	v17 =	vmul.bf16 v43, v42  }
0x488: {  	v14 =	vld.idx.msk [tilespmem:v14+s19+$0x0], $0xffff;
	v16 =	vor.u32 v10, v50;
	v11 =	vadd.f32 v51, v11  }
0x489: {  	v13 =	vunpack.i.u.bf16.f32 v13;
	v12 =	vmul.bf16 v12, v17;
	v52 =	vld.idx.msk [tilespmem:v15+s17+$0x0], $0xffff  }
0x48a: {  	v53 =	vld.idx.msk [tilespmem:v15+s18+$0x0], $0xffff;
	v11 =	vadd.f32 v11, v13  }
0x48b: {  	v54 =	vunpack.i.l.bf16.f32 v12;
	v19 =	vmul.bf16 v48, v47  }
0x48c: {  	v15 =	vld.idx.msk [tilespmem:v15+s19+$0x0], $0xffff;
	v11 =	vadd.f32 v54, v11  }
0x48d: {  	v12 =	vunpack.i.u.bf16.f32 v12;
	v14 =	vmul.bf16 v14, v19;
	v55 =	vld.idx.msk [tilespmem:v16+s17+$0x0], $0xffff  }
0x48e: {  	v56 =	vld.idx.msk [tilespmem:v16+s18+$0x0], $0xffff;
	v11 =	vadd.f32 v11, v12  }
0x48f: {  	v57 =	vunpack.i.l.bf16.f32 v14;
	v17 =	vmul.bf16 v53, v52  }
0x490: {  	v16 =	vld.idx.msk [tilespmem:v16+s19+$0x0], $0xffff;
	v11 =	vadd.f32 v57, v11  }
0x491: {  	v58 =	vunpack.i.u.bf16.f32 v14;
	v59 =	vmul.bf16 v15, v17  }
0x492: {  	v11 =	vadd.f32 v11, v58  }
0x493: {  	v60 =	vunpack.i.l.bf16.f32 v59;
	v13 =	vmul.bf16 v56, v55  }
0x494: {  	v11 =	vadd.f32 v60, v11  }
0x495: {  	v61 =	vunpack.i.u.bf16.f32 v59;
	v13 =	vmul.bf16 v16, v13  }
0x496: {  	s24 =	sadd.s32 $0x1, s24;
	v11 =	vadd.f32 v11, v61  }
0x497: {  	p0 =	sne.s32 s24, $0x3E;
	v62 =	vunpack.i.l.bf16.f32 v13  }
.Ltmp10:
0x498: {  	v11 =	vadd.f32 v62, v11;
	(pc) =	sbr.rel @p0 .LBB2_2-.Ltmp10, $3  }
0x499: {  	v63 =	vunpack.i.u.bf16.f32 v13  }
0x49a: {  	v11 =	vadd.f32 v11, v63;
	_ =	sdelay $0x1  }
0x49b: {  	[tilespmem:s25+$0xEDC0] =	vst v11  }
0x49c: {  	_ =	swait.ge [sflag:s20], $0x1400  }
0x49d: {  	s24 =	simm.s32 $0x0;
	[sflag:s20] =	ssyncset.done $0x0  }
0x49e: {  	v11 =	vadd.s32 s24, v0;
	[sflag:s20] =	ssyncadd.s32 $0xFFFFEC00  }
0x49f: {  	v11 =	vand.u32 $0x38, v11;
	_ =	swait.ge [sflag:s20], $0x1400  }
0x4a0: {  	v11 =	vor.u32 v2, v11;
	[sflag:s20] =	ssyncset.done $0x0  }
0x4a1: {  	s31 =	simm.s32 $0x1;
	[sflag:s20] =	ssyncadd.s32 $0xFFFFEC00  }
0x4a2: {  	v12 =	vadd.s32 s31, v0;
	_ =	swait.ge [sflag:s20], $0x1400  }
0x4a3: {  	v12 =	vand.u32 $0x3F, v12;
	[sflag:s20] =	ssyncset.done $0x0  }
0x4a4: {  	v12 =	vor.u32 v1, v12;
	[sflag:s20] =	ssyncadd.s32 $0xFFFFEC00  }
0x4a5: {  	s25 =	simm.s32 $0x2;
	v13 =	vld.idx.msk [tilespmem:v11+s14+$0x0], $0xffff  }
0x4a6: {  	v15 =	vadd.s32 s25, v0;
	v14 =	vld.idx.msk [tilespmem:v11+s15+$0x0], $0xffff  }
0x4a7: {  	v15 =	vand.u32 $0x3F, v15  }
0x4a8: {  	v15 =	vor.u32 v1, v15;
	v11 =	vld.idx.msk [tilespmem:v11+s16+$0x0], $0xffff  }
0x4a9: {  	s26 =	simm.s32 $0x3;
	v16 =	vld.idx.msk [tilespmem:v12+s14+$0x0], $0xffff  }
0x4aa: {  	v18 =	vadd.s32 s26, v0;
	v17 =	vld.idx.msk [tilespmem:v12+s15+$0x0], $0xffff  }
0x4ab: {  	v18 =	vand.u32 $0x3F, v18;
	v13 =	vmul.bf16 v14, v13  }
0x4ac: {  	v12 =	vld.idx.msk [tilespmem:v12+s16+$0x0], $0xffff;
	v14 =	vor.u32 v1, v18  }
0x4ad: {  	s28 =	simm.s32 $0x4;
	v19 =	vld.idx.msk [tilespmem:v15+s15+$0x0], $0xffff;
	v11 =	vmul.bf16 v11, v13  }
0x4ae: {  	v20 =	vadd.s32 s28, v0;
	v18 =	vld.idx.msk [tilespmem:v15+s14+$0x0], $0xffff  }
0x4af: {  	v16 =	vmul.bf16 v17, v16;
	v13 =	vimm.f32 $0.0e+00;
	v21 =	vunpack.i.l.bf16.f32 v11  }
0x4b0: {  	v17 =	vand.u32 $0x3F, v20;
	v15 =	vld.idx.msk [tilespmem:v15+s16+$0x0], $0xffff;
	v13 =	vadd.f32 v21, v13  }
0x4b1: {  	v17 =	vor.u32 v1, v17;
	v12 =	vmul.bf16 v12, v16;
	v11 =	vunpack.i.u.bf16.f32 v11;
	v20 =	vld.idx.msk [tilespmem:v14+s14+$0x0], $0xffff  }
0x4b2: {  	s29 =	simm.s32 $0x5;
	v16 =	vld.idx.msk [tilespmem:v14+s15+$0x0], $0xffff;
	v11 =	vadd.f32 v13, v11  }
0x4b3: {  	v21 =	vunpack.i.l.bf16.f32 v12;
	v18 =	vmul.bf16 v19, v18;
	v13 =	vadd.s32 s29, v0  }
0x4b4: {  	v14 =	vld.idx.msk [tilespmem:v14+s16+$0x0], $0xffff;
	v13 =	vand.u32 $0x3F, v13;
	v11 =	vadd.f32 v21, v11  }
0x4b5: {  	s30 =	simm.s32 $0x6;
	v12 =	vunpack.i.u.bf16.f32 v12;
	v19 =	vor.u32 v1, v13;
	v13 =	vmul.bf16 v15, v18  }
0x4b6: {  	v15 =	vld.idx.msk [tilespmem:v17+s14+$0x0], $0xffff;
	v18 =	vadd.s32 s30, v0;
	v12 =	vadd.f32 v11, v12  }
0x4b7: {  	v21 =	vld.idx.msk [tilespmem:v17+s15+$0x0], $0xffff;
	v16 =	vmul.bf16 v16, v20;
	v11 =	vand.u32 $0x3F, v18;
	v18 =	vunpack.i.l.bf16.f32 v13  }
0x4b8: {  	v12 =	vadd.f32 v18, v12  }
0x4b9: {  	s31 =	simm.s32 $0x7;
	v17 =	vld.idx.msk [tilespmem:v17+s16+$0x0], $0xffff;
	v11 =	vor.u32 v1, v11;
	v20 =	vmul.bf16 v14, v16;
	v18 =	vunpack.i.u.bf16.f32 v13  }
0x4ba: {  	v14 =	vadd.s32 s31, v0;
	v13 =	vld.idx.msk [tilespmem:v19+s14+$0x0], $0xffff;
	v12 =	vadd.f32 v12, v18  }
0x4bb: {  	v14 =	vand.u32 $0x3F, v14;
	v16 =	vld.idx.msk [tilespmem:v19+s15+$0x0], $0xffff;
	v18 =	vunpack.i.l.bf16.f32 v20  }
0x4bc: {  	v21 =	vmul.bf16 v21, v15;
	v15 =	vld.idx.msk [tilespmem:v19+s16+$0x0], $0xffff;
	v19 =	vadd.f32 v18, v12;
	v12 =	vor.u32 v1, v14  }
0x4bd: {  	s24 =	simm.s32 $0x8  }
0x4be: {  	v22 =	vadd.s32 s24, v0;
	v23 =	vunpack.i.u.bf16.f32 v20;
	v14 =	vld.idx.msk [tilespmem:v11+s14+$0x0], $0xffff;
	v18 =	vmul.bf16 v17, v21  }
0x4bf: {  	s25 =	simm.s32 $0x10;
	v20 =	vand.u32 $0x38, v22;
	v17 =	vld.idx.msk [tilespmem:v11+s15+$0x0], $0xffff;
	v19 =	vadd.f32 v19, v23  }
.LBB2_24:
0x4c0: {  	p0 =	slt.u32 s25, $0x38;
	v20 =	vor.u32 v2, v20;
	v21 =	vunpack.i.l.bf16.f32 v18;
	v13 =	vmul.bf16 v16, v13;
	v11 =	vld.idx.msk [tilespmem:v11+s16+$0x0], $0xffff  }
0x4c1: {  	s26 =	sadd.s32 $0x1, s24;
	v16 =	vadd.f32 v21, v19;
	v19 =	vld.idx.msk [tilespmem:v12+s14+$0x0], $0xffff  }
0x4c2: {  	v18 =	vunpack.i.u.bf16.f32 v18;
	v21 =	vadd.s32 s26, v0;
	v13 =	vmul.bf16 v15, v13;
	v15 =	vld.idx.msk [tilespmem:v12+s15+$0x0], $0xffff  }
0x4c3: {  	v21 =	vand.u32 $0x3F, v21;
	v16 =	vadd.f32 v16, v18  }
0x4c4: {  	v18 =	vor.u32 v1, v21;
	v14 =	vmul.bf16 v17, v14;
	v21 =	vunpack.i.l.bf16.f32 v13;
	v12 =	vld.idx.msk [tilespmem:v12+s16+$0x0], $0xffff  }
0x4c5: {  	s26 =	sadd.s32 $0x2, s24;
	v17 =	vld.idx.msk [tilespmem:v20+s14+$0x0], $0xffff;
	v16 =	vadd.f32 v21, v16  }
0x4c6: {  	v22 =	vadd.s32 s26, v0;
	v13 =	vunpack.i.u.bf16.f32 v13;
	v11 =	vmul.bf16 v11, v14;
	v21 =	vld.idx.msk [tilespmem:v20+s15+$0x0], $0xffff  }
0x4c7: {  	v14 =	vand.u32 $0x3F, v22;
	v13 =	vadd.f32 v16, v13  }
0x4c8: {  	v14 =	vor.u32 v1, v14;
	v15 =	vmul.bf16 v15, v19;
	v16 =	vld.idx.msk [tilespmem:v20+s16+$0x0], $0xffff;
	v20 =	vunpack.i.l.bf16.f32 v11  }
0x4c9: {  	s26 =	sadd.s32 $0x3, s24;
	v19 =	vld.idx.msk [tilespmem:v18+s14+$0x0], $0xffff;
	v13 =	vadd.f32 v20, v13  }
0x4ca: {  	v22 =	vadd.s32 s26, v0;
	v11 =	vunpack.i.u.bf16.f32 v11;
	v12 =	vmul.bf16 v12, v15;
	v20 =	vld.idx.msk [tilespmem:v18+s15+$0x0], $0xffff  }
0x4cb: {  	v15 =	vand.u32 $0x3F, v22;
	v11 =	vadd.f32 v13, v11  }
0x4cc: {  	v15 =	vor.u32 v1, v15;
	v13 =	vmul.bf16 v21, v17;
	v17 =	vld.idx.msk [tilespmem:v18+s16+$0x0], $0xffff;
	v18 =	vunpack.i.l.bf16.f32 v12  }
0x4cd: {  	s26 =	sadd.s32 $0x4, s24;
	v21 =	vld.idx.msk [tilespmem:v14+s14+$0x0], $0xffff;
	v11 =	vadd.f32 v18, v11  }
0x4ce: {  	v12 =	vunpack.i.u.bf16.f32 v12;
	v13 =	vmul.bf16 v16, v13;
	v18 =	vadd.s32 s26, v0;
	v16 =	vld.idx.msk [tilespmem:v14+s15+$0x0], $0xffff  }
0x4cf: {  	v18 =	vand.u32 $0x3F, v18;
	v11 =	vadd.f32 v11, v12  }
0x4d0: {  	v12 =	vunpack.i.l.bf16.f32 v13;
	v19 =	vmul.bf16 v20, v19;
	v18 =	vor.u32 v1, v18;
	v14 =	vld.idx.msk [tilespmem:v14+s16+$0x0], $0xffff  }
0x4d1: {  	s26 =	sadd.s32 $0x5, s24;
	v11 =	vadd.f32 v12, v11;
	v12 =	vld.idx.msk [tilespmem:v15+s14+$0x0], $0xffff  }
0x4d2: {  	v13 =	vunpack.i.u.bf16.f32 v13;
	v20 =	vadd.s32 s26, v0;
	v17 =	vmul.bf16 v17, v19;
	v19 =	vld.idx.msk [tilespmem:v15+s15+$0x0], $0xffff  }
0x4d3: {  	v11 =	vadd.f32 v11, v13;
	v13 =	vand.u32 $0x3F, v20  }
0x4d4: {  	v20 =	vunpack.i.l.bf16.f32 v17;
	v16 =	vmul.bf16 v16, v21;
	v15 =	vld.idx.msk [tilespmem:v15+s16+$0x0], $0xffff;
	v21 =	vor.u32 v1, v13  }
0x4d5: {  	s26 =	sadd.s32 $0x6, s24;
	v11 =	vadd.f32 v20, v11;
	v20 =	vld.idx.msk [tilespmem:v18+s14+$0x0], $0xffff  }
0x4d6: {  	v13 =	vunpack.i.u.bf16.f32 v17;
	v14 =	vmul.bf16 v14, v16;
	v16 =	vadd.s32 s26, v0;
	v17 =	vld.idx.msk [tilespmem:v18+s15+$0x0], $0xffff  }
0x4d7: {  	v13 =	vadd.f32 v11, v13;
	v11 =	vand.u32 $0x3F, v16  }
0x4d8: {  	v16 =	vunpack.i.l.bf16.f32 v14;
	v12 =	vmul.bf16 v19, v12;
	v18 =	vld.idx.msk [tilespmem:v18+s16+$0x0], $0xffff;
	v11 =	vor.u32 v1, v11  }
0x4d9: {  	s26 =	sadd.s32 $0x7, s24;
	s24 =	smov.u32 s25;
	v19 =	vadd.f32 v16, v13;
	v13 =	vld.idx.msk [tilespmem:v21+s14+$0x0], $0xffff  }
0x4da: {  	v14 =	vunpack.i.u.bf16.f32 v14;
	v22 =	vmul.bf16 v15, v12;
	v12 =	vadd.s32 s26, v0;
	v16 =	vld.idx.msk [tilespmem:v21+s15+$0x0], $0xffff  }
.Ltmp11:
0x4db: {  	v12 =	vand.u32 $0x3F, v12;
	v14 =	vadd.f32 v19, v14;
	(pc) =	sbr.rel @p0 .LBB2_24-.Ltmp11, $4  }
0x4dc: {  	v19 =	vunpack.i.l.bf16.f32 v22;
	v17 =	vmul.bf16 v17, v20;
	v12 =	vor.u32 v1, v12;
	v15 =	vld.idx.msk [tilespmem:v21+s16+$0x0], $0xffff  }
0x4dd: {  	v19 =	vadd.f32 v19, v14;
	v14 =	vld.idx.msk [tilespmem:v11+s14+$0x0], $0xffff  }
0x4de: {  	v20 =	vadd.s32 s25, v0;
	v21 =	vunpack.i.u.bf16.f32 v22;
	v18 =	vmul.bf16 v18, v17;
	v17 =	vld.idx.msk [tilespmem:v11+s15+$0x0], $0xffff  }
0x4df: {  	s25 =	sadd.s32 $0x8, s25;
	v20 =	vand.u32 $0x38, v20;
	v19 =	vadd.f32 v19, v21  }
0x4e0: {  	_ =	sdelay $0x2  }
0x4e1: {  	v21 =	vunpack.i.l.bf16.f32 v18;
	v13 =	vmul.bf16 v16, v13  }
0x4e2: {  	v16 =	vor.u32 v2, v20;
	v11 =	vld.idx.msk [tilespmem:v11+s16+$0x0], $0xffff;
	v19 =	vadd.f32 v21, v19  }
0x4e3: {  	s25 =	sadd.s32 $0x1, s24;
	v20 =	vld.idx.msk [tilespmem:v12+s14+$0x0], $0xffff;
	v18 =	vunpack.i.u.bf16.f32 v18;
	v13 =	vmul.bf16 v15, v13  }
0x4e4: {  	v21 =	vld.idx.msk [tilespmem:v12+s15+$0x0], $0xffff;
	v15 =	vadd.s32 s25, v0;
	v18 =	vadd.f32 v19, v18  }
0x4e5: {  	v15 =	vand.u32 $0x3F, v15;
	v14 =	vmul.bf16 v17, v14;
	v19 =	vunpack.i.l.bf16.f32 v13  }
0x4e6: {  	v12 =	vld.idx.msk [tilespmem:v12+s16+$0x0], $0xffff;
	v15 =	vor.u32 v1, v15;
	v17 =	vadd.f32 v19, v18  }
0x4e7: {  	s29 =	sadd.s32 $0x2, s24;
	v13 =	vunpack.i.u.bf16.f32 v13;
	v18 =	vld.idx.msk [tilespmem:v16+s14+$0x0], $0xffff;
	v11 =	vmul.bf16 v11, v14  }
0x4e8: {  	v14 =	vld.idx.msk [tilespmem:v16+s15+$0x0], $0xffff;
	v19 =	vadd.s32 s29, v0;
	v13 =	vadd.f32 v17, v13  }
0x4e9: {  	v20 =	vmul.bf16 v21, v20;
	v17 =	vand.u32 $0x3F, v19;
	v19 =	vunpack.i.l.bf16.f32 v11  }
0x4ea: {  	v16 =	vld.idx.msk [tilespmem:v16+s16+$0x0], $0xffff;
	v17 =	vor.u32 v1, v17;
	v13 =	vadd.f32 v19, v13  }
0x4eb: {  	s30 =	sadd.s32 $0x3, s24;
	v11 =	vunpack.i.u.bf16.f32 v11;
	v12 =	vmul.bf16 v12, v20;
	v19 =	vld.idx.msk [tilespmem:v15+s14+$0x0], $0xffff  }
0x4ec: {  	v21 =	vadd.s32 s30, v0;
	v20 =	vld.idx.msk [tilespmem:v15+s15+$0x0], $0xffff;
	v11 =	vadd.f32 v13, v11  }
0x4ed: {  	v14 =	vmul.bf16 v14, v18;
	v18 =	vunpack.i.l.bf16.f32 v12;
	v13 =	vand.u32 $0x3F, v21  }
0x4ee: {  	v15 =	vld.idx.msk [tilespmem:v15+s16+$0x0], $0xffff;
	v13 =	vor.u32 v1, v13;
	v11 =	vadd.f32 v18, v11  }
0x4ef: {  	s31 =	sadd.s32 $0x4, s24;
	v12 =	vunpack.i.u.bf16.f32 v12;
	v14 =	vmul.bf16 v16, v14;
	v18 =	vld.idx.msk [tilespmem:v17+s14+$0x0], $0xffff  }
0x4f0: {  	v21 =	vadd.s32 s31, v0;
	v16 =	vld.idx.msk [tilespmem:v17+s15+$0x0], $0xffff;
	v11 =	vadd.f32 v11, v12  }
0x4f1: {  	v19 =	vmul.bf16 v20, v19;
	v12 =	vand.u32 $0x3F, v21;
	v21 =	vunpack.i.l.bf16.f32 v14  }
0x4f2: {  	v17 =	vld.idx.msk [tilespmem:v17+s16+$0x0], $0xffff;
	v12 =	vor.u32 v1, v12;
	v11 =	vadd.f32 v21, v11  }
0x4f3: {  	s26 =	sadd.s32 $0x5, s24;
	v14 =	vunpack.i.u.bf16.f32 v14;
	v15 =	vmul.bf16 v15, v19;
	v20 =	vld.idx.msk [tilespmem:v13+s14+$0x0], $0xffff  }
0x4f4: {  	v19 =	vld.idx.msk [tilespmem:v13+s15+$0x0], $0xffff;
	v21 =	vadd.s32 s26, v0;
	v11 =	vadd.f32 v11, v14  }
0x4f5: {  	v16 =	vmul.bf16 v16, v18;
	v14 =	vand.u32 $0x3F, v21;
	v21 =	vunpack.i.l.bf16.f32 v15  }
0x4f6: {  	v13 =	vld.idx.msk [tilespmem:v13+s16+$0x0], $0xffff;
	v14 =	vor.u32 v1, v14;
	v11 =	vadd.f32 v21, v11  }
0x4f7: {  	s28 =	sadd.s32 $0x6, s24;
	v15 =	vunpack.i.u.bf16.f32 v15;
	v16 =	vmul.bf16 v17, v16;
	v18 =	vld.idx.msk [tilespmem:v12+s14+$0x0], $0xffff  }
0x4f8: {  	v17 =	vld.idx.msk [tilespmem:v12+s15+$0x0], $0xffff;
	v21 =	vadd.s32 s28, v0;
	v11 =	vadd.f32 v11, v15  }
0x4f9: {  	v19 =	vmul.bf16 v19, v20;
	v15 =	vand.u32 $0x3F, v21;
	v21 =	vunpack.i.l.bf16.f32 v16  }
0x4fa: {  	v12 =	vld.idx.msk [tilespmem:v12+s16+$0x0], $0xffff;
	v15 =	vor.u32 v1, v15;
	v11 =	vadd.f32 v21, v11  }
0x4fb: {  	s29 =	sadd.s32 $0x7, s24;
	v16 =	vunpack.i.u.bf16.f32 v16;
	v13 =	vmul.bf16 v13, v19;
	v20 =	vld.idx.msk [tilespmem:v14+s14+$0x0], $0xffff  }
0x4fc: {  	v19 =	vld.idx.msk [tilespmem:v14+s15+$0x0], $0xffff;
	v21 =	vadd.s32 s29, v0;
	v11 =	vadd.f32 v11, v16  }
0x4fd: {  	v17 =	vmul.bf16 v17, v18;
	v16 =	vand.u32 $0x3F, v21;
	v21 =	vunpack.i.l.bf16.f32 v13  }
0x4fe: {  	v14 =	vld.idx.msk [tilespmem:v14+s16+$0x0], $0xffff;
	v16 =	vor.u32 v1, v16;
	v11 =	vadd.f32 v21, v11  }
0x4ff: {  	v13 =	vunpack.i.u.bf16.f32 v13;
	v12 =	vmul.bf16 v12, v17;
	v18 =	vld.idx.msk [tilespmem:v15+s14+$0x0], $0xffff  }
0x500: {  	v17 =	vld.idx.msk [tilespmem:v15+s15+$0x0], $0xffff;
	v11 =	vadd.f32 v11, v13  }
0x501: {  	v19 =	vmul.bf16 v19, v20;
	v13 =	vunpack.i.l.bf16.f32 v12  }
0x502: {  	v15 =	vld.idx.msk [tilespmem:v15+s16+$0x0], $0xffff;
	v11 =	vadd.f32 v13, v11  }
0x503: {  	v12 =	vunpack.i.u.bf16.f32 v12;
	v14 =	vmul.bf16 v14, v19;
	v13 =	vld.idx.msk [tilespmem:v16+s14+$0x0], $0xffff  }
0x504: {  	v19 =	vld.idx.msk [tilespmem:v16+s15+$0x0], $0xffff;
	v11 =	vadd.f32 v11, v12  }
0x505: {  	v17 =	vmul.bf16 v17, v18;
	v12 =	vunpack.i.l.bf16.f32 v14  }
0x506: {  	v16 =	vld.idx.msk [tilespmem:v16+s16+$0x0], $0xffff;
	v11 =	vadd.f32 v12, v11  }
0x507: {  	v12 =	vunpack.i.u.bf16.f32 v14;
	v14 =	vmul.bf16 v15, v17  }
0x508: {  	v11 =	vadd.f32 v11, v12  }
0x509: {  	v13 =	vmul.bf16 v19, v13;
	v12 =	vunpack.i.l.bf16.f32 v14  }
0x50a: {  	v11 =	vadd.f32 v12, v11  }
0x50b: {  	s30 =	simm.s32 $0x0;
	v13 =	vmul.bf16 v16, v13;
	v12 =	vunpack.i.u.bf16.f32 v14  }
0x50c: {  	v11 =	vadd.f32 v11, v12;
	v12 =	vadd.s32 s30, v0  }
0x50d: {  	v14 =	vunpack.i.l.bf16.f32 v13;
	v12 =	vand.u32 $0x38, v12  }
0x50e: {  	v11 =	vadd.f32 v14, v11;
	v12 =	vor.u32 v3, v12  }
0x50f: {  	s31 =	simm.s32 $0x1;
	v13 =	vunpack.i.u.bf16.f32 v13  }
0x510: {  	v11 =	vadd.f32 v11, v13;
	v13 =	vadd.s32 s31, v0  }
0x511: {  	v13 =	vand.u32 $0x3F, v13  }
0x512: {  	[tilespmem:$0x113F0] =	vst v11;
	v11 =	vor.u32 v4, v13  }
0x513: {  	s25 =	simm.s32 $0x2;
	v13 =	vld.idx.msk [tilespmem:v12+s14+$0x0], $0xffff  }
0x514: {  	v15 =	vadd.s32 s25, v0;
	v14 =	vld.idx.msk [tilespmem:v12+s15+$0x0], $0xffff  }
0x515: {  	v15 =	vand.u32 $0x3F, v15  }
0x516: {  	v15 =	vor.u32 v4, v15;
	v12 =	vld.idx.msk [tilespmem:v12+s16+$0x0], $0xffff  }
0x517: {  	s26 =	simm.s32 $0x3;
	v16 =	vld.idx.msk [tilespmem:v11+s14+$0x0], $0xffff  }
0x518: {  	v18 =	vadd.s32 s26, v0;
	v17 =	vld.idx.msk [tilespmem:v11+s15+$0x0], $0xffff  }
0x519: {  	v18 =	vand.u32 $0x3F, v18;
	v13 =	vmul.bf16 v14, v13  }
0x51a: {  	v11 =	vld.idx.msk [tilespmem:v11+s16+$0x0], $0xffff;
	v14 =	vor.u32 v4, v18  }
0x51b: {  	s28 =	simm.s32 $0x4;
	v19 =	vld.idx.msk [tilespmem:v15+s15+$0x0], $0xffff;
	v12 =	vmul.bf16 v12, v13  }
0x51c: {  	v20 =	vadd.s32 s28, v0;
	v18 =	vld.idx.msk [tilespmem:v15+s14+$0x0], $0xffff  }
0x51d: {  	v13 =	vimm.f32 $0.0e+00;
	v21 =	vunpack.i.l.bf16.f32 v12;
	v16 =	vmul.bf16 v17, v16  }
0x51e: {  	v15 =	vld.idx.msk [tilespmem:v15+s16+$0x0], $0xffff;
	v17 =	vand.u32 $0x3F, v20;
	v13 =	vadd.f32 v21, v13  }
0x51f: {  	v12 =	vunpack.i.u.bf16.f32 v12;
	v17 =	vor.u32 v4, v17;
	v20 =	vld.idx.msk [tilespmem:v14+s14+$0x0], $0xffff;
	v11 =	vmul.bf16 v11, v16  }
0x520: {  	s29 =	simm.s32 $0x5;
	v16 =	vld.idx.msk [tilespmem:v14+s15+$0x0], $0xffff;
	v12 =	vadd.f32 v13, v12  }
0x521: {  	v18 =	vmul.bf16 v19, v18;
	v13 =	vadd.s32 s29, v0;
	v21 =	vunpack.i.l.bf16.f32 v11  }
0x522: {  	v14 =	vld.idx.msk [tilespmem:v14+s16+$0x0], $0xffff;
	v13 =	vand.u32 $0x3F, v13;
	v12 =	vadd.f32 v21, v12  }
0x523: {  	s30 =	simm.s32 $0x6;
	v11 =	vunpack.i.u.bf16.f32 v11;
	v19 =	vor.u32 v4, v13;
	v13 =	vmul.bf16 v15, v18  }
0x524: {  	v18 =	vadd.s32 s30, v0;
	v15 =	vld.idx.msk [tilespmem:v17+s14+$0x0], $0xffff;
	v12 =	vadd.f32 v12, v11  }
0x525: {  	v21 =	vld.idx.msk [tilespmem:v17+s15+$0x0], $0xffff;
	v11 =	vand.u32 $0x3F, v18;
	v18 =	vunpack.i.l.bf16.f32 v13;
	v16 =	vmul.bf16 v16, v20  }
0x526: {  	v12 =	vadd.f32 v18, v12  }
0x527: {  	s31 =	simm.s32 $0x7;
	v17 =	vld.idx.msk [tilespmem:v17+s16+$0x0], $0xffff;
	v11 =	vor.u32 v4, v11;
	v18 =	vunpack.i.u.bf16.f32 v13;
	v20 =	vmul.bf16 v14, v16  }
0x528: {  	v14 =	vadd.s32 s31, v0;
	v13 =	vld.idx.msk [tilespmem:v19+s14+$0x0], $0xffff;
	v12 =	vadd.f32 v12, v18  }
0x529: {  	v16 =	vld.idx.msk [tilespmem:v19+s15+$0x0], $0xffff;
	v14 =	vand.u32 $0x3F, v14;
	v18 =	vunpack.i.l.bf16.f32 v20  }
0x52a: {  	v21 =	vmul.bf16 v21, v15;
	v15 =	vld.idx.msk [tilespmem:v19+s16+$0x0], $0xffff;
	v19 =	vadd.f32 v18, v12;
	v12 =	vor.u32 v4, v14  }
0x52b: {  	s24 =	simm.s32 $0x8  }
0x52c: {  	v22 =	vadd.s32 s24, v0;
	v23 =	vunpack.i.u.bf16.f32 v20;
	v14 =	vld.idx.msk [tilespmem:v11+s14+$0x0], $0xffff;
	v18 =	vmul.bf16 v17, v21  }
0x52d: {  	s25 =	simm.s32 $0x10;
	v20 =	vand.u32 $0x38, v22;
	v17 =	vld.idx.msk [tilespmem:v11+s15+$0x0], $0xffff;
	v19 =	vadd.f32 v19, v23  }
.LBB2_26:
0x52e: {  	p0 =	slt.u32 s25, $0x38;
	v20 =	vor.u32 v3, v20;
	v21 =	vunpack.i.l.bf16.f32 v18;
	v13 =	vmul.bf16 v16, v13;
	v11 =	vld.idx.msk [tilespmem:v11+s16+$0x0], $0xffff  }
0x52f: {  	s26 =	sadd.s32 $0x1, s24;
	v16 =	vadd.f32 v21, v19;
	v19 =	vld.idx.msk [tilespmem:v12+s14+$0x0], $0xffff  }
0x530: {  	v18 =	vunpack.i.u.bf16.f32 v18;
	v21 =	vadd.s32 s26, v0;
	v13 =	vmul.bf16 v15, v13;
	v15 =	vld.idx.msk [tilespmem:v12+s15+$0x0], $0xffff  }
0x531: {  	v21 =	vand.u32 $0x3F, v21;
	v16 =	vadd.f32 v16, v18  }
0x532: {  	v18 =	vor.u32 v4, v21;
	v14 =	vmul.bf16 v17, v14;
	v21 =	vunpack.i.l.bf16.f32 v13;
	v12 =	vld.idx.msk [tilespmem:v12+s16+$0x0], $0xffff  }
0x533: {  	s26 =	sadd.s32 $0x2, s24;
	v17 =	vld.idx.msk [tilespmem:v20+s14+$0x0], $0xffff;
	v16 =	vadd.f32 v21, v16  }
0x534: {  	v22 =	vadd.s32 s26, v0;
	v13 =	vunpack.i.u.bf16.f32 v13;
	v11 =	vmul.bf16 v11, v14;
	v21 =	vld.idx.msk [tilespmem:v20+s15+$0x0], $0xffff  }
0x535: {  	v14 =	vand.u32 $0x3F, v22;
	v13 =	vadd.f32 v16, v13  }
0x536: {  	v14 =	vor.u32 v4, v14;
	v15 =	vmul.bf16 v15, v19;
	v16 =	vld.idx.msk [tilespmem:v20+s16+$0x0], $0xffff;
	v20 =	vunpack.i.l.bf16.f32 v11  }
0x537: {  	s26 =	sadd.s32 $0x3, s24;
	v19 =	vld.idx.msk [tilespmem:v18+s14+$0x0], $0xffff;
	v13 =	vadd.f32 v20, v13  }
0x538: {  	v22 =	vadd.s32 s26, v0;
	v11 =	vunpack.i.u.bf16.f32 v11;
	v12 =	vmul.bf16 v12, v15;
	v20 =	vld.idx.msk [tilespmem:v18+s15+$0x0], $0xffff  }
0x539: {  	v15 =	vand.u32 $0x3F, v22;
	v11 =	vadd.f32 v13, v11  }
0x53a: {  	v15 =	vor.u32 v4, v15;
	v13 =	vmul.bf16 v21, v17;
	v17 =	vld.idx.msk [tilespmem:v18+s16+$0x0], $0xffff;
	v18 =	vunpack.i.l.bf16.f32 v12  }
0x53b: {  	s26 =	sadd.s32 $0x4, s24;
	v21 =	vld.idx.msk [tilespmem:v14+s14+$0x0], $0xffff;
	v11 =	vadd.f32 v18, v11  }
0x53c: {  	v12 =	vunpack.i.u.bf16.f32 v12;
	v13 =	vmul.bf16 v16, v13;
	v18 =	vadd.s32 s26, v0;
	v16 =	vld.idx.msk [tilespmem:v14+s15+$0x0], $0xffff  }
0x53d: {  	v18 =	vand.u32 $0x3F, v18;
	v11 =	vadd.f32 v11, v12  }
0x53e: {  	v12 =	vunpack.i.l.bf16.f32 v13;
	v19 =	vmul.bf16 v20, v19;
	v18 =	vor.u32 v4, v18;
	v14 =	vld.idx.msk [tilespmem:v14+s16+$0x0], $0xffff  }
0x53f: {  	s26 =	sadd.s32 $0x5, s24;
	v11 =	vadd.f32 v12, v11;
	v12 =	vld.idx.msk [tilespmem:v15+s14+$0x0], $0xffff  }
0x540: {  	v13 =	vunpack.i.u.bf16.f32 v13;
	v20 =	vadd.s32 s26, v0;
	v17 =	vmul.bf16 v17, v19;
	v19 =	vld.idx.msk [tilespmem:v15+s15+$0x0], $0xffff  }
0x541: {  	v11 =	vadd.f32 v11, v13;
	v13 =	vand.u32 $0x3F, v20  }
0x542: {  	v20 =	vunpack.i.l.bf16.f32 v17;
	v16 =	vmul.bf16 v16, v21;
	v15 =	vld.idx.msk [tilespmem:v15+s16+$0x0], $0xffff;
	v21 =	vor.u32 v4, v13  }
0x543: {  	s26 =	sadd.s32 $0x6, s24;
	v11 =	vadd.f32 v20, v11;
	v20 =	vld.idx.msk [tilespmem:v18+s14+$0x0], $0xffff  }
0x544: {  	v13 =	vunpack.i.u.bf16.f32 v17;
	v14 =	vmul.bf16 v14, v16;
	v16 =	vadd.s32 s26, v0;
	v17 =	vld.idx.msk [tilespmem:v18+s15+$0x0], $0xffff  }
0x545: {  	v13 =	vadd.f32 v11, v13;
	v11 =	vand.u32 $0x3F, v16  }
0x546: {  	v16 =	vunpack.i.l.bf16.f32 v14;
	v12 =	vmul.bf16 v19, v12;
	v18 =	vld.idx.msk [tilespmem:v18+s16+$0x0], $0xffff;
	v11 =	vor.u32 v4, v11  }
0x547: {  	s26 =	sadd.s32 $0x7, s24;
	s24 =	smov.u32 s25;
	v19 =	vadd.f32 v16, v13;
	v13 =	vld.idx.msk [tilespmem:v21+s14+$0x0], $0xffff  }
0x548: {  	v14 =	vunpack.i.u.bf16.f32 v14;
	v22 =	vmul.bf16 v15, v12;
	v12 =	vadd.s32 s26, v0;
	v16 =	vld.idx.msk [tilespmem:v21+s15+$0x0], $0xffff  }
.Ltmp12:
0x549: {  	v12 =	vand.u32 $0x3F, v12;
	v14 =	vadd.f32 v19, v14;
	(pc) =	sbr.rel @p0 .LBB2_26-.Ltmp12, $4  }
0x54a: {  	v19 =	vunpack.i.l.bf16.f32 v22;
	v17 =	vmul.bf16 v17, v20;
	v12 =	vor.u32 v4, v12;
	v15 =	vld.idx.msk [tilespmem:v21+s16+$0x0], $0xffff  }
0x54b: {  	v19 =	vadd.f32 v19, v14;
	v14 =	vld.idx.msk [tilespmem:v11+s14+$0x0], $0xffff  }
0x54c: {  	v20 =	vadd.s32 s25, v0;
	v21 =	vunpack.i.u.bf16.f32 v22;
	v18 =	vmul.bf16 v18, v17;
	v17 =	vld.idx.msk [tilespmem:v11+s15+$0x0], $0xffff  }
0x54d: {  	s25 =	sadd.s32 $0x8, s25;
	v20 =	vand.u32 $0x38, v20;
	v19 =	vadd.f32 v19, v21  }
0x54e: {  	_ =	sdelay $0x2  }
0x54f: {  	v21 =	vunpack.i.l.bf16.f32 v18;
	v13 =	vmul.bf16 v16, v13  }
0x550: {  	v16 =	vor.u32 v3, v20;
	v11 =	vld.idx.msk [tilespmem:v11+s16+$0x0], $0xffff;
	v19 =	vadd.f32 v21, v19  }
0x551: {  	s25 =	sadd.s32 $0x1, s24;
	v20 =	vld.idx.msk [tilespmem:v12+s14+$0x0], $0xffff;
	v18 =	vunpack.i.u.bf16.f32 v18;
	v13 =	vmul.bf16 v15, v13  }
0x552: {  	v21 =	vld.idx.msk [tilespmem:v12+s15+$0x0], $0xffff;
	v15 =	vadd.s32 s25, v0;
	v18 =	vadd.f32 v19, v18  }
0x553: {  	v15 =	vand.u32 $0x3F, v15;
	v14 =	vmul.bf16 v17, v14;
	v19 =	vunpack.i.l.bf16.f32 v13  }
0x554: {  	v12 =	vld.idx.msk [tilespmem:v12+s16+$0x0], $0xffff;
	v15 =	vor.u32 v4, v15;
	v17 =	vadd.f32 v19, v18  }
0x555: {  	s29 =	sadd.s32 $0x2, s24;
	v13 =	vunpack.i.u.bf16.f32 v13;
	v18 =	vld.idx.msk [tilespmem:v16+s14+$0x0], $0xffff;
	v11 =	vmul.bf16 v11, v14  }
0x556: {  	v14 =	vld.idx.msk [tilespmem:v16+s15+$0x0], $0xffff;
	v19 =	vadd.s32 s29, v0;
	v13 =	vadd.f32 v17, v13  }
0x557: {  	v20 =	vmul.bf16 v21, v20;
	v17 =	vand.u32 $0x3F, v19;
	v19 =	vunpack.i.l.bf16.f32 v11  }
0x558: {  	v16 =	vld.idx.msk [tilespmem:v16+s16+$0x0], $0xffff;
	v17 =	vor.u32 v4, v17;
	v13 =	vadd.f32 v19, v13  }
0x559: {  	s30 =	sadd.s32 $0x3, s24;
	v11 =	vunpack.i.u.bf16.f32 v11;
	v12 =	vmul.bf16 v12, v20;
	v19 =	vld.idx.msk [tilespmem:v15+s14+$0x0], $0xffff  }
0x55a: {  	v21 =	vadd.s32 s30, v0;
	v20 =	vld.idx.msk [tilespmem:v15+s15+$0x0], $0xffff;
	v11 =	vadd.f32 v13, v11  }
0x55b: {  	v14 =	vmul.bf16 v14, v18;
	v18 =	vunpack.i.l.bf16.f32 v12;
	v13 =	vand.u32 $0x3F, v21  }
0x55c: {  	v15 =	vld.idx.msk [tilespmem:v15+s16+$0x0], $0xffff;
	v13 =	vor.u32 v4, v13;
	v11 =	vadd.f32 v18, v11  }
0x55d: {  	s31 =	sadd.s32 $0x4, s24;
	v12 =	vunpack.i.u.bf16.f32 v12;
	v14 =	vmul.bf16 v16, v14;
	v18 =	vld.idx.msk [tilespmem:v17+s14+$0x0], $0xffff  }
0x55e: {  	v21 =	vadd.s32 s31, v0;
	v16 =	vld.idx.msk [tilespmem:v17+s15+$0x0], $0xffff;
	v11 =	vadd.f32 v11, v12  }
0x55f: {  	v19 =	vmul.bf16 v20, v19;
	v12 =	vand.u32 $0x3F, v21;
	v21 =	vunpack.i.l.bf16.f32 v14  }
0x560: {  	v17 =	vld.idx.msk [tilespmem:v17+s16+$0x0], $0xffff;
	v12 =	vor.u32 v4, v12;
	v11 =	vadd.f32 v21, v11  }
0x561: {  	s26 =	sadd.s32 $0x5, s24;
	v14 =	vunpack.i.u.bf16.f32 v14;
	v15 =	vmul.bf16 v15, v19;
	v20 =	vld.idx.msk [tilespmem:v13+s14+$0x0], $0xffff  }
0x562: {  	v19 =	vld.idx.msk [tilespmem:v13+s15+$0x0], $0xffff;
	v21 =	vadd.s32 s26, v0;
	v11 =	vadd.f32 v11, v14  }
0x563: {  	v16 =	vmul.bf16 v16, v18;
	v14 =	vand.u32 $0x3F, v21;
	v21 =	vunpack.i.l.bf16.f32 v15  }
0x564: {  	v13 =	vld.idx.msk [tilespmem:v13+s16+$0x0], $0xffff;
	v14 =	vor.u32 v4, v14;
	v11 =	vadd.f32 v21, v11  }
0x565: {  	s28 =	sadd.s32 $0x6, s24;
	v15 =	vunpack.i.u.bf16.f32 v15;
	v16 =	vmul.bf16 v17, v16;
	v18 =	vld.idx.msk [tilespmem:v12+s14+$0x0], $0xffff  }
0x566: {  	v17 =	vld.idx.msk [tilespmem:v12+s15+$0x0], $0xffff;
	v21 =	vadd.s32 s28, v0;
	v11 =	vadd.f32 v11, v15  }
0x567: {  	v19 =	vmul.bf16 v19, v20;
	v15 =	vand.u32 $0x3F, v21;
	v21 =	vunpack.i.l.bf16.f32 v16  }
0x568: {  	v12 =	vld.idx.msk [tilespmem:v12+s16+$0x0], $0xffff;
	v15 =	vor.u32 v4, v15;
	v11 =	vadd.f32 v21, v11  }
0x569: {  	s29 =	sadd.s32 $0x7, s24;
	v16 =	vunpack.i.u.bf16.f32 v16;
	v13 =	vmul.bf16 v13, v19;
	v20 =	vld.idx.msk [tilespmem:v14+s14+$0x0], $0xffff  }
0x56a: {  	v19 =	vld.idx.msk [tilespmem:v14+s15+$0x0], $0xffff;
	v21 =	vadd.s32 s29, v0;
	v11 =	vadd.f32 v11, v16  }
0x56b: {  	v17 =	vmul.bf16 v17, v18;
	v16 =	vand.u32 $0x3F, v21;
	v21 =	vunpack.i.l.bf16.f32 v13  }
0x56c: {  	v14 =	vld.idx.msk [tilespmem:v14+s16+$0x0], $0xffff;
	v16 =	vor.u32 v4, v16;
	v11 =	vadd.f32 v21, v11  }
0x56d: {  	v13 =	vunpack.i.u.bf16.f32 v13;
	v12 =	vmul.bf16 v12, v17;
	v18 =	vld.idx.msk [tilespmem:v15+s14+$0x0], $0xffff  }
0x56e: {  	v17 =	vld.idx.msk [tilespmem:v15+s15+$0x0], $0xffff;
	v11 =	vadd.f32 v11, v13  }
0x56f: {  	v19 =	vmul.bf16 v19, v20;
	v13 =	vunpack.i.l.bf16.f32 v12  }
0x570: {  	v15 =	vld.idx.msk [tilespmem:v15+s16+$0x0], $0xffff;
	v11 =	vadd.f32 v13, v11  }
0x571: {  	v12 =	vunpack.i.u.bf16.f32 v12;
	v14 =	vmul.bf16 v14, v19;
	v13 =	vld.idx.msk [tilespmem:v16+s14+$0x0], $0xffff  }
0x572: {  	v19 =	vld.idx.msk [tilespmem:v16+s15+$0x0], $0xffff;
	v11 =	vadd.f32 v11, v12  }
0x573: {  	v17 =	vmul.bf16 v17, v18;
	v12 =	vunpack.i.l.bf16.f32 v14  }
0x574: {  	v16 =	vld.idx.msk [tilespmem:v16+s16+$0x0], $0xffff;
	v11 =	vadd.f32 v12, v11  }
0x575: {  	v12 =	vunpack.i.u.bf16.f32 v14;
	v14 =	vmul.bf16 v15, v17  }
0x576: {  	v11 =	vadd.f32 v11, v12  }
0x577: {  	v13 =	vmul.bf16 v19, v13;
	v12 =	vunpack.i.l.bf16.f32 v14  }
0x578: {  	v11 =	vadd.f32 v12, v11  }
0x579: {  	s30 =	simm.s32 $0x0;
	v13 =	vmul.bf16 v16, v13;
	v12 =	vunpack.i.u.bf16.f32 v14  }
0x57a: {  	v11 =	vadd.f32 v11, v12;
	v12 =	vadd.s32 s30, v0  }
0x57b: {  	v14 =	vunpack.i.l.bf16.f32 v13;
	v12 =	vand.u32 $0x38, v12  }
0x57c: {  	v11 =	vadd.f32 v14, v11;
	v12 =	vor.u32 v5, v12  }
0x57d: {  	s31 =	simm.s32 $0x1;
	v13 =	vunpack.i.u.bf16.f32 v13  }
0x57e: {  	v11 =	vadd.f32 v11, v13;
	v13 =	vadd.s32 s31, v0  }
0x57f: {  	v13 =	vand.u32 $0x3F, v13  }
0x580: {  	[tilespmem:$0x11400] =	vst v11;
	v11 =	vor.u32 v6, v13  }
0x581: {  	s25 =	simm.s32 $0x2;
	v13 =	vld.idx.msk [tilespmem:v12+s14+$0x0], $0xffff  }
0x582: {  	v15 =	vadd.s32 s25, v0;
	v14 =	vld.idx.msk [tilespmem:v12+s15+$0x0], $0xffff  }
0x583: {  	v15 =	vand.u32 $0x3F, v15  }
0x584: {  	v15 =	vor.u32 v6, v15;
	v12 =	vld.idx.msk [tilespmem:v12+s16+$0x0], $0xffff  }
0x585: {  	s26 =	simm.s32 $0x3;
	v16 =	vld.idx.msk [tilespmem:v11+s14+$0x0], $0xffff  }
0x586: {  	v18 =	vadd.s32 s26, v0;
	v17 =	vld.idx.msk [tilespmem:v11+s15+$0x0], $0xffff  }
0x587: {  	v18 =	vand.u32 $0x3F, v18;
	v13 =	vmul.bf16 v14, v13  }
0x588: {  	v11 =	vld.idx.msk [tilespmem:v11+s16+$0x0], $0xffff;
	v14 =	vor.u32 v6, v18  }
0x589: {  	s28 =	simm.s32 $0x4;
	v19 =	vld.idx.msk [tilespmem:v15+s15+$0x0], $0xffff;
	v12 =	vmul.bf16 v12, v13  }
0x58a: {  	v20 =	vadd.s32 s28, v0;
	v18 =	vld.idx.msk [tilespmem:v15+s14+$0x0], $0xffff  }
0x58b: {  	v13 =	vimm.f32 $0.0e+00;
	v21 =	vunpack.i.l.bf16.f32 v12;
	v16 =	vmul.bf16 v17, v16  }
0x58c: {  	v15 =	vld.idx.msk [tilespmem:v15+s16+$0x0], $0xffff;
	v17 =	vand.u32 $0x3F, v20;
	v13 =	vadd.f32 v21, v13  }
0x58d: {  	v12 =	vunpack.i.u.bf16.f32 v12;
	v17 =	vor.u32 v6, v17;
	v20 =	vld.idx.msk [tilespmem:v14+s14+$0x0], $0xffff;
	v11 =	vmul.bf16 v11, v16  }
0x58e: {  	s29 =	simm.s32 $0x5;
	v16 =	vld.idx.msk [tilespmem:v14+s15+$0x0], $0xffff;
	v12 =	vadd.f32 v13, v12  }
0x58f: {  	v18 =	vmul.bf16 v19, v18;
	v13 =	vadd.s32 s29, v0;
	v21 =	vunpack.i.l.bf16.f32 v11  }
0x590: {  	v14 =	vld.idx.msk [tilespmem:v14+s16+$0x0], $0xffff;
	v13 =	vand.u32 $0x3F, v13;
	v12 =	vadd.f32 v21, v12  }
0x591: {  	s30 =	simm.s32 $0x6;
	v11 =	vunpack.i.u.bf16.f32 v11;
	v19 =	vor.u32 v6, v13;
	v13 =	vmul.bf16 v15, v18  }
0x592: {  	v18 =	vadd.s32 s30, v0;
	v15 =	vld.idx.msk [tilespmem:v17+s14+$0x0], $0xffff;
	v12 =	vadd.f32 v12, v11  }
0x593: {  	v21 =	vld.idx.msk [tilespmem:v17+s15+$0x0], $0xffff;
	v11 =	vand.u32 $0x3F, v18;
	v18 =	vunpack.i.l.bf16.f32 v13;
	v16 =	vmul.bf16 v16, v20  }
0x594: {  	v12 =	vadd.f32 v18, v12  }
0x595: {  	s31 =	simm.s32 $0x7;
	v17 =	vld.idx.msk [tilespmem:v17+s16+$0x0], $0xffff;
	v11 =	vor.u32 v6, v11;
	v18 =	vunpack.i.u.bf16.f32 v13;
	v20 =	vmul.bf16 v14, v16  }
0x596: {  	v14 =	vadd.s32 s31, v0;
	v13 =	vld.idx.msk [tilespmem:v19+s14+$0x0], $0xffff;
	v12 =	vadd.f32 v12, v18  }
0x597: {  	v16 =	vld.idx.msk [tilespmem:v19+s15+$0x0], $0xffff;
	v14 =	vand.u32 $0x3F, v14;
	v18 =	vunpack.i.l.bf16.f32 v20  }
0x598: {  	v21 =	vmul.bf16 v21, v15;
	v15 =	vld.idx.msk [tilespmem:v19+s16+$0x0], $0xffff;
	v19 =	vadd.f32 v18, v12;
	v12 =	vor.u32 v6, v14  }
0x599: {  	s24 =	simm.s32 $0x8  }
0x59a: {  	v22 =	vadd.s32 s24, v0;
	v23 =	vunpack.i.u.bf16.f32 v20;
	v14 =	vld.idx.msk [tilespmem:v11+s14+$0x0], $0xffff;
	v18 =	vmul.bf16 v17, v21  }
0x59b: {  	s25 =	simm.s32 $0x10;
	v20 =	vand.u32 $0x38, v22;
	v17 =	vld.idx.msk [tilespmem:v11+s15+$0x0], $0xffff;
	v19 =	vadd.f32 v19, v23  }
.LBB2_28:
0x59c: {  	p0 =	slt.u32 s25, $0x38;
	v20 =	vor.u32 v5, v20;
	v21 =	vunpack.i.l.bf16.f32 v18;
	v13 =	vmul.bf16 v16, v13;
	v11 =	vld.idx.msk [tilespmem:v11+s16+$0x0], $0xffff  }
0x59d: {  	s26 =	sadd.s32 $0x1, s24;
	v16 =	vadd.f32 v21, v19;
	v19 =	vld.idx.msk [tilespmem:v12+s14+$0x0], $0xffff  }
0x59e: {  	v18 =	vunpack.i.u.bf16.f32 v18;
	v21 =	vadd.s32 s26, v0;
	v13 =	vmul.bf16 v15, v13;
	v15 =	vld.idx.msk [tilespmem:v12+s15+$0x0], $0xffff  }
0x59f: {  	v21 =	vand.u32 $0x3F, v21;
	v16 =	vadd.f32 v16, v18  }
0x5a0: {  	v18 =	vor.u32 v6, v21;
	v14 =	vmul.bf16 v17, v14;
	v21 =	vunpack.i.l.bf16.f32 v13;
	v12 =	vld.idx.msk [tilespmem:v12+s16+$0x0], $0xffff  }
0x5a1: {  	s26 =	sadd.s32 $0x2, s24;
	v17 =	vld.idx.msk [tilespmem:v20+s14+$0x0], $0xffff;
	v16 =	vadd.f32 v21, v16  }
0x5a2: {  	v22 =	vadd.s32 s26, v0;
	v13 =	vunpack.i.u.bf16.f32 v13;
	v11 =	vmul.bf16 v11, v14;
	v21 =	vld.idx.msk [tilespmem:v20+s15+$0x0], $0xffff  }
0x5a3: {  	v14 =	vand.u32 $0x3F, v22;
	v13 =	vadd.f32 v16, v13  }
0x5a4: {  	v14 =	vor.u32 v6, v14;
	v15 =	vmul.bf16 v15, v19;
	v16 =	vld.idx.msk [tilespmem:v20+s16+$0x0], $0xffff;
	v20 =	vunpack.i.l.bf16.f32 v11  }
0x5a5: {  	s26 =	sadd.s32 $0x3, s24;
	v19 =	vld.idx.msk [tilespmem:v18+s14+$0x0], $0xffff;
	v13 =	vadd.f32 v20, v13  }
0x5a6: {  	v22 =	vadd.s32 s26, v0;
	v11 =	vunpack.i.u.bf16.f32 v11;
	v12 =	vmul.bf16 v12, v15;
	v20 =	vld.idx.msk [tilespmem:v18+s15+$0x0], $0xffff  }
0x5a7: {  	v15 =	vand.u32 $0x3F, v22;
	v11 =	vadd.f32 v13, v11  }
0x5a8: {  	v15 =	vor.u32 v6, v15;
	v13 =	vmul.bf16 v21, v17;
	v17 =	vld.idx.msk [tilespmem:v18+s16+$0x0], $0xffff;
	v18 =	vunpack.i.l.bf16.f32 v12  }
0x5a9: {  	s26 =	sadd.s32 $0x4, s24;
	v21 =	vld.idx.msk [tilespmem:v14+s14+$0x0], $0xffff;
	v11 =	vadd.f32 v18, v11  }
0x5aa: {  	v12 =	vunpack.i.u.bf16.f32 v12;
	v13 =	vmul.bf16 v16, v13;
	v18 =	vadd.s32 s26, v0;
	v16 =	vld.idx.msk [tilespmem:v14+s15+$0x0], $0xffff  }
0x5ab: {  	v18 =	vand.u32 $0x3F, v18;
	v11 =	vadd.f32 v11, v12  }
0x5ac: {  	v12 =	vunpack.i.l.bf16.f32 v13;
	v19 =	vmul.bf16 v20, v19;
	v18 =	vor.u32 v6, v18;
	v14 =	vld.idx.msk [tilespmem:v14+s16+$0x0], $0xffff  }
0x5ad: {  	s26 =	sadd.s32 $0x5, s24;
	v11 =	vadd.f32 v12, v11;
	v12 =	vld.idx.msk [tilespmem:v15+s14+$0x0], $0xffff  }
0x5ae: {  	v13 =	vunpack.i.u.bf16.f32 v13;
	v20 =	vadd.s32 s26, v0;
	v17 =	vmul.bf16 v17, v19;
	v19 =	vld.idx.msk [tilespmem:v15+s15+$0x0], $0xffff  }
0x5af: {  	v11 =	vadd.f32 v11, v13;
	v13 =	vand.u32 $0x3F, v20  }
0x5b0: {  	v20 =	vunpack.i.l.bf16.f32 v17;
	v16 =	vmul.bf16 v16, v21;
	v15 =	vld.idx.msk [tilespmem:v15+s16+$0x0], $0xffff;
	v21 =	vor.u32 v6, v13  }
0x5b1: {  	s26 =	sadd.s32 $0x6, s24;
	v11 =	vadd.f32 v20, v11;
	v20 =	vld.idx.msk [tilespmem:v18+s14+$0x0], $0xffff  }
0x5b2: {  	v13 =	vunpack.i.u.bf16.f32 v17;
	v14 =	vmul.bf16 v14, v16;
	v16 =	vadd.s32 s26, v0;
	v17 =	vld.idx.msk [tilespmem:v18+s15+$0x0], $0xffff  }
0x5b3: {  	v13 =	vadd.f32 v11, v13;
	v11 =	vand.u32 $0x3F, v16  }
0x5b4: {  	v16 =	vunpack.i.l.bf16.f32 v14;
	v12 =	vmul.bf16 v19, v12;
	v18 =	vld.idx.msk [tilespmem:v18+s16+$0x0], $0xffff;
	v11 =	vor.u32 v6, v11  }
0x5b5: {  	s26 =	sadd.s32 $0x7, s24;
	s24 =	smov.u32 s25;
	v19 =	vadd.f32 v16, v13;
	v13 =	vld.idx.msk [tilespmem:v21+s14+$0x0], $0xffff  }
0x5b6: {  	v14 =	vunpack.i.u.bf16.f32 v14;
	v22 =	vmul.bf16 v15, v12;
	v12 =	vadd.s32 s26, v0;
	v16 =	vld.idx.msk [tilespmem:v21+s15+$0x0], $0xffff  }
.Ltmp13:
0x5b7: {  	v12 =	vand.u32 $0x3F, v12;
	v14 =	vadd.f32 v19, v14;
	(pc) =	sbr.rel @p0 .LBB2_28-.Ltmp13, $4  }
0x5b8: {  	v19 =	vunpack.i.l.bf16.f32 v22;
	v17 =	vmul.bf16 v17, v20;
	v12 =	vor.u32 v6, v12;
	v15 =	vld.idx.msk [tilespmem:v21+s16+$0x0], $0xffff  }
0x5b9: {  	v19 =	vadd.f32 v19, v14;
	v14 =	vld.idx.msk [tilespmem:v11+s14+$0x0], $0xffff  }
0x5ba: {  	v20 =	vadd.s32 s25, v0;
	v21 =	vunpack.i.u.bf16.f32 v22;
	v18 =	vmul.bf16 v18, v17;
	v17 =	vld.idx.msk [tilespmem:v11+s15+$0x0], $0xffff  }
0x5bb: {  	s25 =	sadd.s32 $0x8, s25;
	v20 =	vand.u32 $0x38, v20;
	v19 =	vadd.f32 v19, v21  }
0x5bc: {  	_ =	sdelay $0x2  }
0x5bd: {  	v21 =	vunpack.i.l.bf16.f32 v18;
	v13 =	vmul.bf16 v16, v13  }
0x5be: {  	v16 =	vor.u32 v5, v20;
	v11 =	vld.idx.msk [tilespmem:v11+s16+$0x0], $0xffff;
	v19 =	vadd.f32 v21, v19  }
0x5bf: {  	s25 =	sadd.s32 $0x1, s24;
	v20 =	vld.idx.msk [tilespmem:v12+s14+$0x0], $0xffff;
	v18 =	vunpack.i.u.bf16.f32 v18;
	v13 =	vmul.bf16 v15, v13  }
0x5c0: {  	v21 =	vld.idx.msk [tilespmem:v12+s15+$0x0], $0xffff;
	v15 =	vadd.s32 s25, v0;
	v18 =	vadd.f32 v19, v18  }
0x5c1: {  	v15 =	vand.u32 $0x3F, v15;
	v14 =	vmul.bf16 v17, v14;
	v19 =	vunpack.i.l.bf16.f32 v13  }
0x5c2: {  	v12 =	vld.idx.msk [tilespmem:v12+s16+$0x0], $0xffff;
	v15 =	vor.u32 v6, v15;
	v17 =	vadd.f32 v19, v18  }
0x5c3: {  	s29 =	sadd.s32 $0x2, s24;
	v13 =	vunpack.i.u.bf16.f32 v13;
	v18 =	vld.idx.msk [tilespmem:v16+s14+$0x0], $0xffff;
	v11 =	vmul.bf16 v11, v14  }
0x5c4: {  	v14 =	vld.idx.msk [tilespmem:v16+s15+$0x0], $0xffff;
	v19 =	vadd.s32 s29, v0;
	v13 =	vadd.f32 v17, v13  }
0x5c5: {  	v20 =	vmul.bf16 v21, v20;
	v17 =	vand.u32 $0x3F, v19;
	v19 =	vunpack.i.l.bf16.f32 v11  }
0x5c6: {  	v16 =	vld.idx.msk [tilespmem:v16+s16+$0x0], $0xffff;
	v17 =	vor.u32 v6, v17;
	v13 =	vadd.f32 v19, v13  }
0x5c7: {  	s30 =	sadd.s32 $0x3, s24;
	v11 =	vunpack.i.u.bf16.f32 v11;
	v12 =	vmul.bf16 v12, v20;
	v19 =	vld.idx.msk [tilespmem:v15+s14+$0x0], $0xffff  }
0x5c8: {  	v21 =	vadd.s32 s30, v0;
	v20 =	vld.idx.msk [tilespmem:v15+s15+$0x0], $0xffff;
	v11 =	vadd.f32 v13, v11  }
0x5c9: {  	v14 =	vmul.bf16 v14, v18;
	v18 =	vunpack.i.l.bf16.f32 v12;
	v13 =	vand.u32 $0x3F, v21  }
0x5ca: {  	v15 =	vld.idx.msk [tilespmem:v15+s16+$0x0], $0xffff;
	v13 =	vor.u32 v6, v13;
	v11 =	vadd.f32 v18, v11  }
0x5cb: {  	s31 =	sadd.s32 $0x4, s24;
	v12 =	vunpack.i.u.bf16.f32 v12;
	v14 =	vmul.bf16 v16, v14;
	v18 =	vld.idx.msk [tilespmem:v17+s14+$0x0], $0xffff  }
0x5cc: {  	v21 =	vadd.s32 s31, v0;
	v16 =	vld.idx.msk [tilespmem:v17+s15+$0x0], $0xffff;
	v11 =	vadd.f32 v11, v12  }
0x5cd: {  	v19 =	vmul.bf16 v20, v19;
	v12 =	vand.u32 $0x3F, v21;
	v21 =	vunpack.i.l.bf16.f32 v14  }
0x5ce: {  	v17 =	vld.idx.msk [tilespmem:v17+s16+$0x0], $0xffff;
	v12 =	vor.u32 v6, v12;
	v11 =	vadd.f32 v21, v11  }
0x5cf: {  	s26 =	sadd.s32 $0x5, s24;
	v14 =	vunpack.i.u.bf16.f32 v14;
	v15 =	vmul.bf16 v15, v19;
	v20 =	vld.idx.msk [tilespmem:v13+s14+$0x0], $0xffff  }
0x5d0: {  	v19 =	vld.idx.msk [tilespmem:v13+s15+$0x0], $0xffff;
	v21 =	vadd.s32 s26, v0;
	v11 =	vadd.f32 v11, v14  }
0x5d1: {  	v16 =	vmul.bf16 v16, v18;
	v14 =	vand.u32 $0x3F, v21;
	v21 =	vunpack.i.l.bf16.f32 v15  }
0x5d2: {  	v13 =	vld.idx.msk [tilespmem:v13+s16+$0x0], $0xffff;
	v14 =	vor.u32 v6, v14;
	v11 =	vadd.f32 v21, v11  }
0x5d3: {  	s28 =	sadd.s32 $0x6, s24;
	v15 =	vunpack.i.u.bf16.f32 v15;
	v16 =	vmul.bf16 v17, v16;
	v18 =	vld.idx.msk [tilespmem:v12+s14+$0x0], $0xffff  }
0x5d4: {  	v17 =	vld.idx.msk [tilespmem:v12+s15+$0x0], $0xffff;
	v21 =	vadd.s32 s28, v0;
	v11 =	vadd.f32 v11, v15  }
0x5d5: {  	v19 =	vmul.bf16 v19, v20;
	v15 =	vand.u32 $0x3F, v21;
	v21 =	vunpack.i.l.bf16.f32 v16  }
0x5d6: {  	v12 =	vld.idx.msk [tilespmem:v12+s16+$0x0], $0xffff;
	v15 =	vor.u32 v6, v15;
	v11 =	vadd.f32 v21, v11  }
0x5d7: {  	s29 =	sadd.s32 $0x7, s24;
	v16 =	vunpack.i.u.bf16.f32 v16;
	v13 =	vmul.bf16 v13, v19;
	v20 =	vld.idx.msk [tilespmem:v14+s14+$0x0], $0xffff  }
0x5d8: {  	v19 =	vld.idx.msk [tilespmem:v14+s15+$0x0], $0xffff;
	v21 =	vadd.s32 s29, v0;
	v11 =	vadd.f32 v11, v16  }
0x5d9: {  	v17 =	vmul.bf16 v17, v18;
	v16 =	vand.u32 $0x3F, v21;
	v21 =	vunpack.i.l.bf16.f32 v13  }
0x5da: {  	v14 =	vld.idx.msk [tilespmem:v14+s16+$0x0], $0xffff;
	v16 =	vor.u32 v6, v16;
	v11 =	vadd.f32 v21, v11  }
0x5db: {  	v13 =	vunpack.i.u.bf16.f32 v13;
	v12 =	vmul.bf16 v12, v17;
	v18 =	vld.idx.msk [tilespmem:v15+s14+$0x0], $0xffff  }
0x5dc: {  	v17 =	vld.idx.msk [tilespmem:v15+s15+$0x0], $0xffff;
	v11 =	vadd.f32 v11, v13  }
0x5dd: {  	v19 =	vmul.bf16 v19, v20;
	v13 =	vunpack.i.l.bf16.f32 v12  }
0x5de: {  	v15 =	vld.idx.msk [tilespmem:v15+s16+$0x0], $0xffff;
	v11 =	vadd.f32 v13, v11  }
0x5df: {  	v12 =	vunpack.i.u.bf16.f32 v12;
	v14 =	vmul.bf16 v14, v19;
	v13 =	vld.idx.msk [tilespmem:v16+s14+$0x0], $0xffff  }
0x5e0: {  	v19 =	vld.idx.msk [tilespmem:v16+s15+$0x0], $0xffff;
	v11 =	vadd.f32 v11, v12  }
0x5e1: {  	v17 =	vmul.bf16 v17, v18;
	v12 =	vunpack.i.l.bf16.f32 v14  }
0x5e2: {  	v16 =	vld.idx.msk [tilespmem:v16+s16+$0x0], $0xffff;
	v11 =	vadd.f32 v12, v11  }
0x5e3: {  	v12 =	vunpack.i.u.bf16.f32 v14;
	v14 =	vmul.bf16 v15, v17  }
0x5e4: {  	v11 =	vadd.f32 v11, v12  }
0x5e5: {  	v13 =	vmul.bf16 v19, v13;
	v12 =	vunpack.i.l.bf16.f32 v14  }
0x5e6: {  	v11 =	vadd.f32 v12, v11  }
0x5e7: {  	s30 =	simm.s32 $0x0;
	v13 =	vmul.bf16 v16, v13;
	v12 =	vunpack.i.u.bf16.f32 v14  }
0x5e8: {  	v11 =	vadd.f32 v11, v12;
	v12 =	vadd.s32 s30, v0  }
0x5e9: {  	v14 =	vunpack.i.l.bf16.f32 v13;
	v12 =	vand.u32 $0x38, v12  }
0x5ea: {  	v11 =	vadd.f32 v14, v11;
	v12 =	vor.u32 v7, v12  }
0x5eb: {  	s31 =	simm.s32 $0x1;
	v13 =	vunpack.i.u.bf16.f32 v13  }
0x5ec: {  	v11 =	vadd.f32 v11, v13;
	v13 =	vadd.s32 s31, v0  }
0x5ed: {  	v13 =	vand.u32 $0x3F, v13  }
0x5ee: {  	[tilespmem:$0x11410] =	vst v11;
	v11 =	vor.u32 v8, v13  }
0x5ef: {  	s25 =	simm.s32 $0x2;
	v13 =	vld.idx.msk [tilespmem:v12+s14+$0x0], $0xffff  }
0x5f0: {  	v15 =	vadd.s32 s25, v0;
	v14 =	vld.idx.msk [tilespmem:v12+s15+$0x0], $0xffff  }
0x5f1: {  	v15 =	vand.u32 $0x3F, v15  }
0x5f2: {  	v15 =	vor.u32 v8, v15;
	v12 =	vld.idx.msk [tilespmem:v12+s16+$0x0], $0xffff  }
0x5f3: {  	s26 =	simm.s32 $0x3;
	v16 =	vld.idx.msk [tilespmem:v11+s14+$0x0], $0xffff  }
0x5f4: {  	v18 =	vadd.s32 s26, v0;
	v17 =	vld.idx.msk [tilespmem:v11+s15+$0x0], $0xffff  }
0x5f5: {  	v18 =	vand.u32 $0x3F, v18;
	v13 =	vmul.bf16 v14, v13  }
0x5f6: {  	v11 =	vld.idx.msk [tilespmem:v11+s16+$0x0], $0xffff;
	v14 =	vor.u32 v8, v18  }
0x5f7: {  	s28 =	simm.s32 $0x4;
	v19 =	vld.idx.msk [tilespmem:v15+s15+$0x0], $0xffff;
	v12 =	vmul.bf16 v12, v13  }
0x5f8: {  	v20 =	vadd.s32 s28, v0;
	v18 =	vld.idx.msk [tilespmem:v15+s14+$0x0], $0xffff  }
0x5f9: {  	v13 =	vimm.f32 $0.0e+00;
	v21 =	vunpack.i.l.bf16.f32 v12;
	v16 =	vmul.bf16 v17, v16  }
0x5fa: {  	v15 =	vld.idx.msk [tilespmem:v15+s16+$0x0], $0xffff;
	v17 =	vand.u32 $0x3F, v20;
	v13 =	vadd.f32 v21, v13  }
0x5fb: {  	v12 =	vunpack.i.u.bf16.f32 v12;
	v17 =	vor.u32 v8, v17;
	v20 =	vld.idx.msk [tilespmem:v14+s14+$0x0], $0xffff;
	v11 =	vmul.bf16 v11, v16  }
0x5fc: {  	s29 =	simm.s32 $0x5;
	v16 =	vld.idx.msk [tilespmem:v14+s15+$0x0], $0xffff;
	v12 =	vadd.f32 v13, v12  }
0x5fd: {  	v18 =	vmul.bf16 v19, v18;
	v13 =	vadd.s32 s29, v0;
	v21 =	vunpack.i.l.bf16.f32 v11  }
0x5fe: {  	v14 =	vld.idx.msk [tilespmem:v14+s16+$0x0], $0xffff;
	v13 =	vand.u32 $0x3F, v13;
	v12 =	vadd.f32 v21, v12  }
0x5ff: {  	s30 =	simm.s32 $0x6;
	v11 =	vunpack.i.u.bf16.f32 v11;
	v19 =	vor.u32 v8, v13;
	v13 =	vmul.bf16 v15, v18  }
0x600: {  	v18 =	vadd.s32 s30, v0;
	v15 =	vld.idx.msk [tilespmem:v17+s14+$0x0], $0xffff;
	v12 =	vadd.f32 v12, v11  }
0x601: {  	v21 =	vld.idx.msk [tilespmem:v17+s15+$0x0], $0xffff;
	v11 =	vand.u32 $0x3F, v18;
	v18 =	vunpack.i.l.bf16.f32 v13;
	v16 =	vmul.bf16 v16, v20  }
0x602: {  	v12 =	vadd.f32 v18, v12  }
0x603: {  	s31 =	simm.s32 $0x7;
	v17 =	vld.idx.msk [tilespmem:v17+s16+$0x0], $0xffff;
	v11 =	vor.u32 v8, v11;
	v18 =	vunpack.i.u.bf16.f32 v13;
	v20 =	vmul.bf16 v14, v16  }
0x604: {  	v14 =	vadd.s32 s31, v0;
	v13 =	vld.idx.msk [tilespmem:v19+s14+$0x0], $0xffff;
	v12 =	vadd.f32 v12, v18  }
0x605: {  	v16 =	vld.idx.msk [tilespmem:v19+s15+$0x0], $0xffff;
	v14 =	vand.u32 $0x3F, v14;
	v18 =	vunpack.i.l.bf16.f32 v20  }
0x606: {  	v21 =	vmul.bf16 v21, v15;
	v15 =	vld.idx.msk [tilespmem:v19+s16+$0x0], $0xffff;
	v19 =	vadd.f32 v18, v12;
	v12 =	vor.u32 v8, v14  }
0x607: {  	s24 =	simm.s32 $0x8  }
0x608: {  	v22 =	vadd.s32 s24, v0;
	v23 =	vunpack.i.u.bf16.f32 v20;
	v14 =	vld.idx.msk [tilespmem:v11+s14+$0x0], $0xffff;
	v18 =	vmul.bf16 v17, v21  }
0x609: {  	s25 =	simm.s32 $0x10;
	v20 =	vand.u32 $0x38, v22;
	v17 =	vld.idx.msk [tilespmem:v11+s15+$0x0], $0xffff;
	v19 =	vadd.f32 v19, v23  }
.LBB2_30:
0x60a: {  	p0 =	slt.u32 s25, $0x38;
	v20 =	vor.u32 v7, v20;
	v21 =	vunpack.i.l.bf16.f32 v18;
	v13 =	vmul.bf16 v16, v13;
	v11 =	vld.idx.msk [tilespmem:v11+s16+$0x0], $0xffff  }
0x60b: {  	s26 =	sadd.s32 $0x1, s24;
	v16 =	vadd.f32 v21, v19;
	v19 =	vld.idx.msk [tilespmem:v12+s14+$0x0], $0xffff  }
0x60c: {  	v18 =	vunpack.i.u.bf16.f32 v18;
	v21 =	vadd.s32 s26, v0;
	v13 =	vmul.bf16 v15, v13;
	v15 =	vld.idx.msk [tilespmem:v12+s15+$0x0], $0xffff  }
0x60d: {  	v21 =	vand.u32 $0x3F, v21;
	v16 =	vadd.f32 v16, v18  }
0x60e: {  	v18 =	vor.u32 v8, v21;
	v14 =	vmul.bf16 v17, v14;
	v21 =	vunpack.i.l.bf16.f32 v13;
	v12 =	vld.idx.msk [tilespmem:v12+s16+$0x0], $0xffff  }
0x60f: {  	s26 =	sadd.s32 $0x2, s24;
	v17 =	vld.idx.msk [tilespmem:v20+s14+$0x0], $0xffff;
	v16 =	vadd.f32 v21, v16  }
0x610: {  	v22 =	vadd.s32 s26, v0;
	v13 =	vunpack.i.u.bf16.f32 v13;
	v11 =	vmul.bf16 v11, v14;
	v21 =	vld.idx.msk [tilespmem:v20+s15+$0x0], $0xffff  }
0x611: {  	v14 =	vand.u32 $0x3F, v22;
	v13 =	vadd.f32 v16, v13  }
0x612: {  	v14 =	vor.u32 v8, v14;
	v15 =	vmul.bf16 v15, v19;
	v16 =	vld.idx.msk [tilespmem:v20+s16+$0x0], $0xffff;
	v20 =	vunpack.i.l.bf16.f32 v11  }
0x613: {  	s26 =	sadd.s32 $0x3, s24;
	v19 =	vld.idx.msk [tilespmem:v18+s14+$0x0], $0xffff;
	v13 =	vadd.f32 v20, v13  }
0x614: {  	v22 =	vadd.s32 s26, v0;
	v11 =	vunpack.i.u.bf16.f32 v11;
	v12 =	vmul.bf16 v12, v15;
	v20 =	vld.idx.msk [tilespmem:v18+s15+$0x0], $0xffff  }
0x615: {  	v15 =	vand.u32 $0x3F, v22;
	v11 =	vadd.f32 v13, v11  }
0x616: {  	v15 =	vor.u32 v8, v15;
	v13 =	vmul.bf16 v21, v17;
	v17 =	vld.idx.msk [tilespmem:v18+s16+$0x0], $0xffff;
	v18 =	vunpack.i.l.bf16.f32 v12  }
0x617: {  	s26 =	sadd.s32 $0x4, s24;
	v21 =	vld.idx.msk [tilespmem:v14+s14+$0x0], $0xffff;
	v11 =	vadd.f32 v18, v11  }
0x618: {  	v12 =	vunpack.i.u.bf16.f32 v12;
	v13 =	vmul.bf16 v16, v13;
	v18 =	vadd.s32 s26, v0;
	v16 =	vld.idx.msk [tilespmem:v14+s15+$0x0], $0xffff  }
0x619: {  	v18 =	vand.u32 $0x3F, v18;
	v11 =	vadd.f32 v11, v12  }
0x61a: {  	v12 =	vunpack.i.l.bf16.f32 v13;
	v19 =	vmul.bf16 v20, v19;
	v18 =	vor.u32 v8, v18;
	v14 =	vld.idx.msk [tilespmem:v14+s16+$0x0], $0xffff  }
0x61b: {  	s26 =	sadd.s32 $0x5, s24;
	v11 =	vadd.f32 v12, v11;
	v12 =	vld.idx.msk [tilespmem:v15+s14+$0x0], $0xffff  }
0x61c: {  	v13 =	vunpack.i.u.bf16.f32 v13;
	v20 =	vadd.s32 s26, v0;
	v17 =	vmul.bf16 v17, v19;
	v19 =	vld.idx.msk [tilespmem:v15+s15+$0x0], $0xffff  }
0x61d: {  	v11 =	vadd.f32 v11, v13;
	v13 =	vand.u32 $0x3F, v20  }
0x61e: {  	v20 =	vunpack.i.l.bf16.f32 v17;
	v16 =	vmul.bf16 v16, v21;
	v15 =	vld.idx.msk [tilespmem:v15+s16+$0x0], $0xffff;
	v21 =	vor.u32 v8, v13  }
0x61f: {  	s26 =	sadd.s32 $0x6, s24;
	v11 =	vadd.f32 v20, v11;
	v20 =	vld.idx.msk [tilespmem:v18+s14+$0x0], $0xffff  }
0x620: {  	v13 =	vunpack.i.u.bf16.f32 v17;
	v14 =	vmul.bf16 v14, v16;
	v16 =	vadd.s32 s26, v0;
	v17 =	vld.idx.msk [tilespmem:v18+s15+$0x0], $0xffff  }
0x621: {  	v13 =	vadd.f32 v11, v13;
	v11 =	vand.u32 $0x3F, v16  }
0x622: {  	v16 =	vunpack.i.l.bf16.f32 v14;
	v12 =	vmul.bf16 v19, v12;
	v18 =	vld.idx.msk [tilespmem:v18+s16+$0x0], $0xffff;
	v11 =	vor.u32 v8, v11  }
0x623: {  	s26 =	sadd.s32 $0x7, s24;
	s24 =	smov.u32 s25;
	v19 =	vadd.f32 v16, v13;
	v13 =	vld.idx.msk [tilespmem:v21+s14+$0x0], $0xffff  }
0x624: {  	v14 =	vunpack.i.u.bf16.f32 v14;
	v22 =	vmul.bf16 v15, v12;
	v12 =	vadd.s32 s26, v0;
	v16 =	vld.idx.msk [tilespmem:v21+s15+$0x0], $0xffff  }
.Ltmp14:
0x625: {  	v12 =	vand.u32 $0x3F, v12;
	v14 =	vadd.f32 v19, v14;
	(pc) =	sbr.rel @p0 .LBB2_30-.Ltmp14, $4  }
0x626: {  	v19 =	vunpack.i.l.bf16.f32 v22;
	v17 =	vmul.bf16 v17, v20;
	v12 =	vor.u32 v8, v12;
	v15 =	vld.idx.msk [tilespmem:v21+s16+$0x0], $0xffff  }
0x627: {  	v19 =	vadd.f32 v19, v14;
	v14 =	vld.idx.msk [tilespmem:v11+s14+$0x0], $0xffff  }
0x628: {  	v20 =	vadd.s32 s25, v0;
	v21 =	vunpack.i.u.bf16.f32 v22;
	v18 =	vmul.bf16 v18, v17;
	v17 =	vld.idx.msk [tilespmem:v11+s15+$0x0], $0xffff  }
0x629: {  	s25 =	sadd.s32 $0x8, s25;
	v20 =	vand.u32 $0x38, v20;
	v19 =	vadd.f32 v19, v21  }
0x62a: {  	_ =	sdelay $0x2  }
0x62b: {  	v21 =	vunpack.i.l.bf16.f32 v18;
	v13 =	vmul.bf16 v16, v13  }
0x62c: {  	v16 =	vor.u32 v7, v20;
	v11 =	vld.idx.msk [tilespmem:v11+s16+$0x0], $0xffff;
	v19 =	vadd.f32 v21, v19  }
0x62d: {  	s25 =	sadd.s32 $0x1, s24;
	v20 =	vld.idx.msk [tilespmem:v12+s14+$0x0], $0xffff;
	v18 =	vunpack.i.u.bf16.f32 v18;
	v13 =	vmul.bf16 v15, v13  }
0x62e: {  	v21 =	vld.idx.msk [tilespmem:v12+s15+$0x0], $0xffff;
	v15 =	vadd.s32 s25, v0;
	v18 =	vadd.f32 v19, v18  }
0x62f: {  	v15 =	vand.u32 $0x3F, v15;
	v14 =	vmul.bf16 v17, v14;
	v19 =	vunpack.i.l.bf16.f32 v13  }
0x630: {  	v12 =	vld.idx.msk [tilespmem:v12+s16+$0x0], $0xffff;
	v15 =	vor.u32 v8, v15;
	v17 =	vadd.f32 v19, v18  }
0x631: {  	s29 =	sadd.s32 $0x2, s24;
	v13 =	vunpack.i.u.bf16.f32 v13;
	v18 =	vld.idx.msk [tilespmem:v16+s14+$0x0], $0xffff;
	v11 =	vmul.bf16 v11, v14  }
0x632: {  	v14 =	vld.idx.msk [tilespmem:v16+s15+$0x0], $0xffff;
	v19 =	vadd.s32 s29, v0;
	v13 =	vadd.f32 v17, v13  }
0x633: {  	v20 =	vmul.bf16 v21, v20;
	v17 =	vand.u32 $0x3F, v19;
	v19 =	vunpack.i.l.bf16.f32 v11  }
0x634: {  	v16 =	vld.idx.msk [tilespmem:v16+s16+$0x0], $0xffff;
	v17 =	vor.u32 v8, v17;
	v13 =	vadd.f32 v19, v13  }
0x635: {  	s30 =	sadd.s32 $0x3, s24;
	v11 =	vunpack.i.u.bf16.f32 v11;
	v12 =	vmul.bf16 v12, v20;
	v19 =	vld.idx.msk [tilespmem:v15+s14+$0x0], $0xffff  }
0x636: {  	v21 =	vadd.s32 s30, v0;
	v20 =	vld.idx.msk [tilespmem:v15+s15+$0x0], $0xffff;
	v11 =	vadd.f32 v13, v11  }
0x637: {  	v14 =	vmul.bf16 v14, v18;
	v18 =	vunpack.i.l.bf16.f32 v12;
	v13 =	vand.u32 $0x3F, v21  }
0x638: {  	v15 =	vld.idx.msk [tilespmem:v15+s16+$0x0], $0xffff;
	v13 =	vor.u32 v8, v13;
	v11 =	vadd.f32 v18, v11  }
0x639: {  	s31 =	sadd.s32 $0x4, s24;
	v12 =	vunpack.i.u.bf16.f32 v12;
	v14 =	vmul.bf16 v16, v14;
	v18 =	vld.idx.msk [tilespmem:v17+s14+$0x0], $0xffff  }
0x63a: {  	v21 =	vadd.s32 s31, v0;
	v16 =	vld.idx.msk [tilespmem:v17+s15+$0x0], $0xffff;
	v11 =	vadd.f32 v11, v12  }
0x63b: {  	v19 =	vmul.bf16 v20, v19;
	v12 =	vand.u32 $0x3F, v21;
	v21 =	vunpack.i.l.bf16.f32 v14  }
0x63c: {  	v17 =	vld.idx.msk [tilespmem:v17+s16+$0x0], $0xffff;
	v12 =	vor.u32 v8, v12;
	v11 =	vadd.f32 v21, v11  }
0x63d: {  	s26 =	sadd.s32 $0x5, s24;
	v14 =	vunpack.i.u.bf16.f32 v14;
	v15 =	vmul.bf16 v15, v19;
	v20 =	vld.idx.msk [tilespmem:v13+s14+$0x0], $0xffff  }
0x63e: {  	v19 =	vld.idx.msk [tilespmem:v13+s15+$0x0], $0xffff;
	v21 =	vadd.s32 s26, v0;
	v11 =	vadd.f32 v11, v14  }
0x63f: {  	v16 =	vmul.bf16 v16, v18;
	v14 =	vand.u32 $0x3F, v21;
	v21 =	vunpack.i.l.bf16.f32 v15  }
0x640: {  	v13 =	vld.idx.msk [tilespmem:v13+s16+$0x0], $0xffff;
	v14 =	vor.u32 v8, v14;
	v11 =	vadd.f32 v21, v11  }
0x641: {  	s28 =	sadd.s32 $0x6, s24;
	v15 =	vunpack.i.u.bf16.f32 v15;
	v16 =	vmul.bf16 v17, v16;
	v18 =	vld.idx.msk [tilespmem:v12+s14+$0x0], $0xffff  }
0x642: {  	v17 =	vld.idx.msk [tilespmem:v12+s15+$0x0], $0xffff;
	v21 =	vadd.s32 s28, v0;
	v11 =	vadd.f32 v11, v15  }
0x643: {  	v19 =	vmul.bf16 v19, v20;
	v15 =	vand.u32 $0x3F, v21;
	v21 =	vunpack.i.l.bf16.f32 v16  }
0x644: {  	v12 =	vld.idx.msk [tilespmem:v12+s16+$0x0], $0xffff;
	v15 =	vor.u32 v8, v15;
	v11 =	vadd.f32 v21, v11  }
0x645: {  	s29 =	sadd.s32 $0x7, s24;
	v16 =	vunpack.i.u.bf16.f32 v16;
	v13 =	vmul.bf16 v13, v19;
	v20 =	vld.idx.msk [tilespmem:v14+s14+$0x0], $0xffff  }
0x646: {  	v19 =	vld.idx.msk [tilespmem:v14+s15+$0x0], $0xffff;
	v21 =	vadd.s32 s29, v0;
	v11 =	vadd.f32 v11, v16  }
0x647: {  	v17 =	vmul.bf16 v17, v18;
	v16 =	vand.u32 $0x3F, v21;
	v21 =	vunpack.i.l.bf16.f32 v13  }
0x648: {  	v14 =	vld.idx.msk [tilespmem:v14+s16+$0x0], $0xffff;
	v16 =	vor.u32 v8, v16;
	v11 =	vadd.f32 v21, v11  }
0x649: {  	v13 =	vunpack.i.u.bf16.f32 v13;
	v12 =	vmul.bf16 v12, v17;
	v18 =	vld.idx.msk [tilespmem:v15+s14+$0x0], $0xffff  }
0x64a: {  	v17 =	vld.idx.msk [tilespmem:v15+s15+$0x0], $0xffff;
	v11 =	vadd.f32 v11, v13  }
0x64b: {  	v19 =	vmul.bf16 v19, v20;
	v13 =	vunpack.i.l.bf16.f32 v12  }
0x64c: {  	v15 =	vld.idx.msk [tilespmem:v15+s16+$0x0], $0xffff;
	v11 =	vadd.f32 v13, v11  }
0x64d: {  	v12 =	vunpack.i.u.bf16.f32 v12;
	v14 =	vmul.bf16 v14, v19;
	v13 =	vld.idx.msk [tilespmem:v16+s14+$0x0], $0xffff  }
0x64e: {  	v19 =	vld.idx.msk [tilespmem:v16+s15+$0x0], $0xffff;
	v11 =	vadd.f32 v11, v12  }
0x64f: {  	v17 =	vmul.bf16 v17, v18;
	v12 =	vunpack.i.l.bf16.f32 v14  }
0x650: {  	v16 =	vld.idx.msk [tilespmem:v16+s16+$0x0], $0xffff;
	v11 =	vadd.f32 v12, v11  }
0x651: {  	v12 =	vunpack.i.u.bf16.f32 v14;
	v14 =	vmul.bf16 v15, v17  }
0x652: {  	v11 =	vadd.f32 v11, v12  }
0x653: {  	v13 =	vmul.bf16 v19, v13;
	v12 =	vunpack.i.l.bf16.f32 v14  }
0x654: {  	v11 =	vadd.f32 v12, v11  }
0x655: {  	s30 =	simm.s32 $0x0;
	v13 =	vmul.bf16 v16, v13;
	v12 =	vunpack.i.u.bf16.f32 v14  }
0x656: {  	v11 =	vadd.f32 v11, v12;
	v12 =	vadd.s32 s30, v0  }
0x657: {  	v14 =	vunpack.i.l.bf16.f32 v13;
	v12 =	vand.u32 $0x38, v12  }
0x658: {  	v11 =	vadd.f32 v14, v11;
	v12 =	vor.u32 v9, v12  }
0x659: {  	s31 =	simm.s32 $0x1;
	v13 =	vunpack.i.u.bf16.f32 v13  }
0x65a: {  	v11 =	vadd.f32 v11, v13;
	v13 =	vadd.s32 s31, v0  }
0x65b: {  	v13 =	vand.u32 $0x3F, v13  }
0x65c: {  	[tilespmem:$0x11420] =	vst v11;
	v11 =	vor.u32 v10, v13  }
0x65d: {  	s25 =	simm.s32 $0x2;
	v13 =	vld.idx.msk [tilespmem:v12+s14+$0x0], $0xffff  }
0x65e: {  	v15 =	vadd.s32 s25, v0;
	v14 =	vld.idx.msk [tilespmem:v12+s15+$0x0], $0xffff  }
0x65f: {  	v15 =	vand.u32 $0x3F, v15  }
0x660: {  	v15 =	vor.u32 v10, v15;
	v12 =	vld.idx.msk [tilespmem:v12+s16+$0x0], $0xffff  }
0x661: {  	s26 =	simm.s32 $0x3;
	v16 =	vld.idx.msk [tilespmem:v11+s14+$0x0], $0xffff  }
0x662: {  	v18 =	vadd.s32 s26, v0;
	v17 =	vld.idx.msk [tilespmem:v11+s15+$0x0], $0xffff  }
0x663: {  	v18 =	vand.u32 $0x3F, v18;
	v13 =	vmul.bf16 v14, v13  }
0x664: {  	v11 =	vld.idx.msk [tilespmem:v11+s16+$0x0], $0xffff;
	v14 =	vor.u32 v10, v18  }
0x665: {  	s28 =	simm.s32 $0x4;
	v19 =	vld.idx.msk [tilespmem:v15+s15+$0x0], $0xffff;
	v12 =	vmul.bf16 v12, v13  }
0x666: {  	v20 =	vadd.s32 s28, v0;
	v18 =	vld.idx.msk [tilespmem:v15+s14+$0x0], $0xffff  }
0x667: {  	v13 =	vimm.f32 $0.0e+00;
	v21 =	vunpack.i.l.bf16.f32 v12;
	v16 =	vmul.bf16 v17, v16  }
0x668: {  	v15 =	vld.idx.msk [tilespmem:v15+s16+$0x0], $0xffff;
	v17 =	vand.u32 $0x3F, v20;
	v13 =	vadd.f32 v21, v13  }
0x669: {  	v12 =	vunpack.i.u.bf16.f32 v12;
	v17 =	vor.u32 v10, v17;
	v20 =	vld.idx.msk [tilespmem:v14+s14+$0x0], $0xffff;
	v11 =	vmul.bf16 v11, v16  }
0x66a: {  	s29 =	simm.s32 $0x5;
	v16 =	vld.idx.msk [tilespmem:v14+s15+$0x0], $0xffff;
	v12 =	vadd.f32 v13, v12  }
0x66b: {  	v18 =	vmul.bf16 v19, v18;
	v13 =	vadd.s32 s29, v0;
	v21 =	vunpack.i.l.bf16.f32 v11  }
0x66c: {  	v14 =	vld.idx.msk [tilespmem:v14+s16+$0x0], $0xffff;
	v13 =	vand.u32 $0x3F, v13;
	v12 =	vadd.f32 v21, v12  }
0x66d: {  	s30 =	simm.s32 $0x6;
	v11 =	vunpack.i.u.bf16.f32 v11;
	v19 =	vor.u32 v10, v13;
	v13 =	vmul.bf16 v15, v18  }
0x66e: {  	v18 =	vadd.s32 s30, v0;
	v15 =	vld.idx.msk [tilespmem:v17+s14+$0x0], $0xffff;
	v12 =	vadd.f32 v12, v11  }
0x66f: {  	v21 =	vld.idx.msk [tilespmem:v17+s15+$0x0], $0xffff;
	v11 =	vand.u32 $0x3F, v18;
	v18 =	vunpack.i.l.bf16.f32 v13;
	v16 =	vmul.bf16 v16, v20  }
0x670: {  	v12 =	vadd.f32 v18, v12  }
0x671: {  	s31 =	simm.s32 $0x7;
	v17 =	vld.idx.msk [tilespmem:v17+s16+$0x0], $0xffff;
	v11 =	vor.u32 v10, v11;
	v18 =	vunpack.i.u.bf16.f32 v13;
	v20 =	vmul.bf16 v14, v16  }
0x672: {  	v14 =	vadd.s32 s31, v0;
	v13 =	vld.idx.msk [tilespmem:v19+s14+$0x0], $0xffff;
	v12 =	vadd.f32 v12, v18  }
0x673: {  	v16 =	vld.idx.msk [tilespmem:v19+s15+$0x0], $0xffff;
	v14 =	vand.u32 $0x3F, v14;
	v18 =	vunpack.i.l.bf16.f32 v20  }
0x674: {  	v21 =	vmul.bf16 v21, v15;
	v15 =	vld.idx.msk [tilespmem:v19+s16+$0x0], $0xffff;
	v19 =	vadd.f32 v18, v12;
	v12 =	vor.u32 v10, v14  }
0x675: {  	s24 =	simm.s32 $0x8  }
0x676: {  	v22 =	vadd.s32 s24, v0;
	v23 =	vunpack.i.u.bf16.f32 v20;
	v14 =	vld.idx.msk [tilespmem:v11+s14+$0x0], $0xffff;
	v18 =	vmul.bf16 v17, v21  }
0x677: {  	s25 =	simm.s32 $0x10;
	v20 =	vand.u32 $0x38, v22;
	v17 =	vld.idx.msk [tilespmem:v11+s15+$0x0], $0xffff;
	v19 =	vadd.f32 v19, v23  }
.LBB2_32:
0x678: {  	p0 =	slt.u32 s25, $0x38;
	v20 =	vor.u32 v9, v20;
	v21 =	vunpack.i.l.bf16.f32 v18;
	v13 =	vmul.bf16 v16, v13;
	v11 =	vld.idx.msk [tilespmem:v11+s16+$0x0], $0xffff  }
0x679: {  	s26 =	sadd.s32 $0x1, s24;
	v16 =	vadd.f32 v21, v19;
	v19 =	vld.idx.msk [tilespmem:v12+s14+$0x0], $0xffff  }
0x67a: {  	v18 =	vunpack.i.u.bf16.f32 v18;
	v21 =	vadd.s32 s26, v0;
	v13 =	vmul.bf16 v15, v13;
	v15 =	vld.idx.msk [tilespmem:v12+s15+$0x0], $0xffff  }
0x67b: {  	v21 =	vand.u32 $0x3F, v21;
	v16 =	vadd.f32 v16, v18  }
0x67c: {  	v18 =	vor.u32 v10, v21;
	v14 =	vmul.bf16 v17, v14;
	v21 =	vunpack.i.l.bf16.f32 v13;
	v12 =	vld.idx.msk [tilespmem:v12+s16+$0x0], $0xffff  }
0x67d: {  	s26 =	sadd.s32 $0x2, s24;
	v17 =	vld.idx.msk [tilespmem:v20+s14+$0x0], $0xffff;
	v16 =	vadd.f32 v21, v16  }
0x67e: {  	v22 =	vadd.s32 s26, v0;
	v13 =	vunpack.i.u.bf16.f32 v13;
	v11 =	vmul.bf16 v11, v14;
	v21 =	vld.idx.msk [tilespmem:v20+s15+$0x0], $0xffff  }
0x67f: {  	v14 =	vand.u32 $0x3F, v22;
	v13 =	vadd.f32 v16, v13  }
0x680: {  	v14 =	vor.u32 v10, v14;
	v15 =	vmul.bf16 v15, v19;
	v16 =	vld.idx.msk [tilespmem:v20+s16+$0x0], $0xffff;
	v20 =	vunpack.i.l.bf16.f32 v11  }
0x681: {  	s26 =	sadd.s32 $0x3, s24;
	v19 =	vld.idx.msk [tilespmem:v18+s14+$0x0], $0xffff;
	v13 =	vadd.f32 v20, v13  }
0x682: {  	v22 =	vadd.s32 s26, v0;
	v11 =	vunpack.i.u.bf16.f32 v11;
	v12 =	vmul.bf16 v12, v15;
	v20 =	vld.idx.msk [tilespmem:v18+s15+$0x0], $0xffff  }
0x683: {  	v15 =	vand.u32 $0x3F, v22;
	v11 =	vadd.f32 v13, v11  }
0x684: {  	v15 =	vor.u32 v10, v15;
	v13 =	vmul.bf16 v21, v17;
	v17 =	vld.idx.msk [tilespmem:v18+s16+$0x0], $0xffff;
	v18 =	vunpack.i.l.bf16.f32 v12  }
0x685: {  	s26 =	sadd.s32 $0x4, s24;
	v21 =	vld.idx.msk [tilespmem:v14+s14+$0x0], $0xffff;
	v11 =	vadd.f32 v18, v11  }
0x686: {  	v12 =	vunpack.i.u.bf16.f32 v12;
	v13 =	vmul.bf16 v16, v13;
	v18 =	vadd.s32 s26, v0;
	v16 =	vld.idx.msk [tilespmem:v14+s15+$0x0], $0xffff  }
0x687: {  	v18 =	vand.u32 $0x3F, v18;
	v11 =	vadd.f32 v11, v12  }
0x688: {  	v12 =	vunpack.i.l.bf16.f32 v13;
	v19 =	vmul.bf16 v20, v19;
	v18 =	vor.u32 v10, v18;
	v14 =	vld.idx.msk [tilespmem:v14+s16+$0x0], $0xffff  }
0x689: {  	s26 =	sadd.s32 $0x5, s24;
	v11 =	vadd.f32 v12, v11;
	v12 =	vld.idx.msk [tilespmem:v15+s14+$0x0], $0xffff  }
0x68a: {  	v13 =	vunpack.i.u.bf16.f32 v13;
	v20 =	vadd.s32 s26, v0;
	v17 =	vmul.bf16 v17, v19;
	v19 =	vld.idx.msk [tilespmem:v15+s15+$0x0], $0xffff  }
0x68b: {  	v11 =	vadd.f32 v11, v13;
	v13 =	vand.u32 $0x3F, v20  }
0x68c: {  	v20 =	vunpack.i.l.bf16.f32 v17;
	v16 =	vmul.bf16 v16, v21;
	v15 =	vld.idx.msk [tilespmem:v15+s16+$0x0], $0xffff;
	v21 =	vor.u32 v10, v13  }
0x68d: {  	s26 =	sadd.s32 $0x6, s24;
	v11 =	vadd.f32 v20, v11;
	v20 =	vld.idx.msk [tilespmem:v18+s14+$0x0], $0xffff  }
0x68e: {  	v13 =	vunpack.i.u.bf16.f32 v17;
	v14 =	vmul.bf16 v14, v16;
	v16 =	vadd.s32 s26, v0;
	v17 =	vld.idx.msk [tilespmem:v18+s15+$0x0], $0xffff  }
0x68f: {  	v13 =	vadd.f32 v11, v13;
	v11 =	vand.u32 $0x3F, v16  }
0x690: {  	v16 =	vunpack.i.l.bf16.f32 v14;
	v12 =	vmul.bf16 v19, v12;
	v18 =	vld.idx.msk [tilespmem:v18+s16+$0x0], $0xffff;
	v11 =	vor.u32 v10, v11  }
0x691: {  	s26 =	sadd.s32 $0x7, s24;
	s24 =	smov.u32 s25;
	v19 =	vadd.f32 v16, v13;
	v13 =	vld.idx.msk [tilespmem:v21+s14+$0x0], $0xffff  }
0x692: {  	v14 =	vunpack.i.u.bf16.f32 v14;
	v22 =	vmul.bf16 v15, v12;
	v12 =	vadd.s32 s26, v0;
	v16 =	vld.idx.msk [tilespmem:v21+s15+$0x0], $0xffff  }
.Ltmp15:
0x693: {  	v12 =	vand.u32 $0x3F, v12;
	v14 =	vadd.f32 v19, v14;
	(pc) =	sbr.rel @p0 .LBB2_32-.Ltmp15, $4  }
0x694: {  	v19 =	vunpack.i.l.bf16.f32 v22;
	v17 =	vmul.bf16 v17, v20;
	v12 =	vor.u32 v10, v12;
	v15 =	vld.idx.msk [tilespmem:v21+s16+$0x0], $0xffff  }
0x695: {  	v19 =	vadd.f32 v19, v14;
	v14 =	vld.idx.msk [tilespmem:v11+s14+$0x0], $0xffff  }
0x696: {  	v20 =	vadd.s32 s25, v0;
	v21 =	vunpack.i.u.bf16.f32 v22;
	v18 =	vmul.bf16 v18, v17;
	v17 =	vld.idx.msk [tilespmem:v11+s15+$0x0], $0xffff  }
0x697: {  	s25 =	sadd.s32 $0x8, s25;
	v20 =	vand.u32 $0x38, v20;
	v19 =	vadd.f32 v19, v21  }
0x698: {  	_ =	sdelay $0x2  }
0x699: {  	v21 =	vunpack.i.l.bf16.f32 v18;
	v13 =	vmul.bf16 v16, v13  }
0x69a: {  	v54 =	vor.u32 v9, v20;
	v11 =	vld.idx.msk [tilespmem:v11+s16+$0x0], $0xffff;
	v19 =	vadd.f32 v21, v19  }
0x69b: {  	s25 =	sadd.s32 $0x1, s24;
	v55 =	vld.idx.msk [tilespmem:v12+s14+$0x0], $0xffff;
	v56 =	vunpack.i.u.bf16.f32 v18;
	v13 =	vmul.bf16 v15, v13  }
0x69c: {  	v58 =	vld.idx.msk [tilespmem:v12+s15+$0x0], $0xffff;
	v57 =	vadd.s32 s25, v0;
	v18 =	vadd.f32 v19, v56  }
0x69d: {  	v15 =	vand.u32 $0x3F, v57;
	v14 =	vmul.bf16 v17, v14;
	v59 =	vunpack.i.l.bf16.f32 v13  }
0x69e: {  	v60 =	vld.idx.msk [tilespmem:v12+s16+$0x0], $0xffff;
	v15 =	vor.u32 v10, v15;
	v61 =	vadd.f32 v59, v18  }
0x69f: {  	s31 =	sadd.s32 $0x2, s24;
	v13 =	vunpack.i.u.bf16.f32 v13;
	v62 =	vld.idx.msk [tilespmem:v54+s14+$0x0], $0xffff;
	v11 =	vmul.bf16 v11, v14  }
0x6a0: {  	v24 =	vadd.s32 s31, v0;
	v63 =	vld.idx.msk [tilespmem:v54+s15+$0x0], $0xffff;
	v13 =	vadd.f32 v61, v13  }
0x6a1: {  	v25 =	vand.u32 $0x3F, v24;
	v20 =	vmul.bf16 v58, v55;
	v26 =	vunpack.i.l.bf16.f32 v11  }
0x6a2: {  	v17 =	vor.u32 v10, v25;
	v16 =	vld.idx.msk [tilespmem:v54+s16+$0x0], $0xffff;
	v13 =	vadd.f32 v26, v13  }
0x6a3: {  	s26 =	sadd.s32 $0x3, s24;
	v11 =	vunpack.i.u.bf16.f32 v11;
	v12 =	vmul.bf16 v60, v20;
	v27 =	vld.idx.msk [tilespmem:v15+s14+$0x0], $0xffff  }
0x6a4: {  	v29 =	vadd.s32 s26, v0;
	v28 =	vld.idx.msk [tilespmem:v15+s15+$0x0], $0xffff;
	v11 =	vadd.f32 v13, v11  }
0x6a5: {  	v30 =	vand.u32 $0x3F, v29;
	v31 =	vunpack.i.l.bf16.f32 v12;
	v14 =	vmul.bf16 v63, v62  }
0x6a6: {  	v15 =	vld.idx.msk [tilespmem:v15+s16+$0x0], $0xffff;
	v13 =	vor.u32 v10, v30;
	v11 =	vadd.f32 v31, v11  }
0x6a7: {  	s28 =	sadd.s32 $0x4, s24;
	v32 =	vld.idx.msk [tilespmem:v17+s14+$0x0], $0xffff;
	v12 =	vunpack.i.u.bf16.f32 v12;
	v14 =	vmul.bf16 v16, v14  }
0x6a8: {  	v34 =	vadd.s32 s28, v0;
	v33 =	vld.idx.msk [tilespmem:v17+s15+$0x0], $0xffff;
	v11 =	vadd.f32 v11, v12  }
0x6a9: {  	v35 =	vand.u32 $0x3F, v34;
	v19 =	vmul.bf16 v28, v27;
	v36 =	vunpack.i.l.bf16.f32 v14  }
0x6aa: {  	v17 =	vld.idx.msk [tilespmem:v17+s16+$0x0], $0xffff;
	v12 =	vor.u32 v10, v35;
	v11 =	vadd.f32 v36, v11  }
0x6ab: {  	s29 =	sadd.s32 $0x5, s24;
	v14 =	vunpack.i.u.bf16.f32 v14;
	v15 =	vmul.bf16 v15, v19;
	v37 =	vld.idx.msk [tilespmem:v13+s14+$0x0], $0xffff  }
0x6ac: {  	v39 =	vadd.s32 s29, v0;
	v38 =	vld.idx.msk [tilespmem:v13+s15+$0x0], $0xffff;
	v11 =	vadd.f32 v11, v14  }
0x6ad: {  	v40 =	vand.u32 $0x3F, v39;
	v16 =	vmul.bf16 v33, v32;
	v41 =	vunpack.i.l.bf16.f32 v15  }
0x6ae: {  	v13 =	vld.idx.msk [tilespmem:v13+s16+$0x0], $0xffff;
	v14 =	vor.u32 v10, v40;
	v11 =	vadd.f32 v41, v11  }
0x6af: {  	s30 =	sadd.s32 $0x6, s24;
	v16 =	vmul.bf16 v17, v16;
	v15 =	vunpack.i.u.bf16.f32 v15;
	v42 =	vld.idx.msk [tilespmem:v12+s14+$0x0], $0xffff  }
0x6b0: {  	v44 =	vadd.s32 s30, v0;
	v43 =	vld.idx.msk [tilespmem:v12+s15+$0x0], $0xffff;
	v11 =	vadd.f32 v11, v15  }
0x6b1: {  	v45 =	vand.u32 $0x3F, v44;
	v46 =	vunpack.i.l.bf16.f32 v16;
	v19 =	vmul.bf16 v38, v37  }
0x6b2: {  	v12 =	vld.idx.msk [tilespmem:v12+s16+$0x0], $0xffff;
	v15 =	vor.u32 v10, v45;
	v11 =	vadd.f32 v46, v11  }
0x6b3: {  	s31 =	sadd.s32 $0x7, s24;
	v16 =	vunpack.i.u.bf16.f32 v16;
	v13 =	vmul.bf16 v13, v19;
	v47 =	vld.idx.msk [tilespmem:v14+s14+$0x0], $0xffff  }
0x6b4: {  	v49 =	vadd.s32 s31, v0;
	v48 =	vld.idx.msk [tilespmem:v14+s15+$0x0], $0xffff;
	v11 =	vadd.f32 v11, v16  }
0x6b5: {  	v50 =	vand.u32 $0x3F, v49;
	v51 =	vunpack.i.l.bf16.f32 v13;
	v17 =	vmul.bf16 v43, v42  }
0x6b6: {  	v10 =	vor.u32 v10, v50;
	v14 =	vld.idx.msk [tilespmem:v14+s16+$0x0], $0xffff;
	v11 =	vadd.f32 v51, v11  }
0x6b7: {  	v13 =	vunpack.i.u.bf16.f32 v13;
	v12 =	vmul.bf16 v12, v17;
	v52 =	vld.idx.msk [tilespmem:v15+s14+$0x0], $0xffff  }
0x6b8: {  	v53 =	vld.idx.msk [tilespmem:v15+s15+$0x0], $0xffff;
	v11 =	vadd.f32 v11, v13  }
0x6b9: {  	v54 =	vunpack.i.l.bf16.f32 v12;
	v55 =	vmul.bf16 v48, v47  }
0x6ba: {  	v15 =	vld.idx.msk [tilespmem:v15+s16+$0x0], $0xffff;
	v11 =	vadd.f32 v54, v11  }
0x6bb: {  	v56 =	vld.idx.msk [tilespmem:v10+s14+$0x0], $0xffff;
	v12 =	vunpack.i.u.bf16.f32 v12;
	v14 =	vmul.bf16 v14, v55  }
0x6bc: {  	v57 =	vld.idx.msk [tilespmem:v10+s15+$0x0], $0xffff;
	v11 =	vadd.f32 v11, v12  }
0x6bd: {  	v58 =	vunpack.i.l.bf16.f32 v14;
	v16 =	vmul.bf16 v53, v52  }
0x6be: {  	v10 =	vld.idx.msk [tilespmem:v10+s16+$0x0], $0xffff;
	v11 =	vadd.f32 v58, v11  }
0x6bf: {  	v59 =	vunpack.i.u.bf16.f32 v14;
	v60 =	vmul.bf16 v15, v16  }
0x6c0: {  	v11 =	vadd.f32 v11, v59  }
0x6c1: {  	v13 =	vmul.bf16 v57, v56;
	v61 =	vunpack.i.l.bf16.f32 v60  }
0x6c2: {  	v11 =	vadd.f32 v61, v11  }
0x6c3: {  	v10 =	vmul.bf16 v10, v13;
	v62 =	vunpack.i.u.bf16.f32 v60  }
0x6c4: {  	v11 =	vadd.f32 v11, v62  }
0x6c5: {  	v63 =	vunpack.i.l.bf16.f32 v10  }
0x6c6: {  	v11 =	vadd.f32 v63, v11  }
0x6c7: {  	v10 =	vunpack.i.u.bf16.f32 v10  }
0x6c8: {  	s23 =	sadd.s32 $0x1, s23;
	v10 =	vadd.f32 v11, v10  }
0x6c9: {  	p0 =	sne.s32 s23, s9  }
.Ltmp16:
0x6ca: {  	[tilespmem:$0x11430] =	vst v10;
	(pc) =	sbr.rel @p0 .LBB2_1-.Ltmp16, $4  }
0x6cb: {  	[hbm4b:s8+s2] =	stream.linear.scatter [tilespmem:s22], [sflag:$0x3], $0x2710, $0x38;
	[tilespmem:$0x11440] =	vst v63  }
0x6cc: {  	_ =	swait.ge [sflag:s10], $0x2710  }
0x6cd: {  	[sflag:s10] =	ssyncset.done $0x0  }
0x6ce: {  	[sflag:s10] =	ssyncadd.s32 $0xFFFFD8F0  }
0x6cf: {  	_ =	sfence.sel $0x180000  }
0x6d0: {  	[bflag:$0x0] =	sbarrier.arrive $0xFFFF  }
0x6d1: {  	p0 =	sne.s32 s0, $0x0;
	_ =	strace $0x90000047  }
0x6d2: {  	s0 =	sadd.s32 @!p0 $0x100000, s1;
	[bflag:$0x2] =	sbarrier.arrive $0xFFFF  }
0x6d3: {  	[sflag:s0] =	ssyncadd.tile.s32 @!p0 $0x1;
	_ =	shalt  }
.Lfunc_end2:
_tile_overlayer_lowered:
.L_overlay_start_2:
0x6d4: {  	(tag) =	ssettag $0x2  }
0x6d5: {  	s0 =	rddreg [dreg:$0x0];
	s2 =	stileid.u32  }
0x6d6: {  	s1 =	rddreg [dreg:$0x1];
	p0 =	sne.s32 s2, $0x0  }
0x6d7: {  	s3 =	rddreg [dreg:$0x2];
	[bflag:$0x3] =	sbarrier.arrive $0xFFFF;
	s2 =	simm.s32 @!p0 $0x1C03  }
0x6d8: {  	[timem:s3], [sflag:s2] =	dma.local @!p0 [hbm:s0], s1  }
0x6d9: {  	s0 =	simm.s32 @!p0 $0x3  }
0x6da: {  	_ =	swait.ge @!p0 [sflag:s0], s1  }
0x6db: {  	s1 =	ssub.s32 @!p0 $0x0, s1;
	[sflag:s0] =	ssyncset.done @!p0 $0x0  }
0x6dc: {  	[sflag:s0] =	ssyncadd.s32 @!p0 s1  }
0x6dd: {  	[bflag:$0x3] =	sbarrier.arrive $0xFFFF  }
0x6de: {  	_ =	shalt  }

</sc_bundles>
